<compile_context>
chip_gen: v7x
topology: tpu7x:2x2x1
jax: 0.10.2.dev20260603
libtpu: 0.0.44.dev20260713+nightly
codegen_flags: <defaults>
</compile_context>

<pallas_src>
import jax
import jax.numpy as jnp
from jax import lax
from jax.experimental import pallas as pl
from jax.experimental.pallas import tpu as pltpu
from jax.experimental.pallas import tpu_sc as plsc

N_NODES = 10000
D_FEAT = 256
N_EDGES = 160000

NC = 2
NS = 16
L = 16
NW = NC * NS
EDGES_PER_WORKER = N_EDGES // NW
CHUNK = 96
NCHUNKS = 54
LAST_BASE = EDGES_PER_WORKER - CHUNK


def _nr_sqrt(x):
    i = plsc.bitcast(x, jnp.int32)
    i = jnp.int32(0x5F3759DF) - (i >> 1)
    y = plsc.bitcast(i, jnp.float32)
    for _ in range(3):
        y = y * (jnp.float32(1.5) - jnp.float32(0.5) * x * y * y)
    return x * y


def _edge_dist_body(h_hbm, src_hbm, dst_hbm, out_hbm,
                    h_sp,
                    idx_s0, idx_s1, idx_d0, idx_d1,
                    rows_s0, rows_s1, rows_d0, rows_d1,
                    out_v0, out_v1, acc_mat,
                    sem_i0, sem_i1, sem_r0, sem_r1, sem_o0, sem_o1):
    idx_s = (idx_s0, idx_s1)
    idx_d = (idx_d0, idx_d1)
    rows_s = (rows_s0, rows_s1)
    rows_d = (rows_d0, rows_d1)
    out_v = (out_v0, out_v1)
    sem_i = (sem_i0, sem_i1)
    sem_r = (sem_r0, sem_r1)
    sem_o = (sem_o0, sem_o1)

    wid = lax.axis_index("s") * NC + lax.axis_index("c")
    ebase = wid * EDGES_PER_WORKER
    lane = jnp.arange(L, dtype=jnp.int32)

    def base_of(ch):
        return pl.multiple_of(ebase + jnp.minimum(ch * CHUNK, LAST_BASE), 8)

    def start_idx(ch, b):
        base = base_of(ch)
        pltpu.async_copy(src_hbm.at[pl.ds(base, CHUNK)], idx_s[b], sem_i[b])
        pltpu.async_copy(dst_hbm.at[pl.ds(base, CHUNK)], idx_d[b], sem_i[b])

    def wait_idx(b):
        pltpu.make_async_copy(src_hbm.at[pl.ds(0, CHUNK)], idx_s[b], sem_i[b]).wait()
        pltpu.make_async_copy(dst_hbm.at[pl.ds(0, CHUNK)], idx_d[b], sem_i[b]).wait()

    def start_rows(b):
        pltpu.async_copy(h_sp.at[idx_s[b]], rows_s[b], sem_r[b])
        pltpu.async_copy(h_sp.at[idx_d[b]], rows_d[b], sem_r[b])

    def wait_rows(b):
        pltpu.make_async_copy(h_sp.at[idx_s[b]], rows_s[b], sem_r[b]).wait()
        pltpu.make_async_copy(h_sp.at[idx_d[b]], rows_d[b], sem_r[b]).wait()

    def wait_out(b):
        pltpu.make_async_copy(out_v[b], out_hbm.at[pl.ds(0, CHUNK)], sem_o[b]).wait()

    def compute(ch, b):
        zero = jnp.zeros((L,), jnp.float32)
        for g in range(CHUNK // L):
            @plsc.parallel_loop(0, L, 1, unroll=2, carry=zero)
            def dist2(r, d2):
                e = jnp.int32(g * L) + r
                halves = []
                for half in range(2):
                    ab = None
                    for jj in range(4):
                        j = half * 4 + jj
                        s = rows_s[b][e, pl.ds(j * 2 * L, 2 * L)]
                        d = rows_d[b][e, pl.ds(j * 2 * L, 2 * L)]
                        df = d - s
                        sq = df * df
                        ab = sq if ab is None else ab + sq
                    lo, hi = plsc.unpack(ab, format=plsc.PackFormat.INTERLEAVED)
                    halves.append(lo + hi)
                acc = halves[0] + halves[1]
                cs = jnp.cumsum(acc)
                tot = cs.at[jnp.full((L,), L - 1, jnp.int32)].get(
                    mode='promise_in_bounds')
                return jnp.where(lane == r, tot, d2)

            out_v[b][pl.ds(g * L, L)] = _nr_sqrt(dist2)
        pltpu.async_copy(out_v[b], out_hbm.at[pl.ds(base_of(ch), CHUNK)],
                         sem_o[b])

    sid = lax.axis_index("s")
    rows_per_tile = N_NODES // NS
    pltpu.sync_copy(h_hbm.at[pl.ds(sid * rows_per_tile, rows_per_tile)],
                    h_sp.at[pl.ds(sid * rows_per_tile, rows_per_tile)])
    plsc.subcore_barrier()

    start_idx(0, 0)
    start_idx(1, 1)
    wait_idx(0)
    start_rows(0)

    def pair_body(i, carry):
        for b in (0, 1):
            ch = 2 * i + b
            nb = 1 - b
            wait_idx(nb)
            wait_rows(b)
            start_rows(nb)
            start_idx(ch + 2, b)

            @pl.when(ch >= 2)
            def _():
                wait_out(b)

            compute(ch, b)
        return carry

    lax.fori_loop(0, NCHUNKS // 2, pair_body, 0, unroll=False)

    wait_rows(0)
    wait_idx(1)
    wait_out(0)
    wait_out(1)


@jax.jit
def kernel(h, edge_index):
    src = edge_index[0].astype(jnp.int32)
    dst = edge_index[1].astype(jnp.int32)
    hb = h.astype(jnp.bfloat16)
    mesh = plsc.VectorSubcoreMesh(core_axis_name="c", subcore_axis_name="s")
    out = pl.kernel(
        _edge_dist_body,
        out_type=jax.ShapeDtypeStruct((N_EDGES,), jnp.float32),
        mesh=mesh,
        compiler_params=pltpu.CompilerParams(use_tc_tiling_on_sc=False,
                                             needs_layout_passes=False),
        scratch_types=[
            pltpu.VMEM_SHARED((N_NODES, D_FEAT), jnp.bfloat16),
            pltpu.VMEM((CHUNK,), jnp.int32),
            pltpu.VMEM((CHUNK,), jnp.int32),
            pltpu.VMEM((CHUNK,), jnp.int32),
            pltpu.VMEM((CHUNK,), jnp.int32),
            pltpu.VMEM((CHUNK, D_FEAT), jnp.bfloat16),
            pltpu.VMEM((CHUNK, D_FEAT), jnp.bfloat16),
            pltpu.VMEM((CHUNK, D_FEAT), jnp.bfloat16),
            pltpu.VMEM((CHUNK, D_FEAT), jnp.bfloat16),
            pltpu.VMEM((CHUNK,), jnp.float32),
            pltpu.VMEM((CHUNK,), jnp.float32),
            pltpu.VMEM((L, L), jnp.float32),
            pltpu.SemaphoreType.DMA,
            pltpu.SemaphoreType.DMA,
            pltpu.SemaphoreType.DMA,
            pltpu.SemaphoreType.DMA,
            pltpu.SemaphoreType.DMA,
            pltpu.SemaphoreType.DMA,
        ],
    )(hb, src, dst)
    return out.reshape(N_EDGES, 1)

# --- scband reference (transcript-rebuilt; emitter-appended) ---
"""Pipeline reference for scband-decoder-euclidean-49194555409034 (READ-ONLY COPY).

The authoritative reference and input builder live on the scoring server;
editing this copy changes nothing except your own understanding.
"""

import jax, jax.numpy as jnp
import numpy as np

N_NODES = 10000
D_FEAT = 256
N_EDGES = 160000

def setup_inputs(seed: int = 0) -> dict:
    key = jax.random.key(seed)
    k_h, k_e = jax.random.split(key)
    h = jax.random.normal(k_h, (N_NODES, D_FEAT), dtype=jnp.float32)
    edge_index = jax.random.randint(k_e, (2, N_EDGES), 0, N_NODES, dtype=jnp.int64)
    return {"h": h, "edge_index": edge_index}

def reference(h, edge_index):
    # DGL apply_edges with edge_distance:
    # dist = ||h[dst] - h[src]||_2 per edge, keepdim -> [E, 1]
    src = jnp.take(h, edge_index[0], axis=0)
    dst = jnp.take(h, edge_index[1], axis=0)
    diff = dst - src
    dist = jnp.sqrt(jnp.sum(diff * diff, axis=-1, keepdims=True))
    return dist

if __name__ == "__main__":
    import jax
    _d = setup_inputs()
    print(jax.jit(kernel)(*tuple(_d.values())))

</pallas_src>

<mosaic_0001>
#map = affine_map<(d0, d1) -> (0, 0)>
#map1 = affine_map<(d0, d1) -> (0)>
module attributes {stable_mosaic.version = 14 : i64} {
  func.func @_edge_dist_body(%arg0: i32, %arg1: i32, %arg2: memref<10000x256xbf16, #tpu.memory_space<hbm>>, %arg3: memref<160000xi32, #tpu.memory_space<hbm>>, %arg4: memref<160000xi32, #tpu.memory_space<hbm>>, %arg5: memref<160000xf32, #tpu.memory_space<hbm>>, %arg6: memref<10000x256xbf16, #tpu.memory_space<vmem_shared>>, %arg7: memref<96xi32, #tpu.memory_space<vmem>>, %arg8: memref<96xi32, #tpu.memory_space<vmem>>, %arg9: memref<96xi32, #tpu.memory_space<vmem>>, %arg10: memref<96xi32, #tpu.memory_space<vmem>>, %arg11: memref<96x256xbf16, #tpu.memory_space<vmem>>, %arg12: memref<96x256xbf16, #tpu.memory_space<vmem>>, %arg13: memref<96x256xbf16, #tpu.memory_space<vmem>>, %arg14: memref<96x256xbf16, #tpu.memory_space<vmem>>, %arg15: memref<96xf32, #tpu.memory_space<vmem>>, %arg16: memref<96xf32, #tpu.memory_space<vmem>>, %arg17: memref<16x16xf32, #tpu.memory_space<vmem>>, %arg18: memref<!tpu.dma_semaphore, #tpu.memory_space<semaphore_mem>>, %arg19: memref<!tpu.dma_semaphore, #tpu.memory_space<semaphore_mem>>, %arg20: memref<!tpu.dma_semaphore, #tpu.memory_space<semaphore_mem>>, %arg21: memref<!tpu.dma_semaphore, #tpu.memory_space<semaphore_mem>>, %arg22: memref<!tpu.dma_semaphore, #tpu.memory_space<semaphore_mem>>, %arg23: memref<!tpu.dma_semaphore, #tpu.memory_space<semaphore_mem>>) attributes {dimension_semantics = [#tpu.dimension_semantics<core_parallel>, #tpu.dimension_semantics<subcore_parallel>], iteration_bounds = array<i64: 2, 16>, scalar_prefetch = 0 : i64, scratch_operands = 18 : i64, tpu.core_type = #tpu.core_type<sc_vector_subcore>, window_params = [{transform_indices = #map}, {transform_indices = #map1}, {transform_indices = #map1}, {transform_indices = #map1}]} {
    %mul3A = arith.constant 2 : i32
    %mul3A_0 = arith.muli %arg1, %mul3A : i32
    %add3A = arith.addi %mul3A_0, %arg0 : i32
    %mul3A_1 = arith.constant 5000 : i32
    %mul3A_2 = arith.muli %add3A, %mul3A_1 : i32
    %iota3A = tpu.iota {dimensions = array<i32: 0>} : vector<16xi32>
    %mul3A_3 = arith.constant 625 : i32
    %mul3A_4 = arith.muli %arg1, %mul3A_3 : i32
    %mul3A_5 = arith.constant 625 : i32
    %mul3A_6 = arith.muli %arg1, %mul3A_5 : i32
    "tpu.region"() ({
      %run_scoped3A = tpu.sem_alloc : memref<!tpu.dma_semaphore, #tpu.memory_space<semaphore_mem>>
      %dma_start3A_62 = arith.constant 0 : i32
      %dma_start3A_63 = tpu.memref_slice %arg6[%mul3A_6, %dma_start3A_62] : memref<10000x256xbf16, #tpu.memory_space<vmem_shared>> -> memref<625x256xbf16, #tpu.memory_space<vmem_shared>>
      %dma_start3A_64 = arith.constant 0 : i32
      %dma_start3A_65 = tpu.memref_slice %arg2[%mul3A_4, %dma_start3A_64] : memref<10000x256xbf16, #tpu.memory_space<hbm>> -> memref<625x256xbf16, #tpu.memory_space<hbm>>
      tpu.enqueue_dma source(%dma_start3A_65 : memref<625x256xbf16, #tpu.memory_space<hbm>>) target(%dma_start3A_63 : memref<625x256xbf16, #tpu.memory_space<vmem_shared>>) target_semaphore(%run_scoped3A : memref<!tpu.dma_semaphore, #tpu.memory_space<semaphore_mem>>)
      %dma_wait3A_66 = arith.constant 0 : i32
      %dma_wait3A_67 = tpu.memref_slice %arg6[%mul3A_6, %dma_wait3A_66] : memref<10000x256xbf16, #tpu.memory_space<vmem_shared>> -> memref<625x256xbf16, #tpu.memory_space<vmem_shared>>
      %dma_wait3A_68 = arith.constant 0 : i32
      %dma_wait3A_69 = tpu.memref_slice %arg2[%mul3A_4, %dma_wait3A_68] : memref<10000x256xbf16, #tpu.memory_space<hbm>> -> memref<625x256xbf16, #tpu.memory_space<hbm>>
      tpu.wait_dma2 semaphore(%run_scoped3A : memref<!tpu.dma_semaphore, #tpu.memory_space<semaphore_mem>>) src(%dma_wait3A_69 : memref<625x256xbf16, #tpu.memory_space<hbm>>) dst(%dma_wait3A_67 : memref<625x256xbf16, #tpu.memory_space<vmem_shared>>)
      tpu.yield
    }) : () -> ()
    %barrier3A = arith.constant 0 : index
    tpu.barrier barrier_id(%barrier3A)
    %min3A = arith.constant 0 : i32
    %min3A_7 = arith.constant 4904 : i32
    %min3A_8 = arith.minsi %min3A, %min3A_7 : i32
    %add3A_9 = arith.addi %mul3A_2, %min3A_8 : i32
    %multiple_of3A = tpu.assume_multiple %add3A_9, 8 : i32
    %dma_start3A = tpu.memref_slice %arg3[%multiple_of3A] : memref<160000xi32, #tpu.memory_space<hbm>> -> memref<96xi32, #tpu.memory_space<hbm>>
    %dma_start3A_10 = tpu.memref_slice %arg3[%multiple_of3A] : memref<160000xi32, #tpu.memory_space<hbm>> -> memref<96xi32, #tpu.memory_space<hbm>>
    tpu.enqueue_dma source(%dma_start3A_10 : memref<96xi32, #tpu.memory_space<hbm>>) target(%arg7 : memref<96xi32, #tpu.memory_space<vmem>>) target_semaphore(%arg18 : memref<!tpu.dma_semaphore, #tpu.memory_space<semaphore_mem>>)
    %dma_start3A_11 = tpu.memref_slice %arg4[%multiple_of3A] : memref<160000xi32, #tpu.memory_space<hbm>> -> memref<96xi32, #tpu.memory_space<hbm>>
    %dma_start3A_12 = tpu.memref_slice %arg4[%multiple_of3A] : memref<160000xi32, #tpu.memory_space<hbm>> -> memref<96xi32, #tpu.memory_space<hbm>>
    tpu.enqueue_dma source(%dma_start3A_12 : memref<96xi32, #tpu.memory_space<hbm>>) target(%arg9 : memref<96xi32, #tpu.memory_space<vmem>>) target_semaphore(%arg18 : memref<!tpu.dma_semaphore, #tpu.memory_space<semaphore_mem>>)
    %min3A_13 = arith.constant 96 : i32
    %min3A_14 = arith.constant 4904 : i32
    %min3A_15 = arith.minsi %min3A_13, %min3A_14 : i32
    %add3A_16 = arith.addi %mul3A_2, %min3A_15 : i32
    %multiple_of3A_17 = tpu.assume_multiple %add3A_16, 8 : i32
    %dma_start3A_18 = tpu.memref_slice %arg3[%multiple_of3A_17] : memref<160000xi32, #tpu.memory_space<hbm>> -> memref<96xi32, #tpu.memory_space<hbm>>
    %dma_start3A_19 = tpu.memref_slice %arg3[%multiple_of3A_17] : memref<160000xi32, #tpu.memory_space<hbm>> -> memref<96xi32, #tpu.memory_space<hbm>>
    tpu.enqueue_dma source(%dma_start3A_19 : memref<96xi32, #tpu.memory_space<hbm>>) target(%arg8 : memref<96xi32, #tpu.memory_space<vmem>>) target_semaphore(%arg19 : memref<!tpu.dma_semaphore, #tpu.memory_space<semaphore_mem>>)
    %dma_start3A_20 = tpu.memref_slice %arg4[%multiple_of3A_17] : memref<160000xi32, #tpu.memory_space<hbm>> -> memref<96xi32, #tpu.memory_space<hbm>>
    %dma_start3A_21 = tpu.memref_slice %arg4[%multiple_of3A_17] : memref<160000xi32, #tpu.memory_space<hbm>> -> memref<96xi32, #tpu.memory_space<hbm>>
    tpu.enqueue_dma source(%dma_start3A_21 : memref<96xi32, #tpu.memory_space<hbm>>) target(%arg10 : memref<96xi32, #tpu.memory_space<vmem>>) target_semaphore(%arg19 : memref<!tpu.dma_semaphore, #tpu.memory_space<semaphore_mem>>)
    %dma_wait3A = arith.constant 0 : i32
    %dma_wait3A_22 = tpu.memref_slice %arg3[%dma_wait3A] : memref<160000xi32, #tpu.memory_space<hbm>> -> memref<96xi32, #tpu.memory_space<hbm>>
    %dma_wait3A_23 = arith.constant 0 : i32
    %dma_wait3A_24 = tpu.memref_slice %arg3[%dma_wait3A_23] : memref<160000xi32, #tpu.memory_space<hbm>> -> memref<96xi32, #tpu.memory_space<hbm>>
    tpu.wait_dma2 semaphore(%arg18 : memref<!tpu.dma_semaphore, #tpu.memory_space<semaphore_mem>>) src(%dma_wait3A_24 : memref<96xi32, #tpu.memory_space<hbm>>) dst(%arg7 : memref<96xi32, #tpu.memory_space<vmem>>)
    %dma_wait3A_25 = arith.constant 0 : i32
    %dma_wait3A_26 = tpu.memref_slice %arg4[%dma_wait3A_25] : memref<160000xi32, #tpu.memory_space<hbm>> -> memref<96xi32, #tpu.memory_space<hbm>>
    %dma_wait3A_27 = arith.constant 0 : i32
    %dma_wait3A_28 = tpu.memref_slice %arg4[%dma_wait3A_27] : memref<160000xi32, #tpu.memory_space<hbm>> -> memref<96xi32, #tpu.memory_space<hbm>>
    tpu.wait_dma2 semaphore(%arg18 : memref<!tpu.dma_semaphore, #tpu.memory_space<semaphore_mem>>) src(%dma_wait3A_28 : memref<96xi32, #tpu.memory_space<hbm>>) dst(%arg9 : memref<96xi32, #tpu.memory_space<vmem>>)
    %dma_start3A_29 = arith.constant 0 : i32
    %dma_start3A_30 = arith.constant 0 : i32
    %dma_start3A_31 = tpu.memref_slice %arg6[%dma_start3A_29, %dma_start3A_30] : memref<10000x256xbf16, #tpu.memory_space<vmem_shared>> -> memref<10000x256xbf16, #tpu.memory_space<vmem_shared>>
    tpu.enqueue_indirect_dma source(%dma_start3A_31 : memref<10000x256xbf16, #tpu.memory_space<vmem_shared>>) target(%arg11 : memref<96x256xbf16, #tpu.memory_space<vmem>>) offsets(%arg7 : memref<96xi32, #tpu.memory_space<vmem>>) semaphore(%arg20 : memref<!tpu.dma_semaphore, #tpu.memory_space<semaphore_mem>>)
    %dma_start3A_32 = arith.constant 0 : i32
    %dma_start3A_33 = arith.constant 0 : i32
    %dma_start3A_34 = tpu.memref_slice %arg6[%dma_start3A_32, %dma_start3A_33] : memref<10000x256xbf16, #tpu.memory_space<vmem_shared>> -> memref<10000x256xbf16, #tpu.memory_space<vmem_shared>>
    tpu.enqueue_indirect_dma source(%dma_start3A_34 : memref<10000x256xbf16, #tpu.memory_space<vmem_shared>>) target(%arg13 : memref<96x256xbf16, #tpu.memory_space<vmem>>) offsets(%arg9 : memref<96xi32, #tpu.memory_space<vmem>>) semaphore(%arg20 : memref<!tpu.dma_semaphore, #tpu.memory_space<semaphore_mem>>)
    %scan3A = arith.constant 0 : i32
    %scan3A_35 = arith.constant 0 : i32
    %scan3A_36 = arith.constant 27 : i32
    %scan3A_37 = arith.addi %scan3A_35, %scan3A_36 : i32
    %scan3A_38 = arith.constant 1 : i32
    scf.for %scan3A_62 = %scan3A_35 to %scan3A_37 step %scan3A_38  : i32 {
      %mul3A_63 = arith.constant 2 : i32
      %mul3A_64 = arith.muli %mul3A_63, %scan3A_62 : i32
      %add3A_65 = arith.constant 0 : i32
      %add3A_66 = arith.addi %mul3A_64, %add3A_65 : i32
      %dma_wait3A_67 = arith.constant 0 : i32
      %dma_wait3A_68 = tpu.memref_slice %arg3[%dma_wait3A_67] : memref<160000xi32, #tpu.memory_space<hbm>> -> memref<96xi32, #tpu.memory_space<hbm>>
      %dma_wait3A_69 = arith.constant 0 : i32
      %dma_wait3A_70 = tpu.memref_slice %arg3[%dma_wait3A_69] : memref<160000xi32, #tpu.memory_space<hbm>> -> memref<96xi32, #tpu.memory_space<hbm>>
      tpu.wait_dma2 semaphore(%arg19 : memref<!tpu.dma_semaphore, #tpu.memory_space<semaphore_mem>>) src(%dma_wait3A_70 : memref<96xi32, #tpu.memory_space<hbm>>) dst(%arg8 : memref<96xi32, #tpu.memory_space<vmem>>)
      %dma_wait3A_71 = arith.constant 0 : i32
      %dma_wait3A_72 = tpu.memref_slice %arg4[%dma_wait3A_71] : memref<160000xi32, #tpu.memory_space<hbm>> -> memref<96xi32, #tpu.memory_space<hbm>>
      %dma_wait3A_73 = arith.constant 0 : i32
      %dma_wait3A_74 = tpu.memref_slice %arg4[%dma_wait3A_73] : memref<160000xi32, #tpu.memory_space<hbm>> -> memref<96xi32, #tpu.memory_space<hbm>>
      tpu.wait_dma2 semaphore(%arg19 : memref<!tpu.dma_semaphore, #tpu.memory_space<semaphore_mem>>) src(%dma_wait3A_74 : memref<96xi32, #tpu.memory_space<hbm>>) dst(%arg10 : memref<96xi32, #tpu.memory_space<vmem>>)
      %dma_wait3A_75 = arith.constant 0 : i32
      %dma_wait3A_76 = arith.constant 0 : i32
      %dma_wait3A_77 = tpu.memref_slice %arg6[%dma_wait3A_75, %dma_wait3A_76] : memref<10000x256xbf16, #tpu.memory_space<vmem_shared>> -> memref<10000x256xbf16, #tpu.memory_space<vmem_shared>>
      tpu.wait_indirect_dma semaphore(%arg20 : memref<!tpu.dma_semaphore, #tpu.memory_space<semaphore_mem>>) src(%dma_wait3A_77 : memref<10000x256xbf16, #tpu.memory_space<vmem_shared>>) dst(%arg11 : memref<96x256xbf16, #tpu.memory_space<vmem>>)
      %dma_wait3A_78 = arith.constant 0 : i32
      %dma_wait3A_79 = arith.constant 0 : i32
      %dma_wait3A_80 = tpu.memref_slice %arg6[%dma_wait3A_78, %dma_wait3A_79] : memref<10000x256xbf16, #tpu.memory_space<vmem_shared>> -> memref<10000x256xbf16, #tpu.memory_space<vmem_shared>>
      tpu.wait_indirect_dma semaphore(%arg20 : memref<!tpu.dma_semaphore, #tpu.memory_space<semaphore_mem>>) src(%dma_wait3A_80 : memref<10000x256xbf16, #tpu.memory_space<vmem_shared>>) dst(%arg13 : memref<96x256xbf16, #tpu.memory_space<vmem>>)
      %dma_start3A_81 = arith.constant 0 : i32
      %dma_start3A_82 = arith.constant 0 : i32
      %dma_start3A_83 = tpu.memref_slice %arg6[%dma_start3A_81, %dma_start3A_82] : memref<10000x256xbf16, #tpu.memory_space<vmem_shared>> -> memref<10000x256xbf16, #tpu.memory_space<vmem_shared>>
      tpu.enqueue_indirect_dma source(%dma_start3A_83 : memref<10000x256xbf16, #tpu.memory_space<vmem_shared>>) target(%arg12 : memref<96x256xbf16, #tpu.memory_space<vmem>>) offsets(%arg8 : memref<96xi32, #tpu.memory_space<vmem>>) semaphore(%arg21 : memref<!tpu.dma_semaphore, #tpu.memory_space<semaphore_mem>>)
      %dma_start3A_84 = arith.constant 0 : i32
      %dma_start3A_85 = arith.constant 0 : i32
      %dma_start3A_86 = tpu.memref_slice %arg6[%dma_start3A_84, %dma_start3A_85] : memref<10000x256xbf16, #tpu.memory_space<vmem_shared>> -> memref<10000x256xbf16, #tpu.memory_space<vmem_shared>>
      tpu.enqueue_indirect_dma source(%dma_start3A_86 : memref<10000x256xbf16, #tpu.memory_space<vmem_shared>>) target(%arg14 : memref<96x256xbf16, #tpu.memory_space<vmem>>) offsets(%arg10 : memref<96xi32, #tpu.memory_space<vmem>>) semaphore(%arg21 : memref<!tpu.dma_semaphore, #tpu.memory_space<semaphore_mem>>)
      %add3A_87 = arith.constant 2 : i32
      %add3A_88 = arith.addi %add3A_66, %add3A_87 : i32
      %mul3A_89 = arith.constant 96 : i32
      %mul3A_90 = arith.muli %add3A_88, %mul3A_89 : i32
      %min3A_91 = arith.constant 4904 : i32
      %min3A_92 = arith.minsi %mul3A_90, %min3A_91 : i32
      %add3A_93 = arith.addi %mul3A_2, %min3A_92 : i32
      %multiple_of3A_94 = tpu.assume_multiple %add3A_93, 8 : i32
      %dma_start3A_95 = tpu.memref_slice %arg3[%multiple_of3A_94] : memref<160000xi32, #tpu.memory_space<hbm>> -> memref<96xi32, #tpu.memory_space<hbm>>
      %dma_start3A_96 = tpu.memref_slice %arg3[%multiple_of3A_94] : memref<160000xi32, #tpu.memory_space<hbm>> -> memref<96xi32, #tpu.memory_space<hbm>>
      tpu.enqueue_dma source(%dma_start3A_96 : memref<96xi32, #tpu.memory_space<hbm>>) target(%arg7 : memref<96xi32, #tpu.memory_space<vmem>>) target_semaphore(%arg18 : memref<!tpu.dma_semaphore, #tpu.memory_space<semaphore_mem>>)
      %dma_start3A_97 = tpu.memref_slice %arg4[%multiple_of3A_94] : memref<160000xi32, #tpu.memory_space<hbm>> -> memref<96xi32, #tpu.memory_space<hbm>>
      %dma_start3A_98 = tpu.memref_slice %arg4[%multiple_of3A_94] : memref<160000xi32, #tpu.memory_space<hbm>> -> memref<96xi32, #tpu.memory_space<hbm>>
      tpu.enqueue_dma source(%dma_start3A_98 : memref<96xi32, #tpu.memory_space<hbm>>) target(%arg9 : memref<96xi32, #tpu.memory_space<vmem>>) target_semaphore(%arg18 : memref<!tpu.dma_semaphore, #tpu.memory_space<semaphore_mem>>)
      %ge3A = arith.constant 2 : i32
      %ge3A_99 = arith.cmpi sge, %add3A_66, %ge3A : i32
      %convert_element_type3A = arith.extui %ge3A_99 : i1 to i32
      %cond3A = arith.constant 0 : i32
      %cond3A_100 = arith.cmpi ne, %convert_element_type3A, %cond3A : i32
      scf.if %cond3A_100 {
        %dma_wait3A_660 = arith.constant 0 : i32
        %dma_wait3A_661 = tpu.memref_slice %arg5[%dma_wait3A_660] : memref<160000xf32, #tpu.memory_space<hbm>> -> memref<96xf32, #tpu.memory_space<hbm>>
        %dma_wait3A_662 = arith.constant 0 : i32
        %dma_wait3A_663 = tpu.memref_slice %arg5[%dma_wait3A_662] : memref<160000xf32, #tpu.memory_space<hbm>> -> memref<96xf32, #tpu.memory_space<hbm>>
        tpu.wait_dma2 semaphore(%arg22 : memref<!tpu.dma_semaphore, #tpu.memory_space<semaphore_mem>>) src(%arg15 : memref<96xf32, #tpu.memory_space<vmem>>) dst(%dma_wait3A_663 : memref<96xf32, #tpu.memory_space<hbm>>)
      } else {
      }
      %broadcast_in_dim3A = arith.constant 0.000000e+00 : f32
      %broadcast_in_dim3A_101 = vector.broadcast %broadcast_in_dim3A : f32 to vector<16xf32>
      %parallel_loop3A = arith.constant 0 : i32
      %parallel_loop3A_102 = arith.constant 16 : i32
      %parallel_loop3A_103 = arith.constant 1 : i32
      %parallel_loop3A_104 = scf.for %parallel_loop3A_660 = %parallel_loop3A to %parallel_loop3A_102 step %parallel_loop3A_103 iter_args(%parallel_loop3A_661 = %broadcast_in_dim3A_101) -> (vector<16xf32>)  : i32 {
        %parallel_loop3A_662 = arith.constant 0 : i32
        %parallel_loop3A_663 = arith.addi %parallel_loop3A_662, %parallel_loop3A_660 : i32
        %parallel_loop3A_664 = arith.index_cast %parallel_loop3A_663 : i32 to index
        %parallel_loop3A_665 = arith.constant 0 : index
        %parallel_loop3A_666 = tpu.vector_load %arg11[%parallel_loop3A_664, %parallel_loop3A_665] {strides = array<i32>} : memref<96x256xbf16, #tpu.memory_space<vmem>>, vector<32xbf16>,
        %parallel_loop3A_667 = arith.index_cast %parallel_loop3A_663 : i32 to index
        %parallel_loop3A_668 = arith.constant 0 : index
        %parallel_loop3A_669 = tpu.vector_load %arg13[%parallel_loop3A_667, %parallel_loop3A_668] {strides = array<i32>} : memref<96x256xbf16, #tpu.memory_space<vmem>>, vector<32xbf16>,
        %parallel_loop3A_670 = arith.subf %parallel_loop3A_669, %parallel_loop3A_666 : vector<32xbf16>
        %parallel_loop3A_671 = arith.mulf %parallel_loop3A_670, %parallel_loop3A_670 : vector<32xbf16>
        %parallel_loop3A_672 = arith.index_cast %parallel_loop3A_663 : i32 to index
        %parallel_loop3A_673 = arith.constant 32 : index
        %parallel_loop3A_674 = tpu.vector_load %arg11[%parallel_loop3A_672, %parallel_loop3A_673] {strides = array<i32>} : memref<96x256xbf16, #tpu.memory_space<vmem>>, vector<32xbf16>,
        %parallel_loop3A_675 = arith.index_cast %parallel_loop3A_663 : i32 to index
        %parallel_loop3A_676 = arith.constant 32 : index
        %parallel_loop3A_677 = tpu.vector_load %arg13[%parallel_loop3A_675, %parallel_loop3A_676] {strides = array<i32>} : memref<96x256xbf16, #tpu.memory_space<vmem>>, vector<32xbf16>,
        %parallel_loop3A_678 = arith.subf %parallel_loop3A_677, %parallel_loop3A_674 : vector<32xbf16>
        %parallel_loop3A_679 = arith.mulf %parallel_loop3A_678, %parallel_loop3A_678 : vector<32xbf16>
        %parallel_loop3A_680 = arith.addf %parallel_loop3A_671, %parallel_loop3A_679 : vector<32xbf16>
        %parallel_loop3A_681 = arith.index_cast %parallel_loop3A_663 : i32 to index
        %parallel_loop3A_682 = arith.constant 64 : index
        %parallel_loop3A_683 = tpu.vector_load %arg11[%parallel_loop3A_681, %parallel_loop3A_682] {strides = array<i32>} : memref<96x256xbf16, #tpu.memory_space<vmem>>, vector<32xbf16>,
        %parallel_loop3A_684 = arith.index_cast %parallel_loop3A_663 : i32 to index
        %parallel_loop3A_685 = arith.constant 64 : index
        %parallel_loop3A_686 = tpu.vector_load %arg13[%parallel_loop3A_684, %parallel_loop3A_685] {strides = array<i32>} : memref<96x256xbf16, #tpu.memory_space<vmem>>, vector<32xbf16>,
        %parallel_loop3A_687 = arith.subf %parallel_loop3A_686, %parallel_loop3A_683 : vector<32xbf16>
        %parallel_loop3A_688 = arith.mulf %parallel_loop3A_687, %parallel_loop3A_687 : vector<32xbf16>
        %parallel_loop3A_689 = arith.addf %parallel_loop3A_680, %parallel_loop3A_688 : vector<32xbf16>
        %parallel_loop3A_690 = arith.index_cast %parallel_loop3A_663 : i32 to index
        %parallel_loop3A_691 = arith.constant 96 : index
        %parallel_loop3A_692 = tpu.vector_load %arg11[%parallel_loop3A_690, %parallel_loop3A_691] {strides = array<i32>} : memref<96x256xbf16, #tpu.memory_space<vmem>>, vector<32xbf16>,
        %parallel_loop3A_693 = arith.index_cast %parallel_loop3A_663 : i32 to index
        %parallel_loop3A_694 = arith.constant 96 : index
        %parallel_loop3A_695 = tpu.vector_load %arg13[%parallel_loop3A_693, %parallel_loop3A_694] {strides = array<i32>} : memref<96x256xbf16, #tpu.memory_space<vmem>>, vector<32xbf16>,
        %parallel_loop3A_696 = arith.subf %parallel_loop3A_695, %parallel_loop3A_692 : vector<32xbf16>
        %parallel_loop3A_697 = arith.mulf %parallel_loop3A_696, %parallel_loop3A_696 : vector<32xbf16>
        %parallel_loop3A_698 = arith.addf %parallel_loop3A_689, %parallel_loop3A_697 : vector<32xbf16>
        %parallel_loop3A_699 = tpu.unpack_subelements %parallel_loop3A_698, 0 {pack_format = #tpu.pack_format<interleaved>} : vector<32xbf16> -> vector<16xf32>
        %parallel_loop3A_700 = tpu.unpack_subelements %parallel_loop3A_698, 1 {pack_format = #tpu.pack_format<interleaved>} : vector<32xbf16> -> vector<16xf32>
        %parallel_loop3A_701 = arith.addf %parallel_loop3A_699, %parallel_loop3A_700 : vector<16xf32>
        %parallel_loop3A_702 = arith.index_cast %parallel_loop3A_663 : i32 to index
        %parallel_loop3A_703 = arith.constant 128 : index
        %parallel_loop3A_704 = tpu.vector_load %arg11[%parallel_loop3A_702, %parallel_loop3A_703] {strides = array<i32>} : memref<96x256xbf16, #tpu.memory_space<vmem>>, vector<32xbf16>,
        %parallel_loop3A_705 = arith.index_cast %parallel_loop3A_663 : i32 to index
        %parallel_loop3A_706 = arith.constant 128 : index
        %parallel_loop3A_707 = tpu.vector_load %arg13[%parallel_loop3A_705, %parallel_loop3A_706] {strides = array<i32>} : memref<96x256xbf16, #tpu.memory_space<vmem>>, vector<32xbf16>,
        %parallel_loop3A_708 = arith.subf %parallel_loop3A_707, %parallel_loop3A_704 : vector<32xbf16>
        %parallel_loop3A_709 = arith.mulf %parallel_loop3A_708, %parallel_loop3A_708 : vector<32xbf16>
        %parallel_loop3A_710 = arith.index_cast %parallel_loop3A_663 : i32 to index
        %parallel_loop3A_711 = arith.constant 160 : index
        %parallel_loop3A_712 = tpu.vector_load %arg11[%parallel_loop3A_710, %parallel_loop3A_711] {strides = array<i32>} : memref<96x256xbf16, #tpu.memory_space<vmem>>, vector<32xbf16>,
        %parallel_loop3A_713 = arith.index_cast %parallel_loop3A_663 : i32 to index
        %parallel_loop3A_714 = arith.constant 160 : index
        %parallel_loop3A_715 = tpu.vector_load %arg13[%parallel_loop3A_713, %parallel_loop3A_714] {strides = array<i32>} : memref<96x256xbf16, #tpu.memory_space<vmem>>, vector<32xbf16>,
        %parallel_loop3A_716 = arith.subf %parallel_loop3A_715, %parallel_loop3A_712 : vector<32xbf16>
        %parallel_loop3A_717 = arith.mulf %parallel_loop3A_716, %parallel_loop3A_716 : vector<32xbf16>
        %parallel_loop3A_718 = arith.addf %parallel_loop3A_709, %parallel_loop3A_717 : vector<32xbf16>
        %parallel_loop3A_719 = arith.index_cast %parallel_loop3A_663 : i32 to index
        %parallel_loop3A_720 = arith.constant 192 : index
        %parallel_loop3A_721 = tpu.vector_load %arg11[%parallel_loop3A_719, %parallel_loop3A_720] {strides = array<i32>} : memref<96x256xbf16, #tpu.memory_space<vmem>>, vector<32xbf16>,
        %parallel_loop3A_722 = arith.index_cast %parallel_loop3A_663 : i32 to index
        %parallel_loop3A_723 = arith.constant 192 : index
        %parallel_loop3A_724 = tpu.vector_load %arg13[%parallel_loop3A_722, %parallel_loop3A_723] {strides = array<i32>} : memref<96x256xbf16, #tpu.memory_space<vmem>>, vector<32xbf16>,
        %parallel_loop3A_725 = arith.subf %parallel_loop3A_724, %parallel_loop3A_721 : vector<32xbf16>
        %parallel_loop3A_726 = arith.mulf %parallel_loop3A_725, %parallel_loop3A_725 : vector<32xbf16>
        %parallel_loop3A_727 = arith.addf %parallel_loop3A_718, %parallel_loop3A_726 : vector<32xbf16>
        %parallel_loop3A_728 = arith.index_cast %parallel_loop3A_663 : i32 to index
        %parallel_loop3A_729 = arith.constant 224 : index
        %parallel_loop3A_730 = tpu.vector_load %arg11[%parallel_loop3A_728, %parallel_loop3A_729] {strides = array<i32>} : memref<96x256xbf16, #tpu.memory_space<vmem>>, vector<32xbf16>,
        %parallel_loop3A_731 = arith.index_cast %parallel_loop3A_663 : i32 to index
        %parallel_loop3A_732 = arith.constant 224 : index
        %parallel_loop3A_733 = tpu.vector_load %arg13[%parallel_loop3A_731, %parallel_loop3A_732] {strides = array<i32>} : memref<96x256xbf16, #tpu.memory_space<vmem>>, vector<32xbf16>,
        %parallel_loop3A_734 = arith.subf %parallel_loop3A_733, %parallel_loop3A_730 : vector<32xbf16>
        %parallel_loop3A_735 = arith.mulf %parallel_loop3A_734, %parallel_loop3A_734 : vector<32xbf16>
        %parallel_loop3A_736 = arith.addf %parallel_loop3A_727, %parallel_loop3A_735 : vector<32xbf16>
        %parallel_loop3A_737 = tpu.unpack_subelements %parallel_loop3A_736, 0 {pack_format = #tpu.pack_format<interleaved>} : vector<32xbf16> -> vector<16xf32>
        %parallel_loop3A_738 = tpu.unpack_subelements %parallel_loop3A_736, 1 {pack_format = #tpu.pack_format<interleaved>} : vector<32xbf16> -> vector<16xf32>
        %parallel_loop3A_739 = arith.addf %parallel_loop3A_737, %parallel_loop3A_738 : vector<16xf32>
        %parallel_loop3A_740 = arith.addf %parallel_loop3A_701, %parallel_loop3A_739 : vector<16xf32>
        %parallel_loop3A_741 = arith.constant true
        %parallel_loop3A_742 = vector.broadcast %parallel_loop3A_741 : i1 to vector<16xi1>
        %parallel_loop3A_743 = tpu.scan <sum>, %parallel_loop3A_740 masked %parallel_loop3A_742 : vector<16xf32>, vector<16xi1> -> vector<16xf32>
        %parallel_loop3A_744 = arith.constant 15 : i32
        %parallel_loop3A_745 = vector.broadcast %parallel_loop3A_744 : i32 to vector<16xi32>
        %parallel_loop3A_746 = arith.constant 0 : i32
        %parallel_loop3A_747 = vector.broadcast %parallel_loop3A_746 : i32 to vector<16xi32>
        %parallel_loop3A_748 = arith.cmpi slt, %parallel_loop3A_745, %parallel_loop3A_747 : vector<16xi32>
        %parallel_loop3A_749 = arith.constant 16 : i32
        %parallel_loop3A_750 = vector.broadcast %parallel_loop3A_749 : i32 to vector<16xi32>
        %parallel_loop3A_751 = arith.addi %parallel_loop3A_745, %parallel_loop3A_750 : vector<16xi32>
        %parallel_loop3A_752 = arith.select %parallel_loop3A_748, %parallel_loop3A_751, %parallel_loop3A_745 : vector<16xi1>, vector<16xi32>
        %parallel_loop3A_753 = vector.shape_cast %parallel_loop3A_752 : vector<16xi32> to vector<16x1xi32>
        %parallel_loop3A_754 = vector.shape_cast %parallel_loop3A_753 : vector<16x1xi32> to vector<16xi32>
        %parallel_loop3A_755 = tpu.dynamic_gather %parallel_loop3A_743[%parallel_loop3A_754] in [0] : vector<16xf32>, vector<16xi32> -> vector<16xf32>
        %parallel_loop3A_756 = vector.broadcast %parallel_loop3A_660 : i32 to vector<16xi32>
        %parallel_loop3A_757 = arith.cmpi eq, %iota3A, %parallel_loop3A_756 : vector<16xi32>
        %parallel_loop3A_758 = arith.select %parallel_loop3A_757, %parallel_loop3A_755, %parallel_loop3A_661 : vector<16xi1>, vector<16xf32>
        scf.yield %parallel_loop3A_758 : vector<16xf32>
      } {sc.loop_unroll_factor = 2 : i64, sc.parallel_access}
      %bitcast3A = vector.bitcast %parallel_loop3A_104 : vector<16xf32> to vector<16xi32>
      %shift_right_arithmetic3A = arith.constant 1 : i32
      %shift_right_arithmetic3A_105 = vector.broadcast %shift_right_arithmetic3A : i32 to vector<16xi32>
      %shift_right_arithmetic3A_106 = arith.shrsi %bitcast3A, %shift_right_arithmetic3A_105 : vector<16xi32>
      %sub3A = arith.constant 1597463007 : i32
      %sub3A_107 = vector.broadcast %sub3A : i32 to vector<16xi32>
      %sub3A_108 = arith.subi %sub3A_107, %shift_right_arithmetic3A_106 : vector<16xi32>
      %bitcast3A_109 = vector.bitcast %sub3A_108 : vector<16xi32> to vector<16xf32>
      %mul3A_110 = arith.constant 5.000000e-01 : f32
      %mul3A_111 = vector.broadcast %mul3A_110 : f32 to vector<16xf32>
      %mul3A_112 = arith.mulf %mul3A_111, %parallel_loop3A_104 : vector<16xf32>
      %mul3A_113 = arith.mulf %mul3A_112, %bitcast3A_109 : vector<16xf32>
      %mul3A_114 = arith.mulf %mul3A_113, %bitcast3A_109 : vector<16xf32>
      %sub3A_115 = arith.constant 1.500000e+00 : f32
      %sub3A_116 = vector.broadcast %sub3A_115 : f32 to vector<16xf32>
      %sub3A_117 = arith.subf %sub3A_116, %mul3A_114 : vector<16xf32>
      %mul3A_118 = arith.mulf %bitcast3A_109, %sub3A_117 : vector<16xf32>
      %mul3A_119 = arith.constant 5.000000e-01 : f32
      %mul3A_120 = vector.broadcast %mul3A_119 : f32 to vector<16xf32>
      %mul3A_121 = arith.mulf %mul3A_120, %parallel_loop3A_104 : vector<16xf32>
      %mul3A_122 = arith.mulf %mul3A_121, %mul3A_118 : vector<16xf32>
      %mul3A_123 = arith.mulf %mul3A_122, %mul3A_118 : vector<16xf32>
      %sub3A_124 = arith.constant 1.500000e+00 : f32
      %sub3A_125 = vector.broadcast %sub3A_124 : f32 to vector<16xf32>
      %sub3A_126 = arith.subf %sub3A_125, %mul3A_123 : vector<16xf32>
      %mul3A_127 = arith.mulf %mul3A_118, %sub3A_126 : vector<16xf32>
      %mul3A_128 = arith.constant 5.000000e-01 : f32
      %mul3A_129 = vector.broadcast %mul3A_128 : f32 to vector<16xf32>
      %mul3A_130 = arith.mulf %mul3A_129, %parallel_loop3A_104 : vector<16xf32>
      %mul3A_131 = arith.mulf %mul3A_130, %mul3A_127 : vector<16xf32>
      %mul3A_132 = arith.mulf %mul3A_131, %mul3A_127 : vector<16xf32>
      %sub3A_133 = arith.constant 1.500000e+00 : f32
      %sub3A_134 = vector.broadcast %sub3A_133 : f32 to vector<16xf32>
      %sub3A_135 = arith.subf %sub3A_134, %mul3A_132 : vector<16xf32>
      %mul3A_136 = arith.mulf %mul3A_127, %sub3A_135 : vector<16xf32>
      %mul3A_137 = arith.mulf %parallel_loop3A_104, %mul3A_136 : vector<16xf32>
      %swap3A = arith.constant 0 : index
      %swap3A_138 = tpu.vector_load %arg15[%swap3A] {strides = array<i32>} : memref<96xf32, #tpu.memory_space<vmem>>, vector<16xf32>,
      tpu.vector_store %arg15[%swap3A], %mul3A_137 {strides = array<i32>} : memref<96xf32, #tpu.memory_space<vmem>>, vector<16xf32>,
      %parallel_loop3A_139 = arith.constant 0 : i32
      %parallel_loop3A_140 = arith.constant 16 : i32
      %parallel_loop3A_141 = arith.constant 1 : i32
      %parallel_loop3A_142 = scf.for %parallel_loop3A_660 = %parallel_loop3A_139 to %parallel_loop3A_140 step %parallel_loop3A_141 iter_args(%parallel_loop3A_661 = %broadcast_in_dim3A_101) -> (vector<16xf32>)  : i32 {
        %parallel_loop3A_662 = arith.constant 16 : i32
        %parallel_loop3A_663 = arith.addi %parallel_loop3A_662, %parallel_loop3A_660 : i32
        %parallel_loop3A_664 = arith.index_cast %parallel_loop3A_663 : i32 to index
        %parallel_loop3A_665 = arith.constant 0 : index
        %parallel_loop3A_666 = tpu.vector_load %arg11[%parallel_loop3A_664, %parallel_loop3A_665] {strides = array<i32>} : memref<96x256xbf16, #tpu.memory_space<vmem>>, vector<32xbf16>,
        %parallel_loop3A_667 = arith.index_cast %parallel_loop3A_663 : i32 to index
        %parallel_loop3A_668 = arith.constant 0 : index
        %parallel_loop3A_669 = tpu.vector_load %arg13[%parallel_loop3A_667, %parallel_loop3A_668] {strides = array<i32>} : memref<96x256xbf16, #tpu.memory_space<vmem>>, vector<32xbf16>,
        %parallel_loop3A_670 = arith.subf %parallel_loop3A_669, %parallel_loop3A_666 : vector<32xbf16>
        %parallel_loop3A_671 = arith.mulf %parallel_loop3A_670, %parallel_loop3A_670 : vector<32xbf16>
        %parallel_loop3A_672 = arith.index_cast %parallel_loop3A_663 : i32 to index
        %parallel_loop3A_673 = arith.constant 32 : index
        %parallel_loop3A_674 = tpu.vector_load %arg11[%parallel_loop3A_672, %parallel_loop3A_673] {strides = array<i32>} : memref<96x256xbf16, #tpu.memory_space<vmem>>, vector<32xbf16>,
        %parallel_loop3A_675 = arith.index_cast %parallel_loop3A_663 : i32 to index
        %parallel_loop3A_676 = arith.constant 32 : index
        %parallel_loop3A_677 = tpu.vector_load %arg13[%parallel_loop3A_675, %parallel_loop3A_676] {strides = array<i32>} : memref<96x256xbf16, #tpu.memory_space<vmem>>, vector<32xbf16>,
        %parallel_loop3A_678 = arith.subf %parallel_loop3A_677, %parallel_loop3A_674 : vector<32xbf16>
        %parallel_loop3A_679 = arith.mulf %parallel_loop3A_678, %parallel_loop3A_678 : vector<32xbf16>
        %parallel_loop3A_680 = arith.addf %parallel_loop3A_671, %parallel_loop3A_679 : vector<32xbf16>
        %parallel_loop3A_681 = arith.index_cast %parallel_loop3A_663 : i32 to index
        %parallel_loop3A_682 = arith.constant 64 : index
        %parallel_loop3A_683 = tpu.vector_load %arg11[%parallel_loop3A_681, %parallel_loop3A_682] {strides = array<i32>} : memref<96x256xbf16, #tpu.memory_space<vmem>>, vector<32xbf16>,
        %parallel_loop3A_684 = arith.index_cast %parallel_loop3A_663 : i32 to index
        %parallel_loop3A_685 = arith.constant 64 : index
        %parallel_loop3A_686 = tpu.vector_load %arg13[%parallel_loop3A_684, %parallel_loop3A_685] {strides = array<i32>} : memref<96x256xbf16, #tpu.memory_space<vmem>>, vector<32xbf16>,
        %parallel_loop3A_687 = arith.subf %parallel_loop3A_686, %parallel_loop3A_683 : vector<32xbf16>
        %parallel_loop3A_688 = arith.mulf %parallel_loop3A_687, %parallel_loop3A_687 : vector<32xbf16>
        %parallel_loop3A_689 = arith.addf %parallel_loop3A_680, %parallel_loop3A_688 : vector<32xbf16>
        %parallel_loop3A_690 = arith.index_cast %parallel_loop3A_663 : i32 to index
        %parallel_loop3A_691 = arith.constant 96 : index
        %parallel_loop3A_692 = tpu.vector_load %arg11[%parallel_loop3A_690, %parallel_loop3A_691] {strides = array<i32>} : memref<96x256xbf16, #tpu.memory_space<vmem>>, vector<32xbf16>,
        %parallel_loop3A_693 = arith.index_cast %parallel_loop3A_663 : i32 to index
        %parallel_loop3A_694 = arith.constant 96 : index
        %parallel_loop3A_695 = tpu.vector_load %arg13[%parallel_loop3A_693, %parallel_loop3A_694] {strides = array<i32>} : memref<96x256xbf16, #tpu.memory_space<vmem>>, vector<32xbf16>,
        %parallel_loop3A_696 = arith.subf %parallel_loop3A_695, %parallel_loop3A_692 : vector<32xbf16>
        %parallel_loop3A_697 = arith.mulf %parallel_loop3A_696, %parallel_loop3A_696 : vector<32xbf16>
        %parallel_loop3A_698 = arith.addf %parallel_loop3A_689, %parallel_loop3A_697 : vector<32xbf16>
        %parallel_loop3A_699 = tpu.unpack_subelements %parallel_loop3A_698, 0 {pack_format = #tpu.pack_format<interleaved>} : vector<32xbf16> -> vector<16xf32>
        %parallel_loop3A_700 = tpu.unpack_subelements %parallel_loop3A_698, 1 {pack_format = #tpu.pack_format<interleaved>} : vector<32xbf16> -> vector<16xf32>
        %parallel_loop3A_701 = arith.addf %parallel_loop3A_699, %parallel_loop3A_700 : vector<16xf32>
        %parallel_loop3A_702 = arith.index_cast %parallel_loop3A_663 : i32 to index
        %parallel_loop3A_703 = arith.constant 128 : index
        %parallel_loop3A_704 = tpu.vector_load %arg11[%parallel_loop3A_702, %parallel_loop3A_703] {strides = array<i32>} : memref<96x256xbf16, #tpu.memory_space<vmem>>, vector<32xbf16>,
        %parallel_loop3A_705 = arith.index_cast %parallel_loop3A_663 : i32 to index
        %parallel_loop3A_706 = arith.constant 128 : index
        %parallel_loop3A_707 = tpu.vector_load %arg13[%parallel_loop3A_705, %parallel_loop3A_706] {strides = array<i32>} : memref<96x256xbf16, #tpu.memory_space<vmem>>, vector<32xbf16>,
        %parallel_loop3A_708 = arith.subf %parallel_loop3A_707, %parallel_loop3A_704 : vector<32xbf16>
        %parallel_loop3A_709 = arith.mulf %parallel_loop3A_708, %parallel_loop3A_708 : vector<32xbf16>
        %parallel_loop3A_710 = arith.index_cast %parallel_loop3A_663 : i32 to index
        %parallel_loop3A_711 = arith.constant 160 : index
        %parallel_loop3A_712 = tpu.vector_load %arg11[%parallel_loop3A_710, %parallel_loop3A_711] {strides = array<i32>} : memref<96x256xbf16, #tpu.memory_space<vmem>>, vector<32xbf16>,
        %parallel_loop3A_713 = arith.index_cast %parallel_loop3A_663 : i32 to index
        %parallel_loop3A_714 = arith.constant 160 : index
        %parallel_loop3A_715 = tpu.vector_load %arg13[%parallel_loop3A_713, %parallel_loop3A_714] {strides = array<i32>} : memref<96x256xbf16, #tpu.memory_space<vmem>>, vector<32xbf16>,
        %parallel_loop3A_716 = arith.subf %parallel_loop3A_715, %parallel_loop3A_712 : vector<32xbf16>
        %parallel_loop3A_717 = arith.mulf %parallel_loop3A_716, %parallel_loop3A_716 : vector<32xbf16>
        %parallel_loop3A_718 = arith.addf %parallel_loop3A_709, %parallel_loop3A_717 : vector<32xbf16>
        %parallel_loop3A_719 = arith.index_cast %parallel_loop3A_663 : i32 to index
        %parallel_loop3A_720 = arith.constant 192 : index
        %parallel_loop3A_721 = tpu.vector_load %arg11[%parallel_loop3A_719, %parallel_loop3A_720] {strides = array<i32>} : memref<96x256xbf16, #tpu.memory_space<vmem>>, vector<32xbf16>,
        %parallel_loop3A_722 = arith.index_cast %parallel_loop3A_663 : i32 to index
        %parallel_loop3A_723 = arith.constant 192 : index
        %parallel_loop3A_724 = tpu.vector_load %arg13[%parallel_loop3A_722, %parallel_loop3A_723] {strides = array<i32>} : memref<96x256xbf16, #tpu.memory_space<vmem>>, vector<32xbf16>,
        %parallel_loop3A_725 = arith.subf %parallel_loop3A_724, %parallel_loop3A_721 : vector<32xbf16>
        %parallel_loop3A_726 = arith.mulf %parallel_loop3A_725, %parallel_loop3A_725 : vector<32xbf16>
        %parallel_loop3A_727 = arith.addf %parallel_loop3A_718, %parallel_loop3A_726 : vector<32xbf16>
        %parallel_loop3A_728 = arith.index_cast %parallel_loop3A_663 : i32 to index
        %parallel_loop3A_729 = arith.constant 224 : index
        %parallel_loop3A_730 = tpu.vector_load %arg11[%parallel_loop3A_728, %parallel_loop3A_729] {strides = array<i32>} : memref<96x256xbf16, #tpu.memory_space<vmem>>, vector<32xbf16>,
        %parallel_loop3A_731 = arith.index_cast %parallel_loop3A_663 : i32 to index
        %parallel_loop3A_732 = arith.constant 224 : index
        %parallel_loop3A_733 = tpu.vector_load %arg13[%parallel_loop3A_731, %parallel_loop3A_732] {strides = array<i32>} : memref<96x256xbf16, #tpu.memory_space<vmem>>, vector<32xbf16>,
        %parallel_loop3A_734 = arith.subf %parallel_loop3A_733, %parallel_loop3A_730 : vector<32xbf16>
        %parallel_loop3A_735 = arith.mulf %parallel_loop3A_734, %parallel_loop3A_734 : vector<32xbf16>
        %parallel_loop3A_736 = arith.addf %parallel_loop3A_727, %parallel_loop3A_735 : vector<32xbf16>
        %parallel_loop3A_737 = tpu.unpack_subelements %parallel_loop3A_736, 0 {pack_format = #tpu.pack_format<interleaved>} : vector<32xbf16> -> vector<16xf32>
        %parallel_loop3A_738 = tpu.unpack_subelements %parallel_loop3A_736, 1 {pack_format = #tpu.pack_format<interleaved>} : vector<32xbf16> -> vector<16xf32>
        %parallel_loop3A_739 = arith.addf %parallel_loop3A_737, %parallel_loop3A_738 : vector<16xf32>
        %parallel_loop3A_740 = arith.addf %parallel_loop3A_701, %parallel_loop3A_739 : vector<16xf32>
        %parallel_loop3A_741 = arith.constant true
        %parallel_loop3A_742 = vector.broadcast %parallel_loop3A_741 : i1 to vector<16xi1>
        %parallel_loop3A_743 = tpu.scan <sum>, %parallel_loop3A_740 masked %parallel_loop3A_742 : vector<16xf32>, vector<16xi1> -> vector<16xf32>
        %parallel_loop3A_744 = arith.constant 15 : i32
        %parallel_loop3A_745 = vector.broadcast %parallel_loop3A_744 : i32 to vector<16xi32>
        %parallel_loop3A_746 = arith.constant 0 : i32
        %parallel_loop3A_747 = vector.broadcast %parallel_loop3A_746 : i32 to vector<16xi32>
        %parallel_loop3A_748 = arith.cmpi slt, %parallel_loop3A_745, %parallel_loop3A_747 : vector<16xi32>
        %parallel_loop3A_749 = arith.constant 16 : i32
        %parallel_loop3A_750 = vector.broadcast %parallel_loop3A_749 : i32 to vector<16xi32>
        %parallel_loop3A_751 = arith.addi %parallel_loop3A_745, %parallel_loop3A_750 : vector<16xi32>
        %parallel_loop3A_752 = arith.select %parallel_loop3A_748, %parallel_loop3A_751, %parallel_loop3A_745 : vector<16xi1>, vector<16xi32>
        %parallel_loop3A_753 = vector.shape_cast %parallel_loop3A_752 : vector<16xi32> to vector<16x1xi32>
        %parallel_loop3A_754 = vector.shape_cast %parallel_loop3A_753 : vector<16x1xi32> to vector<16xi32>
        %parallel_loop3A_755 = tpu.dynamic_gather %parallel_loop3A_743[%parallel_loop3A_754] in [0] : vector<16xf32>, vector<16xi32> -> vector<16xf32>
        %parallel_loop3A_756 = vector.broadcast %parallel_loop3A_660 : i32 to vector<16xi32>
        %parallel_loop3A_757 = arith.cmpi eq, %iota3A, %parallel_loop3A_756 : vector<16xi32>
        %parallel_loop3A_758 = arith.select %parallel_loop3A_757, %parallel_loop3A_755, %parallel_loop3A_661 : vector<16xi1>, vector<16xf32>
        scf.yield %parallel_loop3A_758 : vector<16xf32>
      } {sc.loop_unroll_factor = 2 : i64, sc.parallel_access}
      %bitcast3A_143 = vector.bitcast %parallel_loop3A_142 : vector<16xf32> to vector<16xi32>
      %shift_right_arithmetic3A_144 = arith.constant 1 : i32
      %shift_right_arithmetic3A_145 = vector.broadcast %shift_right_arithmetic3A_144 : i32 to vector<16xi32>
      %shift_right_arithmetic3A_146 = arith.shrsi %bitcast3A_143, %shift_right_arithmetic3A_145 : vector<16xi32>
      %sub3A_147 = arith.constant 1597463007 : i32
      %sub3A_148 = vector.broadcast %sub3A_147 : i32 to vector<16xi32>
      %sub3A_149 = arith.subi %sub3A_148, %shift_right_arithmetic3A_146 : vector<16xi32>
      %bitcast3A_150 = vector.bitcast %sub3A_149 : vector<16xi32> to vector<16xf32>
      %mul3A_151 = arith.constant 5.000000e-01 : f32
      %mul3A_152 = vector.broadcast %mul3A_151 : f32 to vector<16xf32>
      %mul3A_153 = arith.mulf %mul3A_152, %parallel_loop3A_142 : vector<16xf32>
      %mul3A_154 = arith.mulf %mul3A_153, %bitcast3A_150 : vector<16xf32>
      %mul3A_155 = arith.mulf %mul3A_154, %bitcast3A_150 : vector<16xf32>
      %sub3A_156 = arith.constant 1.500000e+00 : f32
      %sub3A_157 = vector.broadcast %sub3A_156 : f32 to vector<16xf32>
      %sub3A_158 = arith.subf %sub3A_157, %mul3A_155 : vector<16xf32>
      %mul3A_159 = arith.mulf %bitcast3A_150, %sub3A_158 : vector<16xf32>
      %mul3A_160 = arith.constant 5.000000e-01 : f32
      %mul3A_161 = vector.broadcast %mul3A_160 : f32 to vector<16xf32>
      %mul3A_162 = arith.mulf %mul3A_161, %parallel_loop3A_142 : vector<16xf32>
      %mul3A_163 = arith.mulf %mul3A_162, %mul3A_159 : vector<16xf32>
      %mul3A_164 = arith.mulf %mul3A_163, %mul3A_159 : vector<16xf32>
      %sub3A_165 = arith.constant 1.500000e+00 : f32
      %sub3A_166 = vector.broadcast %sub3A_165 : f32 to vector<16xf32>
      %sub3A_167 = arith.subf %sub3A_166, %mul3A_164 : vector<16xf32>
      %mul3A_168 = arith.mulf %mul3A_159, %sub3A_167 : vector<16xf32>
      %mul3A_169 = arith.constant 5.000000e-01 : f32
      %mul3A_170 = vector.broadcast %mul3A_169 : f32 to vector<16xf32>
      %mul3A_171 = arith.mulf %mul3A_170, %parallel_loop3A_142 : vector<16xf32>
      %mul3A_172 = arith.mulf %mul3A_171, %mul3A_168 : vector<16xf32>
      %mul3A_173 = arith.mulf %mul3A_172, %mul3A_168 : vector<16xf32>
      %sub3A_174 = arith.constant 1.500000e+00 : f32
      %sub3A_175 = vector.broadcast %sub3A_174 : f32 to vector<16xf32>
      %sub3A_176 = arith.subf %sub3A_175, %mul3A_173 : vector<16xf32>
      %mul3A_177 = arith.mulf %mul3A_168, %sub3A_176 : vector<16xf32>
      %mul3A_178 = arith.mulf %parallel_loop3A_142, %mul3A_177 : vector<16xf32>
      %swap3A_179 = arith.constant 16 : index
      %swap3A_180 = tpu.vector_load %arg15[%swap3A_179] {strides = array<i32>} : memref<96xf32, #tpu.memory_space<vmem>>, vector<16xf32>,
      tpu.vector_store %arg15[%swap3A_179], %mul3A_178 {strides = array<i32>} : memref<96xf32, #tpu.memory_space<vmem>>, vector<16xf32>,
      %parallel_loop3A_181 = arith.constant 0 : i32
      %parallel_loop3A_182 = arith.constant 16 : i32
      %parallel_loop3A_183 = arith.constant 1 : i32
      %parallel_loop3A_184 = scf.for %parallel_loop3A_660 = %parallel_loop3A_181 to %parallel_loop3A_182 step %parallel_loop3A_183 iter_args(%parallel_loop3A_661 = %broadcast_in_dim3A_101) -> (vector<16xf32>)  : i32 {
        %parallel_loop3A_662 = arith.constant 32 : i32
        %parallel_loop3A_663 = arith.addi %parallel_loop3A_662, %parallel_loop3A_660 : i32
        %parallel_loop3A_664 = arith.index_cast %parallel_loop3A_663 : i32 to index
        %parallel_loop3A_665 = arith.constant 0 : index
        %parallel_loop3A_666 = tpu.vector_load %arg11[%parallel_loop3A_664, %parallel_loop3A_665] {strides = array<i32>} : memref<96x256xbf16, #tpu.memory_space<vmem>>, vector<32xbf16>,
        %parallel_loop3A_667 = arith.index_cast %parallel_loop3A_663 : i32 to index
        %parallel_loop3A_668 = arith.constant 0 : index
        %parallel_loop3A_669 = tpu.vector_load %arg13[%parallel_loop3A_667, %parallel_loop3A_668] {strides = array<i32>} : memref<96x256xbf16, #tpu.memory_space<vmem>>, vector<32xbf16>,
        %parallel_loop3A_670 = arith.subf %parallel_loop3A_669, %parallel_loop3A_666 : vector<32xbf16>
        %parallel_loop3A_671 = arith.mulf %parallel_loop3A_670, %parallel_loop3A_670 : vector<32xbf16>
        %parallel_loop3A_672 = arith.index_cast %parallel_loop3A_663 : i32 to index
        %parallel_loop3A_673 = arith.constant 32 : index
        %parallel_loop3A_674 = tpu.vector_load %arg11[%parallel_loop3A_672, %parallel_loop3A_673] {strides = array<i32>} : memref<96x256xbf16, #tpu.memory_space<vmem>>, vector<32xbf16>,
        %parallel_loop3A_675 = arith.index_cast %parallel_loop3A_663 : i32 to index
        %parallel_loop3A_676 = arith.constant 32 : index
        %parallel_loop3A_677 = tpu.vector_load %arg13[%parallel_loop3A_675, %parallel_loop3A_676] {strides = array<i32>} : memref<96x256xbf16, #tpu.memory_space<vmem>>, vector<32xbf16>,
        %parallel_loop3A_678 = arith.subf %parallel_loop3A_677, %parallel_loop3A_674 : vector<32xbf16>
        %parallel_loop3A_679 = arith.mulf %parallel_loop3A_678, %parallel_loop3A_678 : vector<32xbf16>
        %parallel_loop3A_680 = arith.addf %parallel_loop3A_671, %parallel_loop3A_679 : vector<32xbf16>
        %parallel_loop3A_681 = arith.index_cast %parallel_loop3A_663 : i32 to index
        %parallel_loop3A_682 = arith.constant 64 : index
        %parallel_loop3A_683 = tpu.vector_load %arg11[%parallel_loop3A_681, %parallel_loop3A_682] {strides = array<i32>} : memref<96x256xbf16, #tpu.memory_space<vmem>>, vector<32xbf16>,
        %parallel_loop3A_684 = arith.index_cast %parallel_loop3A_663 : i32 to index
        %parallel_loop3A_685 = arith.constant 64 : index
        %parallel_loop3A_686 = tpu.vector_load %arg13[%parallel_loop3A_684, %parallel_loop3A_685] {strides = array<i32>} : memref<96x256xbf16, #tpu.memory_space<vmem>>, vector<32xbf16>,
        %parallel_loop3A_687 = arith.subf %parallel_loop3A_686, %parallel_loop3A_683 : vector<32xbf16>
        %parallel_loop3A_688 = arith.mulf %parallel_loop3A_687, %parallel_loop3A_687 : vector<32xbf16>
        %parallel_loop3A_689 = arith.addf %parallel_loop3A_680, %parallel_loop3A_688 : vector<32xbf16>
        %parallel_loop3A_690 = arith.index_cast %parallel_loop3A_663 : i32 to index
        %parallel_loop3A_691 = arith.constant 96 : index
        %parallel_loop3A_692 = tpu.vector_load %arg11[%parallel_loop3A_690, %parallel_loop3A_691] {strides = array<i32>} : memref<96x256xbf16, #tpu.memory_space<vmem>>, vector<32xbf16>,
        %parallel_loop3A_693 = arith.index_cast %parallel_loop3A_663 : i32 to index
        %parallel_loop3A_694 = arith.constant 96 : index
        %parallel_loop3A_695 = tpu.vector_load %arg13[%parallel_loop3A_693, %parallel_loop3A_694] {strides = array<i32>} : memref<96x256xbf16, #tpu.memory_space<vmem>>, vector<32xbf16>,
        %parallel_loop3A_696 = arith.subf %parallel_loop3A_695, %parallel_loop3A_692 : vector<32xbf16>
        %parallel_loop3A_697 = arith.mulf %parallel_loop3A_696, %parallel_loop3A_696 : vector<32xbf16>
        %parallel_loop3A_698 = arith.addf %parallel_loop3A_689, %parallel_loop3A_697 : vector<32xbf16>
        %parallel_loop3A_699 = tpu.unpack_subelements %parallel_loop3A_698, 0 {pack_format = #tpu.pack_format<interleaved>} : vector<32xbf16> -> vector<16xf32>
        %parallel_loop3A_700 = tpu.unpack_subelements %parallel_loop3A_698, 1 {pack_format = #tpu.pack_format<interleaved>} : vector<32xbf16> -> vector<16xf32>
        %parallel_loop3A_701 = arith.addf %parallel_loop3A_699, %parallel_loop3A_700 : vector<16xf32>
        %parallel_loop3A_702 = arith.index_cast %parallel_loop3A_663 : i32 to index
        %parallel_loop3A_703 = arith.constant 128 : index
        %parallel_loop3A_704 = tpu.vector_load %arg11[%parallel_loop3A_702, %parallel_loop3A_703] {strides = array<i32>} : memref<96x256xbf16, #tpu.memory_space<vmem>>, vector<32xbf16>,
        %parallel_loop3A_705 = arith.index_cast %parallel_loop3A_663 : i32 to index
        %parallel_loop3A_706 = arith.constant 128 : index
        %parallel_loop3A_707 = tpu.vector_load %arg13[%parallel_loop3A_705, %parallel_loop3A_706] {strides = array<i32>} : memref<96x256xbf16, #tpu.memory_space<vmem>>, vector<32xbf16>,
        %parallel_loop3A_708 = arith.subf %parallel_loop3A_707, %parallel_loop3A_704 : vector<32xbf16>
        %parallel_loop3A_709 = arith.mulf %parallel_loop3A_708, %parallel_loop3A_708 : vector<32xbf16>
        %parallel_loop3A_710 = arith.index_cast %parallel_loop3A_663 : i32 to index
        %parallel_loop3A_711 = arith.constant 160 : index
        %parallel_loop3A_712 = tpu.vector_load %arg11[%parallel_loop3A_710, %parallel_loop3A_711] {strides = array<i32>} : memref<96x256xbf16, #tpu.memory_space<vmem>>, vector<32xbf16>,
        %parallel_loop3A_713 = arith.index_cast %parallel_loop3A_663 : i32 to index
        %parallel_loop3A_714 = arith.constant 160 : index
        %parallel_loop3A_715 = tpu.vector_load %arg13[%parallel_loop3A_713, %parallel_loop3A_714] {strides = array<i32>} : memref<96x256xbf16, #tpu.memory_space<vmem>>, vector<32xbf16>,
        %parallel_loop3A_716 = arith.subf %parallel_loop3A_715, %parallel_loop3A_712 : vector<32xbf16>
        %parallel_loop3A_717 = arith.mulf %parallel_loop3A_716, %parallel_loop3A_716 : vector<32xbf16>
        %parallel_loop3A_718 = arith.addf %parallel_loop3A_709, %parallel_loop3A_717 : vector<32xbf16>
        %parallel_loop3A_719 = arith.index_cast %parallel_loop3A_663 : i32 to index
        %parallel_loop3A_720 = arith.constant 192 : index
        %parallel_loop3A_721 = tpu.vector_load %arg11[%parallel_loop3A_719, %parallel_loop3A_720] {strides = array<i32>} : memref<96x256xbf16, #tpu.memory_space<vmem>>, vector<32xbf16>,
        %parallel_loop3A_722 = arith.index_cast %parallel_loop3A_663 : i32 to index
        %parallel_loop3A_723 = arith.constant 192 : index
        %parallel_loop3A_724 = tpu.vector_load %arg13[%parallel_loop3A_722, %parallel_loop3A_723] {strides = array<i32>} : memref<96x256xbf16, #tpu.memory_space<vmem>>, vector<32xbf16>,
        %parallel_loop3A_725 = arith.subf %parallel_loop3A_724, %parallel_loop3A_721 : vector<32xbf16>
        %parallel_loop3A_726 = arith.mulf %parallel_loop3A_725, %parallel_loop3A_725 : vector<32xbf16>
        %parallel_loop3A_727 = arith.addf %parallel_loop3A_718, %parallel_loop3A_726 : vector<32xbf16>
        %parallel_loop3A_728 = arith.index_cast %parallel_loop3A_663 : i32 to index
        %parallel_loop3A_729 = arith.constant 224 : index
        %parallel_loop3A_730 = tpu.vector_load %arg11[%parallel_loop3A_728, %parallel_loop3A_729] {strides = array<i32>} : memref<96x256xbf16, #tpu.memory_space<vmem>>, vector<32xbf16>,
        %parallel_loop3A_731 = arith.index_cast %parallel_loop3A_663 : i32 to index
        %parallel_loop3A_732 = arith.constant 224 : index
        %parallel_loop3A_733 = tpu.vector_load %arg13[%parallel_loop3A_731, %parallel_loop3A_732] {strides = array<i32>} : memref<96x256xbf16, #tpu.memory_space<vmem>>, vector<32xbf16>,
        %parallel_loop3A_734 = arith.subf %parallel_loop3A_733, %parallel_loop3A_730 : vector<32xbf16>
        %parallel_loop3A_735 = arith.mulf %parallel_loop3A_734, %parallel_loop3A_734 : vector<32xbf16>
        %parallel_loop3A_736 = arith.addf %parallel_loop3A_727, %parallel_loop3A_735 : vector<32xbf16>
        %parallel_loop3A_737 = tpu.unpack_subelements %parallel_loop3A_736, 0 {pack_format = #tpu.pack_format<interleaved>} : vector<32xbf16> -> vector<16xf32>
        %parallel_loop3A_738 = tpu.unpack_subelements %parallel_loop3A_736, 1 {pack_format = #tpu.pack_format<interleaved>} : vector<32xbf16> -> vector<16xf32>
        %parallel_loop3A_739 = arith.addf %parallel_loop3A_737, %parallel_loop3A_738 : vector<16xf32>
        %parallel_loop3A_740 = arith.addf %parallel_loop3A_701, %parallel_loop3A_739 : vector<16xf32>
        %parallel_loop3A_741 = arith.constant true
        %parallel_loop3A_742 = vector.broadcast %parallel_loop3A_741 : i1 to vector<16xi1>
        %parallel_loop3A_743 = tpu.scan <sum>, %parallel_loop3A_740 masked %parallel_loop3A_742 : vector<16xf32>, vector<16xi1> -> vector<16xf32>
        %parallel_loop3A_744 = arith.constant 15 : i32
        %parallel_loop3A_745 = vector.broadcast %parallel_loop3A_744 : i32 to vector<16xi32>
        %parallel_loop3A_746 = arith.constant 0 : i32
        %parallel_loop3A_747 = vector.broadcast %parallel_loop3A_746 : i32 to vector<16xi32>
        %parallel_loop3A_748 = arith.cmpi slt, %parallel_loop3A_745, %parallel_loop3A_747 : vector<16xi32>
        %parallel_loop3A_749 = arith.constant 16 : i32
        %parallel_loop3A_750 = vector.broadcast %parallel_loop3A_749 : i32 to vector<16xi32>
        %parallel_loop3A_751 = arith.addi %parallel_loop3A_745, %parallel_loop3A_750 : vector<16xi32>
        %parallel_loop3A_752 = arith.select %parallel_loop3A_748, %parallel_loop3A_751, %parallel_loop3A_745 : vector<16xi1>, vector<16xi32>
        %parallel_loop3A_753 = vector.shape_cast %parallel_loop3A_752 : vector<16xi32> to vector<16x1xi32>
        %parallel_loop3A_754 = vector.shape_cast %parallel_loop3A_753 : vector<16x1xi32> to vector<16xi32>
        %parallel_loop3A_755 = tpu.dynamic_gather %parallel_loop3A_743[%parallel_loop3A_754] in [0] : vector<16xf32>, vector<16xi32> -> vector<16xf32>
        %parallel_loop3A_756 = vector.broadcast %parallel_loop3A_660 : i32 to vector<16xi32>
        %parallel_loop3A_757 = arith.cmpi eq, %iota3A, %parallel_loop3A_756 : vector<16xi32>
        %parallel_loop3A_758 = arith.select %parallel_loop3A_757, %parallel_loop3A_755, %parallel_loop3A_661 : vector<16xi1>, vector<16xf32>
        scf.yield %parallel_loop3A_758 : vector<16xf32>
      } {sc.loop_unroll_factor = 2 : i64, sc.parallel_access}
      %bitcast3A_185 = vector.bitcast %parallel_loop3A_184 : vector<16xf32> to vector<16xi32>
      %shift_right_arithmetic3A_186 = arith.constant 1 : i32
      %shift_right_arithmetic3A_187 = vector.broadcast %shift_right_arithmetic3A_186 : i32 to vector<16xi32>
      %shift_right_arithmetic3A_188 = arith.shrsi %bitcast3A_185, %shift_right_arithmetic3A_187 : vector<16xi32>
      %sub3A_189 = arith.constant 1597463007 : i32
      %sub3A_190 = vector.broadcast %sub3A_189 : i32 to vector<16xi32>
      %sub3A_191 = arith.subi %sub3A_190, %shift_right_arithmetic3A_188 : vector<16xi32>
      %bitcast3A_192 = vector.bitcast %sub3A_191 : vector<16xi32> to vector<16xf32>
      %mul3A_193 = arith.constant 5.000000e-01 : f32
      %mul3A_194 = vector.broadcast %mul3A_193 : f32 to vector<16xf32>
      %mul3A_195 = arith.mulf %mul3A_194, %parallel_loop3A_184 : vector<16xf32>
      %mul3A_196 = arith.mulf %mul3A_195, %bitcast3A_192 : vector<16xf32>
      %mul3A_197 = arith.mulf %mul3A_196, %bitcast3A_192 : vector<16xf32>
      %sub3A_198 = arith.constant 1.500000e+00 : f32
      %sub3A_199 = vector.broadcast %sub3A_198 : f32 to vector<16xf32>
      %sub3A_200 = arith.subf %sub3A_199, %mul3A_197 : vector<16xf32>
      %mul3A_201 = arith.mulf %bitcast3A_192, %sub3A_200 : vector<16xf32>
      %mul3A_202 = arith.constant 5.000000e-01 : f32
      %mul3A_203 = vector.broadcast %mul3A_202 : f32 to vector<16xf32>
      %mul3A_204 = arith.mulf %mul3A_203, %parallel_loop3A_184 : vector<16xf32>
      %mul3A_205 = arith.mulf %mul3A_204, %mul3A_201 : vector<16xf32>
      %mul3A_206 = arith.mulf %mul3A_205, %mul3A_201 : vector<16xf32>
      %sub3A_207 = arith.constant 1.500000e+00 : f32
      %sub3A_208 = vector.broadcast %sub3A_207 : f32 to vector<16xf32>
      %sub3A_209 = arith.subf %sub3A_208, %mul3A_206 : vector<16xf32>
      %mul3A_210 = arith.mulf %mul3A_201, %sub3A_209 : vector<16xf32>
      %mul3A_211 = arith.constant 5.000000e-01 : f32
      %mul3A_212 = vector.broadcast %mul3A_211 : f32 to vector<16xf32>
      %mul3A_213 = arith.mulf %mul3A_212, %parallel_loop3A_184 : vector<16xf32>
      %mul3A_214 = arith.mulf %mul3A_213, %mul3A_210 : vector<16xf32>
      %mul3A_215 = arith.mulf %mul3A_214, %mul3A_210 : vector<16xf32>
      %sub3A_216 = arith.constant 1.500000e+00 : f32
      %sub3A_217 = vector.broadcast %sub3A_216 : f32 to vector<16xf32>
      %sub3A_218 = arith.subf %sub3A_217, %mul3A_215 : vector<16xf32>
      %mul3A_219 = arith.mulf %mul3A_210, %sub3A_218 : vector<16xf32>
      %mul3A_220 = arith.mulf %parallel_loop3A_184, %mul3A_219 : vector<16xf32>
      %swap3A_221 = arith.constant 32 : index
      %swap3A_222 = tpu.vector_load %arg15[%swap3A_221] {strides = array<i32>} : memref<96xf32, #tpu.memory_space<vmem>>, vector<16xf32>,
      tpu.vector_store %arg15[%swap3A_221], %mul3A_220 {strides = array<i32>} : memref<96xf32, #tpu.memory_space<vmem>>, vector<16xf32>,
      %parallel_loop3A_223 = arith.constant 0 : i32
      %parallel_loop3A_224 = arith.constant 16 : i32
      %parallel_loop3A_225 = arith.constant 1 : i32
      %parallel_loop3A_226 = scf.for %parallel_loop3A_660 = %parallel_loop3A_223 to %parallel_loop3A_224 step %parallel_loop3A_225 iter_args(%parallel_loop3A_661 = %broadcast_in_dim3A_101) -> (vector<16xf32>)  : i32 {
        %parallel_loop3A_662 = arith.constant 48 : i32
        %parallel_loop3A_663 = arith.addi %parallel_loop3A_662, %parallel_loop3A_660 : i32
        %parallel_loop3A_664 = arith.index_cast %parallel_loop3A_663 : i32 to index
        %parallel_loop3A_665 = arith.constant 0 : index
        %parallel_loop3A_666 = tpu.vector_load %arg11[%parallel_loop3A_664, %parallel_loop3A_665] {strides = array<i32>} : memref<96x256xbf16, #tpu.memory_space<vmem>>, vector<32xbf16>,
        %parallel_loop3A_667 = arith.index_cast %parallel_loop3A_663 : i32 to index
        %parallel_loop3A_668 = arith.constant 0 : index
        %parallel_loop3A_669 = tpu.vector_load %arg13[%parallel_loop3A_667, %parallel_loop3A_668] {strides = array<i32>} : memref<96x256xbf16, #tpu.memory_space<vmem>>, vector<32xbf16>,
        %parallel_loop3A_670 = arith.subf %parallel_loop3A_669, %parallel_loop3A_666 : vector<32xbf16>
        %parallel_loop3A_671 = arith.mulf %parallel_loop3A_670, %parallel_loop3A_670 : vector<32xbf16>
        %parallel_loop3A_672 = arith.index_cast %parallel_loop3A_663 : i32 to index
        %parallel_loop3A_673 = arith.constant 32 : index
        %parallel_loop3A_674 = tpu.vector_load %arg11[%parallel_loop3A_672, %parallel_loop3A_673] {strides = array<i32>} : memref<96x256xbf16, #tpu.memory_space<vmem>>, vector<32xbf16>,
        %parallel_loop3A_675 = arith.index_cast %parallel_loop3A_663 : i32 to index
        %parallel_loop3A_676 = arith.constant 32 : index
        %parallel_loop3A_677 = tpu.vector_load %arg13[%parallel_loop3A_675, %parallel_loop3A_676] {strides = array<i32>} : memref<96x256xbf16, #tpu.memory_space<vmem>>, vector<32xbf16>,
        %parallel_loop3A_678 = arith.subf %parallel_loop3A_677, %parallel_loop3A_674 : vector<32xbf16>
        %parallel_loop3A_679 = arith.mulf %parallel_loop3A_678, %parallel_loop3A_678 : vector<32xbf16>
        %parallel_loop3A_680 = arith.addf %parallel_loop3A_671, %parallel_loop3A_679 : vector<32xbf16>
        %parallel_loop3A_681 = arith.index_cast %parallel_loop3A_663 : i32 to index
        %parallel_loop3A_682 = arith.constant 64 : index
        %parallel_loop3A_683 = tpu.vector_load %arg11[%parallel_loop3A_681, %parallel_loop3A_682] {strides = array<i32>} : memref<96x256xbf16, #tpu.memory_space<vmem>>, vector<32xbf16>,
        %parallel_loop3A_684 = arith.index_cast %parallel_loop3A_663 : i32 to index
        %parallel_loop3A_685 = arith.constant 64 : index
        %parallel_loop3A_686 = tpu.vector_load %arg13[%parallel_loop3A_684, %parallel_loop3A_685] {strides = array<i32>} : memref<96x256xbf16, #tpu.memory_space<vmem>>, vector<32xbf16>,
        %parallel_loop3A_687 = arith.subf %parallel_loop3A_686, %parallel_loop3A_683 : vector<32xbf16>
        %parallel_loop3A_688 = arith.mulf %parallel_loop3A_687, %parallel_loop3A_687 : vector<32xbf16>
        %parallel_loop3A_689 = arith.addf %parallel_loop3A_680, %parallel_loop3A_688 : vector<32xbf16>
        %parallel_loop3A_690 = arith.index_cast %parallel_loop3A_663 : i32 to index
        %parallel_loop3A_691 = arith.constant 96 : index
        %parallel_loop3A_692 = tpu.vector_load %arg11[%parallel_loop3A_690, %parallel_loop3A_691] {strides = array<i32>} : memref<96x256xbf16, #tpu.memory_space<vmem>>, vector<32xbf16>,
        %parallel_loop3A_693 = arith.index_cast %parallel_loop3A_663 : i32 to index
        %parallel_loop3A_694 = arith.constant 96 : index
        %parallel_loop3A_695 = tpu.vector_load %arg13[%parallel_loop3A_693, %parallel_loop3A_694] {strides = array<i32>} : memref<96x256xbf16, #tpu.memory_space<vmem>>, vector<32xbf16>,
        %parallel_loop3A_696 = arith.subf %parallel_loop3A_695, %parallel_loop3A_692 : vector<32xbf16>
        %parallel_loop3A_697 = arith.mulf %parallel_loop3A_696, %parallel_loop3A_696 : vector<32xbf16>
        %parallel_loop3A_698 = arith.addf %parallel_loop3A_689, %parallel_loop3A_697 : vector<32xbf16>
        %parallel_loop3A_699 = tpu.unpack_subelements %parallel_loop3A_698, 0 {pack_format = #tpu.pack_format<interleaved>} : vector<32xbf16> -> vector<16xf32>
        %parallel_loop3A_700 = tpu.unpack_subelements %parallel_loop3A_698, 1 {pack_format = #tpu.pack_format<interleaved>} : vector<32xbf16> -> vector<16xf32>
        %parallel_loop3A_701 = arith.addf %parallel_loop3A_699, %parallel_loop3A_700 : vector<16xf32>
        %parallel_loop3A_702 = arith.index_cast %parallel_loop3A_663 : i32 to index
        %parallel_loop3A_703 = arith.constant 128 : index
        %parallel_loop3A_704 = tpu.vector_load %arg11[%parallel_loop3A_702, %parallel_loop3A_703] {strides = array<i32>} : memref<96x256xbf16, #tpu.memory_space<vmem>>, vector<32xbf16>,
        %parallel_loop3A_705 = arith.index_cast %parallel_loop3A_663 : i32 to index
        %parallel_loop3A_706 = arith.constant 128 : index
        %parallel_loop3A_707 = tpu.vector_load %arg13[%parallel_loop3A_705, %parallel_loop3A_706] {strides = array<i32>} : memref<96x256xbf16, #tpu.memory_space<vmem>>, vector<32xbf16>,
        %parallel_loop3A_708 = arith.subf %parallel_loop3A_707, %parallel_loop3A_704 : vector<32xbf16>
        %parallel_loop3A_709 = arith.mulf %parallel_loop3A_708, %parallel_loop3A_708 : vector<32xbf16>
        %parallel_loop3A_710 = arith.index_cast %parallel_loop3A_663 : i32 to index
        %parallel_loop3A_711 = arith.constant 160 : index
        %parallel_loop3A_712 = tpu.vector_load %arg11[%parallel_loop3A_710, %parallel_loop3A_711] {strides = array<i32>} : memref<96x256xbf16, #tpu.memory_space<vmem>>, vector<32xbf16>,
        %parallel_loop3A_713 = arith.index_cast %parallel_loop3A_663 : i32 to index
        %parallel_loop3A_714 = arith.constant 160 : index
        %parallel_loop3A_715 = tpu.vector_load %arg13[%parallel_loop3A_713, %parallel_loop3A_714] {strides = array<i32>} : memref<96x256xbf16, #tpu.memory_space<vmem>>, vector<32xbf16>,
        %parallel_loop3A_716 = arith.subf %parallel_loop3A_715, %parallel_loop3A_712 : vector<32xbf16>
        %parallel_loop3A_717 = arith.mulf %parallel_loop3A_716, %parallel_loop3A_716 : vector<32xbf16>
        %parallel_loop3A_718 = arith.addf %parallel_loop3A_709, %parallel_loop3A_717 : vector<32xbf16>
        %parallel_loop3A_719 = arith.index_cast %parallel_loop3A_663 : i32 to index
        %parallel_loop3A_720 = arith.constant 192 : index
        %parallel_loop3A_721 = tpu.vector_load %arg11[%parallel_loop3A_719, %parallel_loop3A_720] {strides = array<i32>} : memref<96x256xbf16, #tpu.memory_space<vmem>>, vector<32xbf16>,
        %parallel_loop3A_722 = arith.index_cast %parallel_loop3A_663 : i32 to index
        %parallel_loop3A_723 = arith.constant 192 : index
        %parallel_loop3A_724 = tpu.vector_load %arg13[%parallel_loop3A_722, %parallel_loop3A_723] {strides = array<i32>} : memref<96x256xbf16, #tpu.memory_space<vmem>>, vector<32xbf16>,
        %parallel_loop3A_725 = arith.subf %parallel_loop3A_724, %parallel_loop3A_721 : vector<32xbf16>
        %parallel_loop3A_726 = arith.mulf %parallel_loop3A_725, %parallel_loop3A_725 : vector<32xbf16>
        %parallel_loop3A_727 = arith.addf %parallel_loop3A_718, %parallel_loop3A_726 : vector<32xbf16>
        %parallel_loop3A_728 = arith.index_cast %parallel_loop3A_663 : i32 to index
        %parallel_loop3A_729 = arith.constant 224 : index
        %parallel_loop3A_730 = tpu.vector_load %arg11[%parallel_loop3A_728, %parallel_loop3A_729] {strides = array<i32>} : memref<96x256xbf16, #tpu.memory_space<vmem>>, vector<32xbf16>,
        %parallel_loop3A_731 = arith.index_cast %parallel_loop3A_663 : i32 to index
        %parallel_loop3A_732 = arith.constant 224 : index
        %parallel_loop3A_733 = tpu.vector_load %arg13[%parallel_loop3A_731, %parallel_loop3A_732] {strides = array<i32>} : memref<96x256xbf16, #tpu.memory_space<vmem>>, vector<32xbf16>,
        %parallel_loop3A_734 = arith.subf %parallel_loop3A_733, %parallel_loop3A_730 : vector<32xbf16>
        %parallel_loop3A_735 = arith.mulf %parallel_loop3A_734, %parallel_loop3A_734 : vector<32xbf16>
        %parallel_loop3A_736 = arith.addf %parallel_loop3A_727, %parallel_loop3A_735 : vector<32xbf16>
        %parallel_loop3A_737 = tpu.unpack_subelements %parallel_loop3A_736, 0 {pack_format = #tpu.pack_format<interleaved>} : vector<32xbf16> -> vector<16xf32>
        %parallel_loop3A_738 = tpu.unpack_subelements %parallel_loop3A_736, 1 {pack_format = #tpu.pack_format<interleaved>} : vector<32xbf16> -> vector<16xf32>
        %parallel_loop3A_739 = arith.addf %parallel_loop3A_737, %parallel_loop3A_738 : vector<16xf32>
        %parallel_loop3A_740 = arith.addf %parallel_loop3A_701, %parallel_loop3A_739 : vector<16xf32>
        %parallel_loop3A_741 = arith.constant true
        %parallel_loop3A_742 = vector.broadcast %parallel_loop3A_741 : i1 to vector<16xi1>
        %parallel_loop3A_743 = tpu.scan <sum>, %parallel_loop3A_740 masked %parallel_loop3A_742 : vector<16xf32>, vector<16xi1> -> vector<16xf32>
        %parallel_loop3A_744 = arith.constant 15 : i32
        %parallel_loop3A_745 = vector.broadcast %parallel_loop3A_744 : i32 to vector<16xi32>
        %parallel_loop3A_746 = arith.constant 0 : i32
        %parallel_loop3A_747 = vector.broadcast %parallel_loop3A_746 : i32 to vector<16xi32>
        %parallel_loop3A_748 = arith.cmpi slt, %parallel_loop3A_745, %parallel_loop3A_747 : vector<16xi32>
        %parallel_loop3A_749 = arith.constant 16 : i32
        %parallel_loop3A_750 = vector.broadcast %parallel_loop3A_749 : i32 to vector<16xi32>
        %parallel_loop3A_751 = arith.addi %parallel_loop3A_745, %parallel_loop3A_750 : vector<16xi32>
        %parallel_loop3A_752 = arith.select %parallel_loop3A_748, %parallel_loop3A_751, %parallel_loop3A_745 : vector<16xi1>, vector<16xi32>
        %parallel_loop3A_753 = vector.shape_cast %parallel_loop3A_752 : vector<16xi32> to vector<16x1xi32>
        %parallel_loop3A_754 = vector.shape_cast %parallel_loop3A_753 : vector<16x1xi32> to vector<16xi32>
        %parallel_loop3A_755 = tpu.dynamic_gather %parallel_loop3A_743[%parallel_loop3A_754] in [0] : vector<16xf32>, vector<16xi32> -> vector<16xf32>
        %parallel_loop3A_756 = vector.broadcast %parallel_loop3A_660 : i32 to vector<16xi32>
        %parallel_loop3A_757 = arith.cmpi eq, %iota3A, %parallel_loop3A_756 : vector<16xi32>
        %parallel_loop3A_758 = arith.select %parallel_loop3A_757, %parallel_loop3A_755, %parallel_loop3A_661 : vector<16xi1>, vector<16xf32>
        scf.yield %parallel_loop3A_758 : vector<16xf32>
      } {sc.loop_unroll_factor = 2 : i64, sc.parallel_access}
      %bitcast3A_227 = vector.bitcast %parallel_loop3A_226 : vector<16xf32> to vector<16xi32>
      %shift_right_arithmetic3A_228 = arith.constant 1 : i32
      %shift_right_arithmetic3A_229 = vector.broadcast %shift_right_arithmetic3A_228 : i32 to vector<16xi32>
      %shift_right_arithmetic3A_230 = arith.shrsi %bitcast3A_227, %shift_right_arithmetic3A_229 : vector<16xi32>
      %sub3A_231 = arith.constant 1597463007 : i32
      %sub3A_232 = vector.broadcast %sub3A_231 : i32 to vector<16xi32>
      %sub3A_233 = arith.subi %sub3A_232, %shift_right_arithmetic3A_230 : vector<16xi32>
      %bitcast3A_234 = vector.bitcast %sub3A_233 : vector<16xi32> to vector<16xf32>
      %mul3A_235 = arith.constant 5.000000e-01 : f32
      %mul3A_236 = vector.broadcast %mul3A_235 : f32 to vector<16xf32>
      %mul3A_237 = arith.mulf %mul3A_236, %parallel_loop3A_226 : vector<16xf32>
      %mul3A_238 = arith.mulf %mul3A_237, %bitcast3A_234 : vector<16xf32>
      %mul3A_239 = arith.mulf %mul3A_238, %bitcast3A_234 : vector<16xf32>
      %sub3A_240 = arith.constant 1.500000e+00 : f32
      %sub3A_241 = vector.broadcast %sub3A_240 : f32 to vector<16xf32>
      %sub3A_242 = arith.subf %sub3A_241, %mul3A_239 : vector<16xf32>
      %mul3A_243 = arith.mulf %bitcast3A_234, %sub3A_242 : vector<16xf32>
      %mul3A_244 = arith.constant 5.000000e-01 : f32
      %mul3A_245 = vector.broadcast %mul3A_244 : f32 to vector<16xf32>
      %mul3A_246 = arith.mulf %mul3A_245, %parallel_loop3A_226 : vector<16xf32>
      %mul3A_247 = arith.mulf %mul3A_246, %mul3A_243 : vector<16xf32>
      %mul3A_248 = arith.mulf %mul3A_247, %mul3A_243 : vector<16xf32>
      %sub3A_249 = arith.constant 1.500000e+00 : f32
      %sub3A_250 = vector.broadcast %sub3A_249 : f32 to vector<16xf32>
      %sub3A_251 = arith.subf %sub3A_250, %mul3A_248 : vector<16xf32>
      %mul3A_252 = arith.mulf %mul3A_243, %sub3A_251 : vector<16xf32>
      %mul3A_253 = arith.constant 5.000000e-01 : f32
      %mul3A_254 = vector.broadcast %mul3A_253 : f32 to vector<16xf32>
      %mul3A_255 = arith.mulf %mul3A_254, %parallel_loop3A_226 : vector<16xf32>
      %mul3A_256 = arith.mulf %mul3A_255, %mul3A_252 : vector<16xf32>
      %mul3A_257 = arith.mulf %mul3A_256, %mul3A_252 : vector<16xf32>
      %sub3A_258 = arith.constant 1.500000e+00 : f32
      %sub3A_259 = vector.broadcast %sub3A_258 : f32 to vector<16xf32>
      %sub3A_260 = arith.subf %sub3A_259, %mul3A_257 : vector<16xf32>
      %mul3A_261 = arith.mulf %mul3A_252, %sub3A_260 : vector<16xf32>
      %mul3A_262 = arith.mulf %parallel_loop3A_226, %mul3A_261 : vector<16xf32>
      %swap3A_263 = arith.constant 48 : index
      %swap3A_264 = tpu.vector_load %arg15[%swap3A_263] {strides = array<i32>} : memref<96xf32, #tpu.memory_space<vmem>>, vector<16xf32>,
      tpu.vector_store %arg15[%swap3A_263], %mul3A_262 {strides = array<i32>} : memref<96xf32, #tpu.memory_space<vmem>>, vector<16xf32>,
      %parallel_loop3A_265 = arith.constant 0 : i32
      %parallel_loop3A_266 = arith.constant 16 : i32
      %parallel_loop3A_267 = arith.constant 1 : i32
      %parallel_loop3A_268 = scf.for %parallel_loop3A_660 = %parallel_loop3A_265 to %parallel_loop3A_266 step %parallel_loop3A_267 iter_args(%parallel_loop3A_661 = %broadcast_in_dim3A_101) -> (vector<16xf32>)  : i32 {
        %parallel_loop3A_662 = arith.constant 64 : i32
        %parallel_loop3A_663 = arith.addi %parallel_loop3A_662, %parallel_loop3A_660 : i32
        %parallel_loop3A_664 = arith.index_cast %parallel_loop3A_663 : i32 to index
        %parallel_loop3A_665 = arith.constant 0 : index
        %parallel_loop3A_666 = tpu.vector_load %arg11[%parallel_loop3A_664, %parallel_loop3A_665] {strides = array<i32>} : memref<96x256xbf16, #tpu.memory_space<vmem>>, vector<32xbf16>,
        %parallel_loop3A_667 = arith.index_cast %parallel_loop3A_663 : i32 to index
        %parallel_loop3A_668 = arith.constant 0 : index
        %parallel_loop3A_669 = tpu.vector_load %arg13[%parallel_loop3A_667, %parallel_loop3A_668] {strides = array<i32>} : memref<96x256xbf16, #tpu.memory_space<vmem>>, vector<32xbf16>,
        %parallel_loop3A_670 = arith.subf %parallel_loop3A_669, %parallel_loop3A_666 : vector<32xbf16>
        %parallel_loop3A_671 = arith.mulf %parallel_loop3A_670, %parallel_loop3A_670 : vector<32xbf16>
        %parallel_loop3A_672 = arith.index_cast %parallel_loop3A_663 : i32 to index
        %parallel_loop3A_673 = arith.constant 32 : index
        %parallel_loop3A_674 = tpu.vector_load %arg11[%parallel_loop3A_672, %parallel_loop3A_673] {strides = array<i32>} : memref<96x256xbf16, #tpu.memory_space<vmem>>, vector<32xbf16>,
        %parallel_loop3A_675 = arith.index_cast %parallel_loop3A_663 : i32 to index
        %parallel_loop3A_676 = arith.constant 32 : index
        %parallel_loop3A_677 = tpu.vector_load %arg13[%parallel_loop3A_675, %parallel_loop3A_676] {strides = array<i32>} : memref<96x256xbf16, #tpu.memory_space<vmem>>, vector<32xbf16>,
        %parallel_loop3A_678 = arith.subf %parallel_loop3A_677, %parallel_loop3A_674 : vector<32xbf16>
        %parallel_loop3A_679 = arith.mulf %parallel_loop3A_678, %parallel_loop3A_678 : vector<32xbf16>
        %parallel_loop3A_680 = arith.addf %parallel_loop3A_671, %parallel_loop3A_679 : vector<32xbf16>
        %parallel_loop3A_681 = arith.index_cast %parallel_loop3A_663 : i32 to index
        %parallel_loop3A_682 = arith.constant 64 : index
        %parallel_loop3A_683 = tpu.vector_load %arg11[%parallel_loop3A_681, %parallel_loop3A_682] {strides = array<i32>} : memref<96x256xbf16, #tpu.memory_space<vmem>>, vector<32xbf16>,
        %parallel_loop3A_684 = arith.index_cast %parallel_loop3A_663 : i32 to index
        %parallel_loop3A_685 = arith.constant 64 : index
        %parallel_loop3A_686 = tpu.vector_load %arg13[%parallel_loop3A_684, %parallel_loop3A_685] {strides = array<i32>} : memref<96x256xbf16, #tpu.memory_space<vmem>>, vector<32xbf16>,
        %parallel_loop3A_687 = arith.subf %parallel_loop3A_686, %parallel_loop3A_683 : vector<32xbf16>
        %parallel_loop3A_688 = arith.mulf %parallel_loop3A_687, %parallel_loop3A_687 : vector<32xbf16>
        %parallel_loop3A_689 = arith.addf %parallel_loop3A_680, %parallel_loop3A_688 : vector<32xbf16>
        %parallel_loop3A_690 = arith.index_cast %parallel_loop3A_663 : i32 to index
        %parallel_loop3A_691 = arith.constant 96 : index
        %parallel_loop3A_692 = tpu.vector_load %arg11[%parallel_loop3A_690, %parallel_loop3A_691] {strides = array<i32>} : memref<96x256xbf16, #tpu.memory_space<vmem>>, vector<32xbf16>,
        %parallel_loop3A_693 = arith.index_cast %parallel_loop3A_663 : i32 to index
        %parallel_loop3A_694 = arith.constant 96 : index
        %parallel_loop3A_695 = tpu.vector_load %arg13[%parallel_loop3A_693, %parallel_loop3A_694] {strides = array<i32>} : memref<96x256xbf16, #tpu.memory_space<vmem>>, vector<32xbf16>,
        %parallel_loop3A_696 = arith.subf %parallel_loop3A_695, %parallel_loop3A_692 : vector<32xbf16>
        %parallel_loop3A_697 = arith.mulf %parallel_loop3A_696, %parallel_loop3A_696 : vector<32xbf16>
        %parallel_loop3A_698 = arith.addf %parallel_loop3A_689, %parallel_loop3A_697 : vector<32xbf16>
        %parallel_loop3A_699 = tpu.unpack_subelements %parallel_loop3A_698, 0 {pack_format = #tpu.pack_format<interleaved>} : vector<32xbf16> -> vector<16xf32>
        %parallel_loop3A_700 = tpu.unpack_subelements %parallel_loop3A_698, 1 {pack_format = #tpu.pack_format<interleaved>} : vector<32xbf16> -> vector<16xf32>
        %parallel_loop3A_701 = arith.addf %parallel_loop3A_699, %parallel_loop3A_700 : vector<16xf32>
        %parallel_loop3A_702 = arith.index_cast %parallel_loop3A_663 : i32 to index
        %parallel_loop3A_703 = arith.constant 128 : index
        %parallel_loop3A_704 = tpu.vector_load %arg11[%parallel_loop3A_702, %parallel_loop3A_703] {strides = array<i32>} : memref<96x256xbf16, #tpu.memory_space<vmem>>, vector<32xbf16>,
        %parallel_loop3A_705 = arith.index_cast %parallel_loop3A_663 : i32 to index
        %parallel_loop3A_706 = arith.constant 128 : index
        %parallel_loop3A_707 = tpu.vector_load %arg13[%parallel_loop3A_705, %parallel_loop3A_706] {strides = array<i32>} : memref<96x256xbf16, #tpu.memory_space<vmem>>, vector<32xbf16>,
        %parallel_loop3A_708 = arith.subf %parallel_loop3A_707, %parallel_loop3A_704 : vector<32xbf16>
        %parallel_loop3A_709 = arith.mulf %parallel_loop3A_708, %parallel_loop3A_708 : vector<32xbf16>
        %parallel_loop3A_710 = arith.index_cast %parallel_loop3A_663 : i32 to index
        %parallel_loop3A_711 = arith.constant 160 : index
        %parallel_loop3A_712 = tpu.vector_load %arg11[%parallel_loop3A_710, %parallel_loop3A_711] {strides = array<i32>} : memref<96x256xbf16, #tpu.memory_space<vmem>>, vector<32xbf16>,
        %parallel_loop3A_713 = arith.index_cast %parallel_loop3A_663 : i32 to index
        %parallel_loop3A_714 = arith.constant 160 : index
        %parallel_loop3A_715 = tpu.vector_load %arg13[%parallel_loop3A_713, %parallel_loop3A_714] {strides = array<i32>} : memref<96x256xbf16, #tpu.memory_space<vmem>>, vector<32xbf16>,
        %parallel_loop3A_716 = arith.subf %parallel_loop3A_715, %parallel_loop3A_712 : vector<32xbf16>
        %parallel_loop3A_717 = arith.mulf %parallel_loop3A_716, %parallel_loop3A_716 : vector<32xbf16>
        %parallel_loop3A_718 = arith.addf %parallel_loop3A_709, %parallel_loop3A_717 : vector<32xbf16>
        %parallel_loop3A_719 = arith.index_cast %parallel_loop3A_663 : i32 to index
        %parallel_loop3A_720 = arith.constant 192 : index
        %parallel_loop3A_721 = tpu.vector_load %arg11[%parallel_loop3A_719, %parallel_loop3A_720] {strides = array<i32>} : memref<96x256xbf16, #tpu.memory_space<vmem>>, vector<32xbf16>,
        %parallel_loop3A_722 = arith.index_cast %parallel_loop3A_663 : i32 to index
        %parallel_loop3A_723 = arith.constant 192 : index
        %parallel_loop3A_724 = tpu.vector_load %arg13[%parallel_loop3A_722, %parallel_loop3A_723] {strides = array<i32>} : memref<96x256xbf16, #tpu.memory_space<vmem>>, vector<32xbf16>,
        %parallel_loop3A_725 = arith.subf %parallel_loop3A_724, %parallel_loop3A_721 : vector<32xbf16>
        %parallel_loop3A_726 = arith.mulf %parallel_loop3A_725, %parallel_loop3A_725 : vector<32xbf16>
        %parallel_loop3A_727 = arith.addf %parallel_loop3A_718, %parallel_loop3A_726 : vector<32xbf16>
        %parallel_loop3A_728 = arith.index_cast %parallel_loop3A_663 : i32 to index
        %parallel_loop3A_729 = arith.constant 224 : index
        %parallel_loop3A_730 = tpu.vector_load %arg11[%parallel_loop3A_728, %parallel_loop3A_729] {strides = array<i32>} : memref<96x256xbf16, #tpu.memory_space<vmem>>, vector<32xbf16>,
        %parallel_loop3A_731 = arith.index_cast %parallel_loop3A_663 : i32 to index
        %parallel_loop3A_732 = arith.constant 224 : index
        %parallel_loop3A_733 = tpu.vector_load %arg13[%parallel_loop3A_731, %parallel_loop3A_732] {strides = array<i32>} : memref<96x256xbf16, #tpu.memory_space<vmem>>, vector<32xbf16>,
        %parallel_loop3A_734 = arith.subf %parallel_loop3A_733, %parallel_loop3A_730 : vector<32xbf16>
        %parallel_loop3A_735 = arith.mulf %parallel_loop3A_734, %parallel_loop3A_734 : vector<32xbf16>
        %parallel_loop3A_736 = arith.addf %parallel_loop3A_727, %parallel_loop3A_735 : vector<32xbf16>
        %parallel_loop3A_737 = tpu.unpack_subelements %parallel_loop3A_736, 0 {pack_format = #tpu.pack_format<interleaved>} : vector<32xbf16> -> vector<16xf32>
        %parallel_loop3A_738 = tpu.unpack_subelements %parallel_loop3A_736, 1 {pack_format = #tpu.pack_format<interleaved>} : vector<32xbf16> -> vector<16xf32>
        %parallel_loop3A_739 = arith.addf %parallel_loop3A_737, %parallel_loop3A_738 : vector<16xf32>
        %parallel_loop3A_740 = arith.addf %parallel_loop3A_701, %parallel_loop3A_739 : vector<16xf32>
        %parallel_loop3A_741 = arith.constant true
        %parallel_loop3A_742 = vector.broadcast %parallel_loop3A_741 : i1 to vector<16xi1>
        %parallel_loop3A_743 = tpu.scan <sum>, %parallel_loop3A_740 masked %parallel_loop3A_742 : vector<16xf32>, vector<16xi1> -> vector<16xf32>
        %parallel_loop3A_744 = arith.constant 15 : i32
        %parallel_loop3A_745 = vector.broadcast %parallel_loop3A_744 : i32 to vector<16xi32>
        %parallel_loop3A_746 = arith.constant 0 : i32
        %parallel_loop3A_747 = vector.broadcast %parallel_loop3A_746 : i32 to vector<16xi32>
        %parallel_loop3A_748 = arith.cmpi slt, %parallel_loop3A_745, %parallel_loop3A_747 : vector<16xi32>
        %parallel_loop3A_749 = arith.constant 16 : i32
        %parallel_loop3A_750 = vector.broadcast %parallel_loop3A_749 : i32 to vector<16xi32>
        %parallel_loop3A_751 = arith.addi %parallel_loop3A_745, %parallel_loop3A_750 : vector<16xi32>
        %parallel_loop3A_752 = arith.select %parallel_loop3A_748, %parallel_loop3A_751, %parallel_loop3A_745 : vector<16xi1>, vector<16xi32>
        %parallel_loop3A_753 = vector.shape_cast %parallel_loop3A_752 : vector<16xi32> to vector<16x1xi32>
        %parallel_loop3A_754 = vector.shape_cast %parallel_loop3A_753 : vector<16x1xi32> to vector<16xi32>
        %parallel_loop3A_755 = tpu.dynamic_gather %parallel_loop3A_743[%parallel_loop3A_754] in [0] : vector<16xf32>, vector<16xi32> -> vector<16xf32>
        %parallel_loop3A_756 = vector.broadcast %parallel_loop3A_660 : i32 to vector<16xi32>
        %parallel_loop3A_757 = arith.cmpi eq, %iota3A, %parallel_loop3A_756 : vector<16xi32>
        %parallel_loop3A_758 = arith.select %parallel_loop3A_757, %parallel_loop3A_755, %parallel_loop3A_661 : vector<16xi1>, vector<16xf32>
        scf.yield %parallel_loop3A_758 : vector<16xf32>
      } {sc.loop_unroll_factor = 2 : i64, sc.parallel_access}
      %bitcast3A_269 = vector.bitcast %parallel_loop3A_268 : vector<16xf32> to vector<16xi32>
      %shift_right_arithmetic3A_270 = arith.constant 1 : i32
      %shift_right_arithmetic3A_271 = vector.broadcast %shift_right_arithmetic3A_270 : i32 to vector<16xi32>
      %shift_right_arithmetic3A_272 = arith.shrsi %bitcast3A_269, %shift_right_arithmetic3A_271 : vector<16xi32>
      %sub3A_273 = arith.constant 1597463007 : i32
      %sub3A_274 = vector.broadcast %sub3A_273 : i32 to vector<16xi32>
      %sub3A_275 = arith.subi %sub3A_274, %shift_right_arithmetic3A_272 : vector<16xi32>
      %bitcast3A_276 = vector.bitcast %sub3A_275 : vector<16xi32> to vector<16xf32>
      %mul3A_277 = arith.constant 5.000000e-01 : f32
      %mul3A_278 = vector.broadcast %mul3A_277 : f32 to vector<16xf32>
      %mul3A_279 = arith.mulf %mul3A_278, %parallel_loop3A_268 : vector<16xf32>
      %mul3A_280 = arith.mulf %mul3A_279, %bitcast3A_276 : vector<16xf32>
      %mul3A_281 = arith.mulf %mul3A_280, %bitcast3A_276 : vector<16xf32>
      %sub3A_282 = arith.constant 1.500000e+00 : f32
      %sub3A_283 = vector.broadcast %sub3A_282 : f32 to vector<16xf32>
      %sub3A_284 = arith.subf %sub3A_283, %mul3A_281 : vector<16xf32>
      %mul3A_285 = arith.mulf %bitcast3A_276, %sub3A_284 : vector<16xf32>
      %mul3A_286 = arith.constant 5.000000e-01 : f32
      %mul3A_287 = vector.broadcast %mul3A_286 : f32 to vector<16xf32>
      %mul3A_288 = arith.mulf %mul3A_287, %parallel_loop3A_268 : vector<16xf32>
      %mul3A_289 = arith.mulf %mul3A_288, %mul3A_285 : vector<16xf32>
      %mul3A_290 = arith.mulf %mul3A_289, %mul3A_285 : vector<16xf32>
      %sub3A_291 = arith.constant 1.500000e+00 : f32
      %sub3A_292 = vector.broadcast %sub3A_291 : f32 to vector<16xf32>
      %sub3A_293 = arith.subf %sub3A_292, %mul3A_290 : vector<16xf32>
      %mul3A_294 = arith.mulf %mul3A_285, %sub3A_293 : vector<16xf32>
      %mul3A_295 = arith.constant 5.000000e-01 : f32
      %mul3A_296 = vector.broadcast %mul3A_295 : f32 to vector<16xf32>
      %mul3A_297 = arith.mulf %mul3A_296, %parallel_loop3A_268 : vector<16xf32>
      %mul3A_298 = arith.mulf %mul3A_297, %mul3A_294 : vector<16xf32>
      %mul3A_299 = arith.mulf %mul3A_298, %mul3A_294 : vector<16xf32>
      %sub3A_300 = arith.constant 1.500000e+00 : f32
      %sub3A_301 = vector.broadcast %sub3A_300 : f32 to vector<16xf32>
      %sub3A_302 = arith.subf %sub3A_301, %mul3A_299 : vector<16xf32>
      %mul3A_303 = arith.mulf %mul3A_294, %sub3A_302 : vector<16xf32>
      %mul3A_304 = arith.mulf %parallel_loop3A_268, %mul3A_303 : vector<16xf32>
      %swap3A_305 = arith.constant 64 : index
      %swap3A_306 = tpu.vector_load %arg15[%swap3A_305] {strides = array<i32>} : memref<96xf32, #tpu.memory_space<vmem>>, vector<16xf32>,
      tpu.vector_store %arg15[%swap3A_305], %mul3A_304 {strides = array<i32>} : memref<96xf32, #tpu.memory_space<vmem>>, vector<16xf32>,
      %parallel_loop3A_307 = arith.constant 0 : i32
      %parallel_loop3A_308 = arith.constant 16 : i32
      %parallel_loop3A_309 = arith.constant 1 : i32
      %parallel_loop3A_310 = scf.for %parallel_loop3A_660 = %parallel_loop3A_307 to %parallel_loop3A_308 step %parallel_loop3A_309 iter_args(%parallel_loop3A_661 = %broadcast_in_dim3A_101) -> (vector<16xf32>)  : i32 {
        %parallel_loop3A_662 = arith.constant 80 : i32
        %parallel_loop3A_663 = arith.addi %parallel_loop3A_662, %parallel_loop3A_660 : i32
        %parallel_loop3A_664 = arith.index_cast %parallel_loop3A_663 : i32 to index
        %parallel_loop3A_665 = arith.constant 0 : index
        %parallel_loop3A_666 = tpu.vector_load %arg11[%parallel_loop3A_664, %parallel_loop3A_665] {strides = array<i32>} : memref<96x256xbf16, #tpu.memory_space<vmem>>, vector<32xbf16>,
        %parallel_loop3A_667 = arith.index_cast %parallel_loop3A_663 : i32 to index
        %parallel_loop3A_668 = arith.constant 0 : index
        %parallel_loop3A_669 = tpu.vector_load %arg13[%parallel_loop3A_667, %parallel_loop3A_668] {strides = array<i32>} : memref<96x256xbf16, #tpu.memory_space<vmem>>, vector<32xbf16>,
        %parallel_loop3A_670 = arith.subf %parallel_loop3A_669, %parallel_loop3A_666 : vector<32xbf16>
        %parallel_loop3A_671 = arith.mulf %parallel_loop3A_670, %parallel_loop3A_670 : vector<32xbf16>
        %parallel_loop3A_672 = arith.index_cast %parallel_loop3A_663 : i32 to index
        %parallel_loop3A_673 = arith.constant 32 : index
        %parallel_loop3A_674 = tpu.vector_load %arg11[%parallel_loop3A_672, %parallel_loop3A_673] {strides = array<i32>} : memref<96x256xbf16, #tpu.memory_space<vmem>>, vector<32xbf16>,
        %parallel_loop3A_675 = arith.index_cast %parallel_loop3A_663 : i32 to index
        %parallel_loop3A_676 = arith.constant 32 : index
        %parallel_loop3A_677 = tpu.vector_load %arg13[%parallel_loop3A_675, %parallel_loop3A_676] {strides = array<i32>} : memref<96x256xbf16, #tpu.memory_space<vmem>>, vector<32xbf16>,
        %parallel_loop3A_678 = arith.subf %parallel_loop3A_677, %parallel_loop3A_674 : vector<32xbf16>
        %parallel_loop3A_679 = arith.mulf %parallel_loop3A_678, %parallel_loop3A_678 : vector<32xbf16>
        %parallel_loop3A_680 = arith.addf %parallel_loop3A_671, %parallel_loop3A_679 : vector<32xbf16>
        %parallel_loop3A_681 = arith.index_cast %parallel_loop3A_663 : i32 to index
        %parallel_loop3A_682 = arith.constant 64 : index
        %parallel_loop3A_683 = tpu.vector_load %arg11[%parallel_loop3A_681, %parallel_loop3A_682] {strides = array<i32>} : memref<96x256xbf16, #tpu.memory_space<vmem>>, vector<32xbf16>,
        %parallel_loop3A_684 = arith.index_cast %parallel_loop3A_663 : i32 to index
        %parallel_loop3A_685 = arith.constant 64 : index
        %parallel_loop3A_686 = tpu.vector_load %arg13[%parallel_loop3A_684, %parallel_loop3A_685] {strides = array<i32>} : memref<96x256xbf16, #tpu.memory_space<vmem>>, vector<32xbf16>,
        %parallel_loop3A_687 = arith.subf %parallel_loop3A_686, %parallel_loop3A_683 : vector<32xbf16>
        %parallel_loop3A_688 = arith.mulf %parallel_loop3A_687, %parallel_loop3A_687 : vector<32xbf16>
        %parallel_loop3A_689 = arith.addf %parallel_loop3A_680, %parallel_loop3A_688 : vector<32xbf16>
        %parallel_loop3A_690 = arith.index_cast %parallel_loop3A_663 : i32 to index
        %parallel_loop3A_691 = arith.constant 96 : index
        %parallel_loop3A_692 = tpu.vector_load %arg11[%parallel_loop3A_690, %parallel_loop3A_691] {strides = array<i32>} : memref<96x256xbf16, #tpu.memory_space<vmem>>, vector<32xbf16>,
        %parallel_loop3A_693 = arith.index_cast %parallel_loop3A_663 : i32 to index
        %parallel_loop3A_694 = arith.constant 96 : index
        %parallel_loop3A_695 = tpu.vector_load %arg13[%parallel_loop3A_693, %parallel_loop3A_694] {strides = array<i32>} : memref<96x256xbf16, #tpu.memory_space<vmem>>, vector<32xbf16>,
        %parallel_loop3A_696 = arith.subf %parallel_loop3A_695, %parallel_loop3A_692 : vector<32xbf16>
        %parallel_loop3A_697 = arith.mulf %parallel_loop3A_696, %parallel_loop3A_696 : vector<32xbf16>
        %parallel_loop3A_698 = arith.addf %parallel_loop3A_689, %parallel_loop3A_697 : vector<32xbf16>
        %parallel_loop3A_699 = tpu.unpack_subelements %parallel_loop3A_698, 0 {pack_format = #tpu.pack_format<interleaved>} : vector<32xbf16> -> vector<16xf32>
        %parallel_loop3A_700 = tpu.unpack_subelements %parallel_loop3A_698, 1 {pack_format = #tpu.pack_format<interleaved>} : vector<32xbf16> -> vector<16xf32>
        %parallel_loop3A_701 = arith.addf %parallel_loop3A_699, %parallel_loop3A_700 : vector<16xf32>
        %parallel_loop3A_702 = arith.index_cast %parallel_loop3A_663 : i32 to index
        %parallel_loop3A_703 = arith.constant 128 : index
        %parallel_loop3A_704 = tpu.vector_load %arg11[%parallel_loop3A_702, %parallel_loop3A_703] {strides = array<i32>} : memref<96x256xbf16, #tpu.memory_space<vmem>>, vector<32xbf16>,
        %parallel_loop3A_705 = arith.index_cast %parallel_loop3A_663 : i32 to index
        %parallel_loop3A_706 = arith.constant 128 : index
        %parallel_loop3A_707 = tpu.vector_load %arg13[%parallel_loop3A_705, %parallel_loop3A_706] {strides = array<i32>} : memref<96x256xbf16, #tpu.memory_space<vmem>>, vector<32xbf16>,
        %parallel_loop3A_708 = arith.subf %parallel_loop3A_707, %parallel_loop3A_704 : vector<32xbf16>
        %parallel_loop3A_709 = arith.mulf %parallel_loop3A_708, %parallel_loop3A_708 : vector<32xbf16>
        %parallel_loop3A_710 = arith.index_cast %parallel_loop3A_663 : i32 to index
        %parallel_loop3A_711 = arith.constant 160 : index
        %parallel_loop3A_712 = tpu.vector_load %arg11[%parallel_loop3A_710, %parallel_loop3A_711] {strides = array<i32>} : memref<96x256xbf16, #tpu.memory_space<vmem>>, vector<32xbf16>,
        %parallel_loop3A_713 = arith.index_cast %parallel_loop3A_663 : i32 to index
        %parallel_loop3A_714 = arith.constant 160 : index
        %parallel_loop3A_715 = tpu.vector_load %arg13[%parallel_loop3A_713, %parallel_loop3A_714] {strides = array<i32>} : memref<96x256xbf16, #tpu.memory_space<vmem>>, vector<32xbf16>,
        %parallel_loop3A_716 = arith.subf %parallel_loop3A_715, %parallel_loop3A_712 : vector<32xbf16>
        %parallel_loop3A_717 = arith.mulf %parallel_loop3A_716, %parallel_loop3A_716 : vector<32xbf16>
        %parallel_loop3A_718 = arith.addf %parallel_loop3A_709, %parallel_loop3A_717 : vector<32xbf16>
        %parallel_loop3A_719 = arith.index_cast %parallel_loop3A_663 : i32 to index
        %parallel_loop3A_720 = arith.constant 192 : index
        %parallel_loop3A_721 = tpu.vector_load %arg11[%parallel_loop3A_719, %parallel_loop3A_720] {strides = array<i32>} : memref<96x256xbf16, #tpu.memory_space<vmem>>, vector<32xbf16>,
        %parallel_loop3A_722 = arith.index_cast %parallel_loop3A_663 : i32 to index
        %parallel_loop3A_723 = arith.constant 192 : index
        %parallel_loop3A_724 = tpu.vector_load %arg13[%parallel_loop3A_722, %parallel_loop3A_723] {strides = array<i32>} : memref<96x256xbf16, #tpu.memory_space<vmem>>, vector<32xbf16>,
        %parallel_loop3A_725 = arith.subf %parallel_loop3A_724, %parallel_loop3A_721 : vector<32xbf16>
        %parallel_loop3A_726 = arith.mulf %parallel_loop3A_725, %parallel_loop3A_725 : vector<32xbf16>
        %parallel_loop3A_727 = arith.addf %parallel_loop3A_718, %parallel_loop3A_726 : vector<32xbf16>
        %parallel_loop3A_728 = arith.index_cast %parallel_loop3A_663 : i32 to index
        %parallel_loop3A_729 = arith.constant 224 : index
        %parallel_loop3A_730 = tpu.vector_load %arg11[%parallel_loop3A_728, %parallel_loop3A_729] {strides = array<i32>} : memref<96x256xbf16, #tpu.memory_space<vmem>>, vector<32xbf16>,
        %parallel_loop3A_731 = arith.index_cast %parallel_loop3A_663 : i32 to index
        %parallel_loop3A_732 = arith.constant 224 : index
        %parallel_loop3A_733 = tpu.vector_load %arg13[%parallel_loop3A_731, %parallel_loop3A_732] {strides = array<i32>} : memref<96x256xbf16, #tpu.memory_space<vmem>>, vector<32xbf16>,
        %parallel_loop3A_734 = arith.subf %parallel_loop3A_733, %parallel_loop3A_730 : vector<32xbf16>
        %parallel_loop3A_735 = arith.mulf %parallel_loop3A_734, %parallel_loop3A_734 : vector<32xbf16>
        %parallel_loop3A_736 = arith.addf %parallel_loop3A_727, %parallel_loop3A_735 : vector<32xbf16>
        %parallel_loop3A_737 = tpu.unpack_subelements %parallel_loop3A_736, 0 {pack_format = #tpu.pack_format<interleaved>} : vector<32xbf16> -> vector<16xf32>
        %parallel_loop3A_738 = tpu.unpack_subelements %parallel_loop3A_736, 1 {pack_format = #tpu.pack_format<interleaved>} : vector<32xbf16> -> vector<16xf32>
        %parallel_loop3A_739 = arith.addf %parallel_loop3A_737, %parallel_loop3A_738 : vector<16xf32>
        %parallel_loop3A_740 = arith.addf %parallel_loop3A_701, %parallel_loop3A_739 : vector<16xf32>
        %parallel_loop3A_741 = arith.constant true
        %parallel_loop3A_742 = vector.broadcast %parallel_loop3A_741 : i1 to vector<16xi1>
        %parallel_loop3A_743 = tpu.scan <sum>, %parallel_loop3A_740 masked %parallel_loop3A_742 : vector<16xf32>, vector<16xi1> -> vector<16xf32>
        %parallel_loop3A_744 = arith.constant 15 : i32
        %parallel_loop3A_745 = vector.broadcast %parallel_loop3A_744 : i32 to vector<16xi32>
        %parallel_loop3A_746 = arith.constant 0 : i32
        %parallel_loop3A_747 = vector.broadcast %parallel_loop3A_746 : i32 to vector<16xi32>
        %parallel_loop3A_748 = arith.cmpi slt, %parallel_loop3A_745, %parallel_loop3A_747 : vector<16xi32>
        %parallel_loop3A_749 = arith.constant 16 : i32
        %parallel_loop3A_750 = vector.broadcast %parallel_loop3A_749 : i32 to vector<16xi32>
        %parallel_loop3A_751 = arith.addi %parallel_loop3A_745, %parallel_loop3A_750 : vector<16xi32>
        %parallel_loop3A_752 = arith.select %parallel_loop3A_748, %parallel_loop3A_751, %parallel_loop3A_745 : vector<16xi1>, vector<16xi32>
        %parallel_loop3A_753 = vector.shape_cast %parallel_loop3A_752 : vector<16xi32> to vector<16x1xi32>
        %parallel_loop3A_754 = vector.shape_cast %parallel_loop3A_753 : vector<16x1xi32> to vector<16xi32>
        %parallel_loop3A_755 = tpu.dynamic_gather %parallel_loop3A_743[%parallel_loop3A_754] in [0] : vector<16xf32>, vector<16xi32> -> vector<16xf32>
        %parallel_loop3A_756 = vector.broadcast %parallel_loop3A_660 : i32 to vector<16xi32>
        %parallel_loop3A_757 = arith.cmpi eq, %iota3A, %parallel_loop3A_756 : vector<16xi32>
        %parallel_loop3A_758 = arith.select %parallel_loop3A_757, %parallel_loop3A_755, %parallel_loop3A_661 : vector<16xi1>, vector<16xf32>
        scf.yield %parallel_loop3A_758 : vector<16xf32>
      } {sc.loop_unroll_factor = 2 : i64, sc.parallel_access}
      %bitcast3A_311 = vector.bitcast %parallel_loop3A_310 : vector<16xf32> to vector<16xi32>
      %shift_right_arithmetic3A_312 = arith.constant 1 : i32
      %shift_right_arithmetic3A_313 = vector.broadcast %shift_right_arithmetic3A_312 : i32 to vector<16xi32>
      %shift_right_arithmetic3A_314 = arith.shrsi %bitcast3A_311, %shift_right_arithmetic3A_313 : vector<16xi32>
      %sub3A_315 = arith.constant 1597463007 : i32
      %sub3A_316 = vector.broadcast %sub3A_315 : i32 to vector<16xi32>
      %sub3A_317 = arith.subi %sub3A_316, %shift_right_arithmetic3A_314 : vector<16xi32>
      %bitcast3A_318 = vector.bitcast %sub3A_317 : vector<16xi32> to vector<16xf32>
      %mul3A_319 = arith.constant 5.000000e-01 : f32
      %mul3A_320 = vector.broadcast %mul3A_319 : f32 to vector<16xf32>
      %mul3A_321 = arith.mulf %mul3A_320, %parallel_loop3A_310 : vector<16xf32>
      %mul3A_322 = arith.mulf %mul3A_321, %bitcast3A_318 : vector<16xf32>
      %mul3A_323 = arith.mulf %mul3A_322, %bitcast3A_318 : vector<16xf32>
      %sub3A_324 = arith.constant 1.500000e+00 : f32
      %sub3A_325 = vector.broadcast %sub3A_324 : f32 to vector<16xf32>
      %sub3A_326 = arith.subf %sub3A_325, %mul3A_323 : vector<16xf32>
      %mul3A_327 = arith.mulf %bitcast3A_318, %sub3A_326 : vector<16xf32>
      %mul3A_328 = arith.constant 5.000000e-01 : f32
      %mul3A_329 = vector.broadcast %mul3A_328 : f32 to vector<16xf32>
      %mul3A_330 = arith.mulf %mul3A_329, %parallel_loop3A_310 : vector<16xf32>
      %mul3A_331 = arith.mulf %mul3A_330, %mul3A_327 : vector<16xf32>
      %mul3A_332 = arith.mulf %mul3A_331, %mul3A_327 : vector<16xf32>
      %sub3A_333 = arith.constant 1.500000e+00 : f32
      %sub3A_334 = vector.broadcast %sub3A_333 : f32 to vector<16xf32>
      %sub3A_335 = arith.subf %sub3A_334, %mul3A_332 : vector<16xf32>
      %mul3A_336 = arith.mulf %mul3A_327, %sub3A_335 : vector<16xf32>
      %mul3A_337 = arith.constant 5.000000e-01 : f32
      %mul3A_338 = vector.broadcast %mul3A_337 : f32 to vector<16xf32>
      %mul3A_339 = arith.mulf %mul3A_338, %parallel_loop3A_310 : vector<16xf32>
      %mul3A_340 = arith.mulf %mul3A_339, %mul3A_336 : vector<16xf32>
      %mul3A_341 = arith.mulf %mul3A_340, %mul3A_336 : vector<16xf32>
      %sub3A_342 = arith.constant 1.500000e+00 : f32
      %sub3A_343 = vector.broadcast %sub3A_342 : f32 to vector<16xf32>
      %sub3A_344 = arith.subf %sub3A_343, %mul3A_341 : vector<16xf32>
      %mul3A_345 = arith.mulf %mul3A_336, %sub3A_344 : vector<16xf32>
      %mul3A_346 = arith.mulf %parallel_loop3A_310, %mul3A_345 : vector<16xf32>
      %swap3A_347 = arith.constant 80 : index
      %swap3A_348 = tpu.vector_load %arg15[%swap3A_347] {strides = array<i32>} : memref<96xf32, #tpu.memory_space<vmem>>, vector<16xf32>,
      tpu.vector_store %arg15[%swap3A_347], %mul3A_346 {strides = array<i32>} : memref<96xf32, #tpu.memory_space<vmem>>, vector<16xf32>,
      %mul3A_349 = arith.constant 96 : i32
      %mul3A_350 = arith.muli %add3A_66, %mul3A_349 : i32
      %min3A_351 = arith.constant 4904 : i32
      %min3A_352 = arith.minsi %mul3A_350, %min3A_351 : i32
      %add3A_353 = arith.addi %mul3A_2, %min3A_352 : i32
      %multiple_of3A_354 = tpu.assume_multiple %add3A_353, 8 : i32
      %dma_start3A_355 = tpu.memref_slice %arg5[%multiple_of3A_354] : memref<160000xf32, #tpu.memory_space<hbm>> -> memref<96xf32, #tpu.memory_space<hbm>>
      %dma_start3A_356 = tpu.memref_slice %arg5[%multiple_of3A_354] : memref<160000xf32, #tpu.memory_space<hbm>> -> memref<96xf32, #tpu.memory_space<hbm>>
      tpu.enqueue_dma source(%arg15 : memref<96xf32, #tpu.memory_space<vmem>>) target(%dma_start3A_356 : memref<96xf32, #tpu.memory_space<hbm>>) target_semaphore(%arg22 : memref<!tpu.dma_semaphore, #tpu.memory_space<semaphore_mem>>)
      %mul3A_357 = arith.constant 2 : i32
      %mul3A_358 = arith.muli %mul3A_357, %scan3A_62 : i32
      %add3A_359 = arith.constant 1 : i32
      %add3A_360 = arith.addi %mul3A_358, %add3A_359 : i32
      %dma_wait3A_361 = arith.constant 0 : i32
      %dma_wait3A_362 = tpu.memref_slice %arg3[%dma_wait3A_361] : memref<160000xi32, #tpu.memory_space<hbm>> -> memref<96xi32, #tpu.memory_space<hbm>>
      %dma_wait3A_363 = arith.constant 0 : i32
      %dma_wait3A_364 = tpu.memref_slice %arg3[%dma_wait3A_363] : memref<160000xi32, #tpu.memory_space<hbm>> -> memref<96xi32, #tpu.memory_space<hbm>>
      tpu.wait_dma2 semaphore(%arg18 : memref<!tpu.dma_semaphore, #tpu.memory_space<semaphore_mem>>) src(%dma_wait3A_364 : memref<96xi32, #tpu.memory_space<hbm>>) dst(%arg7 : memref<96xi32, #tpu.memory_space<vmem>>)
      %dma_wait3A_365 = arith.constant 0 : i32
      %dma_wait3A_366 = tpu.memref_slice %arg4[%dma_wait3A_365] : memref<160000xi32, #tpu.memory_space<hbm>> -> memref<96xi32, #tpu.memory_space<hbm>>
      %dma_wait3A_367 = arith.constant 0 : i32
      %dma_wait3A_368 = tpu.memref_slice %arg4[%dma_wait3A_367] : memref<160000xi32, #tpu.memory_space<hbm>> -> memref<96xi32, #tpu.memory_space<hbm>>
      tpu.wait_dma2 semaphore(%arg18 : memref<!tpu.dma_semaphore, #tpu.memory_space<semaphore_mem>>) src(%dma_wait3A_368 : memref<96xi32, #tpu.memory_space<hbm>>) dst(%arg9 : memref<96xi32, #tpu.memory_space<vmem>>)
      %dma_wait3A_369 = arith.constant 0 : i32
      %dma_wait3A_370 = arith.constant 0 : i32
      %dma_wait3A_371 = tpu.memref_slice %arg6[%dma_wait3A_369, %dma_wait3A_370] : memref<10000x256xbf16, #tpu.memory_space<vmem_shared>> -> memref<10000x256xbf16, #tpu.memory_space<vmem_shared>>
      tpu.wait_indirect_dma semaphore(%arg21 : memref<!tpu.dma_semaphore, #tpu.memory_space<semaphore_mem>>) src(%dma_wait3A_371 : memref<10000x256xbf16, #tpu.memory_space<vmem_shared>>) dst(%arg12 : memref<96x256xbf16, #tpu.memory_space<vmem>>)
      %dma_wait3A_372 = arith.constant 0 : i32
      %dma_wait3A_373 = arith.constant 0 : i32
      %dma_wait3A_374 = tpu.memref_slice %arg6[%dma_wait3A_372, %dma_wait3A_373] : memref<10000x256xbf16, #tpu.memory_space<vmem_shared>> -> memref<10000x256xbf16, #tpu.memory_space<vmem_shared>>
      tpu.wait_indirect_dma semaphore(%arg21 : memref<!tpu.dma_semaphore, #tpu.memory_space<semaphore_mem>>) src(%dma_wait3A_374 : memref<10000x256xbf16, #tpu.memory_space<vmem_shared>>) dst(%arg14 : memref<96x256xbf16, #tpu.memory_space<vmem>>)
      %dma_start3A_375 = arith.constant 0 : i32
      %dma_start3A_376 = arith.constant 0 : i32
      %dma_start3A_377 = tpu.memref_slice %arg6[%dma_start3A_375, %dma_start3A_376] : memref<10000x256xbf16, #tpu.memory_space<vmem_shared>> -> memref<10000x256xbf16, #tpu.memory_space<vmem_shared>>
      tpu.enqueue_indirect_dma source(%dma_start3A_377 : memref<10000x256xbf16, #tpu.memory_space<vmem_shared>>) target(%arg11 : memref<96x256xbf16, #tpu.memory_space<vmem>>) offsets(%arg7 : memref<96xi32, #tpu.memory_space<vmem>>) semaphore(%arg20 : memref<!tpu.dma_semaphore, #tpu.memory_space<semaphore_mem>>)
      %dma_start3A_378 = arith.constant 0 : i32
      %dma_start3A_379 = arith.constant 0 : i32
      %dma_start3A_380 = tpu.memref_slice %arg6[%dma_start3A_378, %dma_start3A_379] : memref<10000x256xbf16, #tpu.memory_space<vmem_shared>> -> memref<10000x256xbf16, #tpu.memory_space<vmem_shared>>
      tpu.enqueue_indirect_dma source(%dma_start3A_380 : memref<10000x256xbf16, #tpu.memory_space<vmem_shared>>) target(%arg13 : memref<96x256xbf16, #tpu.memory_space<vmem>>) offsets(%arg9 : memref<96xi32, #tpu.memory_space<vmem>>) semaphore(%arg20 : memref<!tpu.dma_semaphore, #tpu.memory_space<semaphore_mem>>)
      %add3A_381 = arith.constant 2 : i32
      %add3A_382 = arith.addi %add3A_360, %add3A_381 : i32
      %mul3A_383 = arith.constant 96 : i32
      %mul3A_384 = arith.muli %add3A_382, %mul3A_383 : i32
      %min3A_385 = arith.constant 4904 : i32
      %min3A_386 = arith.minsi %mul3A_384, %min3A_385 : i32
      %add3A_387 = arith.addi %mul3A_2, %min3A_386 : i32
      %multiple_of3A_388 = tpu.assume_multiple %add3A_387, 8 : i32
      %dma_start3A_389 = tpu.memref_slice %arg3[%multiple_of3A_388] : memref<160000xi32, #tpu.memory_space<hbm>> -> memref<96xi32, #tpu.memory_space<hbm>>
      %dma_start3A_390 = tpu.memref_slice %arg3[%multiple_of3A_388] : memref<160000xi32, #tpu.memory_space<hbm>> -> memref<96xi32, #tpu.memory_space<hbm>>
      tpu.enqueue_dma source(%dma_start3A_390 : memref<96xi32, #tpu.memory_space<hbm>>) target(%arg8 : memref<96xi32, #tpu.memory_space<vmem>>) target_semaphore(%arg19 : memref<!tpu.dma_semaphore, #tpu.memory_space<semaphore_mem>>)
      %dma_start3A_391 = tpu.memref_slice %arg4[%multiple_of3A_388] : memref<160000xi32, #tpu.memory_space<hbm>> -> memref<96xi32, #tpu.memory_space<hbm>>
      %dma_start3A_392 = tpu.memref_slice %arg4[%multiple_of3A_388] : memref<160000xi32, #tpu.memory_space<hbm>> -> memref<96xi32, #tpu.memory_space<hbm>>
      tpu.enqueue_dma source(%dma_start3A_392 : memref<96xi32, #tpu.memory_space<hbm>>) target(%arg10 : memref<96xi32, #tpu.memory_space<vmem>>) target_semaphore(%arg19 : memref<!tpu.dma_semaphore, #tpu.memory_space<semaphore_mem>>)
      %ge3A_393 = arith.constant 2 : i32
      %ge3A_394 = arith.cmpi sge, %add3A_360, %ge3A_393 : i32
      %convert_element_type3A_395 = arith.extui %ge3A_394 : i1 to i32
      %cond3A_396 = arith.constant 0 : i32
      %cond3A_397 = arith.cmpi ne, %convert_element_type3A_395, %cond3A_396 : i32
      scf.if %cond3A_397 {
        %dma_wait3A_660 = arith.constant 0 : i32
        %dma_wait3A_661 = tpu.memref_slice %arg5[%dma_wait3A_660] : memref<160000xf32, #tpu.memory_space<hbm>> -> memref<96xf32, #tpu.memory_space<hbm>>
        %dma_wait3A_662 = arith.constant 0 : i32
        %dma_wait3A_663 = tpu.memref_slice %arg5[%dma_wait3A_662] : memref<160000xf32, #tpu.memory_space<hbm>> -> memref<96xf32, #tpu.memory_space<hbm>>
        tpu.wait_dma2 semaphore(%arg23 : memref<!tpu.dma_semaphore, #tpu.memory_space<semaphore_mem>>) src(%arg16 : memref<96xf32, #tpu.memory_space<vmem>>) dst(%dma_wait3A_663 : memref<96xf32, #tpu.memory_space<hbm>>)
      } else {
      }
      %broadcast_in_dim3A_398 = arith.constant 0.000000e+00 : f32
      %broadcast_in_dim3A_399 = vector.broadcast %broadcast_in_dim3A_398 : f32 to vector<16xf32>
      %parallel_loop3A_400 = arith.constant 0 : i32
      %parallel_loop3A_401 = arith.constant 16 : i32
      %parallel_loop3A_402 = arith.constant 1 : i32
      %parallel_loop3A_403 = scf.for %parallel_loop3A_660 = %parallel_loop3A_400 to %parallel_loop3A_401 step %parallel_loop3A_402 iter_args(%parallel_loop3A_661 = %broadcast_in_dim3A_399) -> (vector<16xf32>)  : i32 {
        %parallel_loop3A_662 = arith.constant 0 : i32
        %parallel_loop3A_663 = arith.addi %parallel_loop3A_662, %parallel_loop3A_660 : i32
        %parallel_loop3A_664 = arith.index_cast %parallel_loop3A_663 : i32 to index
        %parallel_loop3A_665 = arith.constant 0 : index
        %parallel_loop3A_666 = tpu.vector_load %arg12[%parallel_loop3A_664, %parallel_loop3A_665] {strides = array<i32>} : memref<96x256xbf16, #tpu.memory_space<vmem>>, vector<32xbf16>,
        %parallel_loop3A_667 = arith.index_cast %parallel_loop3A_663 : i32 to index
        %parallel_loop3A_668 = arith.constant 0 : index
        %parallel_loop3A_669 = tpu.vector_load %arg14[%parallel_loop3A_667, %parallel_loop3A_668] {strides = array<i32>} : memref<96x256xbf16, #tpu.memory_space<vmem>>, vector<32xbf16>,
        %parallel_loop3A_670 = arith.subf %parallel_loop3A_669, %parallel_loop3A_666 : vector<32xbf16>
        %parallel_loop3A_671 = arith.mulf %parallel_loop3A_670, %parallel_loop3A_670 : vector<32xbf16>
        %parallel_loop3A_672 = arith.index_cast %parallel_loop3A_663 : i32 to index
        %parallel_loop3A_673 = arith.constant 32 : index
        %parallel_loop3A_674 = tpu.vector_load %arg12[%parallel_loop3A_672, %parallel_loop3A_673] {strides = array<i32>} : memref<96x256xbf16, #tpu.memory_space<vmem>>, vector<32xbf16>,
        %parallel_loop3A_675 = arith.index_cast %parallel_loop3A_663 : i32 to index
        %parallel_loop3A_676 = arith.constant 32 : index
        %parallel_loop3A_677 = tpu.vector_load %arg14[%parallel_loop3A_675, %parallel_loop3A_676] {strides = array<i32>} : memref<96x256xbf16, #tpu.memory_space<vmem>>, vector<32xbf16>,
        %parallel_loop3A_678 = arith.subf %parallel_loop3A_677, %parallel_loop3A_674 : vector<32xbf16>
        %parallel_loop3A_679 = arith.mulf %parallel_loop3A_678, %parallel_loop3A_678 : vector<32xbf16>
        %parallel_loop3A_680 = arith.addf %parallel_loop3A_671, %parallel_loop3A_679 : vector<32xbf16>
        %parallel_loop3A_681 = arith.index_cast %parallel_loop3A_663 : i32 to index
        %parallel_loop3A_682 = arith.constant 64 : index
        %parallel_loop3A_683 = tpu.vector_load %arg12[%parallel_loop3A_681, %parallel_loop3A_682] {strides = array<i32>} : memref<96x256xbf16, #tpu.memory_space<vmem>>, vector<32xbf16>,
        %parallel_loop3A_684 = arith.index_cast %parallel_loop3A_663 : i32 to index
        %parallel_loop3A_685 = arith.constant 64 : index
        %parallel_loop3A_686 = tpu.vector_load %arg14[%parallel_loop3A_684, %parallel_loop3A_685] {strides = array<i32>} : memref<96x256xbf16, #tpu.memory_space<vmem>>, vector<32xbf16>,
        %parallel_loop3A_687 = arith.subf %parallel_loop3A_686, %parallel_loop3A_683 : vector<32xbf16>
        %parallel_loop3A_688 = arith.mulf %parallel_loop3A_687, %parallel_loop3A_687 : vector<32xbf16>
        %parallel_loop3A_689 = arith.addf %parallel_loop3A_680, %parallel_loop3A_688 : vector<32xbf16>
        %parallel_loop3A_690 = arith.index_cast %parallel_loop3A_663 : i32 to index
        %parallel_loop3A_691 = arith.constant 96 : index
        %parallel_loop3A_692 = tpu.vector_load %arg12[%parallel_loop3A_690, %parallel_loop3A_691] {strides = array<i32>} : memref<96x256xbf16, #tpu.memory_space<vmem>>, vector<32xbf16>,
        %parallel_loop3A_693 = arith.index_cast %parallel_loop3A_663 : i32 to index
        %parallel_loop3A_694 = arith.constant 96 : index
        %parallel_loop3A_695 = tpu.vector_load %arg14[%parallel_loop3A_693, %parallel_loop3A_694] {strides = array<i32>} : memref<96x256xbf16, #tpu.memory_space<vmem>>, vector<32xbf16>,
        %parallel_loop3A_696 = arith.subf %parallel_loop3A_695, %parallel_loop3A_692 : vector<32xbf16>
        %parallel_loop3A_697 = arith.mulf %parallel_loop3A_696, %parallel_loop3A_696 : vector<32xbf16>
        %parallel_loop3A_698 = arith.addf %parallel_loop3A_689, %parallel_loop3A_697 : vector<32xbf16>
        %parallel_loop3A_699 = tpu.unpack_subelements %parallel_loop3A_698, 0 {pack_format = #tpu.pack_format<interleaved>} : vector<32xbf16> -> vector<16xf32>
        %parallel_loop3A_700 = tpu.unpack_subelements %parallel_loop3A_698, 1 {pack_format = #tpu.pack_format<interleaved>} : vector<32xbf16> -> vector<16xf32>
        %parallel_loop3A_701 = arith.addf %parallel_loop3A_699, %parallel_loop3A_700 : vector<16xf32>
        %parallel_loop3A_702 = arith.index_cast %parallel_loop3A_663 : i32 to index
        %parallel_loop3A_703 = arith.constant 128 : index
        %parallel_loop3A_704 = tpu.vector_load %arg12[%parallel_loop3A_702, %parallel_loop3A_703] {strides = array<i32>} : memref<96x256xbf16, #tpu.memory_space<vmem>>, vector<32xbf16>,
        %parallel_loop3A_705 = arith.index_cast %parallel_loop3A_663 : i32 to index
        %parallel_loop3A_706 = arith.constant 128 : index
        %parallel_loop3A_707 = tpu.vector_load %arg14[%parallel_loop3A_705, %parallel_loop3A_706] {strides = array<i32>} : memref<96x256xbf16, #tpu.memory_space<vmem>>, vector<32xbf16>,
        %parallel_loop3A_708 = arith.subf %parallel_loop3A_707, %parallel_loop3A_704 : vector<32xbf16>
        %parallel_loop3A_709 = arith.mulf %parallel_loop3A_708, %parallel_loop3A_708 : vector<32xbf16>
        %parallel_loop3A_710 = arith.index_cast %parallel_loop3A_663 : i32 to index
        %parallel_loop3A_711 = arith.constant 160 : index
        %parallel_loop3A_712 = tpu.vector_load %arg12[%parallel_loop3A_710, %parallel_loop3A_711] {strides = array<i32>} : memref<96x256xbf16, #tpu.memory_space<vmem>>, vector<32xbf16>,
        %parallel_loop3A_713 = arith.index_cast %parallel_loop3A_663 : i32 to index
        %parallel_loop3A_714 = arith.constant 160 : index
        %parallel_loop3A_715 = tpu.vector_load %arg14[%parallel_loop3A_713, %parallel_loop3A_714] {strides = array<i32>} : memref<96x256xbf16, #tpu.memory_space<vmem>>, vector<32xbf16>,
        %parallel_loop3A_716 = arith.subf %parallel_loop3A_715, %parallel_loop3A_712 : vector<32xbf16>
        %parallel_loop3A_717 = arith.mulf %parallel_loop3A_716, %parallel_loop3A_716 : vector<32xbf16>
        %parallel_loop3A_718 = arith.addf %parallel_loop3A_709, %parallel_loop3A_717 : vector<32xbf16>
        %parallel_loop3A_719 = arith.index_cast %parallel_loop3A_663 : i32 to index
        %parallel_loop3A_720 = arith.constant 192 : index
        %parallel_loop3A_721 = tpu.vector_load %arg12[%parallel_loop3A_719, %parallel_loop3A_720] {strides = array<i32>} : memref<96x256xbf16, #tpu.memory_space<vmem>>, vector<32xbf16>,
        %parallel_loop3A_722 = arith.index_cast %parallel_loop3A_663 : i32 to index
        %parallel_loop3A_723 = arith.constant 192 : index
        %parallel_loop3A_724 = tpu.vector_load %arg14[%parallel_loop3A_722, %parallel_loop3A_723] {strides = array<i32>} : memref<96x256xbf16, #tpu.memory_space<vmem>>, vector<32xbf16>,
        %parallel_loop3A_725 = arith.subf %parallel_loop3A_724, %parallel_loop3A_721 : vector<32xbf16>
        %parallel_loop3A_726 = arith.mulf %parallel_loop3A_725, %parallel_loop3A_725 : vector<32xbf16>
        %parallel_loop3A_727 = arith.addf %parallel_loop3A_718, %parallel_loop3A_726 : vector<32xbf16>
        %parallel_loop3A_728 = arith.index_cast %parallel_loop3A_663 : i32 to index
        %parallel_loop3A_729 = arith.constant 224 : index
        %parallel_loop3A_730 = tpu.vector_load %arg12[%parallel_loop3A_728, %parallel_loop3A_729] {strides = array<i32>} : memref<96x256xbf16, #tpu.memory_space<vmem>>, vector<32xbf16>,
        %parallel_loop3A_731 = arith.index_cast %parallel_loop3A_663 : i32 to index
        %parallel_loop3A_732 = arith.constant 224 : index
        %parallel_loop3A_733 = tpu.vector_load %arg14[%parallel_loop3A_731, %parallel_loop3A_732] {strides = array<i32>} : memref<96x256xbf16, #tpu.memory_space<vmem>>, vector<32xbf16>,
        %parallel_loop3A_734 = arith.subf %parallel_loop3A_733, %parallel_loop3A_730 : vector<32xbf16>
        %parallel_loop3A_735 = arith.mulf %parallel_loop3A_734, %parallel_loop3A_734 : vector<32xbf16>
        %parallel_loop3A_736 = arith.addf %parallel_loop3A_727, %parallel_loop3A_735 : vector<32xbf16>
        %parallel_loop3A_737 = tpu.unpack_subelements %parallel_loop3A_736, 0 {pack_format = #tpu.pack_format<interleaved>} : vector<32xbf16> -> vector<16xf32>
        %parallel_loop3A_738 = tpu.unpack_subelements %parallel_loop3A_736, 1 {pack_format = #tpu.pack_format<interleaved>} : vector<32xbf16> -> vector<16xf32>
        %parallel_loop3A_739 = arith.addf %parallel_loop3A_737, %parallel_loop3A_738 : vector<16xf32>
        %parallel_loop3A_740 = arith.addf %parallel_loop3A_701, %parallel_loop3A_739 : vector<16xf32>
        %parallel_loop3A_741 = arith.constant true
        %parallel_loop3A_742 = vector.broadcast %parallel_loop3A_741 : i1 to vector<16xi1>
        %parallel_loop3A_743 = tpu.scan <sum>, %parallel_loop3A_740 masked %parallel_loop3A_742 : vector<16xf32>, vector<16xi1> -> vector<16xf32>
        %parallel_loop3A_744 = arith.constant 15 : i32
        %parallel_loop3A_745 = vector.broadcast %parallel_loop3A_744 : i32 to vector<16xi32>
        %parallel_loop3A_746 = arith.constant 0 : i32
        %parallel_loop3A_747 = vector.broadcast %parallel_loop3A_746 : i32 to vector<16xi32>
        %parallel_loop3A_748 = arith.cmpi slt, %parallel_loop3A_745, %parallel_loop3A_747 : vector<16xi32>
        %parallel_loop3A_749 = arith.constant 16 : i32
        %parallel_loop3A_750 = vector.broadcast %parallel_loop3A_749 : i32 to vector<16xi32>
        %parallel_loop3A_751 = arith.addi %parallel_loop3A_745, %parallel_loop3A_750 : vector<16xi32>
        %parallel_loop3A_752 = arith.select %parallel_loop3A_748, %parallel_loop3A_751, %parallel_loop3A_745 : vector<16xi1>, vector<16xi32>
        %parallel_loop3A_753 = vector.shape_cast %parallel_loop3A_752 : vector<16xi32> to vector<16x1xi32>
        %parallel_loop3A_754 = vector.shape_cast %parallel_loop3A_753 : vector<16x1xi32> to vector<16xi32>
        %parallel_loop3A_755 = tpu.dynamic_gather %parallel_loop3A_743[%parallel_loop3A_754] in [0] : vector<16xf32>, vector<16xi32> -> vector<16xf32>
        %parallel_loop3A_756 = vector.broadcast %parallel_loop3A_660 : i32 to vector<16xi32>
        %parallel_loop3A_757 = arith.cmpi eq, %iota3A, %parallel_loop3A_756 : vector<16xi32>
        %parallel_loop3A_758 = arith.select %parallel_loop3A_757, %parallel_loop3A_755, %parallel_loop3A_661 : vector<16xi1>, vector<16xf32>
        scf.yield %parallel_loop3A_758 : vector<16xf32>
      } {sc.loop_unroll_factor = 2 : i64, sc.parallel_access}
      %bitcast3A_404 = vector.bitcast %parallel_loop3A_403 : vector<16xf32> to vector<16xi32>
      %shift_right_arithmetic3A_405 = arith.constant 1 : i32
      %shift_right_arithmetic3A_406 = vector.broadcast %shift_right_arithmetic3A_405 : i32 to vector<16xi32>
      %shift_right_arithmetic3A_407 = arith.shrsi %bitcast3A_404, %shift_right_arithmetic3A_406 : vector<16xi32>
      %sub3A_408 = arith.constant 1597463007 : i32
      %sub3A_409 = vector.broadcast %sub3A_408 : i32 to vector<16xi32>
      %sub3A_410 = arith.subi %sub3A_409, %shift_right_arithmetic3A_407 : vector<16xi32>
      %bitcast3A_411 = vector.bitcast %sub3A_410 : vector<16xi32> to vector<16xf32>
      %mul3A_412 = arith.constant 5.000000e-01 : f32
      %mul3A_413 = vector.broadcast %mul3A_412 : f32 to vector<16xf32>
      %mul3A_414 = arith.mulf %mul3A_413, %parallel_loop3A_403 : vector<16xf32>
      %mul3A_415 = arith.mulf %mul3A_414, %bitcast3A_411 : vector<16xf32>
      %mul3A_416 = arith.mulf %mul3A_415, %bitcast3A_411 : vector<16xf32>
      %sub3A_417 = arith.constant 1.500000e+00 : f32
      %sub3A_418 = vector.broadcast %sub3A_417 : f32 to vector<16xf32>
      %sub3A_419 = arith.subf %sub3A_418, %mul3A_416 : vector<16xf32>
      %mul3A_420 = arith.mulf %bitcast3A_411, %sub3A_419 : vector<16xf32>
      %mul3A_421 = arith.constant 5.000000e-01 : f32
      %mul3A_422 = vector.broadcast %mul3A_421 : f32 to vector<16xf32>
      %mul3A_423 = arith.mulf %mul3A_422, %parallel_loop3A_403 : vector<16xf32>
      %mul3A_424 = arith.mulf %mul3A_423, %mul3A_420 : vector<16xf32>
      %mul3A_425 = arith.mulf %mul3A_424, %mul3A_420 : vector<16xf32>
      %sub3A_426 = arith.constant 1.500000e+00 : f32
      %sub3A_427 = vector.broadcast %sub3A_426 : f32 to vector<16xf32>
      %sub3A_428 = arith.subf %sub3A_427, %mul3A_425 : vector<16xf32>
      %mul3A_429 = arith.mulf %mul3A_420, %sub3A_428 : vector<16xf32>
      %mul3A_430 = arith.constant 5.000000e-01 : f32
      %mul3A_431 = vector.broadcast %mul3A_430 : f32 to vector<16xf32>
      %mul3A_432 = arith.mulf %mul3A_431, %parallel_loop3A_403 : vector<16xf32>
      %mul3A_433 = arith.mulf %mul3A_432, %mul3A_429 : vector<16xf32>
      %mul3A_434 = arith.mulf %mul3A_433, %mul3A_429 : vector<16xf32>
      %sub3A_435 = arith.constant 1.500000e+00 : f32
      %sub3A_436 = vector.broadcast %sub3A_435 : f32 to vector<16xf32>
      %sub3A_437 = arith.subf %sub3A_436, %mul3A_434 : vector<16xf32>
      %mul3A_438 = arith.mulf %mul3A_429, %sub3A_437 : vector<16xf32>
      %mul3A_439 = arith.mulf %parallel_loop3A_403, %mul3A_438 : vector<16xf32>
      %swap3A_440 = arith.constant 0 : index
      %swap3A_441 = tpu.vector_load %arg16[%swap3A_440] {strides = array<i32>} : memref<96xf32, #tpu.memory_space<vmem>>, vector<16xf32>,
      tpu.vector_store %arg16[%swap3A_440], %mul3A_439 {strides = array<i32>} : memref<96xf32, #tpu.memory_space<vmem>>, vector<16xf32>,
      %parallel_loop3A_442 = arith.constant 0 : i32
      %parallel_loop3A_443 = arith.constant 16 : i32
      %parallel_loop3A_444 = arith.constant 1 : i32
      %parallel_loop3A_445 = scf.for %parallel_loop3A_660 = %parallel_loop3A_442 to %parallel_loop3A_443 step %parallel_loop3A_444 iter_args(%parallel_loop3A_661 = %broadcast_in_dim3A_399) -> (vector<16xf32>)  : i32 {
        %parallel_loop3A_662 = arith.constant 16 : i32
        %parallel_loop3A_663 = arith.addi %parallel_loop3A_662, %parallel_loop3A_660 : i32
        %parallel_loop3A_664 = arith.index_cast %parallel_loop3A_663 : i32 to index
        %parallel_loop3A_665 = arith.constant 0 : index
        %parallel_loop3A_666 = tpu.vector_load %arg12[%parallel_loop3A_664, %parallel_loop3A_665] {strides = array<i32>} : memref<96x256xbf16, #tpu.memory_space<vmem>>, vector<32xbf16>,
        %parallel_loop3A_667 = arith.index_cast %parallel_loop3A_663 : i32 to index
        %parallel_loop3A_668 = arith.constant 0 : index
        %parallel_loop3A_669 = tpu.vector_load %arg14[%parallel_loop3A_667, %parallel_loop3A_668] {strides = array<i32>} : memref<96x256xbf16, #tpu.memory_space<vmem>>, vector<32xbf16>,
        %parallel_loop3A_670 = arith.subf %parallel_loop3A_669, %parallel_loop3A_666 : vector<32xbf16>
        %parallel_loop3A_671 = arith.mulf %parallel_loop3A_670, %parallel_loop3A_670 : vector<32xbf16>
        %parallel_loop3A_672 = arith.index_cast %parallel_loop3A_663 : i32 to index
        %parallel_loop3A_673 = arith.constant 32 : index
        %parallel_loop3A_674 = tpu.vector_load %arg12[%parallel_loop3A_672, %parallel_loop3A_673] {strides = array<i32>} : memref<96x256xbf16, #tpu.memory_space<vmem>>, vector<32xbf16>,
        %parallel_loop3A_675 = arith.index_cast %parallel_loop3A_663 : i32 to index
        %parallel_loop3A_676 = arith.constant 32 : index
        %parallel_loop3A_677 = tpu.vector_load %arg14[%parallel_loop3A_675, %parallel_loop3A_676] {strides = array<i32>} : memref<96x256xbf16, #tpu.memory_space<vmem>>, vector<32xbf16>,
        %parallel_loop3A_678 = arith.subf %parallel_loop3A_677, %parallel_loop3A_674 : vector<32xbf16>
        %parallel_loop3A_679 = arith.mulf %parallel_loop3A_678, %parallel_loop3A_678 : vector<32xbf16>
        %parallel_loop3A_680 = arith.addf %parallel_loop3A_671, %parallel_loop3A_679 : vector<32xbf16>
        %parallel_loop3A_681 = arith.index_cast %parallel_loop3A_663 : i32 to index
        %parallel_loop3A_682 = arith.constant 64 : index
        %parallel_loop3A_683 = tpu.vector_load %arg12[%parallel_loop3A_681, %parallel_loop3A_682] {strides = array<i32>} : memref<96x256xbf16, #tpu.memory_space<vmem>>, vector<32xbf16>,
        %parallel_loop3A_684 = arith.index_cast %parallel_loop3A_663 : i32 to index
        %parallel_loop3A_685 = arith.constant 64 : index
        %parallel_loop3A_686 = tpu.vector_load %arg14[%parallel_loop3A_684, %parallel_loop3A_685] {strides = array<i32>} : memref<96x256xbf16, #tpu.memory_space<vmem>>, vector<32xbf16>,
        %parallel_loop3A_687 = arith.subf %parallel_loop3A_686, %parallel_loop3A_683 : vector<32xbf16>
        %parallel_loop3A_688 = arith.mulf %parallel_loop3A_687, %parallel_loop3A_687 : vector<32xbf16>
        %parallel_loop3A_689 = arith.addf %parallel_loop3A_680, %parallel_loop3A_688 : vector<32xbf16>
        %parallel_loop3A_690 = arith.index_cast %parallel_loop3A_663 : i32 to index
        %parallel_loop3A_691 = arith.constant 96 : index
        %parallel_loop3A_692 = tpu.vector_load %arg12[%parallel_loop3A_690, %parallel_loop3A_691] {strides = array<i32>} : memref<96x256xbf16, #tpu.memory_space<vmem>>, vector<32xbf16>,
        %parallel_loop3A_693 = arith.index_cast %parallel_loop3A_663 : i32 to index
        %parallel_loop3A_694 = arith.constant 96 : index
        %parallel_loop3A_695 = tpu.vector_load %arg14[%parallel_loop3A_693, %parallel_loop3A_694] {strides = array<i32>} : memref<96x256xbf16, #tpu.memory_space<vmem>>, vector<32xbf16>,
        %parallel_loop3A_696 = arith.subf %parallel_loop3A_695, %parallel_loop3A_692 : vector<32xbf16>
        %parallel_loop3A_697 = arith.mulf %parallel_loop3A_696, %parallel_loop3A_696 : vector<32xbf16>
        %parallel_loop3A_698 = arith.addf %parallel_loop3A_689, %parallel_loop3A_697 : vector<32xbf16>
        %parallel_loop3A_699 = tpu.unpack_subelements %parallel_loop3A_698, 0 {pack_format = #tpu.pack_format<interleaved>} : vector<32xbf16> -> vector<16xf32>
        %parallel_loop3A_700 = tpu.unpack_subelements %parallel_loop3A_698, 1 {pack_format = #tpu.pack_format<interleaved>} : vector<32xbf16> -> vector<16xf32>
        %parallel_loop3A_701 = arith.addf %parallel_loop3A_699, %parallel_loop3A_700 : vector<16xf32>
        %parallel_loop3A_702 = arith.index_cast %parallel_loop3A_663 : i32 to index
        %parallel_loop3A_703 = arith.constant 128 : index
        %parallel_loop3A_704 = tpu.vector_load %arg12[%parallel_loop3A_702, %parallel_loop3A_703] {strides = array<i32>} : memref<96x256xbf16, #tpu.memory_space<vmem>>, vector<32xbf16>,
        %parallel_loop3A_705 = arith.index_cast %parallel_loop3A_663 : i32 to index
        %parallel_loop3A_706 = arith.constant 128 : index
        %parallel_loop3A_707 = tpu.vector_load %arg14[%parallel_loop3A_705, %parallel_loop3A_706] {strides = array<i32>} : memref<96x256xbf16, #tpu.memory_space<vmem>>, vector<32xbf16>,
        %parallel_loop3A_708 = arith.subf %parallel_loop3A_707, %parallel_loop3A_704 : vector<32xbf16>
        %parallel_loop3A_709 = arith.mulf %parallel_loop3A_708, %parallel_loop3A_708 : vector<32xbf16>
        %parallel_loop3A_710 = arith.index_cast %parallel_loop3A_663 : i32 to index
        %parallel_loop3A_711 = arith.constant 160 : index
        %parallel_loop3A_712 = tpu.vector_load %arg12[%parallel_loop3A_710, %parallel_loop3A_711] {strides = array<i32>} : memref<96x256xbf16, #tpu.memory_space<vmem>>, vector<32xbf16>,
        %parallel_loop3A_713 = arith.index_cast %parallel_loop3A_663 : i32 to index
        %parallel_loop3A_714 = arith.constant 160 : index
        %parallel_loop3A_715 = tpu.vector_load %arg14[%parallel_loop3A_713, %parallel_loop3A_714] {strides = array<i32>} : memref<96x256xbf16, #tpu.memory_space<vmem>>, vector<32xbf16>,
        %parallel_loop3A_716 = arith.subf %parallel_loop3A_715, %parallel_loop3A_712 : vector<32xbf16>
        %parallel_loop3A_717 = arith.mulf %parallel_loop3A_716, %parallel_loop3A_716 : vector<32xbf16>
        %parallel_loop3A_718 = arith.addf %parallel_loop3A_709, %parallel_loop3A_717 : vector<32xbf16>
        %parallel_loop3A_719 = arith.index_cast %parallel_loop3A_663 : i32 to index
        %parallel_loop3A_720 = arith.constant 192 : index
        %parallel_loop3A_721 = tpu.vector_load %arg12[%parallel_loop3A_719, %parallel_loop3A_720] {strides = array<i32>} : memref<96x256xbf16, #tpu.memory_space<vmem>>, vector<32xbf16>,
        %parallel_loop3A_722 = arith.index_cast %parallel_loop3A_663 : i32 to index
        %parallel_loop3A_723 = arith.constant 192 : index
        %parallel_loop3A_724 = tpu.vector_load %arg14[%parallel_loop3A_722, %parallel_loop3A_723] {strides = array<i32>} : memref<96x256xbf16, #tpu.memory_space<vmem>>, vector<32xbf16>,
        %parallel_loop3A_725 = arith.subf %parallel_loop3A_724, %parallel_loop3A_721 : vector<32xbf16>
        %parallel_loop3A_726 = arith.mulf %parallel_loop3A_725, %parallel_loop3A_725 : vector<32xbf16>
        %parallel_loop3A_727 = arith.addf %parallel_loop3A_718, %parallel_loop3A_726 : vector<32xbf16>
        %parallel_loop3A_728 = arith.index_cast %parallel_loop3A_663 : i32 to index
        %parallel_loop3A_729 = arith.constant 224 : index
        %parallel_loop3A_730 = tpu.vector_load %arg12[%parallel_loop3A_728, %parallel_loop3A_729] {strides = array<i32>} : memref<96x256xbf16, #tpu.memory_space<vmem>>, vector<32xbf16>,
        %parallel_loop3A_731 = arith.index_cast %parallel_loop3A_663 : i32 to index
        %parallel_loop3A_732 = arith.constant 224 : index
        %parallel_loop3A_733 = tpu.vector_load %arg14[%parallel_loop3A_731, %parallel_loop3A_732] {strides = array<i32>} : memref<96x256xbf16, #tpu.memory_space<vmem>>, vector<32xbf16>,
        %parallel_loop3A_734 = arith.subf %parallel_loop3A_733, %parallel_loop3A_730 : vector<32xbf16>
        %parallel_loop3A_735 = arith.mulf %parallel_loop3A_734, %parallel_loop3A_734 : vector<32xbf16>
        %parallel_loop3A_736 = arith.addf %parallel_loop3A_727, %parallel_loop3A_735 : vector<32xbf16>
        %parallel_loop3A_737 = tpu.unpack_subelements %parallel_loop3A_736, 0 {pack_format = #tpu.pack_format<interleaved>} : vector<32xbf16> -> vector<16xf32>
        %parallel_loop3A_738 = tpu.unpack_subelements %parallel_loop3A_736, 1 {pack_format = #tpu.pack_format<interleaved>} : vector<32xbf16> -> vector<16xf32>
        %parallel_loop3A_739 = arith.addf %parallel_loop3A_737, %parallel_loop3A_738 : vector<16xf32>
        %parallel_loop3A_740 = arith.addf %parallel_loop3A_701, %parallel_loop3A_739 : vector<16xf32>
        %parallel_loop3A_741 = arith.constant true
        %parallel_loop3A_742 = vector.broadcast %parallel_loop3A_741 : i1 to vector<16xi1>
        %parallel_loop3A_743 = tpu.scan <sum>, %parallel_loop3A_740 masked %parallel_loop3A_742 : vector<16xf32>, vector<16xi1> -> vector<16xf32>
        %parallel_loop3A_744 = arith.constant 15 : i32
        %parallel_loop3A_745 = vector.broadcast %parallel_loop3A_744 : i32 to vector<16xi32>
        %parallel_loop3A_746 = arith.constant 0 : i32
        %parallel_loop3A_747 = vector.broadcast %parallel_loop3A_746 : i32 to vector<16xi32>
        %parallel_loop3A_748 = arith.cmpi slt, %parallel_loop3A_745, %parallel_loop3A_747 : vector<16xi32>
        %parallel_loop3A_749 = arith.constant 16 : i32
        %parallel_loop3A_750 = vector.broadcast %parallel_loop3A_749 : i32 to vector<16xi32>
        %parallel_loop3A_751 = arith.addi %parallel_loop3A_745, %parallel_loop3A_750 : vector<16xi32>
        %parallel_loop3A_752 = arith.select %parallel_loop3A_748, %parallel_loop3A_751, %parallel_loop3A_745 : vector<16xi1>, vector<16xi32>
        %parallel_loop3A_753 = vector.shape_cast %parallel_loop3A_752 : vector<16xi32> to vector<16x1xi32>
        %parallel_loop3A_754 = vector.shape_cast %parallel_loop3A_753 : vector<16x1xi32> to vector<16xi32>
        %parallel_loop3A_755 = tpu.dynamic_gather %parallel_loop3A_743[%parallel_loop3A_754] in [0] : vector<16xf32>, vector<16xi32> -> vector<16xf32>
        %parallel_loop3A_756 = vector.broadcast %parallel_loop3A_660 : i32 to vector<16xi32>
        %parallel_loop3A_757 = arith.cmpi eq, %iota3A, %parallel_loop3A_756 : vector<16xi32>
        %parallel_loop3A_758 = arith.select %parallel_loop3A_757, %parallel_loop3A_755, %parallel_loop3A_661 : vector<16xi1>, vector<16xf32>
        scf.yield %parallel_loop3A_758 : vector<16xf32>
      } {sc.loop_unroll_factor = 2 : i64, sc.parallel_access}
      %bitcast3A_446 = vector.bitcast %parallel_loop3A_445 : vector<16xf32> to vector<16xi32>
      %shift_right_arithmetic3A_447 = arith.constant 1 : i32
      %shift_right_arithmetic3A_448 = vector.broadcast %shift_right_arithmetic3A_447 : i32 to vector<16xi32>
      %shift_right_arithmetic3A_449 = arith.shrsi %bitcast3A_446, %shift_right_arithmetic3A_448 : vector<16xi32>
      %sub3A_450 = arith.constant 1597463007 : i32
      %sub3A_451 = vector.broadcast %sub3A_450 : i32 to vector<16xi32>
      %sub3A_452 = arith.subi %sub3A_451, %shift_right_arithmetic3A_449 : vector<16xi32>
      %bitcast3A_453 = vector.bitcast %sub3A_452 : vector<16xi32> to vector<16xf32>
      %mul3A_454 = arith.constant 5.000000e-01 : f32
      %mul3A_455 = vector.broadcast %mul3A_454 : f32 to vector<16xf32>
      %mul3A_456 = arith.mulf %mul3A_455, %parallel_loop3A_445 : vector<16xf32>
      %mul3A_457 = arith.mulf %mul3A_456, %bitcast3A_453 : vector<16xf32>
      %mul3A_458 = arith.mulf %mul3A_457, %bitcast3A_453 : vector<16xf32>
      %sub3A_459 = arith.constant 1.500000e+00 : f32
      %sub3A_460 = vector.broadcast %sub3A_459 : f32 to vector<16xf32>
      %sub3A_461 = arith.subf %sub3A_460, %mul3A_458 : vector<16xf32>
      %mul3A_462 = arith.mulf %bitcast3A_453, %sub3A_461 : vector<16xf32>
      %mul3A_463 = arith.constant 5.000000e-01 : f32
      %mul3A_464 = vector.broadcast %mul3A_463 : f32 to vector<16xf32>
      %mul3A_465 = arith.mulf %mul3A_464, %parallel_loop3A_445 : vector<16xf32>
      %mul3A_466 = arith.mulf %mul3A_465, %mul3A_462 : vector<16xf32>
      %mul3A_467 = arith.mulf %mul3A_466, %mul3A_462 : vector<16xf32>
      %sub3A_468 = arith.constant 1.500000e+00 : f32
      %sub3A_469 = vector.broadcast %sub3A_468 : f32 to vector<16xf32>
      %sub3A_470 = arith.subf %sub3A_469, %mul3A_467 : vector<16xf32>
      %mul3A_471 = arith.mulf %mul3A_462, %sub3A_470 : vector<16xf32>
      %mul3A_472 = arith.constant 5.000000e-01 : f32
      %mul3A_473 = vector.broadcast %mul3A_472 : f32 to vector<16xf32>
      %mul3A_474 = arith.mulf %mul3A_473, %parallel_loop3A_445 : vector<16xf32>
      %mul3A_475 = arith.mulf %mul3A_474, %mul3A_471 : vector<16xf32>
      %mul3A_476 = arith.mulf %mul3A_475, %mul3A_471 : vector<16xf32>
      %sub3A_477 = arith.constant 1.500000e+00 : f32
      %sub3A_478 = vector.broadcast %sub3A_477 : f32 to vector<16xf32>
      %sub3A_479 = arith.subf %sub3A_478, %mul3A_476 : vector<16xf32>
      %mul3A_480 = arith.mulf %mul3A_471, %sub3A_479 : vector<16xf32>
      %mul3A_481 = arith.mulf %parallel_loop3A_445, %mul3A_480 : vector<16xf32>
      %swap3A_482 = arith.constant 16 : index
      %swap3A_483 = tpu.vector_load %arg16[%swap3A_482] {strides = array<i32>} : memref<96xf32, #tpu.memory_space<vmem>>, vector<16xf32>,
      tpu.vector_store %arg16[%swap3A_482], %mul3A_481 {strides = array<i32>} : memref<96xf32, #tpu.memory_space<vmem>>, vector<16xf32>,
      %parallel_loop3A_484 = arith.constant 0 : i32
      %parallel_loop3A_485 = arith.constant 16 : i32
      %parallel_loop3A_486 = arith.constant 1 : i32
      %parallel_loop3A_487 = scf.for %parallel_loop3A_660 = %parallel_loop3A_484 to %parallel_loop3A_485 step %parallel_loop3A_486 iter_args(%parallel_loop3A_661 = %broadcast_in_dim3A_399) -> (vector<16xf32>)  : i32 {
        %parallel_loop3A_662 = arith.constant 32 : i32
        %parallel_loop3A_663 = arith.addi %parallel_loop3A_662, %parallel_loop3A_660 : i32
        %parallel_loop3A_664 = arith.index_cast %parallel_loop3A_663 : i32 to index
        %parallel_loop3A_665 = arith.constant 0 : index
        %parallel_loop3A_666 = tpu.vector_load %arg12[%parallel_loop3A_664, %parallel_loop3A_665] {strides = array<i32>} : memref<96x256xbf16, #tpu.memory_space<vmem>>, vector<32xbf16>,
        %parallel_loop3A_667 = arith.index_cast %parallel_loop3A_663 : i32 to index
        %parallel_loop3A_668 = arith.constant 0 : index
        %parallel_loop3A_669 = tpu.vector_load %arg14[%parallel_loop3A_667, %parallel_loop3A_668] {strides = array<i32>} : memref<96x256xbf16, #tpu.memory_space<vmem>>, vector<32xbf16>,
        %parallel_loop3A_670 = arith.subf %parallel_loop3A_669, %parallel_loop3A_666 : vector<32xbf16>
        %parallel_loop3A_671 = arith.mulf %parallel_loop3A_670, %parallel_loop3A_670 : vector<32xbf16>
        %parallel_loop3A_672 = arith.index_cast %parallel_loop3A_663 : i32 to index
        %parallel_loop3A_673 = arith.constant 32 : index
        %parallel_loop3A_674 = tpu.vector_load %arg12[%parallel_loop3A_672, %parallel_loop3A_673] {strides = array<i32>} : memref<96x256xbf16, #tpu.memory_space<vmem>>, vector<32xbf16>,
        %parallel_loop3A_675 = arith.index_cast %parallel_loop3A_663 : i32 to index
        %parallel_loop3A_676 = arith.constant 32 : index
        %parallel_loop3A_677 = tpu.vector_load %arg14[%parallel_loop3A_675, %parallel_loop3A_676] {strides = array<i32>} : memref<96x256xbf16, #tpu.memory_space<vmem>>, vector<32xbf16>,
        %parallel_loop3A_678 = arith.subf %parallel_loop3A_677, %parallel_loop3A_674 : vector<32xbf16>
        %parallel_loop3A_679 = arith.mulf %parallel_loop3A_678, %parallel_loop3A_678 : vector<32xbf16>
        %parallel_loop3A_680 = arith.addf %parallel_loop3A_671, %parallel_loop3A_679 : vector<32xbf16>
        %parallel_loop3A_681 = arith.index_cast %parallel_loop3A_663 : i32 to index
        %parallel_loop3A_682 = arith.constant 64 : index
        %parallel_loop3A_683 = tpu.vector_load %arg12[%parallel_loop3A_681, %parallel_loop3A_682] {strides = array<i32>} : memref<96x256xbf16, #tpu.memory_space<vmem>>, vector<32xbf16>,
        %parallel_loop3A_684 = arith.index_cast %parallel_loop3A_663 : i32 to index
        %parallel_loop3A_685 = arith.constant 64 : index
        %parallel_loop3A_686 = tpu.vector_load %arg14[%parallel_loop3A_684, %parallel_loop3A_685] {strides = array<i32>} : memref<96x256xbf16, #tpu.memory_space<vmem>>, vector<32xbf16>,
        %parallel_loop3A_687 = arith.subf %parallel_loop3A_686, %parallel_loop3A_683 : vector<32xbf16>
        %parallel_loop3A_688 = arith.mulf %parallel_loop3A_687, %parallel_loop3A_687 : vector<32xbf16>
        %parallel_loop3A_689 = arith.addf %parallel_loop3A_680, %parallel_loop3A_688 : vector<32xbf16>
        %parallel_loop3A_690 = arith.index_cast %parallel_loop3A_663 : i32 to index
        %parallel_loop3A_691 = arith.constant 96 : index
        %parallel_loop3A_692 = tpu.vector_load %arg12[%parallel_loop3A_690, %parallel_loop3A_691] {strides = array<i32>} : memref<96x256xbf16, #tpu.memory_space<vmem>>, vector<32xbf16>,
        %parallel_loop3A_693 = arith.index_cast %parallel_loop3A_663 : i32 to index
        %parallel_loop3A_694 = arith.constant 96 : index
        %parallel_loop3A_695 = tpu.vector_load %arg14[%parallel_loop3A_693, %parallel_loop3A_694] {strides = array<i32>} : memref<96x256xbf16, #tpu.memory_space<vmem>>, vector<32xbf16>,
        %parallel_loop3A_696 = arith.subf %parallel_loop3A_695, %parallel_loop3A_692 : vector<32xbf16>
        %parallel_loop3A_697 = arith.mulf %parallel_loop3A_696, %parallel_loop3A_696 : vector<32xbf16>
        %parallel_loop3A_698 = arith.addf %parallel_loop3A_689, %parallel_loop3A_697 : vector<32xbf16>
        %parallel_loop3A_699 = tpu.unpack_subelements %parallel_loop3A_698, 0 {pack_format = #tpu.pack_format<interleaved>} : vector<32xbf16> -> vector<16xf32>
        %parallel_loop3A_700 = tpu.unpack_subelements %parallel_loop3A_698, 1 {pack_format = #tpu.pack_format<interleaved>} : vector<32xbf16> -> vector<16xf32>
        %parallel_loop3A_701 = arith.addf %parallel_loop3A_699, %parallel_loop3A_700 : vector<16xf32>
        %parallel_loop3A_702 = arith.index_cast %parallel_loop3A_663 : i32 to index
        %parallel_loop3A_703 = arith.constant 128 : index
        %parallel_loop3A_704 = tpu.vector_load %arg12[%parallel_loop3A_702, %parallel_loop3A_703] {strides = array<i32>} : memref<96x256xbf16, #tpu.memory_space<vmem>>, vector<32xbf16>,
        %parallel_loop3A_705 = arith.index_cast %parallel_loop3A_663 : i32 to index
        %parallel_loop3A_706 = arith.constant 128 : index
        %parallel_loop3A_707 = tpu.vector_load %arg14[%parallel_loop3A_705, %parallel_loop3A_706] {strides = array<i32>} : memref<96x256xbf16, #tpu.memory_space<vmem>>, vector<32xbf16>,
        %parallel_loop3A_708 = arith.subf %parallel_loop3A_707, %parallel_loop3A_704 : vector<32xbf16>
        %parallel_loop3A_709 = arith.mulf %parallel_loop3A_708, %parallel_loop3A_708 : vector<32xbf16>
        %parallel_loop3A_710 = arith.index_cast %parallel_loop3A_663 : i32 to index
        %parallel_loop3A_711 = arith.constant 160 : index
        %parallel_loop3A_712 = tpu.vector_load %arg12[%parallel_loop3A_710, %parallel_loop3A_711] {strides = array<i32>} : memref<96x256xbf16, #tpu.memory_space<vmem>>, vector<32xbf16>,
        %parallel_loop3A_713 = arith.index_cast %parallel_loop3A_663 : i32 to index
        %parallel_loop3A_714 = arith.constant 160 : index
        %parallel_loop3A_715 = tpu.vector_load %arg14[%parallel_loop3A_713, %parallel_loop3A_714] {strides = array<i32>} : memref<96x256xbf16, #tpu.memory_space<vmem>>, vector<32xbf16>,
        %parallel_loop3A_716 = arith.subf %parallel_loop3A_715, %parallel_loop3A_712 : vector<32xbf16>
        %parallel_loop3A_717 = arith.mulf %parallel_loop3A_716, %parallel_loop3A_716 : vector<32xbf16>
        %parallel_loop3A_718 = arith.addf %parallel_loop3A_709, %parallel_loop3A_717 : vector<32xbf16>
        %parallel_loop3A_719 = arith.index_cast %parallel_loop3A_663 : i32 to index
        %parallel_loop3A_720 = arith.constant 192 : index
        %parallel_loop3A_721 = tpu.vector_load %arg12[%parallel_loop3A_719, %parallel_loop3A_720] {strides = array<i32>} : memref<96x256xbf16, #tpu.memory_space<vmem>>, vector<32xbf16>,
        %parallel_loop3A_722 = arith.index_cast %parallel_loop3A_663 : i32 to index
        %parallel_loop3A_723 = arith.constant 192 : index
        %parallel_loop3A_724 = tpu.vector_load %arg14[%parallel_loop3A_722, %parallel_loop3A_723] {strides = array<i32>} : memref<96x256xbf16, #tpu.memory_space<vmem>>, vector<32xbf16>,
        %parallel_loop3A_725 = arith.subf %parallel_loop3A_724, %parallel_loop3A_721 : vector<32xbf16>
        %parallel_loop3A_726 = arith.mulf %parallel_loop3A_725, %parallel_loop3A_725 : vector<32xbf16>
        %parallel_loop3A_727 = arith.addf %parallel_loop3A_718, %parallel_loop3A_726 : vector<32xbf16>
        %parallel_loop3A_728 = arith.index_cast %parallel_loop3A_663 : i32 to index
        %parallel_loop3A_729 = arith.constant 224 : index
        %parallel_loop3A_730 = tpu.vector_load %arg12[%parallel_loop3A_728, %parallel_loop3A_729] {strides = array<i32>} : memref<96x256xbf16, #tpu.memory_space<vmem>>, vector<32xbf16>,
        %parallel_loop3A_731 = arith.index_cast %parallel_loop3A_663 : i32 to index
        %parallel_loop3A_732 = arith.constant 224 : index
        %parallel_loop3A_733 = tpu.vector_load %arg14[%parallel_loop3A_731, %parallel_loop3A_732] {strides = array<i32>} : memref<96x256xbf16, #tpu.memory_space<vmem>>, vector<32xbf16>,
        %parallel_loop3A_734 = arith.subf %parallel_loop3A_733, %parallel_loop3A_730 : vector<32xbf16>
        %parallel_loop3A_735 = arith.mulf %parallel_loop3A_734, %parallel_loop3A_734 : vector<32xbf16>
        %parallel_loop3A_736 = arith.addf %parallel_loop3A_727, %parallel_loop3A_735 : vector<32xbf16>
        %parallel_loop3A_737 = tpu.unpack_subelements %parallel_loop3A_736, 0 {pack_format = #tpu.pack_format<interleaved>} : vector<32xbf16> -> vector<16xf32>
        %parallel_loop3A_738 = tpu.unpack_subelements %parallel_loop3A_736, 1 {pack_format = #tpu.pack_format<interleaved>} : vector<32xbf16> -> vector<16xf32>
        %parallel_loop3A_739 = arith.addf %parallel_loop3A_737, %parallel_loop3A_738 : vector<16xf32>
        %parallel_loop3A_740 = arith.addf %parallel_loop3A_701, %parallel_loop3A_739 : vector<16xf32>
        %parallel_loop3A_741 = arith.constant true
        %parallel_loop3A_742 = vector.broadcast %parallel_loop3A_741 : i1 to vector<16xi1>
        %parallel_loop3A_743 = tpu.scan <sum>, %parallel_loop3A_740 masked %parallel_loop3A_742 : vector<16xf32>, vector<16xi1> -> vector<16xf32>
        %parallel_loop3A_744 = arith.constant 15 : i32
        %parallel_loop3A_745 = vector.broadcast %parallel_loop3A_744 : i32 to vector<16xi32>
        %parallel_loop3A_746 = arith.constant 0 : i32
        %parallel_loop3A_747 = vector.broadcast %parallel_loop3A_746 : i32 to vector<16xi32>
        %parallel_loop3A_748 = arith.cmpi slt, %parallel_loop3A_745, %parallel_loop3A_747 : vector<16xi32>
        %parallel_loop3A_749 = arith.constant 16 : i32
        %parallel_loop3A_750 = vector.broadcast %parallel_loop3A_749 : i32 to vector<16xi32>
        %parallel_loop3A_751 = arith.addi %parallel_loop3A_745, %parallel_loop3A_750 : vector<16xi32>
        %parallel_loop3A_752 = arith.select %parallel_loop3A_748, %parallel_loop3A_751, %parallel_loop3A_745 : vector<16xi1>, vector<16xi32>
        %parallel_loop3A_753 = vector.shape_cast %parallel_loop3A_752 : vector<16xi32> to vector<16x1xi32>
        %parallel_loop3A_754 = vector.shape_cast %parallel_loop3A_753 : vector<16x1xi32> to vector<16xi32>
        %parallel_loop3A_755 = tpu.dynamic_gather %parallel_loop3A_743[%parallel_loop3A_754] in [0] : vector<16xf32>, vector<16xi32> -> vector<16xf32>
        %parallel_loop3A_756 = vector.broadcast %parallel_loop3A_660 : i32 to vector<16xi32>
        %parallel_loop3A_757 = arith.cmpi eq, %iota3A, %parallel_loop3A_756 : vector<16xi32>
        %parallel_loop3A_758 = arith.select %parallel_loop3A_757, %parallel_loop3A_755, %parallel_loop3A_661 : vector<16xi1>, vector<16xf32>
        scf.yield %parallel_loop3A_758 : vector<16xf32>
      } {sc.loop_unroll_factor = 2 : i64, sc.parallel_access}
      %bitcast3A_488 = vector.bitcast %parallel_loop3A_487 : vector<16xf32> to vector<16xi32>
      %shift_right_arithmetic3A_489 = arith.constant 1 : i32
      %shift_right_arithmetic3A_490 = vector.broadcast %shift_right_arithmetic3A_489 : i32 to vector<16xi32>
      %shift_right_arithmetic3A_491 = arith.shrsi %bitcast3A_488, %shift_right_arithmetic3A_490 : vector<16xi32>
      %sub3A_492 = arith.constant 1597463007 : i32
      %sub3A_493 = vector.broadcast %sub3A_492 : i32 to vector<16xi32>
      %sub3A_494 = arith.subi %sub3A_493, %shift_right_arithmetic3A_491 : vector<16xi32>
      %bitcast3A_495 = vector.bitcast %sub3A_494 : vector<16xi32> to vector<16xf32>
      %mul3A_496 = arith.constant 5.000000e-01 : f32
      %mul3A_497 = vector.broadcast %mul3A_496 : f32 to vector<16xf32>
      %mul3A_498 = arith.mulf %mul3A_497, %parallel_loop3A_487 : vector<16xf32>
      %mul3A_499 = arith.mulf %mul3A_498, %bitcast3A_495 : vector<16xf32>
      %mul3A_500 = arith.mulf %mul3A_499, %bitcast3A_495 : vector<16xf32>
      %sub3A_501 = arith.constant 1.500000e+00 : f32
      %sub3A_502 = vector.broadcast %sub3A_501 : f32 to vector<16xf32>
      %sub3A_503 = arith.subf %sub3A_502, %mul3A_500 : vector<16xf32>
      %mul3A_504 = arith.mulf %bitcast3A_495, %sub3A_503 : vector<16xf32>
      %mul3A_505 = arith.constant 5.000000e-01 : f32
      %mul3A_506 = vector.broadcast %mul3A_505 : f32 to vector<16xf32>
      %mul3A_507 = arith.mulf %mul3A_506, %parallel_loop3A_487 : vector<16xf32>
      %mul3A_508 = arith.mulf %mul3A_507, %mul3A_504 : vector<16xf32>
      %mul3A_509 = arith.mulf %mul3A_508, %mul3A_504 : vector<16xf32>
      %sub3A_510 = arith.constant 1.500000e+00 : f32
      %sub3A_511 = vector.broadcast %sub3A_510 : f32 to vector<16xf32>
      %sub3A_512 = arith.subf %sub3A_511, %mul3A_509 : vector<16xf32>
      %mul3A_513 = arith.mulf %mul3A_504, %sub3A_512 : vector<16xf32>
      %mul3A_514 = arith.constant 5.000000e-01 : f32
      %mul3A_515 = vector.broadcast %mul3A_514 : f32 to vector<16xf32>
      %mul3A_516 = arith.mulf %mul3A_515, %parallel_loop3A_487 : vector<16xf32>
      %mul3A_517 = arith.mulf %mul3A_516, %mul3A_513 : vector<16xf32>
      %mul3A_518 = arith.mulf %mul3A_517, %mul3A_513 : vector<16xf32>
      %sub3A_519 = arith.constant 1.500000e+00 : f32
      %sub3A_520 = vector.broadcast %sub3A_519 : f32 to vector<16xf32>
      %sub3A_521 = arith.subf %sub3A_520, %mul3A_518 : vector<16xf32>
      %mul3A_522 = arith.mulf %mul3A_513, %sub3A_521 : vector<16xf32>
      %mul3A_523 = arith.mulf %parallel_loop3A_487, %mul3A_522 : vector<16xf32>
      %swap3A_524 = arith.constant 32 : index
      %swap3A_525 = tpu.vector_load %arg16[%swap3A_524] {strides = array<i32>} : memref<96xf32, #tpu.memory_space<vmem>>, vector<16xf32>,
      tpu.vector_store %arg16[%swap3A_524], %mul3A_523 {strides = array<i32>} : memref<96xf32, #tpu.memory_space<vmem>>, vector<16xf32>,
      %parallel_loop3A_526 = arith.constant 0 : i32
      %parallel_loop3A_527 = arith.constant 16 : i32
      %parallel_loop3A_528 = arith.constant 1 : i32
      %parallel_loop3A_529 = scf.for %parallel_loop3A_660 = %parallel_loop3A_526 to %parallel_loop3A_527 step %parallel_loop3A_528 iter_args(%parallel_loop3A_661 = %broadcast_in_dim3A_399) -> (vector<16xf32>)  : i32 {
        %parallel_loop3A_662 = arith.constant 48 : i32
        %parallel_loop3A_663 = arith.addi %parallel_loop3A_662, %parallel_loop3A_660 : i32
        %parallel_loop3A_664 = arith.index_cast %parallel_loop3A_663 : i32 to index
        %parallel_loop3A_665 = arith.constant 0 : index
        %parallel_loop3A_666 = tpu.vector_load %arg12[%parallel_loop3A_664, %parallel_loop3A_665] {strides = array<i32>} : memref<96x256xbf16, #tpu.memory_space<vmem>>, vector<32xbf16>,
        %parallel_loop3A_667 = arith.index_cast %parallel_loop3A_663 : i32 to index
        %parallel_loop3A_668 = arith.constant 0 : index
        %parallel_loop3A_669 = tpu.vector_load %arg14[%parallel_loop3A_667, %parallel_loop3A_668] {strides = array<i32>} : memref<96x256xbf16, #tpu.memory_space<vmem>>, vector<32xbf16>,
        %parallel_loop3A_670 = arith.subf %parallel_loop3A_669, %parallel_loop3A_666 : vector<32xbf16>
        %parallel_loop3A_671 = arith.mulf %parallel_loop3A_670, %parallel_loop3A_670 : vector<32xbf16>
        %parallel_loop3A_672 = arith.index_cast %parallel_loop3A_663 : i32 to index
        %parallel_loop3A_673 = arith.constant 32 : index
        %parallel_loop3A_674 = tpu.vector_load %arg12[%parallel_loop3A_672, %parallel_loop3A_673] {strides = array<i32>} : memref<96x256xbf16, #tpu.memory_space<vmem>>, vector<32xbf16>,
        %parallel_loop3A_675 = arith.index_cast %parallel_loop3A_663 : i32 to index
        %parallel_loop3A_676 = arith.constant 32 : index
        %parallel_loop3A_677 = tpu.vector_load %arg14[%parallel_loop3A_675, %parallel_loop3A_676] {strides = array<i32>} : memref<96x256xbf16, #tpu.memory_space<vmem>>, vector<32xbf16>,
        %parallel_loop3A_678 = arith.subf %parallel_loop3A_677, %parallel_loop3A_674 : vector<32xbf16>
        %parallel_loop3A_679 = arith.mulf %parallel_loop3A_678, %parallel_loop3A_678 : vector<32xbf16>
        %parallel_loop3A_680 = arith.addf %parallel_loop3A_671, %parallel_loop3A_679 : vector<32xbf16>
        %parallel_loop3A_681 = arith.index_cast %parallel_loop3A_663 : i32 to index
        %parallel_loop3A_682 = arith.constant 64 : index
        %parallel_loop3A_683 = tpu.vector_load %arg12[%parallel_loop3A_681, %parallel_loop3A_682] {strides = array<i32>} : memref<96x256xbf16, #tpu.memory_space<vmem>>, vector<32xbf16>,
        %parallel_loop3A_684 = arith.index_cast %parallel_loop3A_663 : i32 to index
        %parallel_loop3A_685 = arith.constant 64 : index
        %parallel_loop3A_686 = tpu.vector_load %arg14[%parallel_loop3A_684, %parallel_loop3A_685] {strides = array<i32>} : memref<96x256xbf16, #tpu.memory_space<vmem>>, vector<32xbf16>,
        %parallel_loop3A_687 = arith.subf %parallel_loop3A_686, %parallel_loop3A_683 : vector<32xbf16>
        %parallel_loop3A_688 = arith.mulf %parallel_loop3A_687, %parallel_loop3A_687 : vector<32xbf16>
        %parallel_loop3A_689 = arith.addf %parallel_loop3A_680, %parallel_loop3A_688 : vector<32xbf16>
        %parallel_loop3A_690 = arith.index_cast %parallel_loop3A_663 : i32 to index
        %parallel_loop3A_691 = arith.constant 96 : index
        %parallel_loop3A_692 = tpu.vector_load %arg12[%parallel_loop3A_690, %parallel_loop3A_691] {strides = array<i32>} : memref<96x256xbf16, #tpu.memory_space<vmem>>, vector<32xbf16>,
        %parallel_loop3A_693 = arith.index_cast %parallel_loop3A_663 : i32 to index
        %parallel_loop3A_694 = arith.constant 96 : index
        %parallel_loop3A_695 = tpu.vector_load %arg14[%parallel_loop3A_693, %parallel_loop3A_694] {strides = array<i32>} : memref<96x256xbf16, #tpu.memory_space<vmem>>, vector<32xbf16>,
        %parallel_loop3A_696 = arith.subf %parallel_loop3A_695, %parallel_loop3A_692 : vector<32xbf16>
        %parallel_loop3A_697 = arith.mulf %parallel_loop3A_696, %parallel_loop3A_696 : vector<32xbf16>
        %parallel_loop3A_698 = arith.addf %parallel_loop3A_689, %parallel_loop3A_697 : vector<32xbf16>
        %parallel_loop3A_699 = tpu.unpack_subelements %parallel_loop3A_698, 0 {pack_format = #tpu.pack_format<interleaved>} : vector<32xbf16> -> vector<16xf32>
        %parallel_loop3A_700 = tpu.unpack_subelements %parallel_loop3A_698, 1 {pack_format = #tpu.pack_format<interleaved>} : vector<32xbf16> -> vector<16xf32>
        %parallel_loop3A_701 = arith.addf %parallel_loop3A_699, %parallel_loop3A_700 : vector<16xf32>
        %parallel_loop3A_702 = arith.index_cast %parallel_loop3A_663 : i32 to index
        %parallel_loop3A_703 = arith.constant 128 : index
        %parallel_loop3A_704 = tpu.vector_load %arg12[%parallel_loop3A_702, %parallel_loop3A_703] {strides = array<i32>} : memref<96x256xbf16, #tpu.memory_space<vmem>>, vector<32xbf16>,
        %parallel_loop3A_705 = arith.index_cast %parallel_loop3A_663 : i32 to index
        %parallel_loop3A_706 = arith.constant 128 : index
        %parallel_loop3A_707 = tpu.vector_load %arg14[%parallel_loop3A_705, %parallel_loop3A_706] {strides = array<i32>} : memref<96x256xbf16, #tpu.memory_space<vmem>>, vector<32xbf16>,
        %parallel_loop3A_708 = arith.subf %parallel_loop3A_707, %parallel_loop3A_704 : vector<32xbf16>
        %parallel_loop3A_709 = arith.mulf %parallel_loop3A_708, %parallel_loop3A_708 : vector<32xbf16>
        %parallel_loop3A_710 = arith.index_cast %parallel_loop3A_663 : i32 to index
        %parallel_loop3A_711 = arith.constant 160 : index
        %parallel_loop3A_712 = tpu.vector_load %arg12[%parallel_loop3A_710, %parallel_loop3A_711] {strides = array<i32>} : memref<96x256xbf16, #tpu.memory_space<vmem>>, vector<32xbf16>,
        %parallel_loop3A_713 = arith.index_cast %parallel_loop3A_663 : i32 to index
        %parallel_loop3A_714 = arith.constant 160 : index
        %parallel_loop3A_715 = tpu.vector_load %arg14[%parallel_loop3A_713, %parallel_loop3A_714] {strides = array<i32>} : memref<96x256xbf16, #tpu.memory_space<vmem>>, vector<32xbf16>,
        %parallel_loop3A_716 = arith.subf %parallel_loop3A_715, %parallel_loop3A_712 : vector<32xbf16>
        %parallel_loop3A_717 = arith.mulf %parallel_loop3A_716, %parallel_loop3A_716 : vector<32xbf16>
        %parallel_loop3A_718 = arith.addf %parallel_loop3A_709, %parallel_loop3A_717 : vector<32xbf16>
        %parallel_loop3A_719 = arith.index_cast %parallel_loop3A_663 : i32 to index
        %parallel_loop3A_720 = arith.constant 192 : index
        %parallel_loop3A_721 = tpu.vector_load %arg12[%parallel_loop3A_719, %parallel_loop3A_720] {strides = array<i32>} : memref<96x256xbf16, #tpu.memory_space<vmem>>, vector<32xbf16>,
        %parallel_loop3A_722 = arith.index_cast %parallel_loop3A_663 : i32 to index
        %parallel_loop3A_723 = arith.constant 192 : index
        %parallel_loop3A_724 = tpu.vector_load %arg14[%parallel_loop3A_722, %parallel_loop3A_723] {strides = array<i32>} : memref<96x256xbf16, #tpu.memory_space<vmem>>, vector<32xbf16>,
        %parallel_loop3A_725 = arith.subf %parallel_loop3A_724, %parallel_loop3A_721 : vector<32xbf16>
        %parallel_loop3A_726 = arith.mulf %parallel_loop3A_725, %parallel_loop3A_725 : vector<32xbf16>
        %parallel_loop3A_727 = arith.addf %parallel_loop3A_718, %parallel_loop3A_726 : vector<32xbf16>
        %parallel_loop3A_728 = arith.index_cast %parallel_loop3A_663 : i32 to index
        %parallel_loop3A_729 = arith.constant 224 : index
        %parallel_loop3A_730 = tpu.vector_load %arg12[%parallel_loop3A_728, %parallel_loop3A_729] {strides = array<i32>} : memref<96x256xbf16, #tpu.memory_space<vmem>>, vector<32xbf16>,
        %parallel_loop3A_731 = arith.index_cast %parallel_loop3A_663 : i32 to index
        %parallel_loop3A_732 = arith.constant 224 : index
        %parallel_loop3A_733 = tpu.vector_load %arg14[%parallel_loop3A_731, %parallel_loop3A_732] {strides = array<i32>} : memref<96x256xbf16, #tpu.memory_space<vmem>>, vector<32xbf16>,
        %parallel_loop3A_734 = arith.subf %parallel_loop3A_733, %parallel_loop3A_730 : vector<32xbf16>
        %parallel_loop3A_735 = arith.mulf %parallel_loop3A_734, %parallel_loop3A_734 : vector<32xbf16>
        %parallel_loop3A_736 = arith.addf %parallel_loop3A_727, %parallel_loop3A_735 : vector<32xbf16>
        %parallel_loop3A_737 = tpu.unpack_subelements %parallel_loop3A_736, 0 {pack_format = #tpu.pack_format<interleaved>} : vector<32xbf16> -> vector<16xf32>
        %parallel_loop3A_738 = tpu.unpack_subelements %parallel_loop3A_736, 1 {pack_format = #tpu.pack_format<interleaved>} : vector<32xbf16> -> vector<16xf32>
        %parallel_loop3A_739 = arith.addf %parallel_loop3A_737, %parallel_loop3A_738 : vector<16xf32>
        %parallel_loop3A_740 = arith.addf %parallel_loop3A_701, %parallel_loop3A_739 : vector<16xf32>
        %parallel_loop3A_741 = arith.constant true
        %parallel_loop3A_742 = vector.broadcast %parallel_loop3A_741 : i1 to vector<16xi1>
        %parallel_loop3A_743 = tpu.scan <sum>, %parallel_loop3A_740 masked %parallel_loop3A_742 : vector<16xf32>, vector<16xi1> -> vector<16xf32>
        %parallel_loop3A_744 = arith.constant 15 : i32
        %parallel_loop3A_745 = vector.broadcast %parallel_loop3A_744 : i32 to vector<16xi32>
        %parallel_loop3A_746 = arith.constant 0 : i32
        %parallel_loop3A_747 = vector.broadcast %parallel_loop3A_746 : i32 to vector<16xi32>
        %parallel_loop3A_748 = arith.cmpi slt, %parallel_loop3A_745, %parallel_loop3A_747 : vector<16xi32>
        %parallel_loop3A_749 = arith.constant 16 : i32
        %parallel_loop3A_750 = vector.broadcast %parallel_loop3A_749 : i32 to vector<16xi32>
        %parallel_loop3A_751 = arith.addi %parallel_loop3A_745, %parallel_loop3A_750 : vector<16xi32>
        %parallel_loop3A_752 = arith.select %parallel_loop3A_748, %parallel_loop3A_751, %parallel_loop3A_745 : vector<16xi1>, vector<16xi32>
        %parallel_loop3A_753 = vector.shape_cast %parallel_loop3A_752 : vector<16xi32> to vector<16x1xi32>
        %parallel_loop3A_754 = vector.shape_cast %parallel_loop3A_753 : vector<16x1xi32> to vector<16xi32>
        %parallel_loop3A_755 = tpu.dynamic_gather %parallel_loop3A_743[%parallel_loop3A_754] in [0] : vector<16xf32>, vector<16xi32> -> vector<16xf32>
        %parallel_loop3A_756 = vector.broadcast %parallel_loop3A_660 : i32 to vector<16xi32>
        %parallel_loop3A_757 = arith.cmpi eq, %iota3A, %parallel_loop3A_756 : vector<16xi32>
        %parallel_loop3A_758 = arith.select %parallel_loop3A_757, %parallel_loop3A_755, %parallel_loop3A_661 : vector<16xi1>, vector<16xf32>
        scf.yield %parallel_loop3A_758 : vector<16xf32>
      } {sc.loop_unroll_factor = 2 : i64, sc.parallel_access}
      %bitcast3A_530 = vector.bitcast %parallel_loop3A_529 : vector<16xf32> to vector<16xi32>
      %shift_right_arithmetic3A_531 = arith.constant 1 : i32
      %shift_right_arithmetic3A_532 = vector.broadcast %shift_right_arithmetic3A_531 : i32 to vector<16xi32>
      %shift_right_arithmetic3A_533 = arith.shrsi %bitcast3A_530, %shift_right_arithmetic3A_532 : vector<16xi32>
      %sub3A_534 = arith.constant 1597463007 : i32
      %sub3A_535 = vector.broadcast %sub3A_534 : i32 to vector<16xi32>
      %sub3A_536 = arith.subi %sub3A_535, %shift_right_arithmetic3A_533 : vector<16xi32>
      %bitcast3A_537 = vector.bitcast %sub3A_536 : vector<16xi32> to vector<16xf32>
      %mul3A_538 = arith.constant 5.000000e-01 : f32
      %mul3A_539 = vector.broadcast %mul3A_538 : f32 to vector<16xf32>
      %mul3A_540 = arith.mulf %mul3A_539, %parallel_loop3A_529 : vector<16xf32>
      %mul3A_541 = arith.mulf %mul3A_540, %bitcast3A_537 : vector<16xf32>
      %mul3A_542 = arith.mulf %mul3A_541, %bitcast3A_537 : vector<16xf32>
      %sub3A_543 = arith.constant 1.500000e+00 : f32
      %sub3A_544 = vector.broadcast %sub3A_543 : f32 to vector<16xf32>
      %sub3A_545 = arith.subf %sub3A_544, %mul3A_542 : vector<16xf32>
      %mul3A_546 = arith.mulf %bitcast3A_537, %sub3A_545 : vector<16xf32>
      %mul3A_547 = arith.constant 5.000000e-01 : f32
      %mul3A_548 = vector.broadcast %mul3A_547 : f32 to vector<16xf32>
      %mul3A_549 = arith.mulf %mul3A_548, %parallel_loop3A_529 : vector<16xf32>
      %mul3A_550 = arith.mulf %mul3A_549, %mul3A_546 : vector<16xf32>
      %mul3A_551 = arith.mulf %mul3A_550, %mul3A_546 : vector<16xf32>
      %sub3A_552 = arith.constant 1.500000e+00 : f32
      %sub3A_553 = vector.broadcast %sub3A_552 : f32 to vector<16xf32>
      %sub3A_554 = arith.subf %sub3A_553, %mul3A_551 : vector<16xf32>
      %mul3A_555 = arith.mulf %mul3A_546, %sub3A_554 : vector<16xf32>
      %mul3A_556 = arith.constant 5.000000e-01 : f32
      %mul3A_557 = vector.broadcast %mul3A_556 : f32 to vector<16xf32>
      %mul3A_558 = arith.mulf %mul3A_557, %parallel_loop3A_529 : vector<16xf32>
      %mul3A_559 = arith.mulf %mul3A_558, %mul3A_555 : vector<16xf32>
      %mul3A_560 = arith.mulf %mul3A_559, %mul3A_555 : vector<16xf32>
      %sub3A_561 = arith.constant 1.500000e+00 : f32
      %sub3A_562 = vector.broadcast %sub3A_561 : f32 to vector<16xf32>
      %sub3A_563 = arith.subf %sub3A_562, %mul3A_560 : vector<16xf32>
      %mul3A_564 = arith.mulf %mul3A_555, %sub3A_563 : vector<16xf32>
      %mul3A_565 = arith.mulf %parallel_loop3A_529, %mul3A_564 : vector<16xf32>
      %swap3A_566 = arith.constant 48 : index
      %swap3A_567 = tpu.vector_load %arg16[%swap3A_566] {strides = array<i32>} : memref<96xf32, #tpu.memory_space<vmem>>, vector<16xf32>,
      tpu.vector_store %arg16[%swap3A_566], %mul3A_565 {strides = array<i32>} : memref<96xf32, #tpu.memory_space<vmem>>, vector<16xf32>,
      %parallel_loop3A_568 = arith.constant 0 : i32
      %parallel_loop3A_569 = arith.constant 16 : i32
      %parallel_loop3A_570 = arith.constant 1 : i32
      %parallel_loop3A_571 = scf.for %parallel_loop3A_660 = %parallel_loop3A_568 to %parallel_loop3A_569 step %parallel_loop3A_570 iter_args(%parallel_loop3A_661 = %broadcast_in_dim3A_399) -> (vector<16xf32>)  : i32 {
        %parallel_loop3A_662 = arith.constant 64 : i32
        %parallel_loop3A_663 = arith.addi %parallel_loop3A_662, %parallel_loop3A_660 : i32
        %parallel_loop3A_664 = arith.index_cast %parallel_loop3A_663 : i32 to index
        %parallel_loop3A_665 = arith.constant 0 : index
        %parallel_loop3A_666 = tpu.vector_load %arg12[%parallel_loop3A_664, %parallel_loop3A_665] {strides = array<i32>} : memref<96x256xbf16, #tpu.memory_space<vmem>>, vector<32xbf16>,
        %parallel_loop3A_667 = arith.index_cast %parallel_loop3A_663 : i32 to index
        %parallel_loop3A_668 = arith.constant 0 : index
        %parallel_loop3A_669 = tpu.vector_load %arg14[%parallel_loop3A_667, %parallel_loop3A_668] {strides = array<i32>} : memref<96x256xbf16, #tpu.memory_space<vmem>>, vector<32xbf16>,
        %parallel_loop3A_670 = arith.subf %parallel_loop3A_669, %parallel_loop3A_666 : vector<32xbf16>
        %parallel_loop3A_671 = arith.mulf %parallel_loop3A_670, %parallel_loop3A_670 : vector<32xbf16>
        %parallel_loop3A_672 = arith.index_cast %parallel_loop3A_663 : i32 to index
        %parallel_loop3A_673 = arith.constant 32 : index
        %parallel_loop3A_674 = tpu.vector_load %arg12[%parallel_loop3A_672, %parallel_loop3A_673] {strides = array<i32>} : memref<96x256xbf16, #tpu.memory_space<vmem>>, vector<32xbf16>,
        %parallel_loop3A_675 = arith.index_cast %parallel_loop3A_663 : i32 to index
        %parallel_loop3A_676 = arith.constant 32 : index
        %parallel_loop3A_677 = tpu.vector_load %arg14[%parallel_loop3A_675, %parallel_loop3A_676] {strides = array<i32>} : memref<96x256xbf16, #tpu.memory_space<vmem>>, vector<32xbf16>,
        %parallel_loop3A_678 = arith.subf %parallel_loop3A_677, %parallel_loop3A_674 : vector<32xbf16>
        %parallel_loop3A_679 = arith.mulf %parallel_loop3A_678, %parallel_loop3A_678 : vector<32xbf16>
        %parallel_loop3A_680 = arith.addf %parallel_loop3A_671, %parallel_loop3A_679 : vector<32xbf16>
        %parallel_loop3A_681 = arith.index_cast %parallel_loop3A_663 : i32 to index
        %parallel_loop3A_682 = arith.constant 64 : index
        %parallel_loop3A_683 = tpu.vector_load %arg12[%parallel_loop3A_681, %parallel_loop3A_682] {strides = array<i32>} : memref<96x256xbf16, #tpu.memory_space<vmem>>, vector<32xbf16>,
        %parallel_loop3A_684 = arith.index_cast %parallel_loop3A_663 : i32 to index
        %parallel_loop3A_685 = arith.constant 64 : index
        %parallel_loop3A_686 = tpu.vector_load %arg14[%parallel_loop3A_684, %parallel_loop3A_685] {strides = array<i32>} : memref<96x256xbf16, #tpu.memory_space<vmem>>, vector<32xbf16>,
        %parallel_loop3A_687 = arith.subf %parallel_loop3A_686, %parallel_loop3A_683 : vector<32xbf16>
        %parallel_loop3A_688 = arith.mulf %parallel_loop3A_687, %parallel_loop3A_687 : vector<32xbf16>
        %parallel_loop3A_689 = arith.addf %parallel_loop3A_680, %parallel_loop3A_688 : vector<32xbf16>
        %parallel_loop3A_690 = arith.index_cast %parallel_loop3A_663 : i32 to index
        %parallel_loop3A_691 = arith.constant 96 : index
        %parallel_loop3A_692 = tpu.vector_load %arg12[%parallel_loop3A_690, %parallel_loop3A_691] {strides = array<i32>} : memref<96x256xbf16, #tpu.memory_space<vmem>>, vector<32xbf16>,
        %parallel_loop3A_693 = arith.index_cast %parallel_loop3A_663 : i32 to index
        %parallel_loop3A_694 = arith.constant 96 : index
        %parallel_loop3A_695 = tpu.vector_load %arg14[%parallel_loop3A_693, %parallel_loop3A_694] {strides = array<i32>} : memref<96x256xbf16, #tpu.memory_space<vmem>>, vector<32xbf16>,
        %parallel_loop3A_696 = arith.subf %parallel_loop3A_695, %parallel_loop3A_692 : vector<32xbf16>
        %parallel_loop3A_697 = arith.mulf %parallel_loop3A_696, %parallel_loop3A_696 : vector<32xbf16>
        %parallel_loop3A_698 = arith.addf %parallel_loop3A_689, %parallel_loop3A_697 : vector<32xbf16>
        %parallel_loop3A_699 = tpu.unpack_subelements %parallel_loop3A_698, 0 {pack_format = #tpu.pack_format<interleaved>} : vector<32xbf16> -> vector<16xf32>
        %parallel_loop3A_700 = tpu.unpack_subelements %parallel_loop3A_698, 1 {pack_format = #tpu.pack_format<interleaved>} : vector<32xbf16> -> vector<16xf32>
        %parallel_loop3A_701 = arith.addf %parallel_loop3A_699, %parallel_loop3A_700 : vector<16xf32>
        %parallel_loop3A_702 = arith.index_cast %parallel_loop3A_663 : i32 to index
        %parallel_loop3A_703 = arith.constant 128 : index
        %parallel_loop3A_704 = tpu.vector_load %arg12[%parallel_loop3A_702, %parallel_loop3A_703] {strides = array<i32>} : memref<96x256xbf16, #tpu.memory_space<vmem>>, vector<32xbf16>,
        %parallel_loop3A_705 = arith.index_cast %parallel_loop3A_663 : i32 to index
        %parallel_loop3A_706 = arith.constant 128 : index
        %parallel_loop3A_707 = tpu.vector_load %arg14[%parallel_loop3A_705, %parallel_loop3A_706] {strides = array<i32>} : memref<96x256xbf16, #tpu.memory_space<vmem>>, vector<32xbf16>,
        %parallel_loop3A_708 = arith.subf %parallel_loop3A_707, %parallel_loop3A_704 : vector<32xbf16>
        %parallel_loop3A_709 = arith.mulf %parallel_loop3A_708, %parallel_loop3A_708 : vector<32xbf16>
        %parallel_loop3A_710 = arith.index_cast %parallel_loop3A_663 : i32 to index
        %parallel_loop3A_711 = arith.constant 160 : index
        %parallel_loop3A_712 = tpu.vector_load %arg12[%parallel_loop3A_710, %parallel_loop3A_711] {strides = array<i32>} : memref<96x256xbf16, #tpu.memory_space<vmem>>, vector<32xbf16>,
        %parallel_loop3A_713 = arith.index_cast %parallel_loop3A_663 : i32 to index
        %parallel_loop3A_714 = arith.constant 160 : index
        %parallel_loop3A_715 = tpu.vector_load %arg14[%parallel_loop3A_713, %parallel_loop3A_714] {strides = array<i32>} : memref<96x256xbf16, #tpu.memory_space<vmem>>, vector<32xbf16>,
        %parallel_loop3A_716 = arith.subf %parallel_loop3A_715, %parallel_loop3A_712 : vector<32xbf16>
        %parallel_loop3A_717 = arith.mulf %parallel_loop3A_716, %parallel_loop3A_716 : vector<32xbf16>
        %parallel_loop3A_718 = arith.addf %parallel_loop3A_709, %parallel_loop3A_717 : vector<32xbf16>
        %parallel_loop3A_719 = arith.index_cast %parallel_loop3A_663 : i32 to index
        %parallel_loop3A_720 = arith.constant 192 : index
        %parallel_loop3A_721 = tpu.vector_load %arg12[%parallel_loop3A_719, %parallel_loop3A_720] {strides = array<i32>} : memref<96x256xbf16, #tpu.memory_space<vmem>>, vector<32xbf16>,
        %parallel_loop3A_722 = arith.index_cast %parallel_loop3A_663 : i32 to index
        %parallel_loop3A_723 = arith.constant 192 : index
        %parallel_loop3A_724 = tpu.vector_load %arg14[%parallel_loop3A_722, %parallel_loop3A_723] {strides = array<i32>} : memref<96x256xbf16, #tpu.memory_space<vmem>>, vector<32xbf16>,
        %parallel_loop3A_725 = arith.subf %parallel_loop3A_724, %parallel_loop3A_721 : vector<32xbf16>
        %parallel_loop3A_726 = arith.mulf %parallel_loop3A_725, %parallel_loop3A_725 : vector<32xbf16>
        %parallel_loop3A_727 = arith.addf %parallel_loop3A_718, %parallel_loop3A_726 : vector<32xbf16>
        %parallel_loop3A_728 = arith.index_cast %parallel_loop3A_663 : i32 to index
        %parallel_loop3A_729 = arith.constant 224 : index
        %parallel_loop3A_730 = tpu.vector_load %arg12[%parallel_loop3A_728, %parallel_loop3A_729] {strides = array<i32>} : memref<96x256xbf16, #tpu.memory_space<vmem>>, vector<32xbf16>,
        %parallel_loop3A_731 = arith.index_cast %parallel_loop3A_663 : i32 to index
        %parallel_loop3A_732 = arith.constant 224 : index
        %parallel_loop3A_733 = tpu.vector_load %arg14[%parallel_loop3A_731, %parallel_loop3A_732] {strides = array<i32>} : memref<96x256xbf16, #tpu.memory_space<vmem>>, vector<32xbf16>,
        %parallel_loop3A_734 = arith.subf %parallel_loop3A_733, %parallel_loop3A_730 : vector<32xbf16>
        %parallel_loop3A_735 = arith.mulf %parallel_loop3A_734, %parallel_loop3A_734 : vector<32xbf16>
        %parallel_loop3A_736 = arith.addf %parallel_loop3A_727, %parallel_loop3A_735 : vector<32xbf16>
        %parallel_loop3A_737 = tpu.unpack_subelements %parallel_loop3A_736, 0 {pack_format = #tpu.pack_format<interleaved>} : vector<32xbf16> -> vector<16xf32>
        %parallel_loop3A_738 = tpu.unpack_subelements %parallel_loop3A_736, 1 {pack_format = #tpu.pack_format<interleaved>} : vector<32xbf16> -> vector<16xf32>
        %parallel_loop3A_739 = arith.addf %parallel_loop3A_737, %parallel_loop3A_738 : vector<16xf32>
        %parallel_loop3A_740 = arith.addf %parallel_loop3A_701, %parallel_loop3A_739 : vector<16xf32>
        %parallel_loop3A_741 = arith.constant true
        %parallel_loop3A_742 = vector.broadcast %parallel_loop3A_741 : i1 to vector<16xi1>
        %parallel_loop3A_743 = tpu.scan <sum>, %parallel_loop3A_740 masked %parallel_loop3A_742 : vector<16xf32>, vector<16xi1> -> vector<16xf32>
        %parallel_loop3A_744 = arith.constant 15 : i32
        %parallel_loop3A_745 = vector.broadcast %parallel_loop3A_744 : i32 to vector<16xi32>
        %parallel_loop3A_746 = arith.constant 0 : i32
        %parallel_loop3A_747 = vector.broadcast %parallel_loop3A_746 : i32 to vector<16xi32>
        %parallel_loop3A_748 = arith.cmpi slt, %parallel_loop3A_745, %parallel_loop3A_747 : vector<16xi32>
        %parallel_loop3A_749 = arith.constant 16 : i32
        %parallel_loop3A_750 = vector.broadcast %parallel_loop3A_749 : i32 to vector<16xi32>
        %parallel_loop3A_751 = arith.addi %parallel_loop3A_745, %parallel_loop3A_750 : vector<16xi32>
        %parallel_loop3A_752 = arith.select %parallel_loop3A_748, %parallel_loop3A_751, %parallel_loop3A_745 : vector<16xi1>, vector<16xi32>
        %parallel_loop3A_753 = vector.shape_cast %parallel_loop3A_752 : vector<16xi32> to vector<16x1xi32>
        %parallel_loop3A_754 = vector.shape_cast %parallel_loop3A_753 : vector<16x1xi32> to vector<16xi32>
        %parallel_loop3A_755 = tpu.dynamic_gather %parallel_loop3A_743[%parallel_loop3A_754] in [0] : vector<16xf32>, vector<16xi32> -> vector<16xf32>
        %parallel_loop3A_756 = vector.broadcast %parallel_loop3A_660 : i32 to vector<16xi32>
        %parallel_loop3A_757 = arith.cmpi eq, %iota3A, %parallel_loop3A_756 : vector<16xi32>
        %parallel_loop3A_758 = arith.select %parallel_loop3A_757, %parallel_loop3A_755, %parallel_loop3A_661 : vector<16xi1>, vector<16xf32>
        scf.yield %parallel_loop3A_758 : vector<16xf32>
      } {sc.loop_unroll_factor = 2 : i64, sc.parallel_access}
      %bitcast3A_572 = vector.bitcast %parallel_loop3A_571 : vector<16xf32> to vector<16xi32>
      %shift_right_arithmetic3A_573 = arith.constant 1 : i32
      %shift_right_arithmetic3A_574 = vector.broadcast %shift_right_arithmetic3A_573 : i32 to vector<16xi32>
      %shift_right_arithmetic3A_575 = arith.shrsi %bitcast3A_572, %shift_right_arithmetic3A_574 : vector<16xi32>
      %sub3A_576 = arith.constant 1597463007 : i32
      %sub3A_577 = vector.broadcast %sub3A_576 : i32 to vector<16xi32>
      %sub3A_578 = arith.subi %sub3A_577, %shift_right_arithmetic3A_575 : vector<16xi32>
      %bitcast3A_579 = vector.bitcast %sub3A_578 : vector<16xi32> to vector<16xf32>
      %mul3A_580 = arith.constant 5.000000e-01 : f32
      %mul3A_581 = vector.broadcast %mul3A_580 : f32 to vector<16xf32>
      %mul3A_582 = arith.mulf %mul3A_581, %parallel_loop3A_571 : vector<16xf32>
      %mul3A_583 = arith.mulf %mul3A_582, %bitcast3A_579 : vector<16xf32>
      %mul3A_584 = arith.mulf %mul3A_583, %bitcast3A_579 : vector<16xf32>
      %sub3A_585 = arith.constant 1.500000e+00 : f32
      %sub3A_586 = vector.broadcast %sub3A_585 : f32 to vector<16xf32>
      %sub3A_587 = arith.subf %sub3A_586, %mul3A_584 : vector<16xf32>
      %mul3A_588 = arith.mulf %bitcast3A_579, %sub3A_587 : vector<16xf32>
      %mul3A_589 = arith.constant 5.000000e-01 : f32
      %mul3A_590 = vector.broadcast %mul3A_589 : f32 to vector<16xf32>
      %mul3A_591 = arith.mulf %mul3A_590, %parallel_loop3A_571 : vector<16xf32>
      %mul3A_592 = arith.mulf %mul3A_591, %mul3A_588 : vector<16xf32>
      %mul3A_593 = arith.mulf %mul3A_592, %mul3A_588 : vector<16xf32>
      %sub3A_594 = arith.constant 1.500000e+00 : f32
      %sub3A_595 = vector.broadcast %sub3A_594 : f32 to vector<16xf32>
      %sub3A_596 = arith.subf %sub3A_595, %mul3A_593 : vector<16xf32>
      %mul3A_597 = arith.mulf %mul3A_588, %sub3A_596 : vector<16xf32>
      %mul3A_598 = arith.constant 5.000000e-01 : f32
      %mul3A_599 = vector.broadcast %mul3A_598 : f32 to vector<16xf32>
      %mul3A_600 = arith.mulf %mul3A_599, %parallel_loop3A_571 : vector<16xf32>
      %mul3A_601 = arith.mulf %mul3A_600, %mul3A_597 : vector<16xf32>
      %mul3A_602 = arith.mulf %mul3A_601, %mul3A_597 : vector<16xf32>
      %sub3A_603 = arith.constant 1.500000e+00 : f32
      %sub3A_604 = vector.broadcast %sub3A_603 : f32 to vector<16xf32>
      %sub3A_605 = arith.subf %sub3A_604, %mul3A_602 : vector<16xf32>
      %mul3A_606 = arith.mulf %mul3A_597, %sub3A_605 : vector<16xf32>
      %mul3A_607 = arith.mulf %parallel_loop3A_571, %mul3A_606 : vector<16xf32>
      %swap3A_608 = arith.constant 64 : index
      %swap3A_609 = tpu.vector_load %arg16[%swap3A_608] {strides = array<i32>} : memref<96xf32, #tpu.memory_space<vmem>>, vector<16xf32>,
      tpu.vector_store %arg16[%swap3A_608], %mul3A_607 {strides = array<i32>} : memref<96xf32, #tpu.memory_space<vmem>>, vector<16xf32>,
      %parallel_loop3A_610 = arith.constant 0 : i32
      %parallel_loop3A_611 = arith.constant 16 : i32
      %parallel_loop3A_612 = arith.constant 1 : i32
      %parallel_loop3A_613 = scf.for %parallel_loop3A_660 = %parallel_loop3A_610 to %parallel_loop3A_611 step %parallel_loop3A_612 iter_args(%parallel_loop3A_661 = %broadcast_in_dim3A_399) -> (vector<16xf32>)  : i32 {
        %parallel_loop3A_662 = arith.constant 80 : i32
        %parallel_loop3A_663 = arith.addi %parallel_loop3A_662, %parallel_loop3A_660 : i32
        %parallel_loop3A_664 = arith.index_cast %parallel_loop3A_663 : i32 to index
        %parallel_loop3A_665 = arith.constant 0 : index
        %parallel_loop3A_666 = tpu.vector_load %arg12[%parallel_loop3A_664, %parallel_loop3A_665] {strides = array<i32>} : memref<96x256xbf16, #tpu.memory_space<vmem>>, vector<32xbf16>,
        %parallel_loop3A_667 = arith.index_cast %parallel_loop3A_663 : i32 to index
        %parallel_loop3A_668 = arith.constant 0 : index
        %parallel_loop3A_669 = tpu.vector_load %arg14[%parallel_loop3A_667, %parallel_loop3A_668] {strides = array<i32>} : memref<96x256xbf16, #tpu.memory_space<vmem>>, vector<32xbf16>,
        %parallel_loop3A_670 = arith.subf %parallel_loop3A_669, %parallel_loop3A_666 : vector<32xbf16>
        %parallel_loop3A_671 = arith.mulf %parallel_loop3A_670, %parallel_loop3A_670 : vector<32xbf16>
        %parallel_loop3A_672 = arith.index_cast %parallel_loop3A_663 : i32 to index
        %parallel_loop3A_673 = arith.constant 32 : index
        %parallel_loop3A_674 = tpu.vector_load %arg12[%parallel_loop3A_672, %parallel_loop3A_673] {strides = array<i32>} : memref<96x256xbf16, #tpu.memory_space<vmem>>, vector<32xbf16>,
        %parallel_loop3A_675 = arith.index_cast %parallel_loop3A_663 : i32 to index
        %parallel_loop3A_676 = arith.constant 32 : index
        %parallel_loop3A_677 = tpu.vector_load %arg14[%parallel_loop3A_675, %parallel_loop3A_676] {strides = array<i32>} : memref<96x256xbf16, #tpu.memory_space<vmem>>, vector<32xbf16>,
        %parallel_loop3A_678 = arith.subf %parallel_loop3A_677, %parallel_loop3A_674 : vector<32xbf16>
        %parallel_loop3A_679 = arith.mulf %parallel_loop3A_678, %parallel_loop3A_678 : vector<32xbf16>
        %parallel_loop3A_680 = arith.addf %parallel_loop3A_671, %parallel_loop3A_679 : vector<32xbf16>
        %parallel_loop3A_681 = arith.index_cast %parallel_loop3A_663 : i32 to index
        %parallel_loop3A_682 = arith.constant 64 : index
        %parallel_loop3A_683 = tpu.vector_load %arg12[%parallel_loop3A_681, %parallel_loop3A_682] {strides = array<i32>} : memref<96x256xbf16, #tpu.memory_space<vmem>>, vector<32xbf16>,
        %parallel_loop3A_684 = arith.index_cast %parallel_loop3A_663 : i32 to index
        %parallel_loop3A_685 = arith.constant 64 : index
        %parallel_loop3A_686 = tpu.vector_load %arg14[%parallel_loop3A_684, %parallel_loop3A_685] {strides = array<i32>} : memref<96x256xbf16, #tpu.memory_space<vmem>>, vector<32xbf16>,
        %parallel_loop3A_687 = arith.subf %parallel_loop3A_686, %parallel_loop3A_683 : vector<32xbf16>
        %parallel_loop3A_688 = arith.mulf %parallel_loop3A_687, %parallel_loop3A_687 : vector<32xbf16>
        %parallel_loop3A_689 = arith.addf %parallel_loop3A_680, %parallel_loop3A_688 : vector<32xbf16>
        %parallel_loop3A_690 = arith.index_cast %parallel_loop3A_663 : i32 to index
        %parallel_loop3A_691 = arith.constant 96 : index
        %parallel_loop3A_692 = tpu.vector_load %arg12[%parallel_loop3A_690, %parallel_loop3A_691] {strides = array<i32>} : memref<96x256xbf16, #tpu.memory_space<vmem>>, vector<32xbf16>,
        %parallel_loop3A_693 = arith.index_cast %parallel_loop3A_663 : i32 to index
        %parallel_loop3A_694 = arith.constant 96 : index
        %parallel_loop3A_695 = tpu.vector_load %arg14[%parallel_loop3A_693, %parallel_loop3A_694] {strides = array<i32>} : memref<96x256xbf16, #tpu.memory_space<vmem>>, vector<32xbf16>,
        %parallel_loop3A_696 = arith.subf %parallel_loop3A_695, %parallel_loop3A_692 : vector<32xbf16>
        %parallel_loop3A_697 = arith.mulf %parallel_loop3A_696, %parallel_loop3A_696 : vector<32xbf16>
        %parallel_loop3A_698 = arith.addf %parallel_loop3A_689, %parallel_loop3A_697 : vector<32xbf16>
        %parallel_loop3A_699 = tpu.unpack_subelements %parallel_loop3A_698, 0 {pack_format = #tpu.pack_format<interleaved>} : vector<32xbf16> -> vector<16xf32>
        %parallel_loop3A_700 = tpu.unpack_subelements %parallel_loop3A_698, 1 {pack_format = #tpu.pack_format<interleaved>} : vector<32xbf16> -> vector<16xf32>
        %parallel_loop3A_701 = arith.addf %parallel_loop3A_699, %parallel_loop3A_700 : vector<16xf32>
        %parallel_loop3A_702 = arith.index_cast %parallel_loop3A_663 : i32 to index
        %parallel_loop3A_703 = arith.constant 128 : index
        %parallel_loop3A_704 = tpu.vector_load %arg12[%parallel_loop3A_702, %parallel_loop3A_703] {strides = array<i32>} : memref<96x256xbf16, #tpu.memory_space<vmem>>, vector<32xbf16>,
        %parallel_loop3A_705 = arith.index_cast %parallel_loop3A_663 : i32 to index
        %parallel_loop3A_706 = arith.constant 128 : index
        %parallel_loop3A_707 = tpu.vector_load %arg14[%parallel_loop3A_705, %parallel_loop3A_706] {strides = array<i32>} : memref<96x256xbf16, #tpu.memory_space<vmem>>, vector<32xbf16>,
        %parallel_loop3A_708 = arith.subf %parallel_loop3A_707, %parallel_loop3A_704 : vector<32xbf16>
        %parallel_loop3A_709 = arith.mulf %parallel_loop3A_708, %parallel_loop3A_708 : vector<32xbf16>
        %parallel_loop3A_710 = arith.index_cast %parallel_loop3A_663 : i32 to index
        %parallel_loop3A_711 = arith.constant 160 : index
        %parallel_loop3A_712 = tpu.vector_load %arg12[%parallel_loop3A_710, %parallel_loop3A_711] {strides = array<i32>} : memref<96x256xbf16, #tpu.memory_space<vmem>>, vector<32xbf16>,
        %parallel_loop3A_713 = arith.index_cast %parallel_loop3A_663 : i32 to index
        %parallel_loop3A_714 = arith.constant 160 : index
        %parallel_loop3A_715 = tpu.vector_load %arg14[%parallel_loop3A_713, %parallel_loop3A_714] {strides = array<i32>} : memref<96x256xbf16, #tpu.memory_space<vmem>>, vector<32xbf16>,
        %parallel_loop3A_716 = arith.subf %parallel_loop3A_715, %parallel_loop3A_712 : vector<32xbf16>
        %parallel_loop3A_717 = arith.mulf %parallel_loop3A_716, %parallel_loop3A_716 : vector<32xbf16>
        %parallel_loop3A_718 = arith.addf %parallel_loop3A_709, %parallel_loop3A_717 : vector<32xbf16>
        %parallel_loop3A_719 = arith.index_cast %parallel_loop3A_663 : i32 to index
        %parallel_loop3A_720 = arith.constant 192 : index
        %parallel_loop3A_721 = tpu.vector_load %arg12[%parallel_loop3A_719, %parallel_loop3A_720] {strides = array<i32>} : memref<96x256xbf16, #tpu.memory_space<vmem>>, vector<32xbf16>,
        %parallel_loop3A_722 = arith.index_cast %parallel_loop3A_663 : i32 to index
        %parallel_loop3A_723 = arith.constant 192 : index
        %parallel_loop3A_724 = tpu.vector_load %arg14[%parallel_loop3A_722, %parallel_loop3A_723] {strides = array<i32>} : memref<96x256xbf16, #tpu.memory_space<vmem>>, vector<32xbf16>,
        %parallel_loop3A_725 = arith.subf %parallel_loop3A_724, %parallel_loop3A_721 : vector<32xbf16>
        %parallel_loop3A_726 = arith.mulf %parallel_loop3A_725, %parallel_loop3A_725 : vector<32xbf16>
        %parallel_loop3A_727 = arith.addf %parallel_loop3A_718, %parallel_loop3A_726 : vector<32xbf16>
        %parallel_loop3A_728 = arith.index_cast %parallel_loop3A_663 : i32 to index
        %parallel_loop3A_729 = arith.constant 224 : index
        %parallel_loop3A_730 = tpu.vector_load %arg12[%parallel_loop3A_728, %parallel_loop3A_729] {strides = array<i32>} : memref<96x256xbf16, #tpu.memory_space<vmem>>, vector<32xbf16>,
        %parallel_loop3A_731 = arith.index_cast %parallel_loop3A_663 : i32 to index
        %parallel_loop3A_732 = arith.constant 224 : index
        %parallel_loop3A_733 = tpu.vector_load %arg14[%parallel_loop3A_731, %parallel_loop3A_732] {strides = array<i32>} : memref<96x256xbf16, #tpu.memory_space<vmem>>, vector<32xbf16>,
        %parallel_loop3A_734 = arith.subf %parallel_loop3A_733, %parallel_loop3A_730 : vector<32xbf16>
        %parallel_loop3A_735 = arith.mulf %parallel_loop3A_734, %parallel_loop3A_734 : vector<32xbf16>
        %parallel_loop3A_736 = arith.addf %parallel_loop3A_727, %parallel_loop3A_735 : vector<32xbf16>
        %parallel_loop3A_737 = tpu.unpack_subelements %parallel_loop3A_736, 0 {pack_format = #tpu.pack_format<interleaved>} : vector<32xbf16> -> vector<16xf32>
        %parallel_loop3A_738 = tpu.unpack_subelements %parallel_loop3A_736, 1 {pack_format = #tpu.pack_format<interleaved>} : vector<32xbf16> -> vector<16xf32>
        %parallel_loop3A_739 = arith.addf %parallel_loop3A_737, %parallel_loop3A_738 : vector<16xf32>
        %parallel_loop3A_740 = arith.addf %parallel_loop3A_701, %parallel_loop3A_739 : vector<16xf32>
        %parallel_loop3A_741 = arith.constant true
        %parallel_loop3A_742 = vector.broadcast %parallel_loop3A_741 : i1 to vector<16xi1>
        %parallel_loop3A_743 = tpu.scan <sum>, %parallel_loop3A_740 masked %parallel_loop3A_742 : vector<16xf32>, vector<16xi1> -> vector<16xf32>
        %parallel_loop3A_744 = arith.constant 15 : i32
        %parallel_loop3A_745 = vector.broadcast %parallel_loop3A_744 : i32 to vector<16xi32>
        %parallel_loop3A_746 = arith.constant 0 : i32
        %parallel_loop3A_747 = vector.broadcast %parallel_loop3A_746 : i32 to vector<16xi32>
        %parallel_loop3A_748 = arith.cmpi slt, %parallel_loop3A_745, %parallel_loop3A_747 : vector<16xi32>
        %parallel_loop3A_749 = arith.constant 16 : i32
        %parallel_loop3A_750 = vector.broadcast %parallel_loop3A_749 : i32 to vector<16xi32>
        %parallel_loop3A_751 = arith.addi %parallel_loop3A_745, %parallel_loop3A_750 : vector<16xi32>
        %parallel_loop3A_752 = arith.select %parallel_loop3A_748, %parallel_loop3A_751, %parallel_loop3A_745 : vector<16xi1>, vector<16xi32>
        %parallel_loop3A_753 = vector.shape_cast %parallel_loop3A_752 : vector<16xi32> to vector<16x1xi32>
        %parallel_loop3A_754 = vector.shape_cast %parallel_loop3A_753 : vector<16x1xi32> to vector<16xi32>
        %parallel_loop3A_755 = tpu.dynamic_gather %parallel_loop3A_743[%parallel_loop3A_754] in [0] : vector<16xf32>, vector<16xi32> -> vector<16xf32>
        %parallel_loop3A_756 = vector.broadcast %parallel_loop3A_660 : i32 to vector<16xi32>
        %parallel_loop3A_757 = arith.cmpi eq, %iota3A, %parallel_loop3A_756 : vector<16xi32>
        %parallel_loop3A_758 = arith.select %parallel_loop3A_757, %parallel_loop3A_755, %parallel_loop3A_661 : vector<16xi1>, vector<16xf32>
        scf.yield %parallel_loop3A_758 : vector<16xf32>
      } {sc.loop_unroll_factor = 2 : i64, sc.parallel_access}
      %bitcast3A_614 = vector.bitcast %parallel_loop3A_613 : vector<16xf32> to vector<16xi32>
      %shift_right_arithmetic3A_615 = arith.constant 1 : i32
      %shift_right_arithmetic3A_616 = vector.broadcast %shift_right_arithmetic3A_615 : i32 to vector<16xi32>
      %shift_right_arithmetic3A_617 = arith.shrsi %bitcast3A_614, %shift_right_arithmetic3A_616 : vector<16xi32>
      %sub3A_618 = arith.constant 1597463007 : i32
      %sub3A_619 = vector.broadcast %sub3A_618 : i32 to vector<16xi32>
      %sub3A_620 = arith.subi %sub3A_619, %shift_right_arithmetic3A_617 : vector<16xi32>
      %bitcast3A_621 = vector.bitcast %sub3A_620 : vector<16xi32> to vector<16xf32>
      %mul3A_622 = arith.constant 5.000000e-01 : f32
      %mul3A_623 = vector.broadcast %mul3A_622 : f32 to vector<16xf32>
      %mul3A_624 = arith.mulf %mul3A_623, %parallel_loop3A_613 : vector<16xf32>
      %mul3A_625 = arith.mulf %mul3A_624, %bitcast3A_621 : vector<16xf32>
      %mul3A_626 = arith.mulf %mul3A_625, %bitcast3A_621 : vector<16xf32>
      %sub3A_627 = arith.constant 1.500000e+00 : f32
      %sub3A_628 = vector.broadcast %sub3A_627 : f32 to vector<16xf32>
      %sub3A_629 = arith.subf %sub3A_628, %mul3A_626 : vector<16xf32>
      %mul3A_630 = arith.mulf %bitcast3A_621, %sub3A_629 : vector<16xf32>
      %mul3A_631 = arith.constant 5.000000e-01 : f32
      %mul3A_632 = vector.broadcast %mul3A_631 : f32 to vector<16xf32>
      %mul3A_633 = arith.mulf %mul3A_632, %parallel_loop3A_613 : vector<16xf32>
      %mul3A_634 = arith.mulf %mul3A_633, %mul3A_630 : vector<16xf32>
      %mul3A_635 = arith.mulf %mul3A_634, %mul3A_630 : vector<16xf32>
      %sub3A_636 = arith.constant 1.500000e+00 : f32
      %sub3A_637 = vector.broadcast %sub3A_636 : f32 to vector<16xf32>
      %sub3A_638 = arith.subf %sub3A_637, %mul3A_635 : vector<16xf32>
      %mul3A_639 = arith.mulf %mul3A_630, %sub3A_638 : vector<16xf32>
      %mul3A_640 = arith.constant 5.000000e-01 : f32
      %mul3A_641 = vector.broadcast %mul3A_640 : f32 to vector<16xf32>
      %mul3A_642 = arith.mulf %mul3A_641, %parallel_loop3A_613 : vector<16xf32>
      %mul3A_643 = arith.mulf %mul3A_642, %mul3A_639 : vector<16xf32>
      %mul3A_644 = arith.mulf %mul3A_643, %mul3A_639 : vector<16xf32>
      %sub3A_645 = arith.constant 1.500000e+00 : f32
      %sub3A_646 = vector.broadcast %sub3A_645 : f32 to vector<16xf32>
      %sub3A_647 = arith.subf %sub3A_646, %mul3A_644 : vector<16xf32>
      %mul3A_648 = arith.mulf %mul3A_639, %sub3A_647 : vector<16xf32>
      %mul3A_649 = arith.mulf %parallel_loop3A_613, %mul3A_648 : vector<16xf32>
      %swap3A_650 = arith.constant 80 : index
      %swap3A_651 = tpu.vector_load %arg16[%swap3A_650] {strides = array<i32>} : memref<96xf32, #tpu.memory_space<vmem>>, vector<16xf32>,
      tpu.vector_store %arg16[%swap3A_650], %mul3A_649 {strides = array<i32>} : memref<96xf32, #tpu.memory_space<vmem>>, vector<16xf32>,
      %mul3A_652 = arith.constant 96 : i32
      %mul3A_653 = arith.muli %add3A_360, %mul3A_652 : i32
      %min3A_654 = arith.constant 4904 : i32
      %min3A_655 = arith.minsi %mul3A_653, %min3A_654 : i32
      %add3A_656 = arith.addi %mul3A_2, %min3A_655 : i32
      %multiple_of3A_657 = tpu.assume_multiple %add3A_656, 8 : i32
      %dma_start3A_658 = tpu.memref_slice %arg5[%multiple_of3A_657] : memref<160000xf32, #tpu.memory_space<hbm>> -> memref<96xf32, #tpu.memory_space<hbm>>
      %dma_start3A_659 = tpu.memref_slice %arg5[%multiple_of3A_657] : memref<160000xf32, #tpu.memory_space<hbm>> -> memref<96xf32, #tpu.memory_space<hbm>>
      tpu.enqueue_dma source(%arg16 : memref<96xf32, #tpu.memory_space<vmem>>) target(%dma_start3A_659 : memref<96xf32, #tpu.memory_space<hbm>>) target_semaphore(%arg23 : memref<!tpu.dma_semaphore, #tpu.memory_space<semaphore_mem>>)
    }
    %scan3A_39 = arith.constant 27 : i32
    %dma_wait3A_40 = arith.constant 0 : i32
    %dma_wait3A_41 = arith.constant 0 : i32
    %dma_wait3A_42 = tpu.memref_slice %arg6[%dma_wait3A_40, %dma_wait3A_41] : memref<10000x256xbf16, #tpu.memory_space<vmem_shared>> -> memref<10000x256xbf16, #tpu.memory_space<vmem_shared>>
    tpu.wait_indirect_dma semaphore(%arg20 : memref<!tpu.dma_semaphore, #tpu.memory_space<semaphore_mem>>) src(%dma_wait3A_42 : memref<10000x256xbf16, #tpu.memory_space<vmem_shared>>) dst(%arg11 : memref<96x256xbf16, #tpu.memory_space<vmem>>)
    %dma_wait3A_43 = arith.constant 0 : i32
    %dma_wait3A_44 = arith.constant 0 : i32
    %dma_wait3A_45 = tpu.memref_slice %arg6[%dma_wait3A_43, %dma_wait3A_44] : memref<10000x256xbf16, #tpu.memory_space<vmem_shared>> -> memref<10000x256xbf16, #tpu.memory_space<vmem_shared>>
    tpu.wait_indirect_dma semaphore(%arg20 : memref<!tpu.dma_semaphore, #tpu.memory_space<semaphore_mem>>) src(%dma_wait3A_45 : memref<10000x256xbf16, #tpu.memory_space<vmem_shared>>) dst(%arg13 : memref<96x256xbf16, #tpu.memory_space<vmem>>)
    %dma_wait3A_46 = arith.constant 0 : i32
    %dma_wait3A_47 = tpu.memref_slice %arg3[%dma_wait3A_46] : memref<160000xi32, #tpu.memory_space<hbm>> -> memref<96xi32, #tpu.memory_space<hbm>>
    %dma_wait3A_48 = arith.constant 0 : i32
    %dma_wait3A_49 = tpu.memref_slice %arg3[%dma_wait3A_48] : memref<160000xi32, #tpu.memory_space<hbm>> -> memref<96xi32, #tpu.memory_space<hbm>>
    tpu.wait_dma2 semaphore(%arg19 : memref<!tpu.dma_semaphore, #tpu.memory_space<semaphore_mem>>) src(%dma_wait3A_49 : memref<96xi32, #tpu.memory_space<hbm>>) dst(%arg8 : memref<96xi32, #tpu.memory_space<vmem>>)
    %dma_wait3A_50 = arith.constant 0 : i32
    %dma_wait3A_51 = tpu.memref_slice %arg4[%dma_wait3A_50] : memref<160000xi32, #tpu.memory_space<hbm>> -> memref<96xi32, #tpu.memory_space<hbm>>
    %dma_wait3A_52 = arith.constant 0 : i32
    %dma_wait3A_53 = tpu.memref_slice %arg4[%dma_wait3A_52] : memref<160000xi32, #tpu.memory_space<hbm>> -> memref<96xi32, #tpu.memory_space<hbm>>
    tpu.wait_dma2 semaphore(%arg19 : memref<!tpu.dma_semaphore, #tpu.memory_space<semaphore_mem>>) src(%dma_wait3A_53 : memref<96xi32, #tpu.memory_space<hbm>>) dst(%arg10 : memref<96xi32, #tpu.memory_space<vmem>>)
    %dma_wait3A_54 = arith.constant 0 : i32
    %dma_wait3A_55 = tpu.memref_slice %arg5[%dma_wait3A_54] : memref<160000xf32, #tpu.memory_space<hbm>> -> memref<96xf32, #tpu.memory_space<hbm>>
    %dma_wait3A_56 = arith.constant 0 : i32
    %dma_wait3A_57 = tpu.memref_slice %arg5[%dma_wait3A_56] : memref<160000xf32, #tpu.memory_space<hbm>> -> memref<96xf32, #tpu.memory_space<hbm>>
    tpu.wait_dma2 semaphore(%arg22 : memref<!tpu.dma_semaphore, #tpu.memory_space<semaphore_mem>>) src(%arg15 : memref<96xf32, #tpu.memory_space<vmem>>) dst(%dma_wait3A_57 : memref<96xf32, #tpu.memory_space<hbm>>)
    %dma_wait3A_58 = arith.constant 0 : i32
    %dma_wait3A_59 = tpu.memref_slice %arg5[%dma_wait3A_58] : memref<160000xf32, #tpu.memory_space<hbm>> -> memref<96xf32, #tpu.memory_space<hbm>>
    %dma_wait3A_60 = arith.constant 0 : i32
    %dma_wait3A_61 = tpu.memref_slice %arg5[%dma_wait3A_60] : memref<160000xf32, #tpu.memory_space<hbm>> -> memref<96xf32, #tpu.memory_space<hbm>>
    tpu.wait_dma2 semaphore(%arg23 : memref<!tpu.dma_semaphore, #tpu.memory_space<semaphore_mem>>) src(%arg16 : memref<96xf32, #tpu.memory_space<vmem>>) dst(%dma_wait3A_61 : memref<96xf32, #tpu.memory_space<hbm>>)
    return
  }
}

</mosaic_0001>

<sc_bundles>
// kernel: kernel.3.cloned.1.call-start
scs
__scs_entry_jumppad:
0x0: {  	(pc) =	sbr.rel $0x88, $3  }
0x1: {  	(tag) =	ssettag $0x0;
	lr =	simm.s32 $0x1  }
0x2: {  	[smem:$0x3F9F] =	sst lr;
	_ =	strace $0xD0000000  }
0x3: {  	_ = 	snop  }
0x4: {  	_ = 	snop  }
0x5: {  	_ = 	snop  }
0x6: {  	_ = 	snop  }
0x7: {  	_ = 	snop  }
__scs_overlays_trampoline_lowered:
0x8: {  	[smem:$0x3FAE] =	sst s0  }
0x9: {  	[smem:$0x3FAF] =	sst s1  }
0xa: {  	[smem:$0x3FB0] =	sst s2  }
0xb: {  	[smem:$0x3FB1] =	sst s3  }
0xc: {  	[smem:$0x3FB2] =	sst s4  }
0xd: {  	[smem:$0x3FB3] =	sst s5  }
0xe: {  	[smem:$0x3FB4] =	sst s6  }
0xf: {  	[smem:$0x3FB5] =	sst s7  }
0x10: {  	[smem:$0x3FB6] =	sst s8  }
0x11: {  	[smem:$0x3FB7] =	sst s9;
	s0 =	simm.s32 @!p0 $0x0  }
0x12: {  	s1 =	sld [smem:$0x3F9D];
	s0 =	simm.s32 @p0 $0x1  }
0x13: {  	[smem:$0x3FB8] =	sst s0;
	s0 =	simm.s32 @!p1 $0x0  }
0x14: {  	s2 =	sld [smem:$0x3F9C];
	s0 =	simm.s32 @p1 $0x1  }
0x15: {  	[smem:$0x3FB9] =	sst s0;
	s0 =	simm.s32 @!p2 $0x0  }
0x16: {  	s3 =	sld [smem:$0x3FDB];
	s0 =	simm.s32 @p2 $0x1  }
0x17: {  	s4 =	simm.s32 $0x1BF5;
	[smem:$0x3FBB] =	sst s0  }
0x18: {  	s0 =	sld [smem:$0x3F9E];
	_ =	swait.ge [sflag:s4], $0x0  }
0x19: {  	s7 =	sld [smem:$0x3F9F]  }
0x1a: {  	s8 =	sadd.s32 $0xFFFFE003, lr  }
0x1b: {  	s9 =	sadd.s32 $0xFFFFFEF7, lr;
	s5 =	simm.s32 $0xFFFFFFFF;
	p2 =	slt.u32 s8, $0xFFFFF086  }
0x1c: {  	p1 =	slt.u32 s9, $0xF7A;
	s5 =	simm.s32 @!p2 $0x0  }
0x1d: {  	s5 =	simm.s32 @p1 $0x1;
	p0 =	seq.s32 s7, s2  }
0x1e: {  	s7 =	smul.u32 @!p0 $0xF7A, s2;
	p2 =	seq.s32 @!p0 s5, $0x0  }
0x1f: {  	s9 =	smul.u32 $0xF7A, s1;
	s8 =	simm.s32 @!p0 $0x1BF5;
	p2 =	por !p2, p0  }
0x20: {  	[sflag:s8] =	ssyncset.s32 @!p0 $0xFFFFF086;
	s6 =	sadd.s32 @!p0 s3, s7;
	s7 =	simm.s32 @!p0 $0x108  }
0x21: {  	s3 =	sadd.s32 s3, s9;
	s6 =	sadd.s32 @!p0 $0x88, s6;
	s7 =	simm.s32 @p2 $0x1082  }
0x22: {  	[simem:s7], [sflag:s8] =	dma.local @!p0 [hbm:s6], $0xF7A  }
0x23: {  	s9 =	sor.u32 $0xD0000000, s2;
	s6 =	simm.s32 $0x108;
	_ =	swait.ge @!p0 [sflag:s8], $0x0  }
0x24: {  	s3 =	sadd.s32 $0x88, s3;
	s6 =	simm.s32 @!p1 $0x1082;
	[sflag:s4] =	ssyncset.s32 $0xFFFFF086  }
0x25: {  	[simem:s6], [sflag:s4] =	dma.local [hbm:s3], $0xF7A  }
0x26: {  	[smem:$0x3F9F] =	sst s1;
	(tag) =	ssettag s2;
	_ =	strace s9  }
0x27: {  	s1 =	sld [smem:$0x3FAF]  }
0x28: {  	s2 =	sld [smem:$0x3FB0]  }
0x29: {  	s4 =	sld [smem:$0x3FB2]  }
0x2a: {  	p0 =	seq.s32 s5, $0x0;
	s5 =	sld [smem:$0x3FB3]  }
0x2b: {  	s6 =	sld [smem:$0x3FB4]  }
0x2c: {  	s7 =	sld [smem:$0x3FB5]  }
0x2d: {  	s3 =	simm.s32 $0x108;
	s8 =	sld [smem:$0x3FB6]  }
0x2e: {  	s3 =	simm.s32 @!p0 $0x1082;
	s9 =	sld [smem:$0x3FB7]  }
0x2f: {  	lr =	sadd.s32 s0, s3;
	s0 =	sld [smem:$0x3FAE]  }
0x30: {  	s3 =	sld [smem:$0x3FB1]  }
0x31: {  	[smem:$0x3FBA] =	sst s10  }
0x32: {  	s10 =	sld [smem:$0x3FB8];
	_ =	sdelay $0x3  }
0x33: {  	p0 =	seq.s32 s10, $0x1;
	s10 =	sld [smem:$0x3FBA];
	_ =	sdelay $0x3  }
0x34: {  	[smem:$0x3FBA] =	sst s10  }
0x35: {  	s10 =	sld [smem:$0x3FB9];
	_ =	sdelay $0x3  }
0x36: {  	p1 =	seq.s32 s10, $0x1;
	s10 =	sld [smem:$0x3FBA];
	_ =	sdelay $0x3  }
0x37: {  	[smem:$0x3FBA] =	sst s10  }
0x38: {  	s10 =	sld [smem:$0x3FBB]  }
0x39: {  	_ = 	snop;
	(pc) =	sbr.ind lr, $3  }
0x3a: {  	_ = 	snop  }
0x3b: {  	_ = 	snop  }
0x3c: {  	p2 =	seq.s32 s10, $0x1;
	s10 =	sld [smem:$0x3FBA]  }
0x3d: {  	_ =	shalt  }
0x3e: {  	_ =	shalt  }
0x3f: {  	_ =	shalt  }
0x40: {  	_ =	shalt  }
0x41: {  	_ =	shalt  }
0x42: {  	_ =	shalt  }
0x43: {  	_ =	shalt  }
0x44: {  	_ =	shalt  }
0x45: {  	_ =	shalt  }
0x46: {  	_ =	shalt  }
0x47: {  	_ =	shalt  }
0x48: {  	_ =	shalt  }
0x49: {  	_ =	shalt  }
0x4a: {  	_ =	shalt  }
0x4b: {  	_ =	shalt  }
0x4c: {  	_ =	shalt  }
0x4d: {  	_ =	shalt  }
0x4e: {  	_ =	shalt  }
0x4f: {  	_ =	shalt  }
0x50: {  	_ =	shalt  }
0x51: {  	_ =	shalt  }
0x52: {  	_ =	shalt  }
0x53: {  	_ =	shalt  }
0x54: {  	_ =	shalt  }
0x55: {  	_ =	shalt  }
0x56: {  	_ =	shalt  }
0x57: {  	_ =	shalt  }
0x58: {  	_ =	shalt  }
0x59: {  	_ =	shalt  }
0x5a: {  	_ =	shalt  }
0x5b: {  	_ =	shalt  }
0x5c: {  	_ =	shalt  }
0x5d: {  	_ =	shalt  }
0x5e: {  	_ =	shalt  }
0x5f: {  	_ =	shalt  }
0x60: {  	_ =	shalt  }
0x61: {  	_ =	shalt  }
0x62: {  	_ =	shalt  }
0x63: {  	_ =	shalt  }
0x64: {  	_ =	shalt  }
0x65: {  	_ =	shalt  }
0x66: {  	_ =	shalt  }
0x67: {  	_ =	shalt  }
0x68: {  	_ =	shalt  }
0x69: {  	_ =	shalt  }
0x6a: {  	_ =	shalt  }
0x6b: {  	_ =	shalt  }
0x6c: {  	_ =	shalt  }
0x6d: {  	_ =	shalt  }
0x6e: {  	_ =	shalt  }
0x6f: {  	_ =	shalt  }
0x70: {  	_ =	shalt  }
0x71: {  	_ =	shalt  }
0x72: {  	_ =	shalt  }
0x73: {  	_ =	shalt  }
0x74: {  	_ =	shalt  }
0x75: {  	_ =	shalt  }
0x76: {  	_ =	shalt  }
0x77: {  	_ =	shalt  }
0x78: {  	_ =	shalt  }
0x79: {  	_ =	shalt  }
0x7a: {  	_ =	shalt  }
0x7b: {  	_ =	shalt  }
0x7c: {  	_ =	shalt  }
0x7d: {  	_ =	shalt  }
0x7e: {  	_ =	shalt  }
0x7f: {  	_ =	shalt  }
0x80: {  	_ =	shalt  }
0x81: {  	_ =	shalt  }
0x82: {  	_ =	shalt  }
0x83: {  	_ =	shalt  }
0x84: {  	_ =	shalt  }
0x85: {  	_ =	shalt  }
0x86: {  	_ =	shalt  }
0x87: {  	_ =	shalt  }
.Lfunc_end0:
.L_simem_size_0:
called_computation_lowered:
.L_overlay_start_0:
0x88: {  	s2 =	sld [smem:$0x3FD9]  }
0x89: {  	s3 =	sld [smem:$0x3FFE];
	_ =	sdelay $0x1  }
0x8a: {  	s1 =	srdreg.scid  }
0x8b: {  	s0 =	sand.u32 $0x1, s1  }
0x8c: {  	s16 =	sshll.u32 s0, $0xA;
	s2 =	sadd.s32 s3, s2  }
0x8d: {  	s2 =	sadd.s32 s2, s16  }
0x8e: {  	[smem:$0x3FC6] =	sst s2  }
0x8f: {  	_ = 	snop  }
0x90: {  	(tm) =	ssettm $0x1  }
0x91: {  	s17 =	sld [smem:$0x3FFB];
	_ =	sdelay $0x3  }
0x92: {  	_ =	strace s17  }
0x93: {  	s2 =	sld [smem:$0x3FFC];
	_ =	sdelay $0x3  }
0x94: {  	_ =	strace s2  }
0x95: {  	s2 =	sld [smem:$0x3FFD];
	_ =	sdelay $0x3  }
0x96: {  	_ =	strace s2  }
0x97: {  	_ =	strace $0x8FFFFFFF  }
0x98: {  	s18 =	sld [smem:$0x3FDB];
	_ =	sdelay $0x1  }
0x99: {  	s19 =	simm.s32 $_scs_section_size  }
0x9a: {  	s4 =	simm.s32 $_size__tile_overlayer_lowered;
	s5 =	simm.s32 $_tile_overlayer_lowered  }
0x9b: {  	s22 =	simm.s32 $0x1BFF;
	s21 =	sshll.u32 s5, $0x1;
	s2 =	sadd.s32 s19, s18  }
0x9c: {  	s6 =	simm.s32 $0x0;
	s20 =	sshll.u32 s4, $0x1;
	s4 =	sadd.s32 s21, s2  }
0x9d: {  	[timem:s6], [sflag:s22] =	dma.local [hbm:s4], s20  }
0x9e: {  	_ =	swait.ge [sflag:s22], s20  }
0x9f: {  	s3 =	ssub.s32 $0x0, s20;
	[sflag:s22] =	ssyncset.done $0x0  }
0xa0: {  	[sflag:s22] =	ssyncadd.s32 s3;
	_ =	sdelay $0x1  }
0xa1: {  	s23 =	simm.s32 $0x1B8B  }
0xa2: {  	_ =	swait.ge [sflag:s23], $0x1  }
0xa3: {  	[sflag:s23] =	ssyncset.done $0x0  }
0xa4: {  	s25 =	simm.s32 $0x1B8E;
	s24 =	sld [smem:$0x3FFE];
	[sflag:s23] =	ssyncadd.s32 $0xFFFFFFFF  }
0xa5: {  	s26 =	simm.s32 $execute0_lowered;
	[smem:$0x3FD2] =	sst s25  }
0xa6: {  	s4 =	sshll.u32 s26, $0x1;
	_ =	strace $0x80000046;
	[dreg:$0x1] =	wrdreg $0xFFFFFFFF  }
0xa7: {  	s28 =	simm.s32 $_size_execute0_lowered;
	s2 =	sadd.s32 s2, s4;
	[dreg:$0x0] =	wrdreg $0x0  }
0xa8: {  	s4 =	sshll.u32 s28, $0x1;
	[dreg:$0x2] =	wrdreg s2  }
0xa9: {  	[dreg:$0x3] =	wrdreg s4  }
0xaa: {  	[dreg:$0x4] =	wrdreg $0xC0  }
0xab: {  	_ =	task [dreg:s6], $0x5FFFF  }
0xac: {  	[dreg:$0x1] =	wrdreg $0xFFFFFFFF  }
0xad: {  	[dreg:$0x0] =	wrdreg $0x60  }
0xae: {  	[dreg:$0x2] =	wrdreg s24  }
0xaf: {  	[dreg:$0x3] =	wrdreg $0x0  }
0xb0: {  	[dreg:$0x4] =	wrdreg $0x9  }
0xb1: {  	_ =	task.clear_ibuf [dreg:s6], $0x5FFFF;
	_ =	strace $0x90000046  }
0xb2: {  	s29 =	simm.s32 $0x9;
	_ =	strace $0x80000048  }
0xb3: {  	_ =	swait.ge [sflag:s29], $0x1  }
0xb4: {  	[sflag:s29] =	ssyncadd.s32 $0xFFFFFFFF  }
0xb5: {  	_ =	strace $0x90000048  }
0xb6: {  	_ =	sfence  }
0xb7: {  	s30 =	sld [smem:$0x0];
	_ =	sdelay $0x2  }
0xb8: {  	s31 =	sshll.u32 s1, $0xD;
	s1 =	sshrl.u32 s1, $0x2  }
0xb9: {  	s3 =	sand.u32 $0x4000, s31;
	s1 =	sadd.s32 s1, s30  }
0xba: {  	s0 =	sor.u32 s3, s0;
	s1 =	sshll.u32 s1, $0x11  }
0xbb: {  	s0 =	sor.u32 s1, s0  }
0xbc: {  	s0 =	sadd.s32 $0x8F2B, s0  }
0xbd: {  	[sflag:s0] =	ssyncadd.remote.s32 $0x1  }
0xbe: {  	_ =	sfence.sel $0xFFFF  }
0xbf: {  	[dreg:$0x0] =	wrdreg $0xFFFFFFFF;
	(pc) =	sbr.abs _section_cstart, $3  }
0xc0: {  	[dreg:$0x1] =	wrdreg $0xFFFFFFFF  }
0xc1: {  	_ =	task.clear_ibuf [dreg:s6], $0x2FFFF;
	_ =	strace $0x9FFFFFFF  }
0xc2: {  	(tm) =	ssettm $0x7FFFFFFF  }
0xc3: {  	_ =	shalt  }
tec
execute0_lowered:
.L_overlay_start_1:
0x0: {  	(tag) =	ssettag $0x1  }
0x1: {  	s0 =	rddreg [dreg:$0x0]  }
0x2: {  	s1 =	rddreg [dreg:$0x1];
	s2 =	simm.s32 $0x0  }
0x3: {  	s3 =	srdreg.scid;
	s11 =	stileid.u32;
	s28 =	simm.s32 $0x19A00  }
0x4: {  	s29 =	simm.s32 $0x2;
	s30 =	simm.s32 $0x3;
	s12 =	simm.s32 $0x0  }
0x5: {  	[smem:$0x7FF] =	sst s2;
	s4 =	sadd.s32 $0x2C200, s0;
	s5 =	sadd.s32 $0x27200, s0  }
0x6: {  	s3 =	sand.u32 $0x1, s3;
	s7 =	sshll.u32 s11, $0x1;
	s8 =	smul.u32 $0x27100, s11  }
0x7: {  	s6 =	sadd.s32 $0x31200, s0;
	s20 =	sshll.u32 s11, $0x6;
	s9 =	ssub.s32 $0x2, s3  }
0x8: {  	_ =	strace $0x80000047;
	s3 =	sor.u32 s3, s7;
	s10 =	sshrl.u32 s9, $0x1  }
0x9: {  	s7 =	smul.u32 $0x1388, s3;
	s19 =	sshrl.u32 s8, $0x1;
	s8 =	sshrl.u32 s8, $0x4  }
0xa: {  	s10 =	ssub.s32 s9, s10;
	s3 =	sadd.s32 s19, s1;
	s0 =	sadd.s32 s0, s8  }
0xb: {  	s8 =	simm.s32 $0x4;
	[dreg:$0x3] =	wrdreg s0;
	s9 =	sadd.s32 $0x60, s7  }
0xc: {  	s0 =	sor.u32 $0x1C07, s20;
	s21 =	sshrl.u32 s7, $0x3;
	s15 =	sadd.s32 $0xC0, s7  }
0xd: {  	s16 =	sadd.s32 $0x120, s7;
	s26 =	smax.u32 s10, $0x1;
	s31 =	sshrl.u32 s3, $0x3  }
0xe: {  	s20 =	simm.s32 $0x13880;
	s3 =	simm.s32 $0x1FA00;
	[dreg:$0x4] =	wrdreg s0  }
0xf: {  	s10 =	simm.s32 $0x1FA60;
	s22 =	sshrl.u32 s9, $0x3;
	[dreg:$0x9] =	wrdreg s26  }
0x10: {  	s23 =	sadd.s32 s4, s21;
	s0 =	sadd.s32 s5, s21;
	[dreg:$0xa] =	wrdreg s31  }
0x11: {  	s21 =	simm.s32 $0x13940;
	s26 =	simm.s32 $0x13A00;
	[dreg:$0x5] =	wrdreg s23  }
0x12: {  	[dreg:$0x6] =	wrdreg s0;
	s24 =	sadd.s32 s4, s22;
	s25 =	sadd.s32 s5, s22  }
0x13: {  	s22 =	simm.s32 $0x138E0;
	s23 =	simm.s32 $0x139A0;
	[dreg:$0x7] =	wrdreg s24  }
0x14: {  	v0 =	vimm.s32 $0xF;
	v1 =	vlaneseq.u32;
	[dreg:$0x8] =	wrdreg s25;
	s24 =	simm.s32 $0x1;
	s25 =	simm.s32 $0x60  }
.LBB2_1:
0x15: {  	[dreg:$0xb] =	wrdreg s12  }
0x16: {  	s0 =	rddreg [dreg:$0x3]  }
0x17: {  	s11 =	rddreg [dreg:$0x4]  }
0x18: {  	s13 =	rddreg [dreg:$0xa];
	s14 =	simm.s32 $0x7  }
0x19: {  	[spmem:s13], [sflag:s11] =	dma.local [hbm:s0], $0x2710  }
0x1a: {  	_ =	swait.ge [sflag:s14], $0x2710  }
0x1b: {  	[sflag:s14] =	ssyncset.done $0x0  }
0x1c: {  	[sflag:s14] =	ssyncadd.s32 $0xFFFFD8F0  }
0x1d: {  	[bflag:$0x0] =	sbarrier.arrive $0xFFFF  }
0x1e: {  	s17 =	rddreg [dreg:$0x5]  }
0x1f: {  	[tilespmem:s20], [sflag:$0x1] =	stream.linear.gather [hbm4b:s17+s2], $0x60, $0x38;
	[tilespmem:$0x1FAC0] =	vst v63  }
0x20: {  	s18 =	rddreg [dreg:$0x6]  }
0x21: {  	[tilespmem:s21], [sflag:$0x1] =	stream.linear.gather [hbm4b:s18+s2], $0x60, $0x38;
	[tilespmem:$0x1FAC0] =	vst v63  }
0x22: {  	s19 =	rddreg [dreg:$0x7]  }
0x23: {  	[tilespmem:s22], [sflag:$0x2] =	stream.linear.gather [hbm4b:s19+s2], $0x60, $0x38;
	[tilespmem:$0x1FAC0] =	vst v63  }
0x24: {  	s31 =	rddreg [dreg:$0x8]  }
0x25: {  	[tilespmem:s23], [sflag:$0x2] =	stream.linear.gather [hbm4b:s31+s2], $0x60, $0x38;
	[tilespmem:$0x1FAC0] =	vst v63  }
0x26: {  	_ =	swait.ge [sflag:s24], $0x60  }
0x27: {  	[sflag:s24] =	ssyncset.done $0x0  }
0x28: {  	[sflag:s24] =	ssyncadd.s32 $0xFFFFFFA0  }
0x29: {  	_ =	swait.ge [sflag:s24], $0x60  }
0x2a: {  	[sflag:s24] =	ssyncset.done $0x0  }
0x2b: {  	[sflag:s24] =	ssyncadd.s32 $0xFFFFFFA0  }
0x2c: {  	[tilespmem:s26], [sflag:$0x3] =	stream.indirect.gather [spmem:s1], $0x80, s20, s25, $0xb8;
	[tilespmem:$0x1FAC0] =	vst v63  }
0x2d: {  	s14 =	simm.s32 $0x0  }
0x2e: {  	[tilespmem:s28], [sflag:$0x3] =	stream.indirect.gather [spmem:s1], $0x80, s21, s25, $0xb8;
	[tilespmem:$0x1FAC0] =	vst v63  }
.LBB2_2:
0x2f: {  	_ =	swait.ge [sflag:s29], $0x60  }
0x30: {  	[sflag:s29] =	ssyncset.done $0x0  }
0x31: {  	[sflag:s29] =	ssyncadd.s32 $0xFFFFFFA0  }
0x32: {  	_ =	swait.ge [sflag:s29], $0x60  }
0x33: {  	[sflag:s29] =	ssyncset.done $0x0  }
0x34: {  	[sflag:s29] =	ssyncadd.s32 $0xFFFFFFA0  }
0x35: {  	_ =	swait.ge [sflag:s30], $0x3000  }
0x36: {  	[sflag:s30] =	ssyncset.done $0x0  }
0x37: {  	s17 =	smul.u32 $0xC0, s14;
	[sflag:s30] =	ssyncadd.s32 $0xFFFFD000  }
0x38: {  	_ =	swait.ge [sflag:s30], $0x3000  }
0x39: {  	s11 =	smin.u32 s17, $0x1268;
	[sflag:s30] =	ssyncset.done $0x0  }
0x3a: {  	s0 =	simm.s32 $0x16A00;
	s11 =	sadd.s32 s11, s15;
	[sflag:s30] =	ssyncadd.s32 $0xFFFFD000  }
0x3b: {  	[tilespmem:s0], [sflag:$0x4] =	stream.indirect.gather [spmem:s1], $0x80, s22, s25, $0xb8;
	[tilespmem:$0x1FAC0] =	vst v63  }
0x3c: {  	s18 =	simm.s32 $0x1CA00;
	s11 =	sshrl.u32 s11, $0x3  }
0x3d: {  	[tilespmem:s18], [sflag:$0x4] =	stream.indirect.gather [spmem:s1], $0x80, s23, s25, $0xb8;
	[tilespmem:$0x1FAC0] =	vst v63  }
0x3e: {  	s12 =	sadd.s32 s4, s11  }
0x3f: {  	[tilespmem:s20], [sflag:$0x1] =	stream.linear.gather [hbm4b:s12+s2], $0x60, $0x38;
	[tilespmem:$0x1FAC0] =	vst v63  }
0x40: {  	p0 =	seq.s32 s14, $0x0;
	s11 =	sadd.s32 s5, s11  }
0x41: {  	[tilespmem:s21], [sflag:$0x1] =	stream.linear.gather [hbm4b:s11+s2], $0x60, $0x38;
	[tilespmem:$0x1FAC0] =	vst v63  }
0x42: {  	s11 =	simm.s32 @!p0 $0x5  }
0x43: {  	_ =	swait.ge @!p0 [sflag:s11], $0x60  }
0x44: {  	[sflag:s11] =	ssyncset.done @!p0 $0x0  }
0x45: {  	s19 =	simm.s32 $0x19A80;
	[sflag:s11] =	ssyncadd.s32 @!p0 $0xFFFFFFA0  }
0x46: {  	s31 =	simm.s32 $0x13A80;
	v2 =	vld [tilespmem:s19+$0x70]  }
0x47: {  	v3 =	vld [tilespmem:s31+$0x70]  }
0x48: {  	v5 =	vld [tilespmem:s19+$0x30]  }
0x49: {  	v4 =	vld [tilespmem:s19+$0xFFFFFFF0]  }
0x4a: {  	v6 =	vld [tilespmem:s31+$0xFFFFFFF0]  }
0x4b: {  	v7 =	vld [tilespmem:s19+$0xFFFFFFB0]  }
0x4c: {  	v8 =	vld [tilespmem:s19+$0x20]  }
0x4d: {  	v9 =	vld [tilespmem:s19+$0xFFFFFFE0]  }
0x4e: {  	v10 =	vld [tilespmem:s31+$0xFFFFFFE0]  }
0x4f: {  	v11 =	vld [tilespmem:s19+$0x60]  }
0x50: {  	v12 =	vld [tilespmem:s31+$0x60]  }
0x51: {  	v13 =	vld [tilespmem:s19+$0xFFFFFFA0]  }
0x52: {  	v14 =	vld [tilespmem:s19+$0x50]  }
0x53: {  	v15 =	vld [tilespmem:s31+$0x50]  }
0x54: {  	v16 =	vld [tilespmem:s19+$0x40]  }
0x55: {  	v17 =	vld [tilespmem:s31+$0x40]  }
0x56: {  	v18 =	vld [tilespmem:s19+$0x10]  }
0x57: {  	v19 =	vld [tilespmem:s31+$0x10]  }
0x58: {  	v20 =	vld [tilespmem:s19+$0x0]  }
0x59: {  	v21 =	vld [tilespmem:s31+$0xFFFFFF80]  }
0x5a: {  	v22 =	vld [tilespmem:s19+$0xFFFFFFD0]  }
0x5b: {  	v23 =	vld [tilespmem:s31+$0xFFFFFFD0]  }
0x5c: {  	v24 =	vld [tilespmem:s19+$0xFFFFFFC0]  }
0x5d: {  	v25 =	vld [tilespmem:s31+$0xFFFFFFC0]  }
0x5e: {  	v26 =	vld [tilespmem:s19+$0xFFFFFF90]  }
0x5f: {  	v27 =	vld [tilespmem:s31+$0xFFFFFF90]  }
0x60: {  	v28 =	vld [tilespmem:s19+$0xFFFFFF80]  }
0x61: {  	v29 =	vld [tilespmem:s31+$0x0]  }
0x62: {  	v30 =	vld [tilespmem:s31+$0xFFFFFFA0];
	v35 =	vsub.bf16 v2, v3  }
0x63: {  	v31 =	vld [tilespmem:s31+$0x20];
	v36 =	vsub.bf16 v4, v6;
	v3 =	vsub.bf16 v14, v15  }
0x64: {  	v32 =	vld [tilespmem:s31+$0xFFFFFFB0];
	v4 =	vsub.bf16 v16, v17;
	v9 =	vsub.bf16 v9, v10  }
0x65: {  	s18 =	simm.s32 $0x13B80;
	v33 =	vld [tilespmem:s31+$0x30];
	v6 =	vsub.bf16 v11, v12;
	v10 =	vsub.bf16 v18, v19  }
0x66: {  	v37 =	vld [tilespmem:s18+$0x70];
	v14 =	vsub.bf16 v26, v27;
	v11 =	vmul.bf16 v4, v4;
	v3 =	vmul.bf16 v3, v3  }
0x67: {  	s19 =	simm.s32 $0x19B80;
	v60 =	vld [tilespmem:s18+$0x10];
	v15 =	vsub.bf16 v28, v21;
	v17 =	vsub.bf16 v22, v23  }
0x68: {  	v34 =	vld [tilespmem:s19+$0x70];
	v18 =	vsub.bf16 v20, v29;
	v6 =	vmul.bf16 v6, v6;
	v11 =	vadd.bf16 v3, v11  }
0x69: {  	v59 =	vld [tilespmem:s19+$0x10];
	v13 =	vsub.bf16 v13, v30;
	v8 =	vsub.bf16 v8, v31  }
0x6a: {  	v62 =	vld [tilespmem:s19+$0xFFFFFFD0];
	v14 =	vmul.bf16 v14, v14;
	v11 =	vadd.bf16 v6, v11;
	v6 =	vsub.bf16 v24, v25  }
0x6b: {  	v2 =	vld [tilespmem:s19+$0x30];
	v5 =	vsub.bf16 v5, v33;
	v15 =	vmul.bf16 v15, v15;
	v10 =	vmul.bf16 v10, v10  }
0x6c: {  	v12 =	vld [tilespmem:s19+$0xFFFFFFF0];
	v7 =	vsub.bf16 v7, v32;
	v17 =	vmul.bf16 v17, v17;
	v19 =	vmul.bf16 v6, v6  }
0x6d: {  	v16 =	vld [tilespmem:s18+$0xFFFFFFF0];
	v18 =	vmul.bf16 v18, v18;
	v13 =	vmul.bf16 v13, v13;
	v14 =	vadd.bf16 v14, v15  }
0x6e: {  	v20 =	vld [tilespmem:s19+$0xFFFFFFE0];
	v9 =	vmul.bf16 v9, v9;
	v58 =	vmul.bf16 v8, v8;
	v17 =	vadd.bf16 v17, v19  }
0x6f: {  	v21 =	vld [tilespmem:s18+$0xFFFFFFE0];
	v7 =	vmul.bf16 v7, v7;
	v10 =	vadd.bf16 v10, v18;
	v13 =	vadd.bf16 v13, v14  }
0x70: {  	v22 =	vld [tilespmem:s18+$0x60];
	v57 =	vmul.bf16 v36, v36;
	v9 =	vadd.bf16 v9, v17  }
0x71: {  	v23 =	vld [tilespmem:s18+$0x50];
	v5 =	vmul.bf16 v5, v5;
	v7 =	vadd.bf16 v7, v13;
	v13 =	vadd.bf16 v58, v10  }
0x72: {  	v4 =	vld [tilespmem:s19+$0xFFFFFFB0];
	v19 =	vmul.bf16 v35, v35;
	v9 =	vadd.bf16 v57, v9  }
0x73: {  	v15 =	vld [tilespmem:s19+$0x60];
	v5 =	vadd.bf16 v5, v13;
	v13 =	vunpack.i.u.bf16.f32 v7;
	v7 =	vunpack.i.l.bf16.f32 v7  }
0x74: {  	v18 =	vld [tilespmem:s19+$0x50];
	v13 =	vadd.f32 v7, v13;
	v61 =	vunpack.i.u.bf16.f32 v9;
	v9 =	vunpack.i.l.bf16.f32 v9  }
0x75: {  	v14 =	vld [tilespmem:s18+$0x40];
	v11 =	vadd.bf16 v19, v11;
	v9 =	vadd.f32 v9, v61  }
0x76: {  	v17 =	vld [tilespmem:s19+$0x40];
	v7 =	vunpack.i.u.bf16.f32 v5;
	v5 =	vunpack.i.l.bf16.f32 v5  }
0x77: {  	v3 =	vld [tilespmem:s19+$0x20];
	v19 =	vunpack.i.u.bf16.f32 v11;
	v11 =	vunpack.i.l.bf16.f32 v11;
	v9 =	vadd.f32 v9, v13  }
0x78: {  	v6 =	vld [tilespmem:s19+$0xFFFFFFA0];
	v5 =	vadd.f32 v5, v7;
	v19 =	vadd.f32 v11, v19  }
0x79: {  	v10 =	vld [tilespmem:s19+$0x0];
	v22 =	vsub.bf16 v15, v22;
	v15 =	vsub.bf16 v18, v23;
	(xrf2) =	vadd.scan.msk.f32 $0xffff, v9  }
0x7a: {  	v23 =	vld [tilespmem:s18+$0xFFFFFFD0];
	v63 =	vadd.f32 v19, v5  }
0x7b: {  	v18 =	vmul.bf16 v15, v15;
	v15 =	vld [tilespmem:s18+$0xFFFFFFC0];
	v17 =	vsub.bf16 v17, v14  }
0x7c: {  	v7 =	vsub.bf16 v12, v16;
	v16 =	vld [tilespmem:s19+$0xFFFFFF90];
	(xrf2) =	vadd.scan.msk.f32 $0xffff, v63  }
0x7d: {  	v11 =	vld [tilespmem:s18+$0xFFFFFF80];
	v17 =	vmul.bf16 v17, v17  }
0x7e: {  	v14 =	vld [tilespmem:s19+$0xFFFFFFC0]  }
0x7f: {  	v8 =	vsub.bf16 v34, v37;
	v22 =	vmul.bf16 v22, v22;
	v19 =	vld [tilespmem:s18+$0xFFFFFF90];
	v17 =	vadd.bf16 v18, v17  }
0x80: {  	v12 =	vsub.bf16 v20, v21;
	v20 =	vsub.bf16 v62, v23;
	v18 =	vld [tilespmem:s19+$0xFFFFFF80]  }
0x81: {  	s13 =	simm.s32 $0x4;
	s12 =	simm.s32 $0x0;
	s11 =	simm.s32 $0x2;
	v5 =	vimm.f32 $0.0e+00;
	v13 =	vsub.bf16 v59, v60;
	v9 =	vadd.bf16 v22, v17;
	v17 =	vld [tilespmem:s18+$0x0]  }
.LBB2_3:
0x82: {  	p1 =	slt.u32 s13, $0xE;
	v21 =	vld [tilespmem:s18+$0xFFFFFFA0];
	v12 =	vmul.bf16 v12, v12;
	s31 =	smov.u32 s13;
	s13 =	sadd.s32 $0x2, s13  }
0x83: {  	v23 =	vmul.bf16 v8, v8;
	v8 =	vmov s12;
	v22 =	vld [tilespmem:s18+$0x20];
	v24, _, _ =	vpop (xrf2)  }
0x84: {  	v20 =	vmul.bf16 v20, v20;
	vm0 =	veq.s32 v8, v1;
	v16 =	vsub.bf16 v16, v19;
	v19 =	vld [tilespmem:s18+$0xFFFFFFB0]  }
0x85: {  	s19 =	sadd.s32 $0x100, s19;
	v8 =	vsub.bf16 v18, v11;
	v11 =	vsub.bf16 v14, v15;
	v14 =	vld [tilespmem:s18+$0x30];
	v15 =	vperm.xlane v24, v0  }
0x86: {  	v13 =	vmul.bf16 v13, v13;
	s0 =	sadd.s32 $0x1, s12;
	s12 =	smov.u32 s11;
	s18 =	sadd.s32 $0x100, s18;
	v18 =	vld [tilespmem:s19+$0x70];
	v16 =	vmul.bf16 v16, v16;
	v10 =	vsub.bf16 v10, v17;
	v17, _, _ =	vpop (xrf2)  }
0x87: {  	v25 =	vmov s0;
	s11 =	smov.u32 s31;
	v24 =	vld [tilespmem:s18+$0x70];
	v8 =	vmul.bf16 v8, v8;
	v11 =	vmul.bf16 v11, v11  }
0x88: {  	v5 =	vsel vm0, v15, v5;
	v15 =	vperm.xlane v17, v0;
	v26 =	vld [tilespmem:s19+$0x30];
	v10 =	vmul.bf16 v10, v10  }
0x89: {  	v6 =	vsub.bf16 v6, v21;
	vm0 =	veq.s32 v25, v1;
	v17 =	vld [tilespmem:s19+$0xFFFFFFF0];
	v16 =	vadd.bf16 v16, v8  }
0x8a: {  	v8 =	vsub.bf16 v3, v22;
	v5 =	vsel vm0, v15, v5;
	v21 =	vld [tilespmem:s18+$0xFFFFFFF0];
	v10 =	vadd.bf16 v13, v10  }
0x8b: {  	v6 =	vmul.bf16 v6, v6;
	v11 =	vadd.bf16 v20, v11;
	v20 =	vsub.bf16 v2, v14;
	v13 =	vld [tilespmem:s19+$0xFFFFFFB0]  }
0x8c: {  	v4 =	vsub.bf16 v4, v19;
	v14 =	vmul.bf16 v7, v7;
	v15 =	vmul.bf16 v8, v8;
	v3 =	vld [tilespmem:s19+$0x20]  }
0x8d: {  	v11 =	vadd.bf16 v12, v11;
	v8 =	vsub.bf16 v18, v24;
	v18 =	vmul.bf16 v20, v20;
	v19 =	vld [tilespmem:s19+$0xFFFFFFE0];
	v2 =	vmovc v26  }
0x8e: {  	v9 =	vadd.bf16 v23, v9;
	v6 =	vadd.bf16 v6, v16;
	v20 =	vmul.bf16 v4, v4;
	v12 =	vld [tilespmem:s18+$0xFFFFFFE0]  }
0x8f: {  	v11 =	vadd.bf16 v14, v11;
	v7 =	vsub.bf16 v17, v21;
	v16 =	vld [tilespmem:s19+$0x60]  }
0x90: {  	v10 =	vadd.bf16 v15, v10;
	v15 =	vunpack.i.u.bf16.f32 v9;
	v17 =	vadd.bf16 v20, v6;
	v14 =	vld [tilespmem:s18+$0x60];
	v4 =	vmovc v13  }
0x91: {  	v9 =	vunpack.i.l.bf16.f32 v9;
	v13 =	vunpack.i.u.bf16.f32 v11;
	v11 =	vunpack.i.l.bf16.f32 v11;
	v6 =	vld [tilespmem:s19+$0xFFFFFFA0]  }
0x92: {  	v9 =	vadd.f32 v9, v15;
	v21 =	vunpack.i.u.bf16.f32 v17;
	v11 =	vadd.f32 v11, v13;
	v20 =	vld [tilespmem:s19+$0x50]  }
0x93: {  	v10 =	vadd.bf16 v18, v10;
	v12 =	vsub.bf16 v19, v12;
	v13 =	vld [tilespmem:s18+$0x50]  }
0x94: {  	v17 =	vunpack.i.l.bf16.f32 v17;
	v15 =	vld [tilespmem:s19+$0x40]  }
0x95: {  	v18 =	vld [tilespmem:s18+$0x40];
	v19 =	vsub.bf16 v16, v14;
	v14 =	vadd.f32 v17, v21;
	v16 =	vunpack.i.u.bf16.f32 v10  }
0x96: {  	v10 =	vunpack.i.l.bf16.f32 v10;
	v17 =	vld [tilespmem:s19+$0x10]  }
0x97: {  	v16 =	vadd.f32 v10, v16;
	v21 =	vld [tilespmem:s18+$0x10];
	v14 =	vadd.f32 v11, v14  }
0x98: {  	v10 =	vld [tilespmem:s19+$0x0];
	v20 =	vsub.bf16 v20, v13  }
0x99: {  	v9 =	vadd.f32 v9, v16;
	v11 =	vld [tilespmem:s18+$0xFFFFFF80];
	(xrf2) =	vadd.scan.msk.f32 $0xffff, v14  }
0x9a: {  	v22 =	vld [tilespmem:s19+$0xFFFFFFD0];
	v15 =	vsub.bf16 v15, v18  }
0x9b: {  	v23 =	vld [tilespmem:s18+$0xFFFFFFD0]  }
0x9c: {  	v18 =	vmul.bf16 v20, v20;
	v14 =	vld [tilespmem:s19+$0xFFFFFFC0];
	v13 =	vsub.bf16 v17, v21;
	v17 =	vmul.bf16 v15, v15;
	(xrf2) =	vadd.scan.msk.f32 $0xffff, v9  }
.Ltmp0:
0x9d: {  	v15 =	vld [tilespmem:s18+$0xFFFFFFC0];
	(pc) =	sbr.rel @p1 .LBB2_3-.Ltmp0, $4  }
0x9e: {  	v16 =	vld [tilespmem:s19+$0xFFFFFF90];
	v9 =	vadd.bf16 v18, v17;
	v17 =	vmul.bf16 v19, v19  }
0x9f: {  	v19 =	vld [tilespmem:s18+$0xFFFFFF90]  }
0xa0: {  	v18 =	vld [tilespmem:s19+$0xFFFFFF80];
	v20 =	vsub.bf16 v22, v23;
	v9 =	vadd.bf16 v17, v9  }
0xa1: {  	v17 =	vld [tilespmem:s18+$0x0]  }
0xa2: {  	v21 =	vld [tilespmem:s18+$0xFFFFFFA0]  }
0xa3: {  	v14 =	vsub.bf16 v14, v15;
	v15 =	vld [tilespmem:s18+$0xFFFFFFB0]  }
0xa4: {  	v12 =	vmul.bf16 v12, v12;
	v13 =	vmul.bf16 v13, v13;
	v16 =	vsub.bf16 v16, v19;
	v19 =	vld [tilespmem:s18+$0x20]  }
0xa5: {  	v8 =	vmul.bf16 v8, v8;
	v14 =	vmul.bf16 v14, v14  }
0xa6: {  	v11 =	vsub.bf16 v18, v11;
	v18 =	vmul.bf16 v20, v20;
	v10 =	vsub.bf16 v10, v17;
	v17 =	vld [tilespmem:s18+$0x30]  }
0xa7: {  	v7 =	vmul.bf16 v7, v7;
	v8 =	vadd.bf16 v8, v9;
	v16 =	vmul.bf16 v16, v16  }
0xa8: {  	v11 =	vmul.bf16 v11, v11;
	v6 =	vsub.bf16 v6, v21;
	v14 =	vadd.bf16 v18, v14  }
0xa9: {  	v4 =	vsub.bf16 v4, v15;
	v10 =	vmul.bf16 v10, v10;
	v3 =	vsub.bf16 v3, v19  }
0xaa: {  	v11 =	vadd.bf16 v16, v11;
	v6 =	vmul.bf16 v6, v6;
	v12 =	vadd.bf16 v12, v14  }
0xab: {  	v10 =	vadd.bf16 v13, v10;
	v2 =	vsub.bf16 v2, v17;
	v3 =	vmul.bf16 v3, v3  }
0xac: {  	v4 =	vmul.bf16 v4, v4;
	v6 =	vadd.bf16 v6, v11;
	v7 =	vadd.bf16 v7, v12  }
0xad: {  	v2 =	vmul.bf16 v2, v2;
	v3 =	vadd.bf16 v3, v10  }
0xae: {  	v4 =	vadd.bf16 v4, v6;
	v6 =	vunpack.i.u.bf16.f32 v8;
	v9 =	vunpack.i.u.bf16.f32 v7  }
0xaf: {  	v7 =	vunpack.i.l.bf16.f32 v7;
	v8 =	vunpack.i.l.bf16.f32 v8;
	v2 =	vadd.bf16 v2, v3  }
0xb0: {  	v7 =	vadd.f32 v7, v9;
	v3 =	vunpack.i.u.bf16.f32 v4;
	v4 =	vunpack.i.l.bf16.f32 v4  }
0xb1: {  	v3 =	vadd.f32 v4, v3;
	v4 =	vunpack.i.u.bf16.f32 v2;
	v2 =	vunpack.i.l.bf16.f32 v2  }
0xb2: {  	v6 =	vadd.f32 v8, v6;
	v2 =	vadd.f32 v2, v4  }
0xb3: {  	v3 =	vadd.f32 v7, v3  }
0xb4: {  	v2 =	vadd.f32 v6, v2  }
0xb5: {  	(xrf2) =	vadd.scan.msk.f32 $0xffff, v3  }
0xb6: {  	(xrf2) =	vadd.scan.msk.f32 $0xffff, v2;
	_ =	sdelay $0x4  }
0xb7: {  	s0 =	sadd.s32 $0x1, s12;
	v4 =	vmov s12  }
0xb8: {  	vm0 =	veq.s32 v4, v1;
	v4 =	vmov s0;
	v2, _, _ =	vpop (xrf2)  }
0xb9: {  	v3, _, _ =	vpop (xrf2);
	v2 =	vperm.xlane v2, v0  }
0xba: {  	v3 =	vperm.xlane v3, v0  }
0xbb: {  	vm13 =	veq.s32 v4, v1;
	v2 =	vsel vm0, v2, v5;
	v4, _, _ =	vpop (xrf2)  }
0xbc: {  	s18 =	sadd.s32 $0x1, s11;
	v2 =	vsel vm13, v3, v2;
	v3 =	vmov s11;
	v4 =	vperm.xlane v4, v0;
	v5, _, _ =	vpop (xrf2)  }
0xbd: {  	vm14 =	veq.s32 v3, v1;
	v3 =	vmov s18;
	v5 =	vperm.xlane v5, v0  }
0xbe: {  	vm15 =	veq.s32 v3, v1;
	v2 =	vsel vm14, v4, v2  }
0xbf: {  	v2 =	vsel vm15, v5, v2  }
0xc0: {  	v3 =	vshra.s32 v2, $0x1;
	v4 =	vmul.f32 $5.000000000e-01, v2  }
0xc1: {  	v3 =	vsub.s32 $0x5F3759DF, v3  }
0xc2: {  	v5 =	vmul.f32 v3, v4;
	_ =	sdelay $0x1  }
0xc3: {  	v5 =	vmul.f32 v3, v5;
	_ =	sdelay $0x1  }
0xc4: {  	v5 =	vsub.f32 $1.500000000e+00, v5;
	_ =	sdelay $0x1  }
0xc5: {  	v3 =	vmul.f32 v3, v5;
	_ =	sdelay $0x1  }
0xc6: {  	v5 =	vmul.f32 v3, v4;
	_ =	sdelay $0x1  }
0xc7: {  	v5 =	vmul.f32 v5, v3;
	_ =	sdelay $0x1  }
0xc8: {  	v5 =	vsub.f32 $1.500000000e+00, v5;
	_ =	sdelay $0x1  }
0xc9: {  	v3 =	vmul.f32 v5, v3;
	_ =	sdelay $0x1  }
0xca: {  	v4 =	vmul.f32 v3, v4;
	_ =	sdelay $0x1  }
0xcb: {  	v4 =	vmul.f32 v4, v3;
	_ =	sdelay $0x1  }
0xcc: {  	v4 =	vsub.f32 $1.500000000e+00, v4;
	_ =	sdelay $0x1  }
0xcd: {  	v3 =	vmul.f32 v4, v3;
	_ =	sdelay $0x1  }
0xce: {  	v2 =	vmul.f32 v3, v2;
	_ =	sdelay $0x1  }
0xcf: {  	s19 =	simm.s32 $0x1A2F0;
	[tilespmem:$0x1FA00] =	vst v2  }
0xd0: {  	s31 =	simm.s32 $0x142F0;
	v2 =	vld [tilespmem:s19+$0x0]  }
0xd1: {  	v3 =	vld [tilespmem:s31+$0x0]  }
0xd2: {  	v5 =	vld [tilespmem:s19+$0xFFFFFFC0]  }
0xd3: {  	v4 =	vld [tilespmem:s19+$0xFFFFFF80]  }
0xd4: {  	v6 =	vld [tilespmem:s31+$0xFFFFFF80]  }
0xd5: {  	v7 =	vld [tilespmem:s19+$0xFFFFFF40]  }
0xd6: {  	v8 =	vld [tilespmem:s19+$0xFFFFFFB0]  }
0xd7: {  	v9 =	vld [tilespmem:s19+$0xFFFFFF70]  }
0xd8: {  	v10 =	vld [tilespmem:s31+$0xFFFFFF70]  }
0xd9: {  	v11 =	vld [tilespmem:s19+$0xFFFFFFF0]  }
0xda: {  	v12 =	vld [tilespmem:s31+$0xFFFFFFF0]  }
0xdb: {  	v13 =	vld [tilespmem:s19+$0xFFFFFF30]  }
0xdc: {  	v14 =	vld [tilespmem:s19+$0xFFFFFFE0]  }
0xdd: {  	v15 =	vld [tilespmem:s31+$0xFFFFFFE0]  }
0xde: {  	v16 =	vld [tilespmem:s19+$0xFFFFFFD0]  }
0xdf: {  	v17 =	vld [tilespmem:s31+$0xFFFFFFD0]  }
0xe0: {  	v18 =	vld [tilespmem:s19+$0xFFFFFFA0]  }
0xe1: {  	v19 =	vld [tilespmem:s31+$0xFFFFFFA0]  }
0xe2: {  	v20 =	vld [tilespmem:s19+$0xFFFFFF90]  }
0xe3: {  	v21 =	vld [tilespmem:s31+$0xFFFFFF10]  }
0xe4: {  	v22 =	vld [tilespmem:s19+$0xFFFFFF60]  }
0xe5: {  	v23 =	vld [tilespmem:s31+$0xFFFFFF60]  }
0xe6: {  	v24 =	vld [tilespmem:s19+$0xFFFFFF50]  }
0xe7: {  	v25 =	vld [tilespmem:s31+$0xFFFFFF50]  }
0xe8: {  	v26 =	vld [tilespmem:s19+$0xFFFFFF20]  }
0xe9: {  	v27 =	vld [tilespmem:s31+$0xFFFFFF20]  }
0xea: {  	v28 =	vld [tilespmem:s19+$0xFFFFFF10]  }
0xeb: {  	v29 =	vld [tilespmem:s31+$0xFFFFFF90]  }
0xec: {  	v30 =	vld [tilespmem:s31+$0xFFFFFF30];
	v35 =	vsub.bf16 v2, v3  }
0xed: {  	v31 =	vld [tilespmem:s31+$0xFFFFFFB0];
	v36 =	vsub.bf16 v4, v6;
	v3 =	vsub.bf16 v14, v15  }
0xee: {  	v32 =	vld [tilespmem:s31+$0xFFFFFF40];
	v4 =	vsub.bf16 v16, v17;
	v9 =	vsub.bf16 v9, v10  }
0xef: {  	s18 =	simm.s32 $0x143F0;
	v33 =	vld [tilespmem:s31+$0xFFFFFFC0];
	v6 =	vsub.bf16 v11, v12;
	v10 =	vsub.bf16 v18, v19  }
0xf0: {  	v37 =	vld [tilespmem:s18+$0x0];
	v14 =	vsub.bf16 v26, v27;
	v11 =	vmul.bf16 v4, v4;
	v3 =	vmul.bf16 v3, v3  }
0xf1: {  	s19 =	simm.s32 $0x1A3F0;
	v60 =	vld [tilespmem:s18+$0xFFFFFFA0];
	v15 =	vsub.bf16 v28, v21;
	v17 =	vsub.bf16 v22, v23  }
0xf2: {  	v34 =	vld [tilespmem:s19+$0x0];
	v18 =	vsub.bf16 v20, v29;
	v6 =	vmul.bf16 v6, v6;
	v11 =	vadd.bf16 v3, v11  }
0xf3: {  	v59 =	vld [tilespmem:s19+$0xFFFFFFA0];
	v13 =	vsub.bf16 v13, v30;
	v8 =	vsub.bf16 v8, v31  }
0xf4: {  	v62 =	vld [tilespmem:s19+$0xFFFFFF60];
	v14 =	vmul.bf16 v14, v14;
	v11 =	vadd.bf16 v6, v11;
	v6 =	vsub.bf16 v24, v25  }
0xf5: {  	v2 =	vld [tilespmem:s19+$0xFFFFFFC0];
	v5 =	vsub.bf16 v5, v33;
	v15 =	vmul.bf16 v15, v15;
	v10 =	vmul.bf16 v10, v10  }
0xf6: {  	v12 =	vld [tilespmem:s19+$0xFFFFFF80];
	v7 =	vsub.bf16 v7, v32;
	v17 =	vmul.bf16 v17, v17;
	v19 =	vmul.bf16 v6, v6  }
0xf7: {  	v16 =	vld [tilespmem:s18+$0xFFFFFF80];
	v18 =	vmul.bf16 v18, v18;
	v13 =	vmul.bf16 v13, v13;
	v14 =	vadd.bf16 v14, v15  }
0xf8: {  	v20 =	vld [tilespmem:s19+$0xFFFFFF70];
	v9 =	vmul.bf16 v9, v9;
	v58 =	vmul.bf16 v8, v8;
	v17 =	vadd.bf16 v17, v19  }
0xf9: {  	v21 =	vld [tilespmem:s18+$0xFFFFFF70];
	v7 =	vmul.bf16 v7, v7;
	v10 =	vadd.bf16 v10, v18;
	v13 =	vadd.bf16 v13, v14  }
0xfa: {  	v22 =	vld [tilespmem:s18+$0xFFFFFFF0];
	v57 =	vmul.bf16 v36, v36;
	v9 =	vadd.bf16 v9, v17  }
0xfb: {  	v23 =	vld [tilespmem:s18+$0xFFFFFFE0];
	v5 =	vmul.bf16 v5, v5;
	v7 =	vadd.bf16 v7, v13;
	v13 =	vadd.bf16 v58, v10  }
0xfc: {  	v4 =	vld [tilespmem:s19+$0xFFFFFF40];
	v19 =	vmul.bf16 v35, v35;
	v9 =	vadd.bf16 v57, v9  }
0xfd: {  	v15 =	vld [tilespmem:s19+$0xFFFFFFF0];
	v5 =	vadd.bf16 v5, v13;
	v13 =	vunpack.i.u.bf16.f32 v7;
	v7 =	vunpack.i.l.bf16.f32 v7  }
0xfe: {  	v18 =	vld [tilespmem:s19+$0xFFFFFFE0];
	v13 =	vadd.f32 v7, v13;
	v61 =	vunpack.i.u.bf16.f32 v9;
	v9 =	vunpack.i.l.bf16.f32 v9  }
0xff: {  	v14 =	vld [tilespmem:s18+$0xFFFFFFD0];
	v11 =	vadd.bf16 v19, v11;
	v9 =	vadd.f32 v9, v61  }
0x100: {  	v17 =	vld [tilespmem:s19+$0xFFFFFFD0];
	v7 =	vunpack.i.u.bf16.f32 v5;
	v5 =	vunpack.i.l.bf16.f32 v5  }
0x101: {  	v3 =	vld [tilespmem:s19+$0xFFFFFFB0];
	v19 =	vunpack.i.u.bf16.f32 v11;
	v11 =	vunpack.i.l.bf16.f32 v11;
	v9 =	vadd.f32 v9, v13  }
0x102: {  	v6 =	vld [tilespmem:s19+$0xFFFFFF30];
	v5 =	vadd.f32 v5, v7;
	v19 =	vadd.f32 v11, v19  }
0x103: {  	v10 =	vld [tilespmem:s19+$0xFFFFFF90];
	v22 =	vsub.bf16 v15, v22;
	v15 =	vsub.bf16 v18, v23;
	(xrf2) =	vadd.scan.msk.f32 $0xffff, v9  }
0x104: {  	v23 =	vld [tilespmem:s18+$0xFFFFFF60];
	v63 =	vadd.f32 v19, v5  }
0x105: {  	v18 =	vmul.bf16 v15, v15;
	v15 =	vld [tilespmem:s18+$0xFFFFFF50];
	v17 =	vsub.bf16 v17, v14  }
0x106: {  	v7 =	vsub.bf16 v12, v16;
	v16 =	vld [tilespmem:s19+$0xFFFFFF20];
	(xrf2) =	vadd.scan.msk.f32 $0xffff, v63  }
0x107: {  	v11 =	vld [tilespmem:s18+$0xFFFFFF10];
	v17 =	vmul.bf16 v17, v17  }
0x108: {  	v14 =	vld [tilespmem:s19+$0xFFFFFF50]  }
0x109: {  	v8 =	vsub.bf16 v34, v37;
	v22 =	vmul.bf16 v22, v22;
	v19 =	vld [tilespmem:s18+$0xFFFFFF20];
	v17 =	vadd.bf16 v18, v17  }
0x10a: {  	v12 =	vsub.bf16 v20, v21;
	v20 =	vsub.bf16 v62, v23;
	v18 =	vld [tilespmem:s19+$0xFFFFFF10]  }
0x10b: {  	s13 =	simm.s32 $0x4;
	s12 =	simm.s32 $0x0;
	s11 =	simm.s32 $0x2;
	v5 =	vimm.f32 $0.0e+00;
	v13 =	vsub.bf16 v59, v60;
	v9 =	vadd.bf16 v22, v17;
	v17 =	vld [tilespmem:s18+$0xFFFFFF90]  }
.LBB2_5:
0x10c: {  	p1 =	slt.u32 s13, $0xE;
	v21 =	vld [tilespmem:s18+$0xFFFFFF30];
	v12 =	vmul.bf16 v12, v12;
	s0 =	smov.u32 s13;
	s13 =	sadd.s32 $0x2, s13  }
0x10d: {  	v23 =	vmul.bf16 v8, v8;
	v8 =	vmov s12;
	v22 =	vld [tilespmem:s18+$0xFFFFFFB0];
	v24, _, _ =	vpop (xrf2)  }
0x10e: {  	v20 =	vmul.bf16 v20, v20;
	vm0 =	veq.s32 v8, v1;
	v16 =	vsub.bf16 v16, v19;
	v19 =	vld [tilespmem:s18+$0xFFFFFF40]  }
0x10f: {  	s19 =	sadd.s32 $0x100, s19;
	v8 =	vsub.bf16 v18, v11;
	v11 =	vsub.bf16 v14, v15;
	v14 =	vld [tilespmem:s18+$0xFFFFFFC0];
	v15 =	vperm.xlane v24, v0  }
0x110: {  	v13 =	vmul.bf16 v13, v13;
	s31 =	sadd.s32 $0x1, s12;
	s12 =	smov.u32 s11;
	s18 =	sadd.s32 $0x100, s18;
	v18 =	vld [tilespmem:s19+$0x0];
	v16 =	vmul.bf16 v16, v16;
	v10 =	vsub.bf16 v10, v17;
	v17, _, _ =	vpop (xrf2)  }
0x111: {  	v25 =	vmov s31;
	s11 =	smov.u32 s0;
	v24 =	vld [tilespmem:s18+$0x0];
	v8 =	vmul.bf16 v8, v8;
	v11 =	vmul.bf16 v11, v11  }
0x112: {  	v5 =	vsel vm0, v15, v5;
	v15 =	vperm.xlane v17, v0;
	v26 =	vld [tilespmem:s19+$0xFFFFFFC0];
	v10 =	vmul.bf16 v10, v10  }
0x113: {  	v6 =	vsub.bf16 v6, v21;
	vm0 =	veq.s32 v25, v1;
	v17 =	vld [tilespmem:s19+$0xFFFFFF80];
	v16 =	vadd.bf16 v16, v8  }
0x114: {  	v8 =	vsub.bf16 v3, v22;
	v5 =	vsel vm0, v15, v5;
	v21 =	vld [tilespmem:s18+$0xFFFFFF80];
	v10 =	vadd.bf16 v13, v10  }
0x115: {  	v6 =	vmul.bf16 v6, v6;
	v11 =	vadd.bf16 v20, v11;
	v20 =	vsub.bf16 v2, v14;
	v13 =	vld [tilespmem:s19+$0xFFFFFF40]  }
0x116: {  	v4 =	vsub.bf16 v4, v19;
	v14 =	vmul.bf16 v7, v7;
	v15 =	vmul.bf16 v8, v8;
	v3 =	vld [tilespmem:s19+$0xFFFFFFB0]  }
0x117: {  	v11 =	vadd.bf16 v12, v11;
	v8 =	vsub.bf16 v18, v24;
	v18 =	vmul.bf16 v20, v20;
	v19 =	vld [tilespmem:s19+$0xFFFFFF70];
	v2 =	vmovc v26  }
0x118: {  	v9 =	vadd.bf16 v23, v9;
	v6 =	vadd.bf16 v6, v16;
	v20 =	vmul.bf16 v4, v4;
	v12 =	vld [tilespmem:s18+$0xFFFFFF70]  }
0x119: {  	v11 =	vadd.bf16 v14, v11;
	v7 =	vsub.bf16 v17, v21;
	v16 =	vld [tilespmem:s19+$0xFFFFFFF0]  }
0x11a: {  	v10 =	vadd.bf16 v15, v10;
	v15 =	vunpack.i.u.bf16.f32 v9;
	v17 =	vadd.bf16 v20, v6;
	v14 =	vld [tilespmem:s18+$0xFFFFFFF0];
	v4 =	vmovc v13  }
0x11b: {  	v9 =	vunpack.i.l.bf16.f32 v9;
	v13 =	vunpack.i.u.bf16.f32 v11;
	v11 =	vunpack.i.l.bf16.f32 v11;
	v6 =	vld [tilespmem:s19+$0xFFFFFF30]  }
0x11c: {  	v9 =	vadd.f32 v9, v15;
	v21 =	vunpack.i.u.bf16.f32 v17;
	v11 =	vadd.f32 v11, v13;
	v20 =	vld [tilespmem:s19+$0xFFFFFFE0]  }
0x11d: {  	v10 =	vadd.bf16 v18, v10;
	v12 =	vsub.bf16 v19, v12;
	v13 =	vld [tilespmem:s18+$0xFFFFFFE0]  }
0x11e: {  	v17 =	vunpack.i.l.bf16.f32 v17;
	v15 =	vld [tilespmem:s19+$0xFFFFFFD0]  }
0x11f: {  	v18 =	vld [tilespmem:s18+$0xFFFFFFD0];
	v19 =	vsub.bf16 v16, v14;
	v14 =	vadd.f32 v17, v21;
	v16 =	vunpack.i.u.bf16.f32 v10  }
0x120: {  	v10 =	vunpack.i.l.bf16.f32 v10;
	v17 =	vld [tilespmem:s19+$0xFFFFFFA0]  }
0x121: {  	v16 =	vadd.f32 v10, v16;
	v21 =	vld [tilespmem:s18+$0xFFFFFFA0];
	v14 =	vadd.f32 v11, v14  }
0x122: {  	v10 =	vld [tilespmem:s19+$0xFFFFFF90];
	v20 =	vsub.bf16 v20, v13  }
0x123: {  	v9 =	vadd.f32 v9, v16;
	v11 =	vld [tilespmem:s18+$0xFFFFFF10];
	(xrf2) =	vadd.scan.msk.f32 $0xffff, v14  }
0x124: {  	v22 =	vld [tilespmem:s19+$0xFFFFFF60];
	v15 =	vsub.bf16 v15, v18  }
0x125: {  	v23 =	vld [tilespmem:s18+$0xFFFFFF60]  }
0x126: {  	v18 =	vmul.bf16 v20, v20;
	v14 =	vld [tilespmem:s19+$0xFFFFFF50];
	v13 =	vsub.bf16 v17, v21;
	v17 =	vmul.bf16 v15, v15;
	(xrf2) =	vadd.scan.msk.f32 $0xffff, v9  }
.Ltmp1:
0x127: {  	v15 =	vld [tilespmem:s18+$0xFFFFFF50];
	(pc) =	sbr.rel @p1 .LBB2_5-.Ltmp1, $4  }
0x128: {  	v16 =	vld [tilespmem:s19+$0xFFFFFF20];
	v9 =	vadd.bf16 v18, v17;
	v17 =	vmul.bf16 v19, v19  }
0x129: {  	v19 =	vld [tilespmem:s18+$0xFFFFFF20]  }
0x12a: {  	v18 =	vld [tilespmem:s19+$0xFFFFFF10];
	v20 =	vsub.bf16 v22, v23;
	v9 =	vadd.bf16 v17, v9  }
0x12b: {  	v17 =	vld [tilespmem:s18+$0xFFFFFF90]  }
0x12c: {  	v21 =	vld [tilespmem:s18+$0xFFFFFF30]  }
0x12d: {  	v14 =	vsub.bf16 v14, v15;
	v15 =	vld [tilespmem:s18+$0xFFFFFF40]  }
0x12e: {  	v12 =	vmul.bf16 v12, v12;
	v13 =	vmul.bf16 v13, v13;
	v16 =	vsub.bf16 v16, v19;
	v19 =	vld [tilespmem:s18+$0xFFFFFFB0]  }
0x12f: {  	v8 =	vmul.bf16 v8, v8;
	v14 =	vmul.bf16 v14, v14  }
0x130: {  	v11 =	vsub.bf16 v18, v11;
	v18 =	vmul.bf16 v20, v20;
	v10 =	vsub.bf16 v10, v17;
	v17 =	vld [tilespmem:s18+$0xFFFFFFC0]  }
0x131: {  	v7 =	vmul.bf16 v7, v7;
	v8 =	vadd.bf16 v8, v9;
	v16 =	vmul.bf16 v16, v16  }
0x132: {  	v11 =	vmul.bf16 v11, v11;
	v6 =	vsub.bf16 v6, v21;
	v14 =	vadd.bf16 v18, v14  }
0x133: {  	v4 =	vsub.bf16 v4, v15;
	v10 =	vmul.bf16 v10, v10;
	v3 =	vsub.bf16 v3, v19  }
0x134: {  	v11 =	vadd.bf16 v16, v11;
	v6 =	vmul.bf16 v6, v6;
	v12 =	vadd.bf16 v12, v14  }
0x135: {  	v10 =	vadd.bf16 v13, v10;
	v2 =	vsub.bf16 v2, v17;
	v3 =	vmul.bf16 v3, v3  }
0x136: {  	v4 =	vmul.bf16 v4, v4;
	v6 =	vadd.bf16 v6, v11;
	v7 =	vadd.bf16 v7, v12  }
0x137: {  	v2 =	vmul.bf16 v2, v2;
	v3 =	vadd.bf16 v3, v10  }
0x138: {  	v4 =	vadd.bf16 v4, v6;
	v6 =	vunpack.i.u.bf16.f32 v8;
	v9 =	vunpack.i.u.bf16.f32 v7  }
0x139: {  	v7 =	vunpack.i.l.bf16.f32 v7;
	v8 =	vunpack.i.l.bf16.f32 v8;
	v2 =	vadd.bf16 v2, v3  }
0x13a: {  	v7 =	vadd.f32 v7, v9;
	v3 =	vunpack.i.u.bf16.f32 v4;
	v4 =	vunpack.i.l.bf16.f32 v4  }
0x13b: {  	v3 =	vadd.f32 v4, v3;
	v4 =	vunpack.i.u.bf16.f32 v2;
	v2 =	vunpack.i.l.bf16.f32 v2  }
0x13c: {  	v6 =	vadd.f32 v8, v6;
	v2 =	vadd.f32 v2, v4  }
0x13d: {  	v3 =	vadd.f32 v7, v3  }
0x13e: {  	v2 =	vadd.f32 v6, v2  }
0x13f: {  	(xrf2) =	vadd.scan.msk.f32 $0xffff, v3  }
0x140: {  	(xrf2) =	vadd.scan.msk.f32 $0xffff, v2;
	_ =	sdelay $0x4  }
0x141: {  	s0 =	sadd.s32 $0x1, s12;
	v4 =	vmov s12  }
0x142: {  	vm0 =	veq.s32 v4, v1;
	v4 =	vmov s0;
	v2, _, _ =	vpop (xrf2)  }
0x143: {  	v3, _, _ =	vpop (xrf2);
	v2 =	vperm.xlane v2, v0  }
0x144: {  	v3 =	vperm.xlane v3, v0  }
0x145: {  	vm13 =	veq.s32 v4, v1;
	v2 =	vsel vm0, v2, v5;
	v4, _, _ =	vpop (xrf2)  }
0x146: {  	s18 =	sadd.s32 $0x1, s11;
	v2 =	vsel vm13, v3, v2;
	v3 =	vmov s11;
	v4 =	vperm.xlane v4, v0;
	v5, _, _ =	vpop (xrf2)  }
0x147: {  	vm14 =	veq.s32 v3, v1;
	v3 =	vmov s18;
	v5 =	vperm.xlane v5, v0  }
0x148: {  	vm15 =	veq.s32 v3, v1;
	v2 =	vsel vm14, v4, v2  }
0x149: {  	v2 =	vsel vm15, v5, v2  }
0x14a: {  	v3 =	vshra.s32 v2, $0x1;
	v4 =	vmul.f32 $5.000000000e-01, v2  }
0x14b: {  	v3 =	vsub.s32 $0x5F3759DF, v3  }
0x14c: {  	v5 =	vmul.f32 v3, v4;
	_ =	sdelay $0x1  }
0x14d: {  	v5 =	vmul.f32 v3, v5;
	_ =	sdelay $0x1  }
0x14e: {  	v5 =	vsub.f32 $1.500000000e+00, v5;
	_ =	sdelay $0x1  }
0x14f: {  	v3 =	vmul.f32 v3, v5;
	_ =	sdelay $0x1  }
0x150: {  	v5 =	vmul.f32 v3, v4;
	_ =	sdelay $0x1  }
0x151: {  	v5 =	vmul.f32 v5, v3;
	_ =	sdelay $0x1  }
0x152: {  	v5 =	vsub.f32 $1.500000000e+00, v5;
	_ =	sdelay $0x1  }
0x153: {  	v3 =	vmul.f32 v5, v3;
	_ =	sdelay $0x1  }
0x154: {  	v4 =	vmul.f32 v3, v4;
	_ =	sdelay $0x1  }
0x155: {  	v4 =	vmul.f32 v4, v3;
	_ =	sdelay $0x1  }
0x156: {  	v4 =	vsub.f32 $1.500000000e+00, v4;
	_ =	sdelay $0x1  }
0x157: {  	v3 =	vmul.f32 v4, v3;
	_ =	sdelay $0x1  }
0x158: {  	v2 =	vmul.f32 v3, v2;
	_ =	sdelay $0x1  }
0x159: {  	s19 =	simm.s32 $0x1AAF0;
	[tilespmem:$0x1FA10] =	vst v2  }
0x15a: {  	s31 =	simm.s32 $0x14AF0;
	v2 =	vld [tilespmem:s19+$0x0]  }
0x15b: {  	v3 =	vld [tilespmem:s31+$0x0]  }
0x15c: {  	v5 =	vld [tilespmem:s19+$0xFFFFFFC0]  }
0x15d: {  	v4 =	vld [tilespmem:s19+$0xFFFFFF80]  }
0x15e: {  	v6 =	vld [tilespmem:s31+$0xFFFFFF80]  }
0x15f: {  	v7 =	vld [tilespmem:s19+$0xFFFFFF40]  }
0x160: {  	v8 =	vld [tilespmem:s19+$0xFFFFFFB0]  }
0x161: {  	v9 =	vld [tilespmem:s19+$0xFFFFFF70]  }
0x162: {  	v10 =	vld [tilespmem:s31+$0xFFFFFF70]  }
0x163: {  	v11 =	vld [tilespmem:s19+$0xFFFFFFF0]  }
0x164: {  	v12 =	vld [tilespmem:s31+$0xFFFFFFF0]  }
0x165: {  	v13 =	vld [tilespmem:s19+$0xFFFFFF30]  }
0x166: {  	v14 =	vld [tilespmem:s19+$0xFFFFFFE0]  }
0x167: {  	v15 =	vld [tilespmem:s31+$0xFFFFFFE0]  }
0x168: {  	v16 =	vld [tilespmem:s19+$0xFFFFFFD0]  }
0x169: {  	v17 =	vld [tilespmem:s31+$0xFFFFFFD0]  }
0x16a: {  	v18 =	vld [tilespmem:s19+$0xFFFFFFA0]  }
0x16b: {  	v19 =	vld [tilespmem:s31+$0xFFFFFFA0]  }
0x16c: {  	v20 =	vld [tilespmem:s19+$0xFFFFFF90]  }
0x16d: {  	v21 =	vld [tilespmem:s31+$0xFFFFFF10]  }
0x16e: {  	v22 =	vld [tilespmem:s19+$0xFFFFFF60]  }
0x16f: {  	v23 =	vld [tilespmem:s31+$0xFFFFFF60]  }
0x170: {  	v24 =	vld [tilespmem:s19+$0xFFFFFF50]  }
0x171: {  	v25 =	vld [tilespmem:s31+$0xFFFFFF50]  }
0x172: {  	v26 =	vld [tilespmem:s19+$0xFFFFFF20]  }
0x173: {  	v27 =	vld [tilespmem:s31+$0xFFFFFF20]  }
0x174: {  	v28 =	vld [tilespmem:s19+$0xFFFFFF10]  }
0x175: {  	v29 =	vld [tilespmem:s31+$0xFFFFFF90]  }
0x176: {  	v30 =	vld [tilespmem:s31+$0xFFFFFF30];
	v35 =	vsub.bf16 v2, v3  }
0x177: {  	v31 =	vld [tilespmem:s31+$0xFFFFFFB0];
	v36 =	vsub.bf16 v4, v6;
	v3 =	vsub.bf16 v14, v15  }
0x178: {  	v32 =	vld [tilespmem:s31+$0xFFFFFF40];
	v4 =	vsub.bf16 v16, v17;
	v9 =	vsub.bf16 v9, v10  }
0x179: {  	s18 =	simm.s32 $0x14BF0;
	v33 =	vld [tilespmem:s31+$0xFFFFFFC0];
	v6 =	vsub.bf16 v11, v12;
	v10 =	vsub.bf16 v18, v19  }
0x17a: {  	v37 =	vld [tilespmem:s18+$0x0];
	v14 =	vsub.bf16 v26, v27;
	v11 =	vmul.bf16 v4, v4;
	v3 =	vmul.bf16 v3, v3  }
0x17b: {  	s19 =	simm.s32 $0x1ABF0;
	v60 =	vld [tilespmem:s18+$0xFFFFFFA0];
	v15 =	vsub.bf16 v28, v21;
	v17 =	vsub.bf16 v22, v23  }
0x17c: {  	v34 =	vld [tilespmem:s19+$0x0];
	v18 =	vsub.bf16 v20, v29;
	v6 =	vmul.bf16 v6, v6;
	v11 =	vadd.bf16 v3, v11  }
0x17d: {  	v59 =	vld [tilespmem:s19+$0xFFFFFFA0];
	v13 =	vsub.bf16 v13, v30;
	v8 =	vsub.bf16 v8, v31  }
0x17e: {  	v62 =	vld [tilespmem:s19+$0xFFFFFF60];
	v14 =	vmul.bf16 v14, v14;
	v11 =	vadd.bf16 v6, v11;
	v6 =	vsub.bf16 v24, v25  }
0x17f: {  	v2 =	vld [tilespmem:s19+$0xFFFFFFC0];
	v5 =	vsub.bf16 v5, v33;
	v15 =	vmul.bf16 v15, v15;
	v10 =	vmul.bf16 v10, v10  }
0x180: {  	v12 =	vld [tilespmem:s19+$0xFFFFFF80];
	v7 =	vsub.bf16 v7, v32;
	v17 =	vmul.bf16 v17, v17;
	v19 =	vmul.bf16 v6, v6  }
0x181: {  	v16 =	vld [tilespmem:s18+$0xFFFFFF80];
	v18 =	vmul.bf16 v18, v18;
	v13 =	vmul.bf16 v13, v13;
	v14 =	vadd.bf16 v14, v15  }
0x182: {  	v20 =	vld [tilespmem:s19+$0xFFFFFF70];
	v9 =	vmul.bf16 v9, v9;
	v58 =	vmul.bf16 v8, v8;
	v17 =	vadd.bf16 v17, v19  }
0x183: {  	v21 =	vld [tilespmem:s18+$0xFFFFFF70];
	v7 =	vmul.bf16 v7, v7;
	v10 =	vadd.bf16 v10, v18;
	v13 =	vadd.bf16 v13, v14  }
0x184: {  	v22 =	vld [tilespmem:s18+$0xFFFFFFF0];
	v57 =	vmul.bf16 v36, v36;
	v9 =	vadd.bf16 v9, v17  }
0x185: {  	v23 =	vld [tilespmem:s18+$0xFFFFFFE0];
	v5 =	vmul.bf16 v5, v5;
	v7 =	vadd.bf16 v7, v13;
	v13 =	vadd.bf16 v58, v10  }
0x186: {  	v4 =	vld [tilespmem:s19+$0xFFFFFF40];
	v19 =	vmul.bf16 v35, v35;
	v9 =	vadd.bf16 v57, v9  }
0x187: {  	v15 =	vld [tilespmem:s19+$0xFFFFFFF0];
	v5 =	vadd.bf16 v5, v13;
	v13 =	vunpack.i.u.bf16.f32 v7;
	v7 =	vunpack.i.l.bf16.f32 v7  }
0x188: {  	v18 =	vld [tilespmem:s19+$0xFFFFFFE0];
	v13 =	vadd.f32 v7, v13;
	v61 =	vunpack.i.u.bf16.f32 v9;
	v9 =	vunpack.i.l.bf16.f32 v9  }
0x189: {  	v14 =	vld [tilespmem:s18+$0xFFFFFFD0];
	v11 =	vadd.bf16 v19, v11;
	v9 =	vadd.f32 v9, v61  }
0x18a: {  	v17 =	vld [tilespmem:s19+$0xFFFFFFD0];
	v7 =	vunpack.i.u.bf16.f32 v5;
	v5 =	vunpack.i.l.bf16.f32 v5  }
0x18b: {  	v3 =	vld [tilespmem:s19+$0xFFFFFFB0];
	v19 =	vunpack.i.u.bf16.f32 v11;
	v11 =	vunpack.i.l.bf16.f32 v11;
	v9 =	vadd.f32 v9, v13  }
0x18c: {  	v6 =	vld [tilespmem:s19+$0xFFFFFF30];
	v5 =	vadd.f32 v5, v7;
	v19 =	vadd.f32 v11, v19  }
0x18d: {  	v10 =	vld [tilespmem:s19+$0xFFFFFF90];
	v22 =	vsub.bf16 v15, v22;
	v15 =	vsub.bf16 v18, v23;
	(xrf2) =	vadd.scan.msk.f32 $0xffff, v9  }
0x18e: {  	v23 =	vld [tilespmem:s18+$0xFFFFFF60];
	v63 =	vadd.f32 v19, v5  }
0x18f: {  	v18 =	vmul.bf16 v15, v15;
	v15 =	vld [tilespmem:s18+$0xFFFFFF50];
	v17 =	vsub.bf16 v17, v14  }
0x190: {  	v7 =	vsub.bf16 v12, v16;
	v16 =	vld [tilespmem:s19+$0xFFFFFF20];
	(xrf2) =	vadd.scan.msk.f32 $0xffff, v63  }
0x191: {  	v11 =	vld [tilespmem:s18+$0xFFFFFF10];
	v17 =	vmul.bf16 v17, v17  }
0x192: {  	v14 =	vld [tilespmem:s19+$0xFFFFFF50]  }
0x193: {  	v8 =	vsub.bf16 v34, v37;
	v22 =	vmul.bf16 v22, v22;
	v19 =	vld [tilespmem:s18+$0xFFFFFF20];
	v17 =	vadd.bf16 v18, v17  }
0x194: {  	v12 =	vsub.bf16 v20, v21;
	v20 =	vsub.bf16 v62, v23;
	v18 =	vld [tilespmem:s19+$0xFFFFFF10]  }
0x195: {  	s13 =	simm.s32 $0x4;
	s12 =	simm.s32 $0x0;
	s11 =	simm.s32 $0x2;
	v5 =	vimm.f32 $0.0e+00;
	v13 =	vsub.bf16 v59, v60;
	v9 =	vadd.bf16 v22, v17;
	v17 =	vld [tilespmem:s18+$0xFFFFFF90]  }
.LBB2_7:
0x196: {  	p1 =	slt.u32 s13, $0xE;
	v21 =	vld [tilespmem:s18+$0xFFFFFF30];
	v12 =	vmul.bf16 v12, v12;
	s0 =	smov.u32 s13;
	s13 =	sadd.s32 $0x2, s13  }
0x197: {  	v23 =	vmul.bf16 v8, v8;
	v8 =	vmov s12;
	v22 =	vld [tilespmem:s18+$0xFFFFFFB0];
	v24, _, _ =	vpop (xrf2)  }
0x198: {  	v20 =	vmul.bf16 v20, v20;
	vm0 =	veq.s32 v8, v1;
	v16 =	vsub.bf16 v16, v19;
	v19 =	vld [tilespmem:s18+$0xFFFFFF40]  }
0x199: {  	s19 =	sadd.s32 $0x100, s19;
	v8 =	vsub.bf16 v18, v11;
	v11 =	vsub.bf16 v14, v15;
	v14 =	vld [tilespmem:s18+$0xFFFFFFC0];
	v15 =	vperm.xlane v24, v0  }
0x19a: {  	v13 =	vmul.bf16 v13, v13;
	s31 =	sadd.s32 $0x1, s12;
	s12 =	smov.u32 s11;
	s18 =	sadd.s32 $0x100, s18;
	v18 =	vld [tilespmem:s19+$0x0];
	v16 =	vmul.bf16 v16, v16;
	v10 =	vsub.bf16 v10, v17;
	v17, _, _ =	vpop (xrf2)  }
0x19b: {  	v25 =	vmov s31;
	s11 =	smov.u32 s0;
	v24 =	vld [tilespmem:s18+$0x0];
	v8 =	vmul.bf16 v8, v8;
	v11 =	vmul.bf16 v11, v11  }
0x19c: {  	v5 =	vsel vm0, v15, v5;
	v15 =	vperm.xlane v17, v0;
	v26 =	vld [tilespmem:s19+$0xFFFFFFC0];
	v10 =	vmul.bf16 v10, v10  }
0x19d: {  	v6 =	vsub.bf16 v6, v21;
	vm0 =	veq.s32 v25, v1;
	v17 =	vld [tilespmem:s19+$0xFFFFFF80];
	v16 =	vadd.bf16 v16, v8  }
0x19e: {  	v8 =	vsub.bf16 v3, v22;
	v5 =	vsel vm0, v15, v5;
	v21 =	vld [tilespmem:s18+$0xFFFFFF80];
	v10 =	vadd.bf16 v13, v10  }
0x19f: {  	v6 =	vmul.bf16 v6, v6;
	v11 =	vadd.bf16 v20, v11;
	v20 =	vsub.bf16 v2, v14;
	v13 =	vld [tilespmem:s19+$0xFFFFFF40]  }
0x1a0: {  	v4 =	vsub.bf16 v4, v19;
	v14 =	vmul.bf16 v7, v7;
	v15 =	vmul.bf16 v8, v8;
	v3 =	vld [tilespmem:s19+$0xFFFFFFB0]  }
0x1a1: {  	v11 =	vadd.bf16 v12, v11;
	v8 =	vsub.bf16 v18, v24;
	v18 =	vmul.bf16 v20, v20;
	v19 =	vld [tilespmem:s19+$0xFFFFFF70];
	v2 =	vmovc v26  }
0x1a2: {  	v9 =	vadd.bf16 v23, v9;
	v6 =	vadd.bf16 v6, v16;
	v20 =	vmul.bf16 v4, v4;
	v12 =	vld [tilespmem:s18+$0xFFFFFF70]  }
0x1a3: {  	v11 =	vadd.bf16 v14, v11;
	v7 =	vsub.bf16 v17, v21;
	v16 =	vld [tilespmem:s19+$0xFFFFFFF0]  }
0x1a4: {  	v10 =	vadd.bf16 v15, v10;
	v15 =	vunpack.i.u.bf16.f32 v9;
	v17 =	vadd.bf16 v20, v6;
	v14 =	vld [tilespmem:s18+$0xFFFFFFF0];
	v4 =	vmovc v13  }
0x1a5: {  	v9 =	vunpack.i.l.bf16.f32 v9;
	v13 =	vunpack.i.u.bf16.f32 v11;
	v11 =	vunpack.i.l.bf16.f32 v11;
	v6 =	vld [tilespmem:s19+$0xFFFFFF30]  }
0x1a6: {  	v9 =	vadd.f32 v9, v15;
	v21 =	vunpack.i.u.bf16.f32 v17;
	v11 =	vadd.f32 v11, v13;
	v20 =	vld [tilespmem:s19+$0xFFFFFFE0]  }
0x1a7: {  	v10 =	vadd.bf16 v18, v10;
	v12 =	vsub.bf16 v19, v12;
	v13 =	vld [tilespmem:s18+$0xFFFFFFE0]  }
0x1a8: {  	v17 =	vunpack.i.l.bf16.f32 v17;
	v15 =	vld [tilespmem:s19+$0xFFFFFFD0]  }
0x1a9: {  	v18 =	vld [tilespmem:s18+$0xFFFFFFD0];
	v19 =	vsub.bf16 v16, v14;
	v14 =	vadd.f32 v17, v21;
	v16 =	vunpack.i.u.bf16.f32 v10  }
0x1aa: {  	v10 =	vunpack.i.l.bf16.f32 v10;
	v17 =	vld [tilespmem:s19+$0xFFFFFFA0]  }
0x1ab: {  	v16 =	vadd.f32 v10, v16;
	v21 =	vld [tilespmem:s18+$0xFFFFFFA0];
	v14 =	vadd.f32 v11, v14  }
0x1ac: {  	v10 =	vld [tilespmem:s19+$0xFFFFFF90];
	v20 =	vsub.bf16 v20, v13  }
0x1ad: {  	v9 =	vadd.f32 v9, v16;
	v11 =	vld [tilespmem:s18+$0xFFFFFF10];
	(xrf2) =	vadd.scan.msk.f32 $0xffff, v14  }
0x1ae: {  	v22 =	vld [tilespmem:s19+$0xFFFFFF60];
	v15 =	vsub.bf16 v15, v18  }
0x1af: {  	v23 =	vld [tilespmem:s18+$0xFFFFFF60]  }
0x1b0: {  	v18 =	vmul.bf16 v20, v20;
	v14 =	vld [tilespmem:s19+$0xFFFFFF50];
	v13 =	vsub.bf16 v17, v21;
	v17 =	vmul.bf16 v15, v15;
	(xrf2) =	vadd.scan.msk.f32 $0xffff, v9  }
.Ltmp2:
0x1b1: {  	v15 =	vld [tilespmem:s18+$0xFFFFFF50];
	(pc) =	sbr.rel @p1 .LBB2_7-.Ltmp2, $4  }
0x1b2: {  	v16 =	vld [tilespmem:s19+$0xFFFFFF20];
	v9 =	vadd.bf16 v18, v17;
	v17 =	vmul.bf16 v19, v19  }
0x1b3: {  	v19 =	vld [tilespmem:s18+$0xFFFFFF20]  }
0x1b4: {  	v18 =	vld [tilespmem:s19+$0xFFFFFF10];
	v20 =	vsub.bf16 v22, v23;
	v9 =	vadd.bf16 v17, v9  }
0x1b5: {  	v17 =	vld [tilespmem:s18+$0xFFFFFF90]  }
0x1b6: {  	v21 =	vld [tilespmem:s18+$0xFFFFFF30]  }
0x1b7: {  	v14 =	vsub.bf16 v14, v15;
	v15 =	vld [tilespmem:s18+$0xFFFFFF40]  }
0x1b8: {  	v12 =	vmul.bf16 v12, v12;
	v13 =	vmul.bf16 v13, v13;
	v16 =	vsub.bf16 v16, v19;
	v19 =	vld [tilespmem:s18+$0xFFFFFFB0]  }
0x1b9: {  	v8 =	vmul.bf16 v8, v8;
	v14 =	vmul.bf16 v14, v14  }
0x1ba: {  	v11 =	vsub.bf16 v18, v11;
	v18 =	vmul.bf16 v20, v20;
	v10 =	vsub.bf16 v10, v17;
	v17 =	vld [tilespmem:s18+$0xFFFFFFC0]  }
0x1bb: {  	v7 =	vmul.bf16 v7, v7;
	v8 =	vadd.bf16 v8, v9;
	v16 =	vmul.bf16 v16, v16  }
0x1bc: {  	v11 =	vmul.bf16 v11, v11;
	v6 =	vsub.bf16 v6, v21;
	v14 =	vadd.bf16 v18, v14  }
0x1bd: {  	v4 =	vsub.bf16 v4, v15;
	v10 =	vmul.bf16 v10, v10;
	v3 =	vsub.bf16 v3, v19  }
0x1be: {  	v11 =	vadd.bf16 v16, v11;
	v6 =	vmul.bf16 v6, v6;
	v12 =	vadd.bf16 v12, v14  }
0x1bf: {  	v10 =	vadd.bf16 v13, v10;
	v2 =	vsub.bf16 v2, v17;
	v3 =	vmul.bf16 v3, v3  }
0x1c0: {  	v4 =	vmul.bf16 v4, v4;
	v6 =	vadd.bf16 v6, v11;
	v7 =	vadd.bf16 v7, v12  }
0x1c1: {  	v2 =	vmul.bf16 v2, v2;
	v3 =	vadd.bf16 v3, v10  }
0x1c2: {  	v4 =	vadd.bf16 v4, v6;
	v6 =	vunpack.i.u.bf16.f32 v8;
	v9 =	vunpack.i.u.bf16.f32 v7  }
0x1c3: {  	v7 =	vunpack.i.l.bf16.f32 v7;
	v8 =	vunpack.i.l.bf16.f32 v8;
	v2 =	vadd.bf16 v2, v3  }
0x1c4: {  	v7 =	vadd.f32 v7, v9;
	v3 =	vunpack.i.u.bf16.f32 v4;
	v4 =	vunpack.i.l.bf16.f32 v4  }
0x1c5: {  	v3 =	vadd.f32 v4, v3;
	v4 =	vunpack.i.u.bf16.f32 v2;
	v2 =	vunpack.i.l.bf16.f32 v2  }
0x1c6: {  	v6 =	vadd.f32 v8, v6;
	v2 =	vadd.f32 v2, v4  }
0x1c7: {  	v3 =	vadd.f32 v7, v3  }
0x1c8: {  	v2 =	vadd.f32 v6, v2  }
0x1c9: {  	(xrf2) =	vadd.scan.msk.f32 $0xffff, v3  }
0x1ca: {  	(xrf2) =	vadd.scan.msk.f32 $0xffff, v2;
	_ =	sdelay $0x4  }
0x1cb: {  	s0 =	sadd.s32 $0x1, s12;
	v4 =	vmov s12  }
0x1cc: {  	vm0 =	veq.s32 v4, v1;
	v4 =	vmov s0;
	v2, _, _ =	vpop (xrf2)  }
0x1cd: {  	v3, _, _ =	vpop (xrf2);
	v2 =	vperm.xlane v2, v0  }
0x1ce: {  	v3 =	vperm.xlane v3, v0  }
0x1cf: {  	vm13 =	veq.s32 v4, v1;
	v2 =	vsel vm0, v2, v5;
	v4, _, _ =	vpop (xrf2)  }
0x1d0: {  	s18 =	sadd.s32 $0x1, s11;
	v2 =	vsel vm13, v3, v2;
	v3 =	vmov s11;
	v4 =	vperm.xlane v4, v0;
	v5, _, _ =	vpop (xrf2)  }
0x1d1: {  	vm14 =	veq.s32 v3, v1;
	v3 =	vmov s18;
	v5 =	vperm.xlane v5, v0  }
0x1d2: {  	vm15 =	veq.s32 v3, v1;
	v2 =	vsel vm14, v4, v2  }
0x1d3: {  	v2 =	vsel vm15, v5, v2  }
0x1d4: {  	v3 =	vshra.s32 v2, $0x1;
	v4 =	vmul.f32 $5.000000000e-01, v2  }
0x1d5: {  	v3 =	vsub.s32 $0x5F3759DF, v3  }
0x1d6: {  	v5 =	vmul.f32 v3, v4;
	_ =	sdelay $0x1  }
0x1d7: {  	v5 =	vmul.f32 v3, v5;
	_ =	sdelay $0x1  }
0x1d8: {  	v5 =	vsub.f32 $1.500000000e+00, v5;
	_ =	sdelay $0x1  }
0x1d9: {  	v3 =	vmul.f32 v3, v5;
	_ =	sdelay $0x1  }
0x1da: {  	v5 =	vmul.f32 v3, v4;
	_ =	sdelay $0x1  }
0x1db: {  	v5 =	vmul.f32 v5, v3;
	_ =	sdelay $0x1  }
0x1dc: {  	v5 =	vsub.f32 $1.500000000e+00, v5;
	_ =	sdelay $0x1  }
0x1dd: {  	v3 =	vmul.f32 v5, v3;
	_ =	sdelay $0x1  }
0x1de: {  	v4 =	vmul.f32 v3, v4;
	_ =	sdelay $0x1  }
0x1df: {  	v4 =	vmul.f32 v4, v3;
	_ =	sdelay $0x1  }
0x1e0: {  	v4 =	vsub.f32 $1.500000000e+00, v4;
	_ =	sdelay $0x1  }
0x1e1: {  	v3 =	vmul.f32 v4, v3;
	_ =	sdelay $0x1  }
0x1e2: {  	v2 =	vmul.f32 v3, v2;
	_ =	sdelay $0x1  }
0x1e3: {  	s19 =	simm.s32 $0x1B2F0;
	[tilespmem:$0x1FA20] =	vst v2  }
0x1e4: {  	s31 =	simm.s32 $0x152F0;
	v2 =	vld [tilespmem:s19+$0x0]  }
0x1e5: {  	v3 =	vld [tilespmem:s31+$0x0]  }
0x1e6: {  	v5 =	vld [tilespmem:s19+$0xFFFFFFC0]  }
0x1e7: {  	v4 =	vld [tilespmem:s19+$0xFFFFFF80]  }
0x1e8: {  	v6 =	vld [tilespmem:s31+$0xFFFFFF80]  }
0x1e9: {  	v7 =	vld [tilespmem:s19+$0xFFFFFF40]  }
0x1ea: {  	v8 =	vld [tilespmem:s19+$0xFFFFFFB0]  }
0x1eb: {  	v9 =	vld [tilespmem:s19+$0xFFFFFF70]  }
0x1ec: {  	v10 =	vld [tilespmem:s31+$0xFFFFFF70]  }
0x1ed: {  	v11 =	vld [tilespmem:s19+$0xFFFFFFF0]  }
0x1ee: {  	v12 =	vld [tilespmem:s31+$0xFFFFFFF0]  }
0x1ef: {  	v13 =	vld [tilespmem:s19+$0xFFFFFF30]  }
0x1f0: {  	v14 =	vld [tilespmem:s19+$0xFFFFFFE0]  }
0x1f1: {  	v15 =	vld [tilespmem:s31+$0xFFFFFFE0]  }
0x1f2: {  	v16 =	vld [tilespmem:s19+$0xFFFFFFD0]  }
0x1f3: {  	v17 =	vld [tilespmem:s31+$0xFFFFFFD0]  }
0x1f4: {  	v18 =	vld [tilespmem:s19+$0xFFFFFFA0]  }
0x1f5: {  	v19 =	vld [tilespmem:s31+$0xFFFFFFA0]  }
0x1f6: {  	v20 =	vld [tilespmem:s19+$0xFFFFFF90]  }
0x1f7: {  	v21 =	vld [tilespmem:s31+$0xFFFFFF10]  }
0x1f8: {  	v22 =	vld [tilespmem:s19+$0xFFFFFF60]  }
0x1f9: {  	v23 =	vld [tilespmem:s31+$0xFFFFFF60]  }
0x1fa: {  	v24 =	vld [tilespmem:s19+$0xFFFFFF50]  }
0x1fb: {  	v25 =	vld [tilespmem:s31+$0xFFFFFF50]  }
0x1fc: {  	v26 =	vld [tilespmem:s19+$0xFFFFFF20]  }
0x1fd: {  	v27 =	vld [tilespmem:s31+$0xFFFFFF20]  }
0x1fe: {  	v28 =	vld [tilespmem:s19+$0xFFFFFF10]  }
0x1ff: {  	v29 =	vld [tilespmem:s31+$0xFFFFFF90]  }
0x200: {  	v30 =	vld [tilespmem:s31+$0xFFFFFF30];
	v35 =	vsub.bf16 v2, v3  }
0x201: {  	v31 =	vld [tilespmem:s31+$0xFFFFFFB0];
	v36 =	vsub.bf16 v4, v6;
	v3 =	vsub.bf16 v14, v15  }
0x202: {  	v32 =	vld [tilespmem:s31+$0xFFFFFF40];
	v4 =	vsub.bf16 v16, v17;
	v9 =	vsub.bf16 v9, v10  }
0x203: {  	s18 =	simm.s32 $0x153F0;
	v33 =	vld [tilespmem:s31+$0xFFFFFFC0];
	v6 =	vsub.bf16 v11, v12;
	v10 =	vsub.bf16 v18, v19  }
0x204: {  	v37 =	vld [tilespmem:s18+$0x0];
	v14 =	vsub.bf16 v26, v27;
	v11 =	vmul.bf16 v4, v4;
	v3 =	vmul.bf16 v3, v3  }
0x205: {  	s19 =	simm.s32 $0x1B3F0;
	v60 =	vld [tilespmem:s18+$0xFFFFFFA0];
	v15 =	vsub.bf16 v28, v21;
	v17 =	vsub.bf16 v22, v23  }
0x206: {  	v34 =	vld [tilespmem:s19+$0x0];
	v18 =	vsub.bf16 v20, v29;
	v6 =	vmul.bf16 v6, v6;
	v11 =	vadd.bf16 v3, v11  }
0x207: {  	v59 =	vld [tilespmem:s19+$0xFFFFFFA0];
	v13 =	vsub.bf16 v13, v30;
	v8 =	vsub.bf16 v8, v31  }
0x208: {  	v62 =	vld [tilespmem:s19+$0xFFFFFF60];
	v14 =	vmul.bf16 v14, v14;
	v11 =	vadd.bf16 v6, v11;
	v6 =	vsub.bf16 v24, v25  }
0x209: {  	v2 =	vld [tilespmem:s19+$0xFFFFFFC0];
	v5 =	vsub.bf16 v5, v33;
	v15 =	vmul.bf16 v15, v15;
	v10 =	vmul.bf16 v10, v10  }
0x20a: {  	v12 =	vld [tilespmem:s19+$0xFFFFFF80];
	v7 =	vsub.bf16 v7, v32;
	v17 =	vmul.bf16 v17, v17;
	v19 =	vmul.bf16 v6, v6  }
0x20b: {  	v16 =	vld [tilespmem:s18+$0xFFFFFF80];
	v18 =	vmul.bf16 v18, v18;
	v13 =	vmul.bf16 v13, v13;
	v14 =	vadd.bf16 v14, v15  }
0x20c: {  	v20 =	vld [tilespmem:s19+$0xFFFFFF70];
	v9 =	vmul.bf16 v9, v9;
	v58 =	vmul.bf16 v8, v8;
	v17 =	vadd.bf16 v17, v19  }
0x20d: {  	v21 =	vld [tilespmem:s18+$0xFFFFFF70];
	v7 =	vmul.bf16 v7, v7;
	v10 =	vadd.bf16 v10, v18;
	v13 =	vadd.bf16 v13, v14  }
0x20e: {  	v22 =	vld [tilespmem:s18+$0xFFFFFFF0];
	v57 =	vmul.bf16 v36, v36;
	v9 =	vadd.bf16 v9, v17  }
0x20f: {  	v23 =	vld [tilespmem:s18+$0xFFFFFFE0];
	v5 =	vmul.bf16 v5, v5;
	v7 =	vadd.bf16 v7, v13;
	v13 =	vadd.bf16 v58, v10  }
0x210: {  	v4 =	vld [tilespmem:s19+$0xFFFFFF40];
	v19 =	vmul.bf16 v35, v35;
	v9 =	vadd.bf16 v57, v9  }
0x211: {  	v15 =	vld [tilespmem:s19+$0xFFFFFFF0];
	v5 =	vadd.bf16 v5, v13;
	v13 =	vunpack.i.u.bf16.f32 v7;
	v7 =	vunpack.i.l.bf16.f32 v7  }
0x212: {  	v18 =	vld [tilespmem:s19+$0xFFFFFFE0];
	v13 =	vadd.f32 v7, v13;
	v61 =	vunpack.i.u.bf16.f32 v9;
	v9 =	vunpack.i.l.bf16.f32 v9  }
0x213: {  	v14 =	vld [tilespmem:s18+$0xFFFFFFD0];
	v11 =	vadd.bf16 v19, v11;
	v9 =	vadd.f32 v9, v61  }
0x214: {  	v17 =	vld [tilespmem:s19+$0xFFFFFFD0];
	v7 =	vunpack.i.u.bf16.f32 v5;
	v5 =	vunpack.i.l.bf16.f32 v5  }
0x215: {  	v3 =	vld [tilespmem:s19+$0xFFFFFFB0];
	v19 =	vunpack.i.u.bf16.f32 v11;
	v11 =	vunpack.i.l.bf16.f32 v11;
	v9 =	vadd.f32 v9, v13  }
0x216: {  	v6 =	vld [tilespmem:s19+$0xFFFFFF30];
	v5 =	vadd.f32 v5, v7;
	v19 =	vadd.f32 v11, v19  }
0x217: {  	v10 =	vld [tilespmem:s19+$0xFFFFFF90];
	v22 =	vsub.bf16 v15, v22;
	v15 =	vsub.bf16 v18, v23;
	(xrf2) =	vadd.scan.msk.f32 $0xffff, v9  }
0x218: {  	v23 =	vld [tilespmem:s18+$0xFFFFFF60];
	v63 =	vadd.f32 v19, v5  }
0x219: {  	v18 =	vmul.bf16 v15, v15;
	v15 =	vld [tilespmem:s18+$0xFFFFFF50];
	v17 =	vsub.bf16 v17, v14  }
0x21a: {  	v7 =	vsub.bf16 v12, v16;
	v16 =	vld [tilespmem:s19+$0xFFFFFF20];
	(xrf2) =	vadd.scan.msk.f32 $0xffff, v63  }
0x21b: {  	v11 =	vld [tilespmem:s18+$0xFFFFFF10];
	v17 =	vmul.bf16 v17, v17  }
0x21c: {  	v14 =	vld [tilespmem:s19+$0xFFFFFF50]  }
0x21d: {  	v8 =	vsub.bf16 v34, v37;
	v22 =	vmul.bf16 v22, v22;
	v19 =	vld [tilespmem:s18+$0xFFFFFF20];
	v17 =	vadd.bf16 v18, v17  }
0x21e: {  	v12 =	vsub.bf16 v20, v21;
	v20 =	vsub.bf16 v62, v23;
	v18 =	vld [tilespmem:s19+$0xFFFFFF10]  }
0x21f: {  	s13 =	simm.s32 $0x4;
	s12 =	simm.s32 $0x0;
	s11 =	simm.s32 $0x2;
	v5 =	vimm.f32 $0.0e+00;
	v13 =	vsub.bf16 v59, v60;
	v9 =	vadd.bf16 v22, v17;
	v17 =	vld [tilespmem:s18+$0xFFFFFF90]  }
.LBB2_9:
0x220: {  	p1 =	slt.u32 s13, $0xE;
	v21 =	vld [tilespmem:s18+$0xFFFFFF30];
	v12 =	vmul.bf16 v12, v12;
	s0 =	smov.u32 s13;
	s13 =	sadd.s32 $0x2, s13  }
0x221: {  	v23 =	vmul.bf16 v8, v8;
	v8 =	vmov s12;
	v22 =	vld [tilespmem:s18+$0xFFFFFFB0];
	v24, _, _ =	vpop (xrf2)  }
0x222: {  	v20 =	vmul.bf16 v20, v20;
	vm0 =	veq.s32 v8, v1;
	v16 =	vsub.bf16 v16, v19;
	v19 =	vld [tilespmem:s18+$0xFFFFFF40]  }
0x223: {  	s19 =	sadd.s32 $0x100, s19;
	v8 =	vsub.bf16 v18, v11;
	v11 =	vsub.bf16 v14, v15;
	v14 =	vld [tilespmem:s18+$0xFFFFFFC0];
	v15 =	vperm.xlane v24, v0  }
0x224: {  	v13 =	vmul.bf16 v13, v13;
	s31 =	sadd.s32 $0x1, s12;
	s12 =	smov.u32 s11;
	s18 =	sadd.s32 $0x100, s18;
	v18 =	vld [tilespmem:s19+$0x0];
	v16 =	vmul.bf16 v16, v16;
	v10 =	vsub.bf16 v10, v17;
	v17, _, _ =	vpop (xrf2)  }
0x225: {  	v25 =	vmov s31;
	s11 =	smov.u32 s0;
	v24 =	vld [tilespmem:s18+$0x0];
	v8 =	vmul.bf16 v8, v8;
	v11 =	vmul.bf16 v11, v11  }
0x226: {  	v5 =	vsel vm0, v15, v5;
	v15 =	vperm.xlane v17, v0;
	v26 =	vld [tilespmem:s19+$0xFFFFFFC0];
	v10 =	vmul.bf16 v10, v10  }
0x227: {  	v6 =	vsub.bf16 v6, v21;
	vm0 =	veq.s32 v25, v1;
	v17 =	vld [tilespmem:s19+$0xFFFFFF80];
	v16 =	vadd.bf16 v16, v8  }
0x228: {  	v8 =	vsub.bf16 v3, v22;
	v5 =	vsel vm0, v15, v5;
	v21 =	vld [tilespmem:s18+$0xFFFFFF80];
	v10 =	vadd.bf16 v13, v10  }
0x229: {  	v6 =	vmul.bf16 v6, v6;
	v11 =	vadd.bf16 v20, v11;
	v20 =	vsub.bf16 v2, v14;
	v13 =	vld [tilespmem:s19+$0xFFFFFF40]  }
0x22a: {  	v4 =	vsub.bf16 v4, v19;
	v14 =	vmul.bf16 v7, v7;
	v15 =	vmul.bf16 v8, v8;
	v3 =	vld [tilespmem:s19+$0xFFFFFFB0]  }
0x22b: {  	v11 =	vadd.bf16 v12, v11;
	v8 =	vsub.bf16 v18, v24;
	v18 =	vmul.bf16 v20, v20;
	v19 =	vld [tilespmem:s19+$0xFFFFFF70];
	v2 =	vmovc v26  }
0x22c: {  	v9 =	vadd.bf16 v23, v9;
	v6 =	vadd.bf16 v6, v16;
	v20 =	vmul.bf16 v4, v4;
	v12 =	vld [tilespmem:s18+$0xFFFFFF70]  }
0x22d: {  	v11 =	vadd.bf16 v14, v11;
	v7 =	vsub.bf16 v17, v21;
	v16 =	vld [tilespmem:s19+$0xFFFFFFF0]  }
0x22e: {  	v10 =	vadd.bf16 v15, v10;
	v15 =	vunpack.i.u.bf16.f32 v9;
	v17 =	vadd.bf16 v20, v6;
	v14 =	vld [tilespmem:s18+$0xFFFFFFF0];
	v4 =	vmovc v13  }
0x22f: {  	v9 =	vunpack.i.l.bf16.f32 v9;
	v13 =	vunpack.i.u.bf16.f32 v11;
	v11 =	vunpack.i.l.bf16.f32 v11;
	v6 =	vld [tilespmem:s19+$0xFFFFFF30]  }
0x230: {  	v9 =	vadd.f32 v9, v15;
	v21 =	vunpack.i.u.bf16.f32 v17;
	v11 =	vadd.f32 v11, v13;
	v20 =	vld [tilespmem:s19+$0xFFFFFFE0]  }
0x231: {  	v10 =	vadd.bf16 v18, v10;
	v12 =	vsub.bf16 v19, v12;
	v13 =	vld [tilespmem:s18+$0xFFFFFFE0]  }
0x232: {  	v17 =	vunpack.i.l.bf16.f32 v17;
	v15 =	vld [tilespmem:s19+$0xFFFFFFD0]  }
0x233: {  	v18 =	vld [tilespmem:s18+$0xFFFFFFD0];
	v19 =	vsub.bf16 v16, v14;
	v14 =	vadd.f32 v17, v21;
	v16 =	vunpack.i.u.bf16.f32 v10  }
0x234: {  	v10 =	vunpack.i.l.bf16.f32 v10;
	v17 =	vld [tilespmem:s19+$0xFFFFFFA0]  }
0x235: {  	v16 =	vadd.f32 v10, v16;
	v21 =	vld [tilespmem:s18+$0xFFFFFFA0];
	v14 =	vadd.f32 v11, v14  }
0x236: {  	v10 =	vld [tilespmem:s19+$0xFFFFFF90];
	v20 =	vsub.bf16 v20, v13  }
0x237: {  	v9 =	vadd.f32 v9, v16;
	v11 =	vld [tilespmem:s18+$0xFFFFFF10];
	(xrf2) =	vadd.scan.msk.f32 $0xffff, v14  }
0x238: {  	v22 =	vld [tilespmem:s19+$0xFFFFFF60];
	v15 =	vsub.bf16 v15, v18  }
0x239: {  	v23 =	vld [tilespmem:s18+$0xFFFFFF60]  }
0x23a: {  	v18 =	vmul.bf16 v20, v20;
	v14 =	vld [tilespmem:s19+$0xFFFFFF50];
	v13 =	vsub.bf16 v17, v21;
	v17 =	vmul.bf16 v15, v15;
	(xrf2) =	vadd.scan.msk.f32 $0xffff, v9  }
.Ltmp3:
0x23b: {  	v15 =	vld [tilespmem:s18+$0xFFFFFF50];
	(pc) =	sbr.rel @p1 .LBB2_9-.Ltmp3, $4  }
0x23c: {  	v16 =	vld [tilespmem:s19+$0xFFFFFF20];
	v9 =	vadd.bf16 v18, v17;
	v17 =	vmul.bf16 v19, v19  }
0x23d: {  	v19 =	vld [tilespmem:s18+$0xFFFFFF20]  }
0x23e: {  	v18 =	vld [tilespmem:s19+$0xFFFFFF10];
	v20 =	vsub.bf16 v22, v23;
	v9 =	vadd.bf16 v17, v9  }
0x23f: {  	v17 =	vld [tilespmem:s18+$0xFFFFFF90]  }
0x240: {  	v21 =	vld [tilespmem:s18+$0xFFFFFF30]  }
0x241: {  	v14 =	vsub.bf16 v14, v15;
	v15 =	vld [tilespmem:s18+$0xFFFFFF40]  }
0x242: {  	v12 =	vmul.bf16 v12, v12;
	v13 =	vmul.bf16 v13, v13;
	v16 =	vsub.bf16 v16, v19;
	v19 =	vld [tilespmem:s18+$0xFFFFFFB0]  }
0x243: {  	v8 =	vmul.bf16 v8, v8;
	v14 =	vmul.bf16 v14, v14  }
0x244: {  	v11 =	vsub.bf16 v18, v11;
	v18 =	vmul.bf16 v20, v20;
	v10 =	vsub.bf16 v10, v17;
	v17 =	vld [tilespmem:s18+$0xFFFFFFC0]  }
0x245: {  	v7 =	vmul.bf16 v7, v7;
	v8 =	vadd.bf16 v8, v9;
	v16 =	vmul.bf16 v16, v16  }
0x246: {  	v11 =	vmul.bf16 v11, v11;
	v6 =	vsub.bf16 v6, v21;
	v14 =	vadd.bf16 v18, v14  }
0x247: {  	v4 =	vsub.bf16 v4, v15;
	v10 =	vmul.bf16 v10, v10;
	v3 =	vsub.bf16 v3, v19  }
0x248: {  	v11 =	vadd.bf16 v16, v11;
	v6 =	vmul.bf16 v6, v6;
	v12 =	vadd.bf16 v12, v14  }
0x249: {  	v10 =	vadd.bf16 v13, v10;
	v2 =	vsub.bf16 v2, v17;
	v3 =	vmul.bf16 v3, v3  }
0x24a: {  	v4 =	vmul.bf16 v4, v4;
	v6 =	vadd.bf16 v6, v11;
	v7 =	vadd.bf16 v7, v12  }
0x24b: {  	v2 =	vmul.bf16 v2, v2;
	v3 =	vadd.bf16 v3, v10  }
0x24c: {  	v4 =	vadd.bf16 v4, v6;
	v6 =	vunpack.i.u.bf16.f32 v8;
	v9 =	vunpack.i.u.bf16.f32 v7  }
0x24d: {  	v7 =	vunpack.i.l.bf16.f32 v7;
	v8 =	vunpack.i.l.bf16.f32 v8;
	v2 =	vadd.bf16 v2, v3  }
0x24e: {  	v7 =	vadd.f32 v7, v9;
	v3 =	vunpack.i.u.bf16.f32 v4;
	v4 =	vunpack.i.l.bf16.f32 v4  }
0x24f: {  	v3 =	vadd.f32 v4, v3;
	v4 =	vunpack.i.u.bf16.f32 v2;
	v2 =	vunpack.i.l.bf16.f32 v2  }
0x250: {  	v6 =	vadd.f32 v8, v6;
	v2 =	vadd.f32 v2, v4  }
0x251: {  	v3 =	vadd.f32 v7, v3  }
0x252: {  	v2 =	vadd.f32 v6, v2  }
0x253: {  	(xrf2) =	vadd.scan.msk.f32 $0xffff, v3  }
0x254: {  	(xrf2) =	vadd.scan.msk.f32 $0xffff, v2;
	_ =	sdelay $0x4  }
0x255: {  	s0 =	sadd.s32 $0x1, s12;
	v4 =	vmov s12  }
0x256: {  	vm0 =	veq.s32 v4, v1;
	v4 =	vmov s0;
	v2, _, _ =	vpop (xrf2)  }
0x257: {  	v3, _, _ =	vpop (xrf2);
	v2 =	vperm.xlane v2, v0  }
0x258: {  	v3 =	vperm.xlane v3, v0  }
0x259: {  	vm13 =	veq.s32 v4, v1;
	v2 =	vsel vm0, v2, v5;
	v4, _, _ =	vpop (xrf2)  }
0x25a: {  	s18 =	sadd.s32 $0x1, s11;
	v2 =	vsel vm13, v3, v2;
	v3 =	vmov s11;
	v4 =	vperm.xlane v4, v0;
	v5, _, _ =	vpop (xrf2)  }
0x25b: {  	vm14 =	veq.s32 v3, v1;
	v3 =	vmov s18;
	v5 =	vperm.xlane v5, v0  }
0x25c: {  	vm15 =	veq.s32 v3, v1;
	v2 =	vsel vm14, v4, v2  }
0x25d: {  	v2 =	vsel vm15, v5, v2  }
0x25e: {  	v3 =	vshra.s32 v2, $0x1;
	v4 =	vmul.f32 $5.000000000e-01, v2  }
0x25f: {  	v3 =	vsub.s32 $0x5F3759DF, v3  }
0x260: {  	v5 =	vmul.f32 v3, v4;
	_ =	sdelay $0x1  }
0x261: {  	v5 =	vmul.f32 v3, v5;
	_ =	sdelay $0x1  }
0x262: {  	v5 =	vsub.f32 $1.500000000e+00, v5;
	_ =	sdelay $0x1  }
0x263: {  	v3 =	vmul.f32 v3, v5;
	_ =	sdelay $0x1  }
0x264: {  	v5 =	vmul.f32 v3, v4;
	_ =	sdelay $0x1  }
0x265: {  	v5 =	vmul.f32 v5, v3;
	_ =	sdelay $0x1  }
0x266: {  	v5 =	vsub.f32 $1.500000000e+00, v5;
	_ =	sdelay $0x1  }
0x267: {  	v3 =	vmul.f32 v5, v3;
	_ =	sdelay $0x1  }
0x268: {  	v4 =	vmul.f32 v3, v4;
	_ =	sdelay $0x1  }
0x269: {  	v4 =	vmul.f32 v4, v3;
	_ =	sdelay $0x1  }
0x26a: {  	v4 =	vsub.f32 $1.500000000e+00, v4;
	_ =	sdelay $0x1  }
0x26b: {  	v3 =	vmul.f32 v4, v3;
	_ =	sdelay $0x1  }
0x26c: {  	v2 =	vmul.f32 v3, v2;
	_ =	sdelay $0x1  }
0x26d: {  	s19 =	simm.s32 $0x1BAF0;
	[tilespmem:$0x1FA30] =	vst v2  }
0x26e: {  	s31 =	simm.s32 $0x15AF0;
	v2 =	vld [tilespmem:s19+$0x0]  }
0x26f: {  	v3 =	vld [tilespmem:s31+$0x0]  }
0x270: {  	v5 =	vld [tilespmem:s19+$0xFFFFFFC0]  }
0x271: {  	v4 =	vld [tilespmem:s19+$0xFFFFFF80]  }
0x272: {  	v6 =	vld [tilespmem:s31+$0xFFFFFF80]  }
0x273: {  	v7 =	vld [tilespmem:s19+$0xFFFFFF40]  }
0x274: {  	v8 =	vld [tilespmem:s19+$0xFFFFFFB0]  }
0x275: {  	v9 =	vld [tilespmem:s19+$0xFFFFFF70]  }
0x276: {  	v10 =	vld [tilespmem:s31+$0xFFFFFF70]  }
0x277: {  	v11 =	vld [tilespmem:s19+$0xFFFFFFF0]  }
0x278: {  	v12 =	vld [tilespmem:s31+$0xFFFFFFF0]  }
0x279: {  	v13 =	vld [tilespmem:s19+$0xFFFFFF30]  }
0x27a: {  	v14 =	vld [tilespmem:s19+$0xFFFFFFE0]  }
0x27b: {  	v15 =	vld [tilespmem:s31+$0xFFFFFFE0]  }
0x27c: {  	v16 =	vld [tilespmem:s19+$0xFFFFFFD0]  }
0x27d: {  	v17 =	vld [tilespmem:s31+$0xFFFFFFD0]  }
0x27e: {  	v18 =	vld [tilespmem:s19+$0xFFFFFFA0]  }
0x27f: {  	v19 =	vld [tilespmem:s31+$0xFFFFFFA0]  }
0x280: {  	v20 =	vld [tilespmem:s19+$0xFFFFFF90]  }
0x281: {  	v21 =	vld [tilespmem:s31+$0xFFFFFF10]  }
0x282: {  	v22 =	vld [tilespmem:s19+$0xFFFFFF60]  }
0x283: {  	v23 =	vld [tilespmem:s31+$0xFFFFFF60]  }
0x284: {  	v24 =	vld [tilespmem:s19+$0xFFFFFF50]  }
0x285: {  	v25 =	vld [tilespmem:s31+$0xFFFFFF50]  }
0x286: {  	v26 =	vld [tilespmem:s19+$0xFFFFFF20]  }
0x287: {  	v27 =	vld [tilespmem:s31+$0xFFFFFF20]  }
0x288: {  	v28 =	vld [tilespmem:s19+$0xFFFFFF10]  }
0x289: {  	v29 =	vld [tilespmem:s31+$0xFFFFFF90]  }
0x28a: {  	v30 =	vld [tilespmem:s31+$0xFFFFFF30];
	v35 =	vsub.bf16 v2, v3  }
0x28b: {  	v31 =	vld [tilespmem:s31+$0xFFFFFFB0];
	v36 =	vsub.bf16 v4, v6;
	v3 =	vsub.bf16 v14, v15  }
0x28c: {  	v32 =	vld [tilespmem:s31+$0xFFFFFF40];
	v4 =	vsub.bf16 v16, v17;
	v9 =	vsub.bf16 v9, v10  }
0x28d: {  	s18 =	simm.s32 $0x15BF0;
	v33 =	vld [tilespmem:s31+$0xFFFFFFC0];
	v6 =	vsub.bf16 v11, v12;
	v10 =	vsub.bf16 v18, v19  }
0x28e: {  	v37 =	vld [tilespmem:s18+$0x0];
	v14 =	vsub.bf16 v26, v27;
	v11 =	vmul.bf16 v4, v4;
	v3 =	vmul.bf16 v3, v3  }
0x28f: {  	s19 =	simm.s32 $0x1BBF0;
	v60 =	vld [tilespmem:s18+$0xFFFFFFA0];
	v15 =	vsub.bf16 v28, v21;
	v17 =	vsub.bf16 v22, v23  }
0x290: {  	v34 =	vld [tilespmem:s19+$0x0];
	v18 =	vsub.bf16 v20, v29;
	v6 =	vmul.bf16 v6, v6;
	v11 =	vadd.bf16 v3, v11  }
0x291: {  	v59 =	vld [tilespmem:s19+$0xFFFFFFA0];
	v13 =	vsub.bf16 v13, v30;
	v8 =	vsub.bf16 v8, v31  }
0x292: {  	v62 =	vld [tilespmem:s19+$0xFFFFFF60];
	v14 =	vmul.bf16 v14, v14;
	v11 =	vadd.bf16 v6, v11;
	v6 =	vsub.bf16 v24, v25  }
0x293: {  	v2 =	vld [tilespmem:s19+$0xFFFFFFC0];
	v5 =	vsub.bf16 v5, v33;
	v15 =	vmul.bf16 v15, v15;
	v10 =	vmul.bf16 v10, v10  }
0x294: {  	v12 =	vld [tilespmem:s19+$0xFFFFFF80];
	v7 =	vsub.bf16 v7, v32;
	v17 =	vmul.bf16 v17, v17;
	v19 =	vmul.bf16 v6, v6  }
0x295: {  	v16 =	vld [tilespmem:s18+$0xFFFFFF80];
	v18 =	vmul.bf16 v18, v18;
	v13 =	vmul.bf16 v13, v13;
	v14 =	vadd.bf16 v14, v15  }
0x296: {  	v20 =	vld [tilespmem:s19+$0xFFFFFF70];
	v9 =	vmul.bf16 v9, v9;
	v58 =	vmul.bf16 v8, v8;
	v17 =	vadd.bf16 v17, v19  }
0x297: {  	v21 =	vld [tilespmem:s18+$0xFFFFFF70];
	v7 =	vmul.bf16 v7, v7;
	v10 =	vadd.bf16 v10, v18;
	v13 =	vadd.bf16 v13, v14  }
0x298: {  	v22 =	vld [tilespmem:s18+$0xFFFFFFF0];
	v57 =	vmul.bf16 v36, v36;
	v9 =	vadd.bf16 v9, v17  }
0x299: {  	v23 =	vld [tilespmem:s18+$0xFFFFFFE0];
	v5 =	vmul.bf16 v5, v5;
	v7 =	vadd.bf16 v7, v13;
	v13 =	vadd.bf16 v58, v10  }
0x29a: {  	v4 =	vld [tilespmem:s19+$0xFFFFFF40];
	v19 =	vmul.bf16 v35, v35;
	v9 =	vadd.bf16 v57, v9  }
0x29b: {  	v15 =	vld [tilespmem:s19+$0xFFFFFFF0];
	v5 =	vadd.bf16 v5, v13;
	v13 =	vunpack.i.u.bf16.f32 v7;
	v7 =	vunpack.i.l.bf16.f32 v7  }
0x29c: {  	v18 =	vld [tilespmem:s19+$0xFFFFFFE0];
	v13 =	vadd.f32 v7, v13;
	v61 =	vunpack.i.u.bf16.f32 v9;
	v9 =	vunpack.i.l.bf16.f32 v9  }
0x29d: {  	v14 =	vld [tilespmem:s18+$0xFFFFFFD0];
	v11 =	vadd.bf16 v19, v11;
	v9 =	vadd.f32 v9, v61  }
0x29e: {  	v17 =	vld [tilespmem:s19+$0xFFFFFFD0];
	v7 =	vunpack.i.u.bf16.f32 v5;
	v5 =	vunpack.i.l.bf16.f32 v5  }
0x29f: {  	v3 =	vld [tilespmem:s19+$0xFFFFFFB0];
	v19 =	vunpack.i.u.bf16.f32 v11;
	v11 =	vunpack.i.l.bf16.f32 v11;
	v9 =	vadd.f32 v9, v13  }
0x2a0: {  	v6 =	vld [tilespmem:s19+$0xFFFFFF30];
	v5 =	vadd.f32 v5, v7;
	v19 =	vadd.f32 v11, v19  }
0x2a1: {  	v10 =	vld [tilespmem:s19+$0xFFFFFF90];
	v22 =	vsub.bf16 v15, v22;
	v15 =	vsub.bf16 v18, v23;
	(xrf2) =	vadd.scan.msk.f32 $0xffff, v9  }
0x2a2: {  	v23 =	vld [tilespmem:s18+$0xFFFFFF60];
	v63 =	vadd.f32 v19, v5  }
0x2a3: {  	v18 =	vmul.bf16 v15, v15;
	v15 =	vld [tilespmem:s18+$0xFFFFFF50];
	v17 =	vsub.bf16 v17, v14  }
0x2a4: {  	v7 =	vsub.bf16 v12, v16;
	v16 =	vld [tilespmem:s19+$0xFFFFFF20];
	(xrf2) =	vadd.scan.msk.f32 $0xffff, v63  }
0x2a5: {  	v11 =	vld [tilespmem:s18+$0xFFFFFF10];
	v17 =	vmul.bf16 v17, v17  }
0x2a6: {  	v14 =	vld [tilespmem:s19+$0xFFFFFF50]  }
0x2a7: {  	v8 =	vsub.bf16 v34, v37;
	v22 =	vmul.bf16 v22, v22;
	v19 =	vld [tilespmem:s18+$0xFFFFFF20];
	v17 =	vadd.bf16 v18, v17  }
0x2a8: {  	v12 =	vsub.bf16 v20, v21;
	v20 =	vsub.bf16 v62, v23;
	v18 =	vld [tilespmem:s19+$0xFFFFFF10]  }
0x2a9: {  	s13 =	simm.s32 $0x4;
	s12 =	simm.s32 $0x0;
	s11 =	simm.s32 $0x2;
	v5 =	vimm.f32 $0.0e+00;
	v13 =	vsub.bf16 v59, v60;
	v9 =	vadd.bf16 v22, v17;
	v17 =	vld [tilespmem:s18+$0xFFFFFF90]  }
.LBB2_11:
0x2aa: {  	p1 =	slt.u32 s13, $0xE;
	v21 =	vld [tilespmem:s18+$0xFFFFFF30];
	v12 =	vmul.bf16 v12, v12;
	s0 =	smov.u32 s13;
	s13 =	sadd.s32 $0x2, s13  }
0x2ab: {  	v23 =	vmul.bf16 v8, v8;
	v8 =	vmov s12;
	v22 =	vld [tilespmem:s18+$0xFFFFFFB0];
	v24, _, _ =	vpop (xrf2)  }
0x2ac: {  	v20 =	vmul.bf16 v20, v20;
	vm0 =	veq.s32 v8, v1;
	v16 =	vsub.bf16 v16, v19;
	v19 =	vld [tilespmem:s18+$0xFFFFFF40]  }
0x2ad: {  	s19 =	sadd.s32 $0x100, s19;
	v8 =	vsub.bf16 v18, v11;
	v11 =	vsub.bf16 v14, v15;
	v14 =	vld [tilespmem:s18+$0xFFFFFFC0];
	v15 =	vperm.xlane v24, v0  }
0x2ae: {  	v13 =	vmul.bf16 v13, v13;
	s31 =	sadd.s32 $0x1, s12;
	s12 =	smov.u32 s11;
	s18 =	sadd.s32 $0x100, s18;
	v18 =	vld [tilespmem:s19+$0x0];
	v16 =	vmul.bf16 v16, v16;
	v10 =	vsub.bf16 v10, v17;
	v17, _, _ =	vpop (xrf2)  }
0x2af: {  	v25 =	vmov s31;
	s11 =	smov.u32 s0;
	v24 =	vld [tilespmem:s18+$0x0];
	v8 =	vmul.bf16 v8, v8;
	v11 =	vmul.bf16 v11, v11  }
0x2b0: {  	v5 =	vsel vm0, v15, v5;
	v15 =	vperm.xlane v17, v0;
	v26 =	vld [tilespmem:s19+$0xFFFFFFC0];
	v10 =	vmul.bf16 v10, v10  }
0x2b1: {  	v6 =	vsub.bf16 v6, v21;
	vm0 =	veq.s32 v25, v1;
	v17 =	vld [tilespmem:s19+$0xFFFFFF80];
	v16 =	vadd.bf16 v16, v8  }
0x2b2: {  	v8 =	vsub.bf16 v3, v22;
	v5 =	vsel vm0, v15, v5;
	v21 =	vld [tilespmem:s18+$0xFFFFFF80];
	v10 =	vadd.bf16 v13, v10  }
0x2b3: {  	v6 =	vmul.bf16 v6, v6;
	v11 =	vadd.bf16 v20, v11;
	v20 =	vsub.bf16 v2, v14;
	v13 =	vld [tilespmem:s19+$0xFFFFFF40]  }
0x2b4: {  	v4 =	vsub.bf16 v4, v19;
	v14 =	vmul.bf16 v7, v7;
	v15 =	vmul.bf16 v8, v8;
	v3 =	vld [tilespmem:s19+$0xFFFFFFB0]  }
0x2b5: {  	v11 =	vadd.bf16 v12, v11;
	v8 =	vsub.bf16 v18, v24;
	v18 =	vmul.bf16 v20, v20;
	v19 =	vld [tilespmem:s19+$0xFFFFFF70];
	v2 =	vmovc v26  }
0x2b6: {  	v9 =	vadd.bf16 v23, v9;
	v6 =	vadd.bf16 v6, v16;
	v20 =	vmul.bf16 v4, v4;
	v12 =	vld [tilespmem:s18+$0xFFFFFF70]  }
0x2b7: {  	v11 =	vadd.bf16 v14, v11;
	v7 =	vsub.bf16 v17, v21;
	v16 =	vld [tilespmem:s19+$0xFFFFFFF0]  }
0x2b8: {  	v10 =	vadd.bf16 v15, v10;
	v15 =	vunpack.i.u.bf16.f32 v9;
	v17 =	vadd.bf16 v20, v6;
	v14 =	vld [tilespmem:s18+$0xFFFFFFF0];
	v4 =	vmovc v13  }
0x2b9: {  	v9 =	vunpack.i.l.bf16.f32 v9;
	v13 =	vunpack.i.u.bf16.f32 v11;
	v11 =	vunpack.i.l.bf16.f32 v11;
	v6 =	vld [tilespmem:s19+$0xFFFFFF30]  }
0x2ba: {  	v9 =	vadd.f32 v9, v15;
	v21 =	vunpack.i.u.bf16.f32 v17;
	v11 =	vadd.f32 v11, v13;
	v20 =	vld [tilespmem:s19+$0xFFFFFFE0]  }
0x2bb: {  	v10 =	vadd.bf16 v18, v10;
	v12 =	vsub.bf16 v19, v12;
	v13 =	vld [tilespmem:s18+$0xFFFFFFE0]  }
0x2bc: {  	v17 =	vunpack.i.l.bf16.f32 v17;
	v15 =	vld [tilespmem:s19+$0xFFFFFFD0]  }
0x2bd: {  	v18 =	vld [tilespmem:s18+$0xFFFFFFD0];
	v19 =	vsub.bf16 v16, v14;
	v14 =	vadd.f32 v17, v21;
	v16 =	vunpack.i.u.bf16.f32 v10  }
0x2be: {  	v10 =	vunpack.i.l.bf16.f32 v10;
	v17 =	vld [tilespmem:s19+$0xFFFFFFA0]  }
0x2bf: {  	v16 =	vadd.f32 v10, v16;
	v21 =	vld [tilespmem:s18+$0xFFFFFFA0];
	v14 =	vadd.f32 v11, v14  }
0x2c0: {  	v10 =	vld [tilespmem:s19+$0xFFFFFF90];
	v20 =	vsub.bf16 v20, v13  }
0x2c1: {  	v9 =	vadd.f32 v9, v16;
	v11 =	vld [tilespmem:s18+$0xFFFFFF10];
	(xrf2) =	vadd.scan.msk.f32 $0xffff, v14  }
0x2c2: {  	v22 =	vld [tilespmem:s19+$0xFFFFFF60];
	v15 =	vsub.bf16 v15, v18  }
0x2c3: {  	v23 =	vld [tilespmem:s18+$0xFFFFFF60]  }
0x2c4: {  	v18 =	vmul.bf16 v20, v20;
	v14 =	vld [tilespmem:s19+$0xFFFFFF50];
	v13 =	vsub.bf16 v17, v21;
	v17 =	vmul.bf16 v15, v15;
	(xrf2) =	vadd.scan.msk.f32 $0xffff, v9  }
.Ltmp4:
0x2c5: {  	v15 =	vld [tilespmem:s18+$0xFFFFFF50];
	(pc) =	sbr.rel @p1 .LBB2_11-.Ltmp4, $4  }
0x2c6: {  	v16 =	vld [tilespmem:s19+$0xFFFFFF20];
	v9 =	vadd.bf16 v18, v17;
	v17 =	vmul.bf16 v19, v19  }
0x2c7: {  	v19 =	vld [tilespmem:s18+$0xFFFFFF20]  }
0x2c8: {  	v18 =	vld [tilespmem:s19+$0xFFFFFF10];
	v20 =	vsub.bf16 v22, v23;
	v9 =	vadd.bf16 v17, v9  }
0x2c9: {  	v17 =	vld [tilespmem:s18+$0xFFFFFF90]  }
0x2ca: {  	v21 =	vld [tilespmem:s18+$0xFFFFFF30]  }
0x2cb: {  	v14 =	vsub.bf16 v14, v15;
	v15 =	vld [tilespmem:s18+$0xFFFFFF40]  }
0x2cc: {  	v12 =	vmul.bf16 v12, v12;
	v13 =	vmul.bf16 v13, v13;
	v16 =	vsub.bf16 v16, v19;
	v19 =	vld [tilespmem:s18+$0xFFFFFFB0]  }
0x2cd: {  	v8 =	vmul.bf16 v8, v8;
	v14 =	vmul.bf16 v14, v14  }
0x2ce: {  	v11 =	vsub.bf16 v18, v11;
	v18 =	vmul.bf16 v20, v20;
	v10 =	vsub.bf16 v10, v17;
	v17 =	vld [tilespmem:s18+$0xFFFFFFC0]  }
0x2cf: {  	v7 =	vmul.bf16 v7, v7;
	v8 =	vadd.bf16 v8, v9;
	v16 =	vmul.bf16 v16, v16  }
0x2d0: {  	v11 =	vmul.bf16 v11, v11;
	v6 =	vsub.bf16 v6, v21;
	v14 =	vadd.bf16 v18, v14  }
0x2d1: {  	v4 =	vsub.bf16 v4, v15;
	v10 =	vmul.bf16 v10, v10;
	v3 =	vsub.bf16 v3, v19  }
0x2d2: {  	v11 =	vadd.bf16 v16, v11;
	v6 =	vmul.bf16 v6, v6;
	v12 =	vadd.bf16 v12, v14  }
0x2d3: {  	v10 =	vadd.bf16 v13, v10;
	v2 =	vsub.bf16 v2, v17;
	v3 =	vmul.bf16 v3, v3  }
0x2d4: {  	v4 =	vmul.bf16 v4, v4;
	v6 =	vadd.bf16 v6, v11;
	v7 =	vadd.bf16 v7, v12  }
0x2d5: {  	v2 =	vmul.bf16 v2, v2;
	v3 =	vadd.bf16 v3, v10  }
0x2d6: {  	v4 =	vadd.bf16 v4, v6;
	v6 =	vunpack.i.u.bf16.f32 v8;
	v9 =	vunpack.i.u.bf16.f32 v7  }
0x2d7: {  	v7 =	vunpack.i.l.bf16.f32 v7;
	v8 =	vunpack.i.l.bf16.f32 v8;
	v2 =	vadd.bf16 v2, v3  }
0x2d8: {  	v7 =	vadd.f32 v7, v9;
	v3 =	vunpack.i.u.bf16.f32 v4;
	v4 =	vunpack.i.l.bf16.f32 v4  }
0x2d9: {  	v3 =	vadd.f32 v4, v3;
	v4 =	vunpack.i.u.bf16.f32 v2;
	v2 =	vunpack.i.l.bf16.f32 v2  }
0x2da: {  	v6 =	vadd.f32 v8, v6;
	v2 =	vadd.f32 v2, v4  }
0x2db: {  	v3 =	vadd.f32 v7, v3  }
0x2dc: {  	v2 =	vadd.f32 v6, v2  }
0x2dd: {  	(xrf2) =	vadd.scan.msk.f32 $0xffff, v3  }
0x2de: {  	(xrf2) =	vadd.scan.msk.f32 $0xffff, v2;
	_ =	sdelay $0x4  }
0x2df: {  	s0 =	sadd.s32 $0x1, s12;
	v4 =	vmov s12  }
0x2e0: {  	vm0 =	veq.s32 v4, v1;
	v4 =	vmov s0;
	v2, _, _ =	vpop (xrf2)  }
0x2e1: {  	v3, _, _ =	vpop (xrf2);
	v2 =	vperm.xlane v2, v0  }
0x2e2: {  	v3 =	vperm.xlane v3, v0  }
0x2e3: {  	vm13 =	veq.s32 v4, v1;
	v2 =	vsel vm0, v2, v5;
	v4, _, _ =	vpop (xrf2)  }
0x2e4: {  	s18 =	sadd.s32 $0x1, s11;
	v2 =	vsel vm13, v3, v2;
	v3 =	vmov s11;
	v4 =	vperm.xlane v4, v0;
	v5, _, _ =	vpop (xrf2)  }
0x2e5: {  	vm14 =	veq.s32 v3, v1;
	v3 =	vmov s18;
	v5 =	vperm.xlane v5, v0  }
0x2e6: {  	vm15 =	veq.s32 v3, v1;
	v2 =	vsel vm14, v4, v2  }
0x2e7: {  	v2 =	vsel vm15, v5, v2  }
0x2e8: {  	v3 =	vshra.s32 v2, $0x1;
	v4 =	vmul.f32 $5.000000000e-01, v2  }
0x2e9: {  	v3 =	vsub.s32 $0x5F3759DF, v3  }
0x2ea: {  	v5 =	vmul.f32 v3, v4;
	_ =	sdelay $0x1  }
0x2eb: {  	v5 =	vmul.f32 v3, v5;
	_ =	sdelay $0x1  }
0x2ec: {  	v5 =	vsub.f32 $1.500000000e+00, v5;
	_ =	sdelay $0x1  }
0x2ed: {  	v3 =	vmul.f32 v3, v5;
	_ =	sdelay $0x1  }
0x2ee: {  	v5 =	vmul.f32 v3, v4;
	_ =	sdelay $0x1  }
0x2ef: {  	v5 =	vmul.f32 v5, v3;
	_ =	sdelay $0x1  }
0x2f0: {  	v5 =	vsub.f32 $1.500000000e+00, v5;
	_ =	sdelay $0x1  }
0x2f1: {  	v3 =	vmul.f32 v5, v3;
	_ =	sdelay $0x1  }
0x2f2: {  	v4 =	vmul.f32 v3, v4;
	_ =	sdelay $0x1  }
0x2f3: {  	v4 =	vmul.f32 v4, v3;
	_ =	sdelay $0x1  }
0x2f4: {  	v4 =	vsub.f32 $1.500000000e+00, v4;
	_ =	sdelay $0x1  }
0x2f5: {  	v3 =	vmul.f32 v4, v3;
	_ =	sdelay $0x1  }
0x2f6: {  	v2 =	vmul.f32 v3, v2;
	_ =	sdelay $0x1  }
0x2f7: {  	s19 =	simm.s32 $0x1C2F0;
	[tilespmem:$0x1FA40] =	vst v2  }
0x2f8: {  	s31 =	simm.s32 $0x162F0;
	v2 =	vld [tilespmem:s19+$0x0]  }
0x2f9: {  	v3 =	vld [tilespmem:s31+$0x0]  }
0x2fa: {  	v5 =	vld [tilespmem:s19+$0xFFFFFFC0]  }
0x2fb: {  	v4 =	vld [tilespmem:s19+$0xFFFFFF80]  }
0x2fc: {  	v6 =	vld [tilespmem:s31+$0xFFFFFF80]  }
0x2fd: {  	v7 =	vld [tilespmem:s19+$0xFFFFFF40]  }
0x2fe: {  	v8 =	vld [tilespmem:s19+$0xFFFFFFB0]  }
0x2ff: {  	v9 =	vld [tilespmem:s19+$0xFFFFFF70]  }
0x300: {  	v10 =	vld [tilespmem:s31+$0xFFFFFF70]  }
0x301: {  	v11 =	vld [tilespmem:s19+$0xFFFFFFF0]  }
0x302: {  	v12 =	vld [tilespmem:s31+$0xFFFFFFF0]  }
0x303: {  	v13 =	vld [tilespmem:s19+$0xFFFFFF30]  }
0x304: {  	v14 =	vld [tilespmem:s19+$0xFFFFFFE0]  }
0x305: {  	v15 =	vld [tilespmem:s31+$0xFFFFFFE0]  }
0x306: {  	v16 =	vld [tilespmem:s19+$0xFFFFFFD0]  }
0x307: {  	v17 =	vld [tilespmem:s31+$0xFFFFFFD0]  }
0x308: {  	v18 =	vld [tilespmem:s19+$0xFFFFFFA0]  }
0x309: {  	v19 =	vld [tilespmem:s31+$0xFFFFFFA0]  }
0x30a: {  	v20 =	vld [tilespmem:s19+$0xFFFFFF90]  }
0x30b: {  	v21 =	vld [tilespmem:s31+$0xFFFFFF10]  }
0x30c: {  	v22 =	vld [tilespmem:s19+$0xFFFFFF60]  }
0x30d: {  	v23 =	vld [tilespmem:s31+$0xFFFFFF60]  }
0x30e: {  	v24 =	vld [tilespmem:s19+$0xFFFFFF50]  }
0x30f: {  	v25 =	vld [tilespmem:s31+$0xFFFFFF50]  }
0x310: {  	v26 =	vld [tilespmem:s19+$0xFFFFFF20]  }
0x311: {  	v27 =	vld [tilespmem:s31+$0xFFFFFF20]  }
0x312: {  	v28 =	vld [tilespmem:s19+$0xFFFFFF10]  }
0x313: {  	v29 =	vld [tilespmem:s31+$0xFFFFFF90]  }
0x314: {  	v30 =	vld [tilespmem:s31+$0xFFFFFF30];
	v35 =	vsub.bf16 v2, v3  }
0x315: {  	v31 =	vld [tilespmem:s31+$0xFFFFFFB0];
	v36 =	vsub.bf16 v4, v6;
	v3 =	vsub.bf16 v14, v15  }
0x316: {  	v32 =	vld [tilespmem:s31+$0xFFFFFF40];
	v4 =	vsub.bf16 v16, v17;
	v9 =	vsub.bf16 v9, v10  }
0x317: {  	s18 =	simm.s32 $0x163F0;
	v33 =	vld [tilespmem:s31+$0xFFFFFFC0];
	v6 =	vsub.bf16 v11, v12;
	v10 =	vsub.bf16 v18, v19  }
0x318: {  	v37 =	vld [tilespmem:s18+$0x0];
	v14 =	vsub.bf16 v26, v27;
	v11 =	vmul.bf16 v4, v4;
	v3 =	vmul.bf16 v3, v3  }
0x319: {  	s19 =	simm.s32 $0x1C3F0;
	v60 =	vld [tilespmem:s18+$0xFFFFFFA0];
	v15 =	vsub.bf16 v28, v21;
	v17 =	vsub.bf16 v22, v23  }
0x31a: {  	v34 =	vld [tilespmem:s19+$0x0];
	v18 =	vsub.bf16 v20, v29;
	v6 =	vmul.bf16 v6, v6;
	v11 =	vadd.bf16 v3, v11  }
0x31b: {  	v59 =	vld [tilespmem:s19+$0xFFFFFFA0];
	v13 =	vsub.bf16 v13, v30;
	v8 =	vsub.bf16 v8, v31  }
0x31c: {  	v62 =	vld [tilespmem:s19+$0xFFFFFF60];
	v14 =	vmul.bf16 v14, v14;
	v11 =	vadd.bf16 v6, v11;
	v6 =	vsub.bf16 v24, v25  }
0x31d: {  	v2 =	vld [tilespmem:s19+$0xFFFFFFC0];
	v5 =	vsub.bf16 v5, v33;
	v15 =	vmul.bf16 v15, v15;
	v10 =	vmul.bf16 v10, v10  }
0x31e: {  	v12 =	vld [tilespmem:s19+$0xFFFFFF80];
	v7 =	vsub.bf16 v7, v32;
	v17 =	vmul.bf16 v17, v17;
	v19 =	vmul.bf16 v6, v6  }
0x31f: {  	v16 =	vld [tilespmem:s18+$0xFFFFFF80];
	v18 =	vmul.bf16 v18, v18;
	v13 =	vmul.bf16 v13, v13;
	v14 =	vadd.bf16 v14, v15  }
0x320: {  	v20 =	vld [tilespmem:s19+$0xFFFFFF70];
	v9 =	vmul.bf16 v9, v9;
	v58 =	vmul.bf16 v8, v8;
	v17 =	vadd.bf16 v17, v19  }
0x321: {  	v21 =	vld [tilespmem:s18+$0xFFFFFF70];
	v7 =	vmul.bf16 v7, v7;
	v10 =	vadd.bf16 v10, v18;
	v13 =	vadd.bf16 v13, v14  }
0x322: {  	v22 =	vld [tilespmem:s18+$0xFFFFFFF0];
	v57 =	vmul.bf16 v36, v36;
	v9 =	vadd.bf16 v9, v17  }
0x323: {  	v23 =	vld [tilespmem:s18+$0xFFFFFFE0];
	v5 =	vmul.bf16 v5, v5;
	v7 =	vadd.bf16 v7, v13;
	v13 =	vadd.bf16 v58, v10  }
0x324: {  	v4 =	vld [tilespmem:s19+$0xFFFFFF40];
	v19 =	vmul.bf16 v35, v35;
	v9 =	vadd.bf16 v57, v9  }
0x325: {  	v15 =	vld [tilespmem:s19+$0xFFFFFFF0];
	v5 =	vadd.bf16 v5, v13;
	v13 =	vunpack.i.u.bf16.f32 v7;
	v7 =	vunpack.i.l.bf16.f32 v7  }
0x326: {  	v18 =	vld [tilespmem:s19+$0xFFFFFFE0];
	v13 =	vadd.f32 v7, v13;
	v61 =	vunpack.i.u.bf16.f32 v9;
	v9 =	vunpack.i.l.bf16.f32 v9  }
0x327: {  	v14 =	vld [tilespmem:s18+$0xFFFFFFD0];
	v11 =	vadd.bf16 v19, v11;
	v9 =	vadd.f32 v9, v61  }
0x328: {  	v17 =	vld [tilespmem:s19+$0xFFFFFFD0];
	v7 =	vunpack.i.u.bf16.f32 v5;
	v5 =	vunpack.i.l.bf16.f32 v5  }
0x329: {  	v3 =	vld [tilespmem:s19+$0xFFFFFFB0];
	v19 =	vunpack.i.u.bf16.f32 v11;
	v11 =	vunpack.i.l.bf16.f32 v11;
	v9 =	vadd.f32 v9, v13  }
0x32a: {  	v6 =	vld [tilespmem:s19+$0xFFFFFF30];
	v5 =	vadd.f32 v5, v7;
	v19 =	vadd.f32 v11, v19  }
0x32b: {  	v10 =	vld [tilespmem:s19+$0xFFFFFF90];
	v22 =	vsub.bf16 v15, v22;
	v15 =	vsub.bf16 v18, v23;
	(xrf2) =	vadd.scan.msk.f32 $0xffff, v9  }
0x32c: {  	v23 =	vld [tilespmem:s18+$0xFFFFFF60];
	v63 =	vadd.f32 v19, v5  }
0x32d: {  	v18 =	vmul.bf16 v15, v15;
	v15 =	vld [tilespmem:s18+$0xFFFFFF50];
	v17 =	vsub.bf16 v17, v14  }
0x32e: {  	v7 =	vsub.bf16 v12, v16;
	v16 =	vld [tilespmem:s19+$0xFFFFFF20];
	(xrf2) =	vadd.scan.msk.f32 $0xffff, v63  }
0x32f: {  	v11 =	vld [tilespmem:s18+$0xFFFFFF10];
	v17 =	vmul.bf16 v17, v17  }
0x330: {  	v14 =	vld [tilespmem:s19+$0xFFFFFF50]  }
0x331: {  	v8 =	vsub.bf16 v34, v37;
	v22 =	vmul.bf16 v22, v22;
	v19 =	vld [tilespmem:s18+$0xFFFFFF20];
	v17 =	vadd.bf16 v18, v17  }
0x332: {  	v12 =	vsub.bf16 v20, v21;
	v20 =	vsub.bf16 v62, v23;
	v18 =	vld [tilespmem:s19+$0xFFFFFF10]  }
0x333: {  	s13 =	simm.s32 $0x4;
	s12 =	simm.s32 $0x0;
	s11 =	simm.s32 $0x2;
	v5 =	vimm.f32 $0.0e+00;
	v13 =	vsub.bf16 v59, v60;
	v9 =	vadd.bf16 v22, v17;
	v17 =	vld [tilespmem:s18+$0xFFFFFF90]  }
.LBB2_13:
0x334: {  	p1 =	slt.u32 s13, $0xE;
	v21 =	vld [tilespmem:s18+$0xFFFFFF30];
	v12 =	vmul.bf16 v12, v12;
	s0 =	smov.u32 s13;
	s13 =	sadd.s32 $0x2, s13  }
0x335: {  	v23 =	vmul.bf16 v8, v8;
	v8 =	vmov s12;
	v22 =	vld [tilespmem:s18+$0xFFFFFFB0];
	v24, _, _ =	vpop (xrf2)  }
0x336: {  	v20 =	vmul.bf16 v20, v20;
	vm0 =	veq.s32 v8, v1;
	v16 =	vsub.bf16 v16, v19;
	v19 =	vld [tilespmem:s18+$0xFFFFFF40]  }
0x337: {  	s19 =	sadd.s32 $0x100, s19;
	v8 =	vsub.bf16 v18, v11;
	v11 =	vsub.bf16 v14, v15;
	v14 =	vld [tilespmem:s18+$0xFFFFFFC0];
	v15 =	vperm.xlane v24, v0  }
0x338: {  	v13 =	vmul.bf16 v13, v13;
	s31 =	sadd.s32 $0x1, s12;
	s12 =	smov.u32 s11;
	s18 =	sadd.s32 $0x100, s18;
	v18 =	vld [tilespmem:s19+$0x0];
	v16 =	vmul.bf16 v16, v16;
	v10 =	vsub.bf16 v10, v17;
	v17, _, _ =	vpop (xrf2)  }
0x339: {  	v25 =	vmov s31;
	s11 =	smov.u32 s0;
	v24 =	vld [tilespmem:s18+$0x0];
	v8 =	vmul.bf16 v8, v8;
	v11 =	vmul.bf16 v11, v11  }
0x33a: {  	v5 =	vsel vm0, v15, v5;
	v15 =	vperm.xlane v17, v0;
	v26 =	vld [tilespmem:s19+$0xFFFFFFC0];
	v10 =	vmul.bf16 v10, v10  }
0x33b: {  	v6 =	vsub.bf16 v6, v21;
	vm0 =	veq.s32 v25, v1;
	v17 =	vld [tilespmem:s19+$0xFFFFFF80];
	v16 =	vadd.bf16 v16, v8  }
0x33c: {  	v8 =	vsub.bf16 v3, v22;
	v5 =	vsel vm0, v15, v5;
	v21 =	vld [tilespmem:s18+$0xFFFFFF80];
	v10 =	vadd.bf16 v13, v10  }
0x33d: {  	v6 =	vmul.bf16 v6, v6;
	v11 =	vadd.bf16 v20, v11;
	v20 =	vsub.bf16 v2, v14;
	v13 =	vld [tilespmem:s19+$0xFFFFFF40]  }
0x33e: {  	v4 =	vsub.bf16 v4, v19;
	v14 =	vmul.bf16 v7, v7;
	v15 =	vmul.bf16 v8, v8;
	v3 =	vld [tilespmem:s19+$0xFFFFFFB0]  }
0x33f: {  	v11 =	vadd.bf16 v12, v11;
	v8 =	vsub.bf16 v18, v24;
	v18 =	vmul.bf16 v20, v20;
	v19 =	vld [tilespmem:s19+$0xFFFFFF70];
	v2 =	vmovc v26  }
0x340: {  	v9 =	vadd.bf16 v23, v9;
	v6 =	vadd.bf16 v6, v16;
	v20 =	vmul.bf16 v4, v4;
	v12 =	vld [tilespmem:s18+$0xFFFFFF70]  }
0x341: {  	v11 =	vadd.bf16 v14, v11;
	v7 =	vsub.bf16 v17, v21;
	v16 =	vld [tilespmem:s19+$0xFFFFFFF0]  }
0x342: {  	v10 =	vadd.bf16 v15, v10;
	v15 =	vunpack.i.u.bf16.f32 v9;
	v17 =	vadd.bf16 v20, v6;
	v14 =	vld [tilespmem:s18+$0xFFFFFFF0];
	v4 =	vmovc v13  }
0x343: {  	v9 =	vunpack.i.l.bf16.f32 v9;
	v13 =	vunpack.i.u.bf16.f32 v11;
	v11 =	vunpack.i.l.bf16.f32 v11;
	v6 =	vld [tilespmem:s19+$0xFFFFFF30]  }
0x344: {  	v9 =	vadd.f32 v9, v15;
	v21 =	vunpack.i.u.bf16.f32 v17;
	v11 =	vadd.f32 v11, v13;
	v20 =	vld [tilespmem:s19+$0xFFFFFFE0]  }
0x345: {  	v10 =	vadd.bf16 v18, v10;
	v12 =	vsub.bf16 v19, v12;
	v13 =	vld [tilespmem:s18+$0xFFFFFFE0]  }
0x346: {  	v17 =	vunpack.i.l.bf16.f32 v17;
	v15 =	vld [tilespmem:s19+$0xFFFFFFD0]  }
0x347: {  	v18 =	vld [tilespmem:s18+$0xFFFFFFD0];
	v19 =	vsub.bf16 v16, v14;
	v14 =	vadd.f32 v17, v21;
	v16 =	vunpack.i.u.bf16.f32 v10  }
0x348: {  	v10 =	vunpack.i.l.bf16.f32 v10;
	v17 =	vld [tilespmem:s19+$0xFFFFFFA0]  }
0x349: {  	v16 =	vadd.f32 v10, v16;
	v21 =	vld [tilespmem:s18+$0xFFFFFFA0];
	v14 =	vadd.f32 v11, v14  }
0x34a: {  	v10 =	vld [tilespmem:s19+$0xFFFFFF90];
	v20 =	vsub.bf16 v20, v13  }
0x34b: {  	v9 =	vadd.f32 v9, v16;
	v11 =	vld [tilespmem:s18+$0xFFFFFF10];
	(xrf2) =	vadd.scan.msk.f32 $0xffff, v14  }
0x34c: {  	v22 =	vld [tilespmem:s19+$0xFFFFFF60];
	v15 =	vsub.bf16 v15, v18  }
0x34d: {  	v23 =	vld [tilespmem:s18+$0xFFFFFF60]  }
0x34e: {  	v18 =	vmul.bf16 v20, v20;
	v14 =	vld [tilespmem:s19+$0xFFFFFF50];
	v13 =	vsub.bf16 v17, v21;
	v17 =	vmul.bf16 v15, v15;
	(xrf2) =	vadd.scan.msk.f32 $0xffff, v9  }
.Ltmp5:
0x34f: {  	v15 =	vld [tilespmem:s18+$0xFFFFFF50];
	(pc) =	sbr.rel @p1 .LBB2_13-.Ltmp5, $4  }
0x350: {  	v16 =	vld [tilespmem:s19+$0xFFFFFF20];
	v9 =	vadd.bf16 v18, v17;
	v17 =	vmul.bf16 v19, v19  }
0x351: {  	v19 =	vld [tilespmem:s18+$0xFFFFFF20]  }
0x352: {  	v18 =	vld [tilespmem:s19+$0xFFFFFF10];
	v20 =	vsub.bf16 v22, v23;
	v9 =	vadd.bf16 v17, v9  }
0x353: {  	v17 =	vld [tilespmem:s18+$0xFFFFFF90]  }
0x354: {  	v21 =	vld [tilespmem:s18+$0xFFFFFF30]  }
0x355: {  	v14 =	vsub.bf16 v14, v15;
	v15 =	vld [tilespmem:s18+$0xFFFFFF40]  }
0x356: {  	v12 =	vmul.bf16 v12, v12;
	v13 =	vmul.bf16 v13, v13;
	v16 =	vsub.bf16 v16, v19;
	v19 =	vld [tilespmem:s18+$0xFFFFFFB0]  }
0x357: {  	v8 =	vmul.bf16 v8, v8;
	v14 =	vmul.bf16 v14, v14  }
0x358: {  	v11 =	vsub.bf16 v18, v11;
	v18 =	vmul.bf16 v20, v20;
	v10 =	vsub.bf16 v10, v17;
	v17 =	vld [tilespmem:s18+$0xFFFFFFC0]  }
0x359: {  	v7 =	vmul.bf16 v7, v7;
	v8 =	vadd.bf16 v8, v9;
	v16 =	vmul.bf16 v16, v16  }
0x35a: {  	v11 =	vmul.bf16 v11, v11;
	v6 =	vsub.bf16 v6, v21;
	v14 =	vadd.bf16 v18, v14  }
0x35b: {  	v4 =	vsub.bf16 v4, v15;
	v10 =	vmul.bf16 v10, v10;
	v3 =	vsub.bf16 v3, v19  }
0x35c: {  	v11 =	vadd.bf16 v16, v11;
	v6 =	vmul.bf16 v6, v6;
	v12 =	vadd.bf16 v12, v14  }
0x35d: {  	v10 =	vadd.bf16 v13, v10;
	v2 =	vsub.bf16 v2, v17;
	v3 =	vmul.bf16 v3, v3  }
0x35e: {  	v4 =	vmul.bf16 v4, v4;
	v6 =	vadd.bf16 v6, v11;
	v7 =	vadd.bf16 v7, v12  }
0x35f: {  	v2 =	vmul.bf16 v2, v2;
	v3 =	vadd.bf16 v3, v10  }
0x360: {  	v4 =	vadd.bf16 v4, v6;
	v6 =	vunpack.i.u.bf16.f32 v8;
	v9 =	vunpack.i.u.bf16.f32 v7  }
0x361: {  	v7 =	vunpack.i.l.bf16.f32 v7;
	v8 =	vunpack.i.l.bf16.f32 v8;
	v2 =	vadd.bf16 v2, v3  }
0x362: {  	v7 =	vadd.f32 v7, v9;
	v3 =	vunpack.i.u.bf16.f32 v4;
	v4 =	vunpack.i.l.bf16.f32 v4  }
0x363: {  	v3 =	vadd.f32 v4, v3;
	v4 =	vunpack.i.u.bf16.f32 v2;
	v2 =	vunpack.i.l.bf16.f32 v2  }
0x364: {  	v6 =	vadd.f32 v8, v6;
	v2 =	vadd.f32 v2, v4  }
0x365: {  	v3 =	vadd.f32 v7, v3  }
0x366: {  	v2 =	vadd.f32 v6, v2  }
0x367: {  	(xrf2) =	vadd.scan.msk.f32 $0xffff, v3  }
0x368: {  	(xrf2) =	vadd.scan.msk.f32 $0xffff, v2;
	_ =	sdelay $0x4  }
0x369: {  	s0 =	sadd.s32 $0x1, s12;
	v4 =	vmov s12  }
0x36a: {  	vm0 =	veq.s32 v4, v1;
	v4 =	vmov s0;
	v2, _, _ =	vpop (xrf2)  }
0x36b: {  	v3, _, _ =	vpop (xrf2);
	v2 =	vperm.xlane v2, v0  }
0x36c: {  	v3 =	vperm.xlane v3, v0  }
0x36d: {  	vm13 =	veq.s32 v4, v1;
	v2 =	vsel vm0, v2, v5;
	v4, _, _ =	vpop (xrf2)  }
0x36e: {  	v2 =	vsel vm13, v3, v2;
	v3 =	vmov s11;
	s11 =	sadd.s32 $0x1, s11;
	v4 =	vperm.xlane v4, v0;
	v5, _, _ =	vpop (xrf2)  }
0x36f: {  	vm14 =	veq.s32 v3, v1;
	v3 =	vmov s11;
	v5 =	vperm.xlane v5, v0  }
0x370: {  	vm15 =	veq.s32 v3, v1;
	v2 =	vsel vm14, v4, v2  }
0x371: {  	v2 =	vsel vm15, v5, v2  }
0x372: {  	v3 =	vshra.s32 v2, $0x1;
	v4 =	vmul.f32 $5.000000000e-01, v2  }
0x373: {  	v3 =	vsub.s32 $0x5F3759DF, v3  }
0x374: {  	v5 =	vmul.f32 v3, v4;
	_ =	sdelay $0x1  }
0x375: {  	v5 =	vmul.f32 v3, v5;
	_ =	sdelay $0x1  }
0x376: {  	v5 =	vsub.f32 $1.500000000e+00, v5;
	_ =	sdelay $0x1  }
0x377: {  	v3 =	vmul.f32 v3, v5;
	_ =	sdelay $0x1  }
0x378: {  	v5 =	vmul.f32 v3, v4;
	_ =	sdelay $0x1  }
0x379: {  	v5 =	vmul.f32 v5, v3;
	_ =	sdelay $0x1  }
0x37a: {  	v5 =	vsub.f32 $1.500000000e+00, v5;
	_ =	sdelay $0x1  }
0x37b: {  	v3 =	vmul.f32 v5, v3;
	_ =	sdelay $0x1  }
0x37c: {  	v4 =	vmul.f32 v3, v4;
	_ =	sdelay $0x1  }
0x37d: {  	v4 =	vmul.f32 v4, v3;
	_ =	sdelay $0x1  }
0x37e: {  	v4 =	vsub.f32 $1.500000000e+00, v4;
	_ =	sdelay $0x1  }
0x37f: {  	v3 =	vmul.f32 v4, v3  }
0x380: {  	s12 =	smin.u32 s17, $0x1328  }
0x381: {  	s0 =	sadd.s32 s7, s12;
	v2 =	vmul.f32 v3, v2  }
0x382: {  	s0 =	sshrl.u32 s0, $0x3  }
0x383: {  	s0 =	sadd.s32 s6, s0;
	[tilespmem:$0x1FA50] =	vst v2  }
0x384: {  	[hbm4b:s0+s2] =	stream.linear.scatter [tilespmem:s3], [sflag:$0x5], $0x60, $0x38;
	[tilespmem:$0x1FAC0] =	vst v63  }
0x385: {  	_ =	swait.ge [sflag:s24], $0x60  }
0x386: {  	[sflag:s24] =	ssyncset.done $0x0  }
0x387: {  	[sflag:s24] =	ssyncadd.s32 $0xFFFFFFA0  }
0x388: {  	_ =	swait.ge [sflag:s24], $0x60  }
0x389: {  	[sflag:s24] =	ssyncset.done $0x0  }
0x38a: {  	[sflag:s24] =	ssyncadd.s32 $0xFFFFFFA0  }
0x38b: {  	_ =	swait.ge [sflag:s8], $0x3000  }
0x38c: {  	[sflag:s8] =	ssyncset.done $0x0  }
0x38d: {  	[sflag:s8] =	ssyncadd.s32 $0xFFFFD000  }
0x38e: {  	_ =	swait.ge [sflag:s8], $0x3000  }
0x38f: {  	s13 =	smin.u32 s17, $0x1208;
	[sflag:s8] =	ssyncset.done $0x0  }
0x390: {  	s0 =	sadd.s32 s13, s16;
	[sflag:s8] =	ssyncadd.s32 $0xFFFFD000  }
0x391: {  	[tilespmem:s26], [sflag:$0x3] =	stream.indirect.gather [spmem:s1], $0x80, s20, s25, $0xb8;
	[tilespmem:$0x1FAC0] =	vst v63  }
0x392: {  	s0 =	sshrl.u32 s0, $0x3  }
0x393: {  	[tilespmem:s28], [sflag:$0x3] =	stream.indirect.gather [spmem:s1], $0x80, s21, s25, $0xb8;
	[tilespmem:$0x1FAC0] =	vst v63  }
0x394: {  	s18 =	sadd.s32 s4, s0  }
0x395: {  	[tilespmem:s22], [sflag:$0x2] =	stream.linear.gather [hbm4b:s18+s2], $0x60, $0x38;
	[tilespmem:$0x1FAC0] =	vst v63  }
0x396: {  	s0 =	sadd.s32 s5, s0  }
0x397: {  	[tilespmem:s23], [sflag:$0x2] =	stream.linear.gather [hbm4b:s0+s2], $0x60, $0x38;
	[tilespmem:$0x1FAC0] =	vst v63  }
0x398: {  	s0 =	simm.s32 @!p0 $0x6  }
0x399: {  	_ =	swait.ge @!p0 [sflag:s0], $0x60  }
0x39a: {  	[sflag:s0] =	ssyncset.done @!p0 $0x0  }
0x39b: {  	s19 =	simm.s32 $0x1CA80;
	[sflag:s0] =	ssyncadd.s32 @!p0 $0xFFFFFFA0  }
0x39c: {  	s31 =	simm.s32 $0x16A80;
	v2 =	vld [tilespmem:s19+$0x70]  }
0x39d: {  	v3 =	vld [tilespmem:s31+$0x70]  }
0x39e: {  	v5 =	vld [tilespmem:s19+$0x30]  }
0x39f: {  	v4 =	vld [tilespmem:s19+$0xFFFFFFF0]  }
0x3a0: {  	v6 =	vld [tilespmem:s31+$0xFFFFFFF0]  }
0x3a1: {  	v7 =	vld [tilespmem:s19+$0xFFFFFFB0]  }
0x3a2: {  	v8 =	vld [tilespmem:s19+$0x20]  }
0x3a3: {  	v9 =	vld [tilespmem:s19+$0xFFFFFFE0]  }
0x3a4: {  	v10 =	vld [tilespmem:s31+$0xFFFFFFE0]  }
0x3a5: {  	v11 =	vld [tilespmem:s19+$0x60]  }
0x3a6: {  	v12 =	vld [tilespmem:s31+$0x60]  }
0x3a7: {  	v13 =	vld [tilespmem:s19+$0xFFFFFFA0]  }
0x3a8: {  	v14 =	vld [tilespmem:s19+$0x50]  }
0x3a9: {  	v15 =	vld [tilespmem:s31+$0x50]  }
0x3aa: {  	v16 =	vld [tilespmem:s19+$0x40]  }
0x3ab: {  	v17 =	vld [tilespmem:s31+$0x40]  }
0x3ac: {  	v18 =	vld [tilespmem:s19+$0x10]  }
0x3ad: {  	v19 =	vld [tilespmem:s31+$0x10]  }
0x3ae: {  	v20 =	vld [tilespmem:s19+$0x0]  }
0x3af: {  	v21 =	vld [tilespmem:s31+$0xFFFFFF80]  }
0x3b0: {  	v22 =	vld [tilespmem:s19+$0xFFFFFFD0]  }
0x3b1: {  	v23 =	vld [tilespmem:s31+$0xFFFFFFD0]  }
0x3b2: {  	v24 =	vld [tilespmem:s19+$0xFFFFFFC0]  }
0x3b3: {  	v25 =	vld [tilespmem:s31+$0xFFFFFFC0]  }
0x3b4: {  	v26 =	vld [tilespmem:s19+$0xFFFFFF90]  }
0x3b5: {  	v27 =	vld [tilespmem:s31+$0xFFFFFF90]  }
0x3b6: {  	v28 =	vld [tilespmem:s19+$0xFFFFFF80]  }
0x3b7: {  	v29 =	vld [tilespmem:s31+$0x0]  }
0x3b8: {  	v30 =	vld [tilespmem:s31+$0xFFFFFFA0];
	v35 =	vsub.bf16 v2, v3  }
0x3b9: {  	v31 =	vld [tilespmem:s31+$0x20];
	v36 =	vsub.bf16 v4, v6;
	v3 =	vsub.bf16 v14, v15  }
0x3ba: {  	v32 =	vld [tilespmem:s31+$0xFFFFFFB0];
	v4 =	vsub.bf16 v16, v17;
	v9 =	vsub.bf16 v9, v10  }
0x3bb: {  	s18 =	simm.s32 $0x16B80;
	v33 =	vld [tilespmem:s31+$0x30];
	v6 =	vsub.bf16 v11, v12;
	v10 =	vsub.bf16 v18, v19  }
0x3bc: {  	v37 =	vld [tilespmem:s18+$0x70];
	v14 =	vsub.bf16 v26, v27;
	v11 =	vmul.bf16 v4, v4;
	v3 =	vmul.bf16 v3, v3  }
0x3bd: {  	s19 =	simm.s32 $0x1CB80;
	v60 =	vld [tilespmem:s18+$0x10];
	v15 =	vsub.bf16 v28, v21;
	v17 =	vsub.bf16 v22, v23  }
0x3be: {  	v34 =	vld [tilespmem:s19+$0x70];
	v18 =	vsub.bf16 v20, v29;
	v6 =	vmul.bf16 v6, v6;
	v11 =	vadd.bf16 v3, v11  }
0x3bf: {  	v59 =	vld [tilespmem:s19+$0x10];
	v13 =	vsub.bf16 v13, v30;
	v8 =	vsub.bf16 v8, v31  }
0x3c0: {  	v62 =	vld [tilespmem:s19+$0xFFFFFFD0];
	v14 =	vmul.bf16 v14, v14;
	v11 =	vadd.bf16 v6, v11;
	v6 =	vsub.bf16 v24, v25  }
0x3c1: {  	v2 =	vld [tilespmem:s19+$0x30];
	v5 =	vsub.bf16 v5, v33;
	v15 =	vmul.bf16 v15, v15;
	v10 =	vmul.bf16 v10, v10  }
0x3c2: {  	v12 =	vld [tilespmem:s19+$0xFFFFFFF0];
	v7 =	vsub.bf16 v7, v32;
	v17 =	vmul.bf16 v17, v17;
	v19 =	vmul.bf16 v6, v6  }
0x3c3: {  	v16 =	vld [tilespmem:s18+$0xFFFFFFF0];
	v18 =	vmul.bf16 v18, v18;
	v13 =	vmul.bf16 v13, v13;
	v14 =	vadd.bf16 v14, v15  }
0x3c4: {  	v20 =	vld [tilespmem:s19+$0xFFFFFFE0];
	v9 =	vmul.bf16 v9, v9;
	v58 =	vmul.bf16 v8, v8;
	v17 =	vadd.bf16 v17, v19  }
0x3c5: {  	v21 =	vld [tilespmem:s18+$0xFFFFFFE0];
	v7 =	vmul.bf16 v7, v7;
	v10 =	vadd.bf16 v10, v18;
	v13 =	vadd.bf16 v13, v14  }
0x3c6: {  	v22 =	vld [tilespmem:s18+$0x60];
	v57 =	vmul.bf16 v36, v36;
	v9 =	vadd.bf16 v9, v17  }
0x3c7: {  	v23 =	vld [tilespmem:s18+$0x50];
	v5 =	vmul.bf16 v5, v5;
	v7 =	vadd.bf16 v7, v13;
	v13 =	vadd.bf16 v58, v10  }
0x3c8: {  	v4 =	vld [tilespmem:s19+$0xFFFFFFB0];
	v19 =	vmul.bf16 v35, v35;
	v9 =	vadd.bf16 v57, v9  }
0x3c9: {  	v15 =	vld [tilespmem:s19+$0x60];
	v5 =	vadd.bf16 v5, v13;
	v13 =	vunpack.i.u.bf16.f32 v7;
	v7 =	vunpack.i.l.bf16.f32 v7  }
0x3ca: {  	v18 =	vld [tilespmem:s19+$0x50];
	v13 =	vadd.f32 v7, v13;
	v61 =	vunpack.i.u.bf16.f32 v9;
	v9 =	vunpack.i.l.bf16.f32 v9  }
0x3cb: {  	v14 =	vld [tilespmem:s18+$0x40];
	v11 =	vadd.bf16 v19, v11;
	v9 =	vadd.f32 v9, v61  }
0x3cc: {  	v17 =	vld [tilespmem:s19+$0x40];
	v7 =	vunpack.i.u.bf16.f32 v5;
	v5 =	vunpack.i.l.bf16.f32 v5  }
0x3cd: {  	v3 =	vld [tilespmem:s19+$0x20];
	v19 =	vunpack.i.u.bf16.f32 v11;
	v11 =	vunpack.i.l.bf16.f32 v11;
	v9 =	vadd.f32 v9, v13  }
0x3ce: {  	v6 =	vld [tilespmem:s19+$0xFFFFFFA0];
	v5 =	vadd.f32 v5, v7;
	v19 =	vadd.f32 v11, v19  }
0x3cf: {  	v10 =	vld [tilespmem:s19+$0x0];
	v22 =	vsub.bf16 v15, v22;
	v15 =	vsub.bf16 v18, v23;
	(xrf2) =	vadd.scan.msk.f32 $0xffff, v9  }
0x3d0: {  	v23 =	vld [tilespmem:s18+$0xFFFFFFD0];
	v63 =	vadd.f32 v19, v5  }
0x3d1: {  	v18 =	vmul.bf16 v15, v15;
	v15 =	vld [tilespmem:s18+$0xFFFFFFC0];
	v17 =	vsub.bf16 v17, v14  }
0x3d2: {  	v7 =	vsub.bf16 v12, v16;
	v16 =	vld [tilespmem:s19+$0xFFFFFF90];
	(xrf2) =	vadd.scan.msk.f32 $0xffff, v63  }
0x3d3: {  	v11 =	vld [tilespmem:s18+$0xFFFFFF80];
	v17 =	vmul.bf16 v17, v17  }
0x3d4: {  	v14 =	vld [tilespmem:s19+$0xFFFFFFC0]  }
0x3d5: {  	v8 =	vsub.bf16 v34, v37;
	v22 =	vmul.bf16 v22, v22;
	v19 =	vld [tilespmem:s18+$0xFFFFFF90];
	v17 =	vadd.bf16 v18, v17  }
0x3d6: {  	v12 =	vsub.bf16 v20, v21;
	v20 =	vsub.bf16 v62, v23;
	v18 =	vld [tilespmem:s19+$0xFFFFFF80]  }
0x3d7: {  	s12 =	simm.s32 $0x0;
	s11 =	simm.s32 $0x2;
	s13 =	simm.s32 $0x4;
	v5 =	vimm.f32 $0.0e+00;
	v13 =	vsub.bf16 v59, v60;
	v9 =	vadd.bf16 v22, v17;
	v17 =	vld [tilespmem:s18+$0x0]  }
.LBB2_15:
0x3d8: {  	p0 =	slt.u32 s13, $0xE;
	v21 =	vld [tilespmem:s18+$0xFFFFFFA0];
	v12 =	vmul.bf16 v12, v12;
	s0 =	smov.u32 s13;
	s13 =	sadd.s32 $0x2, s13  }
0x3d9: {  	v23 =	vmul.bf16 v8, v8;
	v8 =	vmov s12;
	v22 =	vld [tilespmem:s18+$0x20];
	v24, _, _ =	vpop (xrf2)  }
0x3da: {  	v20 =	vmul.bf16 v20, v20;
	vm0 =	veq.s32 v8, v1;
	v16 =	vsub.bf16 v16, v19;
	v19 =	vld [tilespmem:s18+$0xFFFFFFB0]  }
0x3db: {  	s19 =	sadd.s32 $0x100, s19;
	v8 =	vsub.bf16 v18, v11;
	v11 =	vsub.bf16 v14, v15;
	v14 =	vld [tilespmem:s18+$0x30];
	v15 =	vperm.xlane v24, v0  }
0x3dc: {  	v13 =	vmul.bf16 v13, v13;
	s31 =	sadd.s32 $0x1, s12;
	s12 =	smov.u32 s11;
	s18 =	sadd.s32 $0x100, s18;
	v18 =	vld [tilespmem:s19+$0x70];
	v16 =	vmul.bf16 v16, v16;
	v10 =	vsub.bf16 v10, v17;
	v17, _, _ =	vpop (xrf2)  }
0x3dd: {  	v25 =	vmov s31;
	s11 =	smov.u32 s0;
	v24 =	vld [tilespmem:s18+$0x70];
	v8 =	vmul.bf16 v8, v8;
	v11 =	vmul.bf16 v11, v11  }
0x3de: {  	v5 =	vsel vm0, v15, v5;
	v15 =	vperm.xlane v17, v0;
	v26 =	vld [tilespmem:s19+$0x30];
	v10 =	vmul.bf16 v10, v10  }
0x3df: {  	v6 =	vsub.bf16 v6, v21;
	vm0 =	veq.s32 v25, v1;
	v17 =	vld [tilespmem:s19+$0xFFFFFFF0];
	v16 =	vadd.bf16 v16, v8  }
0x3e0: {  	v8 =	vsub.bf16 v3, v22;
	v5 =	vsel vm0, v15, v5;
	v21 =	vld [tilespmem:s18+$0xFFFFFFF0];
	v10 =	vadd.bf16 v13, v10  }
0x3e1: {  	v6 =	vmul.bf16 v6, v6;
	v11 =	vadd.bf16 v20, v11;
	v20 =	vsub.bf16 v2, v14;
	v13 =	vld [tilespmem:s19+$0xFFFFFFB0]  }
0x3e2: {  	v4 =	vsub.bf16 v4, v19;
	v14 =	vmul.bf16 v7, v7;
	v15 =	vmul.bf16 v8, v8;
	v3 =	vld [tilespmem:s19+$0x20]  }
0x3e3: {  	v11 =	vadd.bf16 v12, v11;
	v8 =	vsub.bf16 v18, v24;
	v18 =	vmul.bf16 v20, v20;
	v19 =	vld [tilespmem:s19+$0xFFFFFFE0];
	v2 =	vmovc v26  }
0x3e4: {  	v9 =	vadd.bf16 v23, v9;
	v6 =	vadd.bf16 v6, v16;
	v20 =	vmul.bf16 v4, v4;
	v12 =	vld [tilespmem:s18+$0xFFFFFFE0]  }
0x3e5: {  	v11 =	vadd.bf16 v14, v11;
	v7 =	vsub.bf16 v17, v21;
	v16 =	vld [tilespmem:s19+$0x60]  }
0x3e6: {  	v10 =	vadd.bf16 v15, v10;
	v15 =	vunpack.i.u.bf16.f32 v9;
	v17 =	vadd.bf16 v20, v6;
	v14 =	vld [tilespmem:s18+$0x60];
	v4 =	vmovc v13  }
0x3e7: {  	v9 =	vunpack.i.l.bf16.f32 v9;
	v13 =	vunpack.i.u.bf16.f32 v11;
	v11 =	vunpack.i.l.bf16.f32 v11;
	v6 =	vld [tilespmem:s19+$0xFFFFFFA0]  }
0x3e8: {  	v9 =	vadd.f32 v9, v15;
	v21 =	vunpack.i.u.bf16.f32 v17;
	v11 =	vadd.f32 v11, v13;
	v20 =	vld [tilespmem:s19+$0x50]  }
0x3e9: {  	v10 =	vadd.bf16 v18, v10;
	v12 =	vsub.bf16 v19, v12;
	v13 =	vld [tilespmem:s18+$0x50]  }
0x3ea: {  	v17 =	vunpack.i.l.bf16.f32 v17;
	v15 =	vld [tilespmem:s19+$0x40]  }
0x3eb: {  	v18 =	vld [tilespmem:s18+$0x40];
	v19 =	vsub.bf16 v16, v14;
	v14 =	vadd.f32 v17, v21;
	v16 =	vunpack.i.u.bf16.f32 v10  }
0x3ec: {  	v10 =	vunpack.i.l.bf16.f32 v10;
	v17 =	vld [tilespmem:s19+$0x10]  }
0x3ed: {  	v16 =	vadd.f32 v10, v16;
	v21 =	vld [tilespmem:s18+$0x10];
	v14 =	vadd.f32 v11, v14  }
0x3ee: {  	v10 =	vld [tilespmem:s19+$0x0];
	v20 =	vsub.bf16 v20, v13  }
0x3ef: {  	v9 =	vadd.f32 v9, v16;
	v11 =	vld [tilespmem:s18+$0xFFFFFF80];
	(xrf2) =	vadd.scan.msk.f32 $0xffff, v14  }
0x3f0: {  	v22 =	vld [tilespmem:s19+$0xFFFFFFD0];
	v15 =	vsub.bf16 v15, v18  }
0x3f1: {  	v23 =	vld [tilespmem:s18+$0xFFFFFFD0]  }
0x3f2: {  	v18 =	vmul.bf16 v20, v20;
	v14 =	vld [tilespmem:s19+$0xFFFFFFC0];
	v13 =	vsub.bf16 v17, v21;
	v17 =	vmul.bf16 v15, v15;
	(xrf2) =	vadd.scan.msk.f32 $0xffff, v9  }
.Ltmp6:
0x3f3: {  	v15 =	vld [tilespmem:s18+$0xFFFFFFC0];
	(pc) =	sbr.rel @p0 .LBB2_15-.Ltmp6, $4  }
0x3f4: {  	v16 =	vld [tilespmem:s19+$0xFFFFFF90];
	v9 =	vadd.bf16 v18, v17;
	v17 =	vmul.bf16 v19, v19  }
0x3f5: {  	v19 =	vld [tilespmem:s18+$0xFFFFFF90]  }
0x3f6: {  	v18 =	vld [tilespmem:s19+$0xFFFFFF80];
	v20 =	vsub.bf16 v22, v23;
	v9 =	vadd.bf16 v17, v9  }
0x3f7: {  	v17 =	vld [tilespmem:s18+$0x0]  }
0x3f8: {  	v21 =	vld [tilespmem:s18+$0xFFFFFFA0]  }
0x3f9: {  	v14 =	vsub.bf16 v14, v15;
	v15 =	vld [tilespmem:s18+$0xFFFFFFB0]  }
0x3fa: {  	v12 =	vmul.bf16 v12, v12;
	v13 =	vmul.bf16 v13, v13;
	v16 =	vsub.bf16 v16, v19;
	v19 =	vld [tilespmem:s18+$0x20]  }
0x3fb: {  	v8 =	vmul.bf16 v8, v8;
	v14 =	vmul.bf16 v14, v14  }
0x3fc: {  	v11 =	vsub.bf16 v18, v11;
	v18 =	vmul.bf16 v20, v20;
	v10 =	vsub.bf16 v10, v17;
	v17 =	vld [tilespmem:s18+$0x30]  }
0x3fd: {  	v7 =	vmul.bf16 v7, v7;
	v8 =	vadd.bf16 v8, v9;
	v16 =	vmul.bf16 v16, v16  }
0x3fe: {  	v11 =	vmul.bf16 v11, v11;
	v6 =	vsub.bf16 v6, v21;
	v14 =	vadd.bf16 v18, v14  }
0x3ff: {  	v4 =	vsub.bf16 v4, v15;
	v10 =	vmul.bf16 v10, v10;
	v3 =	vsub.bf16 v3, v19  }
0x400: {  	v11 =	vadd.bf16 v16, v11;
	v6 =	vmul.bf16 v6, v6;
	v12 =	vadd.bf16 v12, v14  }
0x401: {  	v10 =	vadd.bf16 v13, v10;
	v2 =	vsub.bf16 v2, v17;
	v3 =	vmul.bf16 v3, v3  }
0x402: {  	v4 =	vmul.bf16 v4, v4;
	v6 =	vadd.bf16 v6, v11;
	v7 =	vadd.bf16 v7, v12  }
0x403: {  	v2 =	vmul.bf16 v2, v2;
	v3 =	vadd.bf16 v3, v10  }
0x404: {  	v4 =	vadd.bf16 v4, v6;
	v6 =	vunpack.i.u.bf16.f32 v8;
	v9 =	vunpack.i.u.bf16.f32 v7  }
0x405: {  	v7 =	vunpack.i.l.bf16.f32 v7;
	v8 =	vunpack.i.l.bf16.f32 v8;
	v2 =	vadd.bf16 v2, v3  }
0x406: {  	v7 =	vadd.f32 v7, v9;
	v3 =	vunpack.i.u.bf16.f32 v4;
	v4 =	vunpack.i.l.bf16.f32 v4  }
0x407: {  	v3 =	vadd.f32 v4, v3;
	v4 =	vunpack.i.u.bf16.f32 v2;
	v2 =	vunpack.i.l.bf16.f32 v2  }
0x408: {  	v6 =	vadd.f32 v8, v6;
	v2 =	vadd.f32 v2, v4  }
0x409: {  	v3 =	vadd.f32 v7, v3  }
0x40a: {  	v2 =	vadd.f32 v6, v2  }
0x40b: {  	(xrf2) =	vadd.scan.msk.f32 $0xffff, v3  }
0x40c: {  	(xrf2) =	vadd.scan.msk.f32 $0xffff, v2;
	_ =	sdelay $0x4  }
0x40d: {  	s0 =	sadd.s32 $0x1, s12;
	v4 =	vmov s12  }
0x40e: {  	vm0 =	veq.s32 v4, v1;
	v4 =	vmov s0;
	v2, _, _ =	vpop (xrf2)  }
0x40f: {  	v3, _, _ =	vpop (xrf2);
	v2 =	vperm.xlane v2, v0  }
0x410: {  	v3 =	vperm.xlane v3, v0  }
0x411: {  	vm13 =	veq.s32 v4, v1;
	v2 =	vsel vm0, v2, v5;
	v4, _, _ =	vpop (xrf2)  }
0x412: {  	s18 =	sadd.s32 $0x1, s11;
	v2 =	vsel vm13, v3, v2;
	v3 =	vmov s11;
	v4 =	vperm.xlane v4, v0;
	v5, _, _ =	vpop (xrf2)  }
0x413: {  	vm14 =	veq.s32 v3, v1;
	v3 =	vmov s18;
	v5 =	vperm.xlane v5, v0  }
0x414: {  	vm15 =	veq.s32 v3, v1;
	v2 =	vsel vm14, v4, v2  }
0x415: {  	v2 =	vsel vm15, v5, v2  }
0x416: {  	v3 =	vshra.s32 v2, $0x1;
	v4 =	vmul.f32 $5.000000000e-01, v2  }
0x417: {  	v3 =	vsub.s32 $0x5F3759DF, v3  }
0x418: {  	v5 =	vmul.f32 v3, v4;
	_ =	sdelay $0x1  }
0x419: {  	v5 =	vmul.f32 v3, v5;
	_ =	sdelay $0x1  }
0x41a: {  	v5 =	vsub.f32 $1.500000000e+00, v5;
	_ =	sdelay $0x1  }
0x41b: {  	v3 =	vmul.f32 v3, v5;
	_ =	sdelay $0x1  }
0x41c: {  	v5 =	vmul.f32 v3, v4;
	_ =	sdelay $0x1  }
0x41d: {  	v5 =	vmul.f32 v5, v3;
	_ =	sdelay $0x1  }
0x41e: {  	v5 =	vsub.f32 $1.500000000e+00, v5;
	_ =	sdelay $0x1  }
0x41f: {  	v3 =	vmul.f32 v5, v3;
	_ =	sdelay $0x1  }
0x420: {  	v4 =	vmul.f32 v3, v4;
	_ =	sdelay $0x1  }
0x421: {  	v4 =	vmul.f32 v4, v3;
	_ =	sdelay $0x1  }
0x422: {  	v4 =	vsub.f32 $1.500000000e+00, v4;
	_ =	sdelay $0x1  }
0x423: {  	v3 =	vmul.f32 v4, v3;
	_ =	sdelay $0x1  }
0x424: {  	v2 =	vmul.f32 v3, v2;
	_ =	sdelay $0x1  }
0x425: {  	s19 =	simm.s32 $0x1D2F0;
	[tilespmem:$0x1FA60] =	vst v2  }
0x426: {  	s31 =	simm.s32 $0x172F0;
	v2 =	vld [tilespmem:s19+$0x0]  }
0x427: {  	v3 =	vld [tilespmem:s31+$0x0]  }
0x428: {  	v5 =	vld [tilespmem:s19+$0xFFFFFFC0]  }
0x429: {  	v4 =	vld [tilespmem:s19+$0xFFFFFF80]  }
0x42a: {  	v6 =	vld [tilespmem:s31+$0xFFFFFF80]  }
0x42b: {  	v7 =	vld [tilespmem:s19+$0xFFFFFF40]  }
0x42c: {  	v8 =	vld [tilespmem:s19+$0xFFFFFFB0]  }
0x42d: {  	v9 =	vld [tilespmem:s19+$0xFFFFFF70]  }
0x42e: {  	v10 =	vld [tilespmem:s31+$0xFFFFFF70]  }
0x42f: {  	v11 =	vld [tilespmem:s19+$0xFFFFFFF0]  }
0x430: {  	v12 =	vld [tilespmem:s31+$0xFFFFFFF0]  }
0x431: {  	v13 =	vld [tilespmem:s19+$0xFFFFFF30]  }
0x432: {  	v14 =	vld [tilespmem:s19+$0xFFFFFFE0]  }
0x433: {  	v15 =	vld [tilespmem:s31+$0xFFFFFFE0]  }
0x434: {  	v16 =	vld [tilespmem:s19+$0xFFFFFFD0]  }
0x435: {  	v17 =	vld [tilespmem:s31+$0xFFFFFFD0]  }
0x436: {  	v18 =	vld [tilespmem:s19+$0xFFFFFFA0]  }
0x437: {  	v19 =	vld [tilespmem:s31+$0xFFFFFFA0]  }
0x438: {  	v20 =	vld [tilespmem:s19+$0xFFFFFF90]  }
0x439: {  	v21 =	vld [tilespmem:s31+$0xFFFFFF10]  }
0x43a: {  	v22 =	vld [tilespmem:s19+$0xFFFFFF60]  }
0x43b: {  	v23 =	vld [tilespmem:s31+$0xFFFFFF60]  }
0x43c: {  	v24 =	vld [tilespmem:s19+$0xFFFFFF50]  }
0x43d: {  	v25 =	vld [tilespmem:s31+$0xFFFFFF50]  }
0x43e: {  	v26 =	vld [tilespmem:s19+$0xFFFFFF20]  }
0x43f: {  	v27 =	vld [tilespmem:s31+$0xFFFFFF20]  }
0x440: {  	v28 =	vld [tilespmem:s19+$0xFFFFFF10]  }
0x441: {  	v29 =	vld [tilespmem:s31+$0xFFFFFF90]  }
0x442: {  	v30 =	vld [tilespmem:s31+$0xFFFFFF30];
	v35 =	vsub.bf16 v2, v3  }
0x443: {  	v31 =	vld [tilespmem:s31+$0xFFFFFFB0];
	v36 =	vsub.bf16 v4, v6;
	v3 =	vsub.bf16 v14, v15  }
0x444: {  	v32 =	vld [tilespmem:s31+$0xFFFFFF40];
	v4 =	vsub.bf16 v16, v17;
	v9 =	vsub.bf16 v9, v10  }
0x445: {  	s18 =	simm.s32 $0x173F0;
	v33 =	vld [tilespmem:s31+$0xFFFFFFC0];
	v6 =	vsub.bf16 v11, v12;
	v10 =	vsub.bf16 v18, v19  }
0x446: {  	v37 =	vld [tilespmem:s18+$0x0];
	v14 =	vsub.bf16 v26, v27;
	v11 =	vmul.bf16 v4, v4;
	v3 =	vmul.bf16 v3, v3  }
0x447: {  	s19 =	simm.s32 $0x1D3F0;
	v60 =	vld [tilespmem:s18+$0xFFFFFFA0];
	v15 =	vsub.bf16 v28, v21;
	v17 =	vsub.bf16 v22, v23  }
0x448: {  	v34 =	vld [tilespmem:s19+$0x0];
	v18 =	vsub.bf16 v20, v29;
	v6 =	vmul.bf16 v6, v6;
	v11 =	vadd.bf16 v3, v11  }
0x449: {  	v59 =	vld [tilespmem:s19+$0xFFFFFFA0];
	v13 =	vsub.bf16 v13, v30;
	v8 =	vsub.bf16 v8, v31  }
0x44a: {  	v62 =	vld [tilespmem:s19+$0xFFFFFF60];
	v14 =	vmul.bf16 v14, v14;
	v11 =	vadd.bf16 v6, v11;
	v6 =	vsub.bf16 v24, v25  }
0x44b: {  	v2 =	vld [tilespmem:s19+$0xFFFFFFC0];
	v5 =	vsub.bf16 v5, v33;
	v15 =	vmul.bf16 v15, v15;
	v10 =	vmul.bf16 v10, v10  }
0x44c: {  	v12 =	vld [tilespmem:s19+$0xFFFFFF80];
	v7 =	vsub.bf16 v7, v32;
	v17 =	vmul.bf16 v17, v17;
	v19 =	vmul.bf16 v6, v6  }
0x44d: {  	v16 =	vld [tilespmem:s18+$0xFFFFFF80];
	v18 =	vmul.bf16 v18, v18;
	v13 =	vmul.bf16 v13, v13;
	v14 =	vadd.bf16 v14, v15  }
0x44e: {  	v20 =	vld [tilespmem:s19+$0xFFFFFF70];
	v9 =	vmul.bf16 v9, v9;
	v58 =	vmul.bf16 v8, v8;
	v17 =	vadd.bf16 v17, v19  }
0x44f: {  	v21 =	vld [tilespmem:s18+$0xFFFFFF70];
	v7 =	vmul.bf16 v7, v7;
	v10 =	vadd.bf16 v10, v18;
	v13 =	vadd.bf16 v13, v14  }
0x450: {  	v22 =	vld [tilespmem:s18+$0xFFFFFFF0];
	v57 =	vmul.bf16 v36, v36;
	v9 =	vadd.bf16 v9, v17  }
0x451: {  	v23 =	vld [tilespmem:s18+$0xFFFFFFE0];
	v5 =	vmul.bf16 v5, v5;
	v7 =	vadd.bf16 v7, v13;
	v13 =	vadd.bf16 v58, v10  }
0x452: {  	v4 =	vld [tilespmem:s19+$0xFFFFFF40];
	v19 =	vmul.bf16 v35, v35;
	v9 =	vadd.bf16 v57, v9  }
0x453: {  	v15 =	vld [tilespmem:s19+$0xFFFFFFF0];
	v5 =	vadd.bf16 v5, v13;
	v13 =	vunpack.i.u.bf16.f32 v7;
	v7 =	vunpack.i.l.bf16.f32 v7  }
0x454: {  	v18 =	vld [tilespmem:s19+$0xFFFFFFE0];
	v13 =	vadd.f32 v7, v13;
	v61 =	vunpack.i.u.bf16.f32 v9;
	v9 =	vunpack.i.l.bf16.f32 v9  }
0x455: {  	v14 =	vld [tilespmem:s18+$0xFFFFFFD0];
	v11 =	vadd.bf16 v19, v11;
	v9 =	vadd.f32 v9, v61  }
0x456: {  	v17 =	vld [tilespmem:s19+$0xFFFFFFD0];
	v7 =	vunpack.i.u.bf16.f32 v5;
	v5 =	vunpack.i.l.bf16.f32 v5  }
0x457: {  	v3 =	vld [tilespmem:s19+$0xFFFFFFB0];
	v19 =	vunpack.i.u.bf16.f32 v11;
	v11 =	vunpack.i.l.bf16.f32 v11;
	v9 =	vadd.f32 v9, v13  }
0x458: {  	v6 =	vld [tilespmem:s19+$0xFFFFFF30];
	v5 =	vadd.f32 v5, v7;
	v19 =	vadd.f32 v11, v19  }
0x459: {  	v10 =	vld [tilespmem:s19+$0xFFFFFF90];
	v22 =	vsub.bf16 v15, v22;
	v15 =	vsub.bf16 v18, v23;
	(xrf2) =	vadd.scan.msk.f32 $0xffff, v9  }
0x45a: {  	v23 =	vld [tilespmem:s18+$0xFFFFFF60];
	v63 =	vadd.f32 v19, v5  }
0x45b: {  	v18 =	vmul.bf16 v15, v15;
	v15 =	vld [tilespmem:s18+$0xFFFFFF50];
	v17 =	vsub.bf16 v17, v14  }
0x45c: {  	v7 =	vsub.bf16 v12, v16;
	v16 =	vld [tilespmem:s19+$0xFFFFFF20];
	(xrf2) =	vadd.scan.msk.f32 $0xffff, v63  }
0x45d: {  	v11 =	vld [tilespmem:s18+$0xFFFFFF10];
	v17 =	vmul.bf16 v17, v17  }
0x45e: {  	v14 =	vld [tilespmem:s19+$0xFFFFFF50]  }
0x45f: {  	v8 =	vsub.bf16 v34, v37;
	v22 =	vmul.bf16 v22, v22;
	v19 =	vld [tilespmem:s18+$0xFFFFFF20];
	v17 =	vadd.bf16 v18, v17  }
0x460: {  	v12 =	vsub.bf16 v20, v21;
	v20 =	vsub.bf16 v62, v23;
	v18 =	vld [tilespmem:s19+$0xFFFFFF10]  }
0x461: {  	s13 =	simm.s32 $0x4;
	s12 =	simm.s32 $0x0;
	s11 =	simm.s32 $0x2;
	v5 =	vimm.f32 $0.0e+00;
	v13 =	vsub.bf16 v59, v60;
	v9 =	vadd.bf16 v22, v17;
	v17 =	vld [tilespmem:s18+$0xFFFFFF90]  }
.LBB2_17:
0x462: {  	p0 =	slt.u32 s13, $0xE;
	v21 =	vld [tilespmem:s18+$0xFFFFFF30];
	v12 =	vmul.bf16 v12, v12;
	s0 =	smov.u32 s13;
	s13 =	sadd.s32 $0x2, s13  }
0x463: {  	v23 =	vmul.bf16 v8, v8;
	v8 =	vmov s12;
	v22 =	vld [tilespmem:s18+$0xFFFFFFB0];
	v24, _, _ =	vpop (xrf2)  }
0x464: {  	v20 =	vmul.bf16 v20, v20;
	vm0 =	veq.s32 v8, v1;
	v16 =	vsub.bf16 v16, v19;
	v19 =	vld [tilespmem:s18+$0xFFFFFF40]  }
0x465: {  	s19 =	sadd.s32 $0x100, s19;
	v8 =	vsub.bf16 v18, v11;
	v11 =	vsub.bf16 v14, v15;
	v14 =	vld [tilespmem:s18+$0xFFFFFFC0];
	v15 =	vperm.xlane v24, v0  }
0x466: {  	v13 =	vmul.bf16 v13, v13;
	s31 =	sadd.s32 $0x1, s12;
	s12 =	smov.u32 s11;
	s18 =	sadd.s32 $0x100, s18;
	v18 =	vld [tilespmem:s19+$0x0];
	v16 =	vmul.bf16 v16, v16;
	v10 =	vsub.bf16 v10, v17;
	v17, _, _ =	vpop (xrf2)  }
0x467: {  	v25 =	vmov s31;
	s11 =	smov.u32 s0;
	v24 =	vld [tilespmem:s18+$0x0];
	v8 =	vmul.bf16 v8, v8;
	v11 =	vmul.bf16 v11, v11  }
0x468: {  	v5 =	vsel vm0, v15, v5;
	v15 =	vperm.xlane v17, v0;
	v26 =	vld [tilespmem:s19+$0xFFFFFFC0];
	v10 =	vmul.bf16 v10, v10  }
0x469: {  	v6 =	vsub.bf16 v6, v21;
	vm0 =	veq.s32 v25, v1;
	v17 =	vld [tilespmem:s19+$0xFFFFFF80];
	v16 =	vadd.bf16 v16, v8  }
0x46a: {  	v8 =	vsub.bf16 v3, v22;
	v5 =	vsel vm0, v15, v5;
	v21 =	vld [tilespmem:s18+$0xFFFFFF80];
	v10 =	vadd.bf16 v13, v10  }
0x46b: {  	v6 =	vmul.bf16 v6, v6;
	v11 =	vadd.bf16 v20, v11;
	v20 =	vsub.bf16 v2, v14;
	v13 =	vld [tilespmem:s19+$0xFFFFFF40]  }
0x46c: {  	v4 =	vsub.bf16 v4, v19;
	v14 =	vmul.bf16 v7, v7;
	v15 =	vmul.bf16 v8, v8;
	v3 =	vld [tilespmem:s19+$0xFFFFFFB0]  }
0x46d: {  	v11 =	vadd.bf16 v12, v11;
	v8 =	vsub.bf16 v18, v24;
	v18 =	vmul.bf16 v20, v20;
	v19 =	vld [tilespmem:s19+$0xFFFFFF70];
	v2 =	vmovc v26  }
0x46e: {  	v9 =	vadd.bf16 v23, v9;
	v6 =	vadd.bf16 v6, v16;
	v20 =	vmul.bf16 v4, v4;
	v12 =	vld [tilespmem:s18+$0xFFFFFF70]  }
0x46f: {  	v11 =	vadd.bf16 v14, v11;
	v7 =	vsub.bf16 v17, v21;
	v16 =	vld [tilespmem:s19+$0xFFFFFFF0]  }
0x470: {  	v10 =	vadd.bf16 v15, v10;
	v15 =	vunpack.i.u.bf16.f32 v9;
	v17 =	vadd.bf16 v20, v6;
	v14 =	vld [tilespmem:s18+$0xFFFFFFF0];
	v4 =	vmovc v13  }
0x471: {  	v9 =	vunpack.i.l.bf16.f32 v9;
	v13 =	vunpack.i.u.bf16.f32 v11;
	v11 =	vunpack.i.l.bf16.f32 v11;
	v6 =	vld [tilespmem:s19+$0xFFFFFF30]  }
0x472: {  	v9 =	vadd.f32 v9, v15;
	v21 =	vunpack.i.u.bf16.f32 v17;
	v11 =	vadd.f32 v11, v13;
	v20 =	vld [tilespmem:s19+$0xFFFFFFE0]  }
0x473: {  	v10 =	vadd.bf16 v18, v10;
	v12 =	vsub.bf16 v19, v12;
	v13 =	vld [tilespmem:s18+$0xFFFFFFE0]  }
0x474: {  	v17 =	vunpack.i.l.bf16.f32 v17;
	v15 =	vld [tilespmem:s19+$0xFFFFFFD0]  }
0x475: {  	v18 =	vld [tilespmem:s18+$0xFFFFFFD0];
	v19 =	vsub.bf16 v16, v14;
	v14 =	vadd.f32 v17, v21;
	v16 =	vunpack.i.u.bf16.f32 v10  }
0x476: {  	v10 =	vunpack.i.l.bf16.f32 v10;
	v17 =	vld [tilespmem:s19+$0xFFFFFFA0]  }
0x477: {  	v16 =	vadd.f32 v10, v16;
	v21 =	vld [tilespmem:s18+$0xFFFFFFA0];
	v14 =	vadd.f32 v11, v14  }
0x478: {  	v10 =	vld [tilespmem:s19+$0xFFFFFF90];
	v20 =	vsub.bf16 v20, v13  }
0x479: {  	v9 =	vadd.f32 v9, v16;
	v11 =	vld [tilespmem:s18+$0xFFFFFF10];
	(xrf2) =	vadd.scan.msk.f32 $0xffff, v14  }
0x47a: {  	v22 =	vld [tilespmem:s19+$0xFFFFFF60];
	v15 =	vsub.bf16 v15, v18  }
0x47b: {  	v23 =	vld [tilespmem:s18+$0xFFFFFF60]  }
0x47c: {  	v18 =	vmul.bf16 v20, v20;
	v14 =	vld [tilespmem:s19+$0xFFFFFF50];
	v13 =	vsub.bf16 v17, v21;
	v17 =	vmul.bf16 v15, v15;
	(xrf2) =	vadd.scan.msk.f32 $0xffff, v9  }
.Ltmp7:
0x47d: {  	v15 =	vld [tilespmem:s18+$0xFFFFFF50];
	(pc) =	sbr.rel @p0 .LBB2_17-.Ltmp7, $4  }
0x47e: {  	v16 =	vld [tilespmem:s19+$0xFFFFFF20];
	v9 =	vadd.bf16 v18, v17;
	v17 =	vmul.bf16 v19, v19  }
0x47f: {  	v19 =	vld [tilespmem:s18+$0xFFFFFF20]  }
0x480: {  	v18 =	vld [tilespmem:s19+$0xFFFFFF10];
	v20 =	vsub.bf16 v22, v23;
	v9 =	vadd.bf16 v17, v9  }
0x481: {  	v17 =	vld [tilespmem:s18+$0xFFFFFF90]  }
0x482: {  	v21 =	vld [tilespmem:s18+$0xFFFFFF30]  }
0x483: {  	v14 =	vsub.bf16 v14, v15;
	v15 =	vld [tilespmem:s18+$0xFFFFFF40]  }
0x484: {  	v12 =	vmul.bf16 v12, v12;
	v13 =	vmul.bf16 v13, v13;
	v16 =	vsub.bf16 v16, v19;
	v19 =	vld [tilespmem:s18+$0xFFFFFFB0]  }
0x485: {  	v8 =	vmul.bf16 v8, v8;
	v14 =	vmul.bf16 v14, v14  }
0x486: {  	v11 =	vsub.bf16 v18, v11;
	v18 =	vmul.bf16 v20, v20;
	v10 =	vsub.bf16 v10, v17;
	v17 =	vld [tilespmem:s18+$0xFFFFFFC0]  }
0x487: {  	v7 =	vmul.bf16 v7, v7;
	v8 =	vadd.bf16 v8, v9;
	v16 =	vmul.bf16 v16, v16  }
0x488: {  	v11 =	vmul.bf16 v11, v11;
	v6 =	vsub.bf16 v6, v21;
	v14 =	vadd.bf16 v18, v14  }
0x489: {  	v4 =	vsub.bf16 v4, v15;
	v10 =	vmul.bf16 v10, v10;
	v3 =	vsub.bf16 v3, v19  }
0x48a: {  	v11 =	vadd.bf16 v16, v11;
	v6 =	vmul.bf16 v6, v6;
	v12 =	vadd.bf16 v12, v14  }
0x48b: {  	v10 =	vadd.bf16 v13, v10;
	v2 =	vsub.bf16 v2, v17;
	v3 =	vmul.bf16 v3, v3  }
0x48c: {  	v4 =	vmul.bf16 v4, v4;
	v6 =	vadd.bf16 v6, v11;
	v7 =	vadd.bf16 v7, v12  }
0x48d: {  	v2 =	vmul.bf16 v2, v2;
	v3 =	vadd.bf16 v3, v10  }
0x48e: {  	v4 =	vadd.bf16 v4, v6;
	v6 =	vunpack.i.u.bf16.f32 v8;
	v9 =	vunpack.i.u.bf16.f32 v7  }
0x48f: {  	v7 =	vunpack.i.l.bf16.f32 v7;
	v8 =	vunpack.i.l.bf16.f32 v8;
	v2 =	vadd.bf16 v2, v3  }
0x490: {  	v7 =	vadd.f32 v7, v9;
	v3 =	vunpack.i.u.bf16.f32 v4;
	v4 =	vunpack.i.l.bf16.f32 v4  }
0x491: {  	v3 =	vadd.f32 v4, v3;
	v4 =	vunpack.i.u.bf16.f32 v2;
	v2 =	vunpack.i.l.bf16.f32 v2  }
0x492: {  	v6 =	vadd.f32 v8, v6;
	v2 =	vadd.f32 v2, v4  }
0x493: {  	v3 =	vadd.f32 v7, v3  }
0x494: {  	v2 =	vadd.f32 v6, v2  }
0x495: {  	(xrf2) =	vadd.scan.msk.f32 $0xffff, v3  }
0x496: {  	(xrf2) =	vadd.scan.msk.f32 $0xffff, v2;
	_ =	sdelay $0x4  }
0x497: {  	s0 =	sadd.s32 $0x1, s12;
	v4 =	vmov s12  }
0x498: {  	vm0 =	veq.s32 v4, v1;
	v4 =	vmov s0;
	v2, _, _ =	vpop (xrf2)  }
0x499: {  	v3, _, _ =	vpop (xrf2);
	v2 =	vperm.xlane v2, v0  }
0x49a: {  	v3 =	vperm.xlane v3, v0  }
0x49b: {  	vm13 =	veq.s32 v4, v1;
	v2 =	vsel vm0, v2, v5;
	v4, _, _ =	vpop (xrf2)  }
0x49c: {  	s18 =	sadd.s32 $0x1, s11;
	v2 =	vsel vm13, v3, v2;
	v3 =	vmov s11;
	v4 =	vperm.xlane v4, v0;
	v5, _, _ =	vpop (xrf2)  }
0x49d: {  	vm14 =	veq.s32 v3, v1;
	v3 =	vmov s18;
	v5 =	vperm.xlane v5, v0  }
0x49e: {  	vm15 =	veq.s32 v3, v1;
	v2 =	vsel vm14, v4, v2  }
0x49f: {  	v2 =	vsel vm15, v5, v2  }
0x4a0: {  	v3 =	vshra.s32 v2, $0x1;
	v4 =	vmul.f32 $5.000000000e-01, v2  }
0x4a1: {  	v3 =	vsub.s32 $0x5F3759DF, v3  }
0x4a2: {  	v5 =	vmul.f32 v3, v4;
	_ =	sdelay $0x1  }
0x4a3: {  	v5 =	vmul.f32 v3, v5;
	_ =	sdelay $0x1  }
0x4a4: {  	v5 =	vsub.f32 $1.500000000e+00, v5;
	_ =	sdelay $0x1  }
0x4a5: {  	v3 =	vmul.f32 v3, v5;
	_ =	sdelay $0x1  }
0x4a6: {  	v5 =	vmul.f32 v3, v4;
	_ =	sdelay $0x1  }
0x4a7: {  	v5 =	vmul.f32 v5, v3;
	_ =	sdelay $0x1  }
0x4a8: {  	v5 =	vsub.f32 $1.500000000e+00, v5;
	_ =	sdelay $0x1  }
0x4a9: {  	v3 =	vmul.f32 v5, v3;
	_ =	sdelay $0x1  }
0x4aa: {  	v4 =	vmul.f32 v3, v4;
	_ =	sdelay $0x1  }
0x4ab: {  	v4 =	vmul.f32 v4, v3;
	_ =	sdelay $0x1  }
0x4ac: {  	v4 =	vsub.f32 $1.500000000e+00, v4;
	_ =	sdelay $0x1  }
0x4ad: {  	v3 =	vmul.f32 v4, v3;
	_ =	sdelay $0x1  }
0x4ae: {  	v2 =	vmul.f32 v3, v2;
	_ =	sdelay $0x1  }
0x4af: {  	s19 =	simm.s32 $0x1DAF0;
	[tilespmem:$0x1FA70] =	vst v2  }
0x4b0: {  	s31 =	simm.s32 $0x17AF0;
	v2 =	vld [tilespmem:s19+$0x0]  }
0x4b1: {  	v3 =	vld [tilespmem:s31+$0x0]  }
0x4b2: {  	v5 =	vld [tilespmem:s19+$0xFFFFFFC0]  }
0x4b3: {  	v4 =	vld [tilespmem:s19+$0xFFFFFF80]  }
0x4b4: {  	v6 =	vld [tilespmem:s31+$0xFFFFFF80]  }
0x4b5: {  	v7 =	vld [tilespmem:s19+$0xFFFFFF40]  }
0x4b6: {  	v8 =	vld [tilespmem:s19+$0xFFFFFFB0]  }
0x4b7: {  	v9 =	vld [tilespmem:s19+$0xFFFFFF70]  }
0x4b8: {  	v10 =	vld [tilespmem:s31+$0xFFFFFF70]  }
0x4b9: {  	v11 =	vld [tilespmem:s19+$0xFFFFFFF0]  }
0x4ba: {  	v12 =	vld [tilespmem:s31+$0xFFFFFFF0]  }
0x4bb: {  	v13 =	vld [tilespmem:s19+$0xFFFFFF30]  }
0x4bc: {  	v14 =	vld [tilespmem:s19+$0xFFFFFFE0]  }
0x4bd: {  	v15 =	vld [tilespmem:s31+$0xFFFFFFE0]  }
0x4be: {  	v16 =	vld [tilespmem:s19+$0xFFFFFFD0]  }
0x4bf: {  	v17 =	vld [tilespmem:s31+$0xFFFFFFD0]  }
0x4c0: {  	v18 =	vld [tilespmem:s19+$0xFFFFFFA0]  }
0x4c1: {  	v19 =	vld [tilespmem:s31+$0xFFFFFFA0]  }
0x4c2: {  	v20 =	vld [tilespmem:s19+$0xFFFFFF90]  }
0x4c3: {  	v21 =	vld [tilespmem:s31+$0xFFFFFF10]  }
0x4c4: {  	v22 =	vld [tilespmem:s19+$0xFFFFFF60]  }
0x4c5: {  	v23 =	vld [tilespmem:s31+$0xFFFFFF60]  }
0x4c6: {  	v24 =	vld [tilespmem:s19+$0xFFFFFF50]  }
0x4c7: {  	v25 =	vld [tilespmem:s31+$0xFFFFFF50]  }
0x4c8: {  	v26 =	vld [tilespmem:s19+$0xFFFFFF20]  }
0x4c9: {  	v27 =	vld [tilespmem:s31+$0xFFFFFF20]  }
0x4ca: {  	v28 =	vld [tilespmem:s19+$0xFFFFFF10]  }
0x4cb: {  	v29 =	vld [tilespmem:s31+$0xFFFFFF90]  }
0x4cc: {  	v30 =	vld [tilespmem:s31+$0xFFFFFF30];
	v35 =	vsub.bf16 v2, v3  }
0x4cd: {  	v31 =	vld [tilespmem:s31+$0xFFFFFFB0];
	v36 =	vsub.bf16 v4, v6;
	v3 =	vsub.bf16 v14, v15  }
0x4ce: {  	v32 =	vld [tilespmem:s31+$0xFFFFFF40];
	v4 =	vsub.bf16 v16, v17;
	v9 =	vsub.bf16 v9, v10  }
0x4cf: {  	s18 =	simm.s32 $0x17BF0;
	v33 =	vld [tilespmem:s31+$0xFFFFFFC0];
	v6 =	vsub.bf16 v11, v12;
	v10 =	vsub.bf16 v18, v19  }
0x4d0: {  	v37 =	vld [tilespmem:s18+$0x0];
	v14 =	vsub.bf16 v26, v27;
	v11 =	vmul.bf16 v4, v4;
	v3 =	vmul.bf16 v3, v3  }
0x4d1: {  	s19 =	simm.s32 $0x1DBF0;
	v60 =	vld [tilespmem:s18+$0xFFFFFFA0];
	v15 =	vsub.bf16 v28, v21;
	v17 =	vsub.bf16 v22, v23  }
0x4d2: {  	v34 =	vld [tilespmem:s19+$0x0];
	v18 =	vsub.bf16 v20, v29;
	v6 =	vmul.bf16 v6, v6;
	v11 =	vadd.bf16 v3, v11  }
0x4d3: {  	v59 =	vld [tilespmem:s19+$0xFFFFFFA0];
	v13 =	vsub.bf16 v13, v30;
	v8 =	vsub.bf16 v8, v31  }
0x4d4: {  	v62 =	vld [tilespmem:s19+$0xFFFFFF60];
	v14 =	vmul.bf16 v14, v14;
	v11 =	vadd.bf16 v6, v11;
	v6 =	vsub.bf16 v24, v25  }
0x4d5: {  	v2 =	vld [tilespmem:s19+$0xFFFFFFC0];
	v5 =	vsub.bf16 v5, v33;
	v15 =	vmul.bf16 v15, v15;
	v10 =	vmul.bf16 v10, v10  }
0x4d6: {  	v12 =	vld [tilespmem:s19+$0xFFFFFF80];
	v7 =	vsub.bf16 v7, v32;
	v17 =	vmul.bf16 v17, v17;
	v19 =	vmul.bf16 v6, v6  }
0x4d7: {  	v16 =	vld [tilespmem:s18+$0xFFFFFF80];
	v18 =	vmul.bf16 v18, v18;
	v13 =	vmul.bf16 v13, v13;
	v14 =	vadd.bf16 v14, v15  }
0x4d8: {  	v20 =	vld [tilespmem:s19+$0xFFFFFF70];
	v9 =	vmul.bf16 v9, v9;
	v58 =	vmul.bf16 v8, v8;
	v17 =	vadd.bf16 v17, v19  }
0x4d9: {  	v21 =	vld [tilespmem:s18+$0xFFFFFF70];
	v7 =	vmul.bf16 v7, v7;
	v10 =	vadd.bf16 v10, v18;
	v13 =	vadd.bf16 v13, v14  }
0x4da: {  	v22 =	vld [tilespmem:s18+$0xFFFFFFF0];
	v57 =	vmul.bf16 v36, v36;
	v9 =	vadd.bf16 v9, v17  }
0x4db: {  	v23 =	vld [tilespmem:s18+$0xFFFFFFE0];
	v5 =	vmul.bf16 v5, v5;
	v7 =	vadd.bf16 v7, v13;
	v13 =	vadd.bf16 v58, v10  }
0x4dc: {  	v4 =	vld [tilespmem:s19+$0xFFFFFF40];
	v19 =	vmul.bf16 v35, v35;
	v9 =	vadd.bf16 v57, v9  }
0x4dd: {  	v15 =	vld [tilespmem:s19+$0xFFFFFFF0];
	v5 =	vadd.bf16 v5, v13;
	v13 =	vunpack.i.u.bf16.f32 v7;
	v7 =	vunpack.i.l.bf16.f32 v7  }
0x4de: {  	v18 =	vld [tilespmem:s19+$0xFFFFFFE0];
	v13 =	vadd.f32 v7, v13;
	v61 =	vunpack.i.u.bf16.f32 v9;
	v9 =	vunpack.i.l.bf16.f32 v9  }
0x4df: {  	v14 =	vld [tilespmem:s18+$0xFFFFFFD0];
	v11 =	vadd.bf16 v19, v11;
	v9 =	vadd.f32 v9, v61  }
0x4e0: {  	v17 =	vld [tilespmem:s19+$0xFFFFFFD0];
	v7 =	vunpack.i.u.bf16.f32 v5;
	v5 =	vunpack.i.l.bf16.f32 v5  }
0x4e1: {  	v3 =	vld [tilespmem:s19+$0xFFFFFFB0];
	v19 =	vunpack.i.u.bf16.f32 v11;
	v11 =	vunpack.i.l.bf16.f32 v11;
	v9 =	vadd.f32 v9, v13  }
0x4e2: {  	v6 =	vld [tilespmem:s19+$0xFFFFFF30];
	v5 =	vadd.f32 v5, v7;
	v19 =	vadd.f32 v11, v19  }
0x4e3: {  	v10 =	vld [tilespmem:s19+$0xFFFFFF90];
	v22 =	vsub.bf16 v15, v22;
	v15 =	vsub.bf16 v18, v23;
	(xrf2) =	vadd.scan.msk.f32 $0xffff, v9  }
0x4e4: {  	v23 =	vld [tilespmem:s18+$0xFFFFFF60];
	v63 =	vadd.f32 v19, v5  }
0x4e5: {  	v18 =	vmul.bf16 v15, v15;
	v15 =	vld [tilespmem:s18+$0xFFFFFF50];
	v17 =	vsub.bf16 v17, v14  }
0x4e6: {  	v7 =	vsub.bf16 v12, v16;
	v16 =	vld [tilespmem:s19+$0xFFFFFF20];
	(xrf2) =	vadd.scan.msk.f32 $0xffff, v63  }
0x4e7: {  	v11 =	vld [tilespmem:s18+$0xFFFFFF10];
	v17 =	vmul.bf16 v17, v17  }
0x4e8: {  	v14 =	vld [tilespmem:s19+$0xFFFFFF50]  }
0x4e9: {  	v8 =	vsub.bf16 v34, v37;
	v22 =	vmul.bf16 v22, v22;
	v19 =	vld [tilespmem:s18+$0xFFFFFF20];
	v17 =	vadd.bf16 v18, v17  }
0x4ea: {  	v12 =	vsub.bf16 v20, v21;
	v20 =	vsub.bf16 v62, v23;
	v18 =	vld [tilespmem:s19+$0xFFFFFF10]  }
0x4eb: {  	s13 =	simm.s32 $0x4;
	s12 =	simm.s32 $0x0;
	s11 =	simm.s32 $0x2;
	v5 =	vimm.f32 $0.0e+00;
	v13 =	vsub.bf16 v59, v60;
	v9 =	vadd.bf16 v22, v17;
	v17 =	vld [tilespmem:s18+$0xFFFFFF90]  }
.LBB2_19:
0x4ec: {  	p0 =	slt.u32 s13, $0xE;
	v21 =	vld [tilespmem:s18+$0xFFFFFF30];
	v12 =	vmul.bf16 v12, v12;
	s0 =	smov.u32 s13;
	s13 =	sadd.s32 $0x2, s13  }
0x4ed: {  	v23 =	vmul.bf16 v8, v8;
	v8 =	vmov s12;
	v22 =	vld [tilespmem:s18+$0xFFFFFFB0];
	v24, _, _ =	vpop (xrf2)  }
0x4ee: {  	v20 =	vmul.bf16 v20, v20;
	vm0 =	veq.s32 v8, v1;
	v16 =	vsub.bf16 v16, v19;
	v19 =	vld [tilespmem:s18+$0xFFFFFF40]  }
0x4ef: {  	s19 =	sadd.s32 $0x100, s19;
	v8 =	vsub.bf16 v18, v11;
	v11 =	vsub.bf16 v14, v15;
	v14 =	vld [tilespmem:s18+$0xFFFFFFC0];
	v15 =	vperm.xlane v24, v0  }
0x4f0: {  	v13 =	vmul.bf16 v13, v13;
	s31 =	sadd.s32 $0x1, s12;
	s12 =	smov.u32 s11;
	s18 =	sadd.s32 $0x100, s18;
	v18 =	vld [tilespmem:s19+$0x0];
	v16 =	vmul.bf16 v16, v16;
	v10 =	vsub.bf16 v10, v17;
	v17, _, _ =	vpop (xrf2)  }
0x4f1: {  	v25 =	vmov s31;
	s11 =	smov.u32 s0;
	v24 =	vld [tilespmem:s18+$0x0];
	v8 =	vmul.bf16 v8, v8;
	v11 =	vmul.bf16 v11, v11  }
0x4f2: {  	v5 =	vsel vm0, v15, v5;
	v15 =	vperm.xlane v17, v0;
	v26 =	vld [tilespmem:s19+$0xFFFFFFC0];
	v10 =	vmul.bf16 v10, v10  }
0x4f3: {  	v6 =	vsub.bf16 v6, v21;
	vm0 =	veq.s32 v25, v1;
	v17 =	vld [tilespmem:s19+$0xFFFFFF80];
	v16 =	vadd.bf16 v16, v8  }
0x4f4: {  	v8 =	vsub.bf16 v3, v22;
	v5 =	vsel vm0, v15, v5;
	v21 =	vld [tilespmem:s18+$0xFFFFFF80];
	v10 =	vadd.bf16 v13, v10  }
0x4f5: {  	v6 =	vmul.bf16 v6, v6;
	v11 =	vadd.bf16 v20, v11;
	v20 =	vsub.bf16 v2, v14;
	v13 =	vld [tilespmem:s19+$0xFFFFFF40]  }
0x4f6: {  	v4 =	vsub.bf16 v4, v19;
	v14 =	vmul.bf16 v7, v7;
	v15 =	vmul.bf16 v8, v8;
	v3 =	vld [tilespmem:s19+$0xFFFFFFB0]  }
0x4f7: {  	v11 =	vadd.bf16 v12, v11;
	v8 =	vsub.bf16 v18, v24;
	v18 =	vmul.bf16 v20, v20;
	v19 =	vld [tilespmem:s19+$0xFFFFFF70];
	v2 =	vmovc v26  }
0x4f8: {  	v9 =	vadd.bf16 v23, v9;
	v6 =	vadd.bf16 v6, v16;
	v20 =	vmul.bf16 v4, v4;
	v12 =	vld [tilespmem:s18+$0xFFFFFF70]  }
0x4f9: {  	v11 =	vadd.bf16 v14, v11;
	v7 =	vsub.bf16 v17, v21;
	v16 =	vld [tilespmem:s19+$0xFFFFFFF0]  }
0x4fa: {  	v10 =	vadd.bf16 v15, v10;
	v15 =	vunpack.i.u.bf16.f32 v9;
	v17 =	vadd.bf16 v20, v6;
	v14 =	vld [tilespmem:s18+$0xFFFFFFF0];
	v4 =	vmovc v13  }
0x4fb: {  	v9 =	vunpack.i.l.bf16.f32 v9;
	v13 =	vunpack.i.u.bf16.f32 v11;
	v11 =	vunpack.i.l.bf16.f32 v11;
	v6 =	vld [tilespmem:s19+$0xFFFFFF30]  }
0x4fc: {  	v9 =	vadd.f32 v9, v15;
	v21 =	vunpack.i.u.bf16.f32 v17;
	v11 =	vadd.f32 v11, v13;
	v20 =	vld [tilespmem:s19+$0xFFFFFFE0]  }
0x4fd: {  	v10 =	vadd.bf16 v18, v10;
	v12 =	vsub.bf16 v19, v12;
	v13 =	vld [tilespmem:s18+$0xFFFFFFE0]  }
0x4fe: {  	v17 =	vunpack.i.l.bf16.f32 v17;
	v15 =	vld [tilespmem:s19+$0xFFFFFFD0]  }
0x4ff: {  	v18 =	vld [tilespmem:s18+$0xFFFFFFD0];
	v19 =	vsub.bf16 v16, v14;
	v14 =	vadd.f32 v17, v21;
	v16 =	vunpack.i.u.bf16.f32 v10  }
0x500: {  	v10 =	vunpack.i.l.bf16.f32 v10;
	v17 =	vld [tilespmem:s19+$0xFFFFFFA0]  }
0x501: {  	v16 =	vadd.f32 v10, v16;
	v21 =	vld [tilespmem:s18+$0xFFFFFFA0];
	v14 =	vadd.f32 v11, v14  }
0x502: {  	v10 =	vld [tilespmem:s19+$0xFFFFFF90];
	v20 =	vsub.bf16 v20, v13  }
0x503: {  	v9 =	vadd.f32 v9, v16;
	v11 =	vld [tilespmem:s18+$0xFFFFFF10];
	(xrf2) =	vadd.scan.msk.f32 $0xffff, v14  }
0x504: {  	v22 =	vld [tilespmem:s19+$0xFFFFFF60];
	v15 =	vsub.bf16 v15, v18  }
0x505: {  	v23 =	vld [tilespmem:s18+$0xFFFFFF60]  }
0x506: {  	v18 =	vmul.bf16 v20, v20;
	v14 =	vld [tilespmem:s19+$0xFFFFFF50];
	v13 =	vsub.bf16 v17, v21;
	v17 =	vmul.bf16 v15, v15;
	(xrf2) =	vadd.scan.msk.f32 $0xffff, v9  }
.Ltmp8:
0x507: {  	v15 =	vld [tilespmem:s18+$0xFFFFFF50];
	(pc) =	sbr.rel @p0 .LBB2_19-.Ltmp8, $4  }
0x508: {  	v16 =	vld [tilespmem:s19+$0xFFFFFF20];
	v9 =	vadd.bf16 v18, v17;
	v17 =	vmul.bf16 v19, v19  }
0x509: {  	v19 =	vld [tilespmem:s18+$0xFFFFFF20]  }
0x50a: {  	v18 =	vld [tilespmem:s19+$0xFFFFFF10];
	v20 =	vsub.bf16 v22, v23;
	v9 =	vadd.bf16 v17, v9  }
0x50b: {  	v17 =	vld [tilespmem:s18+$0xFFFFFF90]  }
0x50c: {  	v21 =	vld [tilespmem:s18+$0xFFFFFF30]  }
0x50d: {  	v14 =	vsub.bf16 v14, v15;
	v15 =	vld [tilespmem:s18+$0xFFFFFF40]  }
0x50e: {  	v12 =	vmul.bf16 v12, v12;
	v13 =	vmul.bf16 v13, v13;
	v16 =	vsub.bf16 v16, v19;
	v19 =	vld [tilespmem:s18+$0xFFFFFFB0]  }
0x50f: {  	v8 =	vmul.bf16 v8, v8;
	v14 =	vmul.bf16 v14, v14  }
0x510: {  	v11 =	vsub.bf16 v18, v11;
	v18 =	vmul.bf16 v20, v20;
	v10 =	vsub.bf16 v10, v17;
	v17 =	vld [tilespmem:s18+$0xFFFFFFC0]  }
0x511: {  	v7 =	vmul.bf16 v7, v7;
	v8 =	vadd.bf16 v8, v9;
	v16 =	vmul.bf16 v16, v16  }
0x512: {  	v11 =	vmul.bf16 v11, v11;
	v6 =	vsub.bf16 v6, v21;
	v14 =	vadd.bf16 v18, v14  }
0x513: {  	v4 =	vsub.bf16 v4, v15;
	v10 =	vmul.bf16 v10, v10;
	v3 =	vsub.bf16 v3, v19  }
0x514: {  	v11 =	vadd.bf16 v16, v11;
	v6 =	vmul.bf16 v6, v6;
	v12 =	vadd.bf16 v12, v14  }
0x515: {  	v10 =	vadd.bf16 v13, v10;
	v2 =	vsub.bf16 v2, v17;
	v3 =	vmul.bf16 v3, v3  }
0x516: {  	v4 =	vmul.bf16 v4, v4;
	v6 =	vadd.bf16 v6, v11;
	v7 =	vadd.bf16 v7, v12  }
0x517: {  	v2 =	vmul.bf16 v2, v2;
	v3 =	vadd.bf16 v3, v10  }
0x518: {  	v4 =	vadd.bf16 v4, v6;
	v6 =	vunpack.i.u.bf16.f32 v8;
	v9 =	vunpack.i.u.bf16.f32 v7  }
0x519: {  	v7 =	vunpack.i.l.bf16.f32 v7;
	v8 =	vunpack.i.l.bf16.f32 v8;
	v2 =	vadd.bf16 v2, v3  }
0x51a: {  	v7 =	vadd.f32 v7, v9;
	v3 =	vunpack.i.u.bf16.f32 v4;
	v4 =	vunpack.i.l.bf16.f32 v4  }
0x51b: {  	v3 =	vadd.f32 v4, v3;
	v4 =	vunpack.i.u.bf16.f32 v2;
	v2 =	vunpack.i.l.bf16.f32 v2  }
0x51c: {  	v6 =	vadd.f32 v8, v6;
	v2 =	vadd.f32 v2, v4  }
0x51d: {  	v3 =	vadd.f32 v7, v3  }
0x51e: {  	v2 =	vadd.f32 v6, v2  }
0x51f: {  	(xrf2) =	vadd.scan.msk.f32 $0xffff, v3  }
0x520: {  	(xrf2) =	vadd.scan.msk.f32 $0xffff, v2;
	_ =	sdelay $0x4  }
0x521: {  	s0 =	sadd.s32 $0x1, s12;
	v4 =	vmov s12  }
0x522: {  	vm0 =	veq.s32 v4, v1;
	v4 =	vmov s0;
	v2, _, _ =	vpop (xrf2)  }
0x523: {  	v3, _, _ =	vpop (xrf2);
	v2 =	vperm.xlane v2, v0  }
0x524: {  	v3 =	vperm.xlane v3, v0  }
0x525: {  	vm13 =	veq.s32 v4, v1;
	v2 =	vsel vm0, v2, v5;
	v4, _, _ =	vpop (xrf2)  }
0x526: {  	s18 =	sadd.s32 $0x1, s11;
	v2 =	vsel vm13, v3, v2;
	v3 =	vmov s11;
	v4 =	vperm.xlane v4, v0;
	v5, _, _ =	vpop (xrf2)  }
0x527: {  	vm14 =	veq.s32 v3, v1;
	v3 =	vmov s18;
	v5 =	vperm.xlane v5, v0  }
0x528: {  	vm15 =	veq.s32 v3, v1;
	v2 =	vsel vm14, v4, v2  }
0x529: {  	v2 =	vsel vm15, v5, v2  }
0x52a: {  	v3 =	vshra.s32 v2, $0x1;
	v4 =	vmul.f32 $5.000000000e-01, v2  }
0x52b: {  	v3 =	vsub.s32 $0x5F3759DF, v3  }
0x52c: {  	v5 =	vmul.f32 v3, v4;
	_ =	sdelay $0x1  }
0x52d: {  	v5 =	vmul.f32 v3, v5;
	_ =	sdelay $0x1  }
0x52e: {  	v5 =	vsub.f32 $1.500000000e+00, v5;
	_ =	sdelay $0x1  }
0x52f: {  	v3 =	vmul.f32 v3, v5;
	_ =	sdelay $0x1  }
0x530: {  	v5 =	vmul.f32 v3, v4;
	_ =	sdelay $0x1  }
0x531: {  	v5 =	vmul.f32 v5, v3;
	_ =	sdelay $0x1  }
0x532: {  	v5 =	vsub.f32 $1.500000000e+00, v5;
	_ =	sdelay $0x1  }
0x533: {  	v3 =	vmul.f32 v5, v3;
	_ =	sdelay $0x1  }
0x534: {  	v4 =	vmul.f32 v3, v4;
	_ =	sdelay $0x1  }
0x535: {  	v4 =	vmul.f32 v4, v3;
	_ =	sdelay $0x1  }
0x536: {  	v4 =	vsub.f32 $1.500000000e+00, v4;
	_ =	sdelay $0x1  }
0x537: {  	v3 =	vmul.f32 v4, v3;
	_ =	sdelay $0x1  }
0x538: {  	v2 =	vmul.f32 v3, v2;
	_ =	sdelay $0x1  }
0x539: {  	s19 =	simm.s32 $0x1E2F0;
	[tilespmem:$0x1FA80] =	vst v2  }
0x53a: {  	s31 =	simm.s32 $0x182F0;
	v2 =	vld [tilespmem:s19+$0x0]  }
0x53b: {  	v3 =	vld [tilespmem:s31+$0x0]  }
0x53c: {  	v5 =	vld [tilespmem:s19+$0xFFFFFFC0]  }
0x53d: {  	v4 =	vld [tilespmem:s19+$0xFFFFFF80]  }
0x53e: {  	v6 =	vld [tilespmem:s31+$0xFFFFFF80]  }
0x53f: {  	v7 =	vld [tilespmem:s19+$0xFFFFFF40]  }
0x540: {  	v8 =	vld [tilespmem:s19+$0xFFFFFFB0]  }
0x541: {  	v9 =	vld [tilespmem:s19+$0xFFFFFF70]  }
0x542: {  	v10 =	vld [tilespmem:s31+$0xFFFFFF70]  }
0x543: {  	v11 =	vld [tilespmem:s19+$0xFFFFFFF0]  }
0x544: {  	v12 =	vld [tilespmem:s31+$0xFFFFFFF0]  }
0x545: {  	v13 =	vld [tilespmem:s19+$0xFFFFFF30]  }
0x546: {  	v14 =	vld [tilespmem:s19+$0xFFFFFFE0]  }
0x547: {  	v15 =	vld [tilespmem:s31+$0xFFFFFFE0]  }
0x548: {  	v16 =	vld [tilespmem:s19+$0xFFFFFFD0]  }
0x549: {  	v17 =	vld [tilespmem:s31+$0xFFFFFFD0]  }
0x54a: {  	v18 =	vld [tilespmem:s19+$0xFFFFFFA0]  }
0x54b: {  	v19 =	vld [tilespmem:s31+$0xFFFFFFA0]  }
0x54c: {  	v20 =	vld [tilespmem:s19+$0xFFFFFF90]  }
0x54d: {  	v21 =	vld [tilespmem:s31+$0xFFFFFF10]  }
0x54e: {  	v22 =	vld [tilespmem:s19+$0xFFFFFF60]  }
0x54f: {  	v23 =	vld [tilespmem:s31+$0xFFFFFF60]  }
0x550: {  	v24 =	vld [tilespmem:s19+$0xFFFFFF50]  }
0x551: {  	v25 =	vld [tilespmem:s31+$0xFFFFFF50]  }
0x552: {  	v26 =	vld [tilespmem:s19+$0xFFFFFF20]  }
0x553: {  	v27 =	vld [tilespmem:s31+$0xFFFFFF20]  }
0x554: {  	v28 =	vld [tilespmem:s19+$0xFFFFFF10]  }
0x555: {  	v29 =	vld [tilespmem:s31+$0xFFFFFF90]  }
0x556: {  	v30 =	vld [tilespmem:s31+$0xFFFFFF30];
	v35 =	vsub.bf16 v2, v3  }
0x557: {  	v31 =	vld [tilespmem:s31+$0xFFFFFFB0];
	v36 =	vsub.bf16 v4, v6;
	v3 =	vsub.bf16 v14, v15  }
0x558: {  	v32 =	vld [tilespmem:s31+$0xFFFFFF40];
	v4 =	vsub.bf16 v16, v17;
	v9 =	vsub.bf16 v9, v10  }
0x559: {  	s18 =	simm.s32 $0x183F0;
	v33 =	vld [tilespmem:s31+$0xFFFFFFC0];
	v6 =	vsub.bf16 v11, v12;
	v10 =	vsub.bf16 v18, v19  }
0x55a: {  	v37 =	vld [tilespmem:s18+$0x0];
	v14 =	vsub.bf16 v26, v27;
	v11 =	vmul.bf16 v4, v4;
	v3 =	vmul.bf16 v3, v3  }
0x55b: {  	s19 =	simm.s32 $0x1E3F0;
	v60 =	vld [tilespmem:s18+$0xFFFFFFA0];
	v15 =	vsub.bf16 v28, v21;
	v17 =	vsub.bf16 v22, v23  }
0x55c: {  	v34 =	vld [tilespmem:s19+$0x0];
	v18 =	vsub.bf16 v20, v29;
	v6 =	vmul.bf16 v6, v6;
	v11 =	vadd.bf16 v3, v11  }
0x55d: {  	v59 =	vld [tilespmem:s19+$0xFFFFFFA0];
	v13 =	vsub.bf16 v13, v30;
	v8 =	vsub.bf16 v8, v31  }
0x55e: {  	v62 =	vld [tilespmem:s19+$0xFFFFFF60];
	v14 =	vmul.bf16 v14, v14;
	v11 =	vadd.bf16 v6, v11;
	v6 =	vsub.bf16 v24, v25  }
0x55f: {  	v2 =	vld [tilespmem:s19+$0xFFFFFFC0];
	v5 =	vsub.bf16 v5, v33;
	v15 =	vmul.bf16 v15, v15;
	v10 =	vmul.bf16 v10, v10  }
0x560: {  	v12 =	vld [tilespmem:s19+$0xFFFFFF80];
	v7 =	vsub.bf16 v7, v32;
	v17 =	vmul.bf16 v17, v17;
	v19 =	vmul.bf16 v6, v6  }
0x561: {  	v16 =	vld [tilespmem:s18+$0xFFFFFF80];
	v18 =	vmul.bf16 v18, v18;
	v13 =	vmul.bf16 v13, v13;
	v14 =	vadd.bf16 v14, v15  }
0x562: {  	v20 =	vld [tilespmem:s19+$0xFFFFFF70];
	v9 =	vmul.bf16 v9, v9;
	v58 =	vmul.bf16 v8, v8;
	v17 =	vadd.bf16 v17, v19  }
0x563: {  	v21 =	vld [tilespmem:s18+$0xFFFFFF70];
	v7 =	vmul.bf16 v7, v7;
	v10 =	vadd.bf16 v10, v18;
	v13 =	vadd.bf16 v13, v14  }
0x564: {  	v22 =	vld [tilespmem:s18+$0xFFFFFFF0];
	v57 =	vmul.bf16 v36, v36;
	v9 =	vadd.bf16 v9, v17  }
0x565: {  	v23 =	vld [tilespmem:s18+$0xFFFFFFE0];
	v5 =	vmul.bf16 v5, v5;
	v7 =	vadd.bf16 v7, v13;
	v13 =	vadd.bf16 v58, v10  }
0x566: {  	v4 =	vld [tilespmem:s19+$0xFFFFFF40];
	v19 =	vmul.bf16 v35, v35;
	v9 =	vadd.bf16 v57, v9  }
0x567: {  	v15 =	vld [tilespmem:s19+$0xFFFFFFF0];
	v5 =	vadd.bf16 v5, v13;
	v13 =	vunpack.i.u.bf16.f32 v7;
	v7 =	vunpack.i.l.bf16.f32 v7  }
0x568: {  	v18 =	vld [tilespmem:s19+$0xFFFFFFE0];
	v13 =	vadd.f32 v7, v13;
	v61 =	vunpack.i.u.bf16.f32 v9;
	v9 =	vunpack.i.l.bf16.f32 v9  }
0x569: {  	v14 =	vld [tilespmem:s18+$0xFFFFFFD0];
	v11 =	vadd.bf16 v19, v11;
	v9 =	vadd.f32 v9, v61  }
0x56a: {  	v17 =	vld [tilespmem:s19+$0xFFFFFFD0];
	v7 =	vunpack.i.u.bf16.f32 v5;
	v5 =	vunpack.i.l.bf16.f32 v5  }
0x56b: {  	v3 =	vld [tilespmem:s19+$0xFFFFFFB0];
	v19 =	vunpack.i.u.bf16.f32 v11;
	v11 =	vunpack.i.l.bf16.f32 v11;
	v9 =	vadd.f32 v9, v13  }
0x56c: {  	v6 =	vld [tilespmem:s19+$0xFFFFFF30];
	v5 =	vadd.f32 v5, v7;
	v19 =	vadd.f32 v11, v19  }
0x56d: {  	v10 =	vld [tilespmem:s19+$0xFFFFFF90];
	v22 =	vsub.bf16 v15, v22;
	v15 =	vsub.bf16 v18, v23;
	(xrf2) =	vadd.scan.msk.f32 $0xffff, v9  }
0x56e: {  	v23 =	vld [tilespmem:s18+$0xFFFFFF60];
	v63 =	vadd.f32 v19, v5  }
0x56f: {  	v18 =	vmul.bf16 v15, v15;
	v15 =	vld [tilespmem:s18+$0xFFFFFF50];
	v17 =	vsub.bf16 v17, v14  }
0x570: {  	v7 =	vsub.bf16 v12, v16;
	v16 =	vld [tilespmem:s19+$0xFFFFFF20];
	(xrf2) =	vadd.scan.msk.f32 $0xffff, v63  }
0x571: {  	v11 =	vld [tilespmem:s18+$0xFFFFFF10];
	v17 =	vmul.bf16 v17, v17  }
0x572: {  	v14 =	vld [tilespmem:s19+$0xFFFFFF50]  }
0x573: {  	v8 =	vsub.bf16 v34, v37;
	v22 =	vmul.bf16 v22, v22;
	v19 =	vld [tilespmem:s18+$0xFFFFFF20];
	v17 =	vadd.bf16 v18, v17  }
0x574: {  	v12 =	vsub.bf16 v20, v21;
	v20 =	vsub.bf16 v62, v23;
	v18 =	vld [tilespmem:s19+$0xFFFFFF10]  }
0x575: {  	s13 =	simm.s32 $0x4;
	s12 =	simm.s32 $0x0;
	s11 =	simm.s32 $0x2;
	v5 =	vimm.f32 $0.0e+00;
	v13 =	vsub.bf16 v59, v60;
	v9 =	vadd.bf16 v22, v17;
	v17 =	vld [tilespmem:s18+$0xFFFFFF90]  }
.LBB2_21:
0x576: {  	p0 =	slt.u32 s13, $0xE;
	v21 =	vld [tilespmem:s18+$0xFFFFFF30];
	v12 =	vmul.bf16 v12, v12;
	s0 =	smov.u32 s13;
	s13 =	sadd.s32 $0x2, s13  }
0x577: {  	v23 =	vmul.bf16 v8, v8;
	v8 =	vmov s12;
	v22 =	vld [tilespmem:s18+$0xFFFFFFB0];
	v24, _, _ =	vpop (xrf2)  }
0x578: {  	v20 =	vmul.bf16 v20, v20;
	vm0 =	veq.s32 v8, v1;
	v16 =	vsub.bf16 v16, v19;
	v19 =	vld [tilespmem:s18+$0xFFFFFF40]  }
0x579: {  	s19 =	sadd.s32 $0x100, s19;
	v8 =	vsub.bf16 v18, v11;
	v11 =	vsub.bf16 v14, v15;
	v14 =	vld [tilespmem:s18+$0xFFFFFFC0];
	v15 =	vperm.xlane v24, v0  }
0x57a: {  	v13 =	vmul.bf16 v13, v13;
	s31 =	sadd.s32 $0x1, s12;
	s12 =	smov.u32 s11;
	s18 =	sadd.s32 $0x100, s18;
	v18 =	vld [tilespmem:s19+$0x0];
	v16 =	vmul.bf16 v16, v16;
	v10 =	vsub.bf16 v10, v17;
	v17, _, _ =	vpop (xrf2)  }
0x57b: {  	v25 =	vmov s31;
	s11 =	smov.u32 s0;
	v24 =	vld [tilespmem:s18+$0x0];
	v8 =	vmul.bf16 v8, v8;
	v11 =	vmul.bf16 v11, v11  }
0x57c: {  	v5 =	vsel vm0, v15, v5;
	v15 =	vperm.xlane v17, v0;
	v26 =	vld [tilespmem:s19+$0xFFFFFFC0];
	v10 =	vmul.bf16 v10, v10  }
0x57d: {  	v6 =	vsub.bf16 v6, v21;
	vm0 =	veq.s32 v25, v1;
	v17 =	vld [tilespmem:s19+$0xFFFFFF80];
	v16 =	vadd.bf16 v16, v8  }
0x57e: {  	v8 =	vsub.bf16 v3, v22;
	v5 =	vsel vm0, v15, v5;
	v21 =	vld [tilespmem:s18+$0xFFFFFF80];
	v10 =	vadd.bf16 v13, v10  }
0x57f: {  	v6 =	vmul.bf16 v6, v6;
	v11 =	vadd.bf16 v20, v11;
	v20 =	vsub.bf16 v2, v14;
	v13 =	vld [tilespmem:s19+$0xFFFFFF40]  }
0x580: {  	v4 =	vsub.bf16 v4, v19;
	v14 =	vmul.bf16 v7, v7;
	v15 =	vmul.bf16 v8, v8;
	v3 =	vld [tilespmem:s19+$0xFFFFFFB0]  }
0x581: {  	v11 =	vadd.bf16 v12, v11;
	v8 =	vsub.bf16 v18, v24;
	v18 =	vmul.bf16 v20, v20;
	v19 =	vld [tilespmem:s19+$0xFFFFFF70];
	v2 =	vmovc v26  }
0x582: {  	v9 =	vadd.bf16 v23, v9;
	v6 =	vadd.bf16 v6, v16;
	v20 =	vmul.bf16 v4, v4;
	v12 =	vld [tilespmem:s18+$0xFFFFFF70]  }
0x583: {  	v11 =	vadd.bf16 v14, v11;
	v7 =	vsub.bf16 v17, v21;
	v16 =	vld [tilespmem:s19+$0xFFFFFFF0]  }
0x584: {  	v10 =	vadd.bf16 v15, v10;
	v15 =	vunpack.i.u.bf16.f32 v9;
	v17 =	vadd.bf16 v20, v6;
	v14 =	vld [tilespmem:s18+$0xFFFFFFF0];
	v4 =	vmovc v13  }
0x585: {  	v9 =	vunpack.i.l.bf16.f32 v9;
	v13 =	vunpack.i.u.bf16.f32 v11;
	v11 =	vunpack.i.l.bf16.f32 v11;
	v6 =	vld [tilespmem:s19+$0xFFFFFF30]  }
0x586: {  	v9 =	vadd.f32 v9, v15;
	v21 =	vunpack.i.u.bf16.f32 v17;
	v11 =	vadd.f32 v11, v13;
	v20 =	vld [tilespmem:s19+$0xFFFFFFE0]  }
0x587: {  	v10 =	vadd.bf16 v18, v10;
	v12 =	vsub.bf16 v19, v12;
	v13 =	vld [tilespmem:s18+$0xFFFFFFE0]  }
0x588: {  	v17 =	vunpack.i.l.bf16.f32 v17;
	v15 =	vld [tilespmem:s19+$0xFFFFFFD0]  }
0x589: {  	v18 =	vld [tilespmem:s18+$0xFFFFFFD0];
	v19 =	vsub.bf16 v16, v14;
	v14 =	vadd.f32 v17, v21;
	v16 =	vunpack.i.u.bf16.f32 v10  }
0x58a: {  	v10 =	vunpack.i.l.bf16.f32 v10;
	v17 =	vld [tilespmem:s19+$0xFFFFFFA0]  }
0x58b: {  	v16 =	vadd.f32 v10, v16;
	v21 =	vld [tilespmem:s18+$0xFFFFFFA0];
	v14 =	vadd.f32 v11, v14  }
0x58c: {  	v10 =	vld [tilespmem:s19+$0xFFFFFF90];
	v20 =	vsub.bf16 v20, v13  }
0x58d: {  	v9 =	vadd.f32 v9, v16;
	v11 =	vld [tilespmem:s18+$0xFFFFFF10];
	(xrf2) =	vadd.scan.msk.f32 $0xffff, v14  }
0x58e: {  	v22 =	vld [tilespmem:s19+$0xFFFFFF60];
	v15 =	vsub.bf16 v15, v18  }
0x58f: {  	v23 =	vld [tilespmem:s18+$0xFFFFFF60]  }
0x590: {  	v18 =	vmul.bf16 v20, v20;
	v14 =	vld [tilespmem:s19+$0xFFFFFF50];
	v13 =	vsub.bf16 v17, v21;
	v17 =	vmul.bf16 v15, v15;
	(xrf2) =	vadd.scan.msk.f32 $0xffff, v9  }
.Ltmp9:
0x591: {  	v15 =	vld [tilespmem:s18+$0xFFFFFF50];
	(pc) =	sbr.rel @p0 .LBB2_21-.Ltmp9, $4  }
0x592: {  	v16 =	vld [tilespmem:s19+$0xFFFFFF20];
	v9 =	vadd.bf16 v18, v17;
	v17 =	vmul.bf16 v19, v19  }
0x593: {  	v19 =	vld [tilespmem:s18+$0xFFFFFF20]  }
0x594: {  	v18 =	vld [tilespmem:s19+$0xFFFFFF10];
	v20 =	vsub.bf16 v22, v23;
	v9 =	vadd.bf16 v17, v9  }
0x595: {  	v17 =	vld [tilespmem:s18+$0xFFFFFF90]  }
0x596: {  	v21 =	vld [tilespmem:s18+$0xFFFFFF30]  }
0x597: {  	v14 =	vsub.bf16 v14, v15;
	v15 =	vld [tilespmem:s18+$0xFFFFFF40]  }
0x598: {  	v12 =	vmul.bf16 v12, v12;
	v13 =	vmul.bf16 v13, v13;
	v16 =	vsub.bf16 v16, v19;
	v19 =	vld [tilespmem:s18+$0xFFFFFFB0]  }
0x599: {  	v8 =	vmul.bf16 v8, v8;
	v14 =	vmul.bf16 v14, v14  }
0x59a: {  	v11 =	vsub.bf16 v18, v11;
	v18 =	vmul.bf16 v20, v20;
	v10 =	vsub.bf16 v10, v17;
	v17 =	vld [tilespmem:s18+$0xFFFFFFC0]  }
0x59b: {  	v7 =	vmul.bf16 v7, v7;
	v8 =	vadd.bf16 v8, v9;
	v16 =	vmul.bf16 v16, v16  }
0x59c: {  	v11 =	vmul.bf16 v11, v11;
	v6 =	vsub.bf16 v6, v21;
	v14 =	vadd.bf16 v18, v14  }
0x59d: {  	v4 =	vsub.bf16 v4, v15;
	v10 =	vmul.bf16 v10, v10;
	v3 =	vsub.bf16 v3, v19  }
0x59e: {  	v11 =	vadd.bf16 v16, v11;
	v6 =	vmul.bf16 v6, v6;
	v12 =	vadd.bf16 v12, v14  }
0x59f: {  	v10 =	vadd.bf16 v13, v10;
	v2 =	vsub.bf16 v2, v17;
	v3 =	vmul.bf16 v3, v3  }
0x5a0: {  	v4 =	vmul.bf16 v4, v4;
	v6 =	vadd.bf16 v6, v11;
	v7 =	vadd.bf16 v7, v12  }
0x5a1: {  	v2 =	vmul.bf16 v2, v2;
	v3 =	vadd.bf16 v3, v10  }
0x5a2: {  	v4 =	vadd.bf16 v4, v6;
	v6 =	vunpack.i.u.bf16.f32 v8;
	v9 =	vunpack.i.u.bf16.f32 v7  }
0x5a3: {  	v7 =	vunpack.i.l.bf16.f32 v7;
	v8 =	vunpack.i.l.bf16.f32 v8;
	v2 =	vadd.bf16 v2, v3  }
0x5a4: {  	v7 =	vadd.f32 v7, v9;
	v3 =	vunpack.i.u.bf16.f32 v4;
	v4 =	vunpack.i.l.bf16.f32 v4  }
0x5a5: {  	v3 =	vadd.f32 v4, v3;
	v4 =	vunpack.i.u.bf16.f32 v2;
	v2 =	vunpack.i.l.bf16.f32 v2  }
0x5a6: {  	v6 =	vadd.f32 v8, v6;
	v2 =	vadd.f32 v2, v4  }
0x5a7: {  	v3 =	vadd.f32 v7, v3  }
0x5a8: {  	v2 =	vadd.f32 v6, v2  }
0x5a9: {  	(xrf2) =	vadd.scan.msk.f32 $0xffff, v3  }
0x5aa: {  	(xrf2) =	vadd.scan.msk.f32 $0xffff, v2;
	_ =	sdelay $0x4  }
0x5ab: {  	s0 =	sadd.s32 $0x1, s12;
	v4 =	vmov s12  }
0x5ac: {  	vm0 =	veq.s32 v4, v1;
	v4 =	vmov s0;
	v2, _, _ =	vpop (xrf2)  }
0x5ad: {  	v3, _, _ =	vpop (xrf2);
	v2 =	vperm.xlane v2, v0  }
0x5ae: {  	v3 =	vperm.xlane v3, v0  }
0x5af: {  	vm13 =	veq.s32 v4, v1;
	v2 =	vsel vm0, v2, v5;
	v4, _, _ =	vpop (xrf2)  }
0x5b0: {  	s18 =	sadd.s32 $0x1, s11;
	v2 =	vsel vm13, v3, v2;
	v3 =	vmov s11;
	v4 =	vperm.xlane v4, v0;
	v5, _, _ =	vpop (xrf2)  }
0x5b1: {  	vm14 =	veq.s32 v3, v1;
	v3 =	vmov s18;
	v5 =	vperm.xlane v5, v0  }
0x5b2: {  	vm15 =	veq.s32 v3, v1;
	v2 =	vsel vm14, v4, v2  }
0x5b3: {  	v2 =	vsel vm15, v5, v2  }
0x5b4: {  	v3 =	vshra.s32 v2, $0x1;
	v4 =	vmul.f32 $5.000000000e-01, v2  }
0x5b5: {  	v3 =	vsub.s32 $0x5F3759DF, v3  }
0x5b6: {  	v5 =	vmul.f32 v3, v4;
	_ =	sdelay $0x1  }
0x5b7: {  	v5 =	vmul.f32 v3, v5;
	_ =	sdelay $0x1  }
0x5b8: {  	v5 =	vsub.f32 $1.500000000e+00, v5;
	_ =	sdelay $0x1  }
0x5b9: {  	v3 =	vmul.f32 v3, v5;
	_ =	sdelay $0x1  }
0x5ba: {  	v5 =	vmul.f32 v3, v4;
	_ =	sdelay $0x1  }
0x5bb: {  	v5 =	vmul.f32 v5, v3;
	_ =	sdelay $0x1  }
0x5bc: {  	v5 =	vsub.f32 $1.500000000e+00, v5;
	_ =	sdelay $0x1  }
0x5bd: {  	v3 =	vmul.f32 v5, v3;
	_ =	sdelay $0x1  }
0x5be: {  	v4 =	vmul.f32 v3, v4;
	_ =	sdelay $0x1  }
0x5bf: {  	v4 =	vmul.f32 v4, v3;
	_ =	sdelay $0x1  }
0x5c0: {  	v4 =	vsub.f32 $1.500000000e+00, v4;
	_ =	sdelay $0x1  }
0x5c1: {  	v3 =	vmul.f32 v4, v3;
	_ =	sdelay $0x1  }
0x5c2: {  	v2 =	vmul.f32 v3, v2;
	_ =	sdelay $0x1  }
0x5c3: {  	s19 =	simm.s32 $0x1EAF0;
	[tilespmem:$0x1FA90] =	vst v2  }
0x5c4: {  	s31 =	simm.s32 $0x18AF0;
	v2 =	vld [tilespmem:s19+$0x0]  }
0x5c5: {  	v3 =	vld [tilespmem:s31+$0x0]  }
0x5c6: {  	v5 =	vld [tilespmem:s19+$0xFFFFFFC0]  }
0x5c7: {  	v4 =	vld [tilespmem:s19+$0xFFFFFF80]  }
0x5c8: {  	v6 =	vld [tilespmem:s31+$0xFFFFFF80]  }
0x5c9: {  	v7 =	vld [tilespmem:s19+$0xFFFFFF40]  }
0x5ca: {  	v8 =	vld [tilespmem:s19+$0xFFFFFFB0]  }
0x5cb: {  	v9 =	vld [tilespmem:s19+$0xFFFFFF70]  }
0x5cc: {  	v10 =	vld [tilespmem:s31+$0xFFFFFF70]  }
0x5cd: {  	v11 =	vld [tilespmem:s19+$0xFFFFFFF0]  }
0x5ce: {  	v12 =	vld [tilespmem:s31+$0xFFFFFFF0]  }
0x5cf: {  	v13 =	vld [tilespmem:s19+$0xFFFFFF30]  }
0x5d0: {  	v14 =	vld [tilespmem:s19+$0xFFFFFFE0]  }
0x5d1: {  	v15 =	vld [tilespmem:s31+$0xFFFFFFE0]  }
0x5d2: {  	v16 =	vld [tilespmem:s19+$0xFFFFFFD0]  }
0x5d3: {  	v17 =	vld [tilespmem:s31+$0xFFFFFFD0]  }
0x5d4: {  	v18 =	vld [tilespmem:s19+$0xFFFFFFA0]  }
0x5d5: {  	v19 =	vld [tilespmem:s31+$0xFFFFFFA0]  }
0x5d6: {  	v20 =	vld [tilespmem:s19+$0xFFFFFF90]  }
0x5d7: {  	v21 =	vld [tilespmem:s31+$0xFFFFFF10]  }
0x5d8: {  	v22 =	vld [tilespmem:s19+$0xFFFFFF60]  }
0x5d9: {  	v23 =	vld [tilespmem:s31+$0xFFFFFF60]  }
0x5da: {  	v24 =	vld [tilespmem:s19+$0xFFFFFF50]  }
0x5db: {  	v25 =	vld [tilespmem:s31+$0xFFFFFF50]  }
0x5dc: {  	v26 =	vld [tilespmem:s19+$0xFFFFFF20]  }
0x5dd: {  	v27 =	vld [tilespmem:s31+$0xFFFFFF20]  }
0x5de: {  	v28 =	vld [tilespmem:s19+$0xFFFFFF10]  }
0x5df: {  	v29 =	vld [tilespmem:s31+$0xFFFFFF90]  }
0x5e0: {  	v30 =	vld [tilespmem:s31+$0xFFFFFF30];
	v35 =	vsub.bf16 v2, v3  }
0x5e1: {  	v31 =	vld [tilespmem:s31+$0xFFFFFFB0];
	v36 =	vsub.bf16 v4, v6;
	v3 =	vsub.bf16 v14, v15  }
0x5e2: {  	v32 =	vld [tilespmem:s31+$0xFFFFFF40];
	v4 =	vsub.bf16 v16, v17;
	v9 =	vsub.bf16 v9, v10  }
0x5e3: {  	s18 =	simm.s32 $0x18BF0;
	v33 =	vld [tilespmem:s31+$0xFFFFFFC0];
	v6 =	vsub.bf16 v11, v12;
	v10 =	vsub.bf16 v18, v19  }
0x5e4: {  	v37 =	vld [tilespmem:s18+$0x0];
	v14 =	vsub.bf16 v26, v27;
	v11 =	vmul.bf16 v4, v4;
	v3 =	vmul.bf16 v3, v3  }
0x5e5: {  	s19 =	simm.s32 $0x1EBF0;
	v60 =	vld [tilespmem:s18+$0xFFFFFFA0];
	v15 =	vsub.bf16 v28, v21;
	v17 =	vsub.bf16 v22, v23  }
0x5e6: {  	v34 =	vld [tilespmem:s19+$0x0];
	v18 =	vsub.bf16 v20, v29;
	v6 =	vmul.bf16 v6, v6;
	v11 =	vadd.bf16 v3, v11  }
0x5e7: {  	v59 =	vld [tilespmem:s19+$0xFFFFFFA0];
	v13 =	vsub.bf16 v13, v30;
	v8 =	vsub.bf16 v8, v31  }
0x5e8: {  	v62 =	vld [tilespmem:s19+$0xFFFFFF60];
	v14 =	vmul.bf16 v14, v14;
	v11 =	vadd.bf16 v6, v11;
	v6 =	vsub.bf16 v24, v25  }
0x5e9: {  	v2 =	vld [tilespmem:s19+$0xFFFFFFC0];
	v5 =	vsub.bf16 v5, v33;
	v15 =	vmul.bf16 v15, v15;
	v10 =	vmul.bf16 v10, v10  }
0x5ea: {  	v12 =	vld [tilespmem:s19+$0xFFFFFF80];
	v7 =	vsub.bf16 v7, v32;
	v17 =	vmul.bf16 v17, v17;
	v19 =	vmul.bf16 v6, v6  }
0x5eb: {  	v16 =	vld [tilespmem:s18+$0xFFFFFF80];
	v18 =	vmul.bf16 v18, v18;
	v13 =	vmul.bf16 v13, v13;
	v14 =	vadd.bf16 v14, v15  }
0x5ec: {  	v20 =	vld [tilespmem:s19+$0xFFFFFF70];
	v9 =	vmul.bf16 v9, v9;
	v58 =	vmul.bf16 v8, v8;
	v17 =	vadd.bf16 v17, v19  }
0x5ed: {  	v21 =	vld [tilespmem:s18+$0xFFFFFF70];
	v7 =	vmul.bf16 v7, v7;
	v10 =	vadd.bf16 v10, v18;
	v13 =	vadd.bf16 v13, v14  }
0x5ee: {  	v22 =	vld [tilespmem:s18+$0xFFFFFFF0];
	v57 =	vmul.bf16 v36, v36;
	v9 =	vadd.bf16 v9, v17  }
0x5ef: {  	v23 =	vld [tilespmem:s18+$0xFFFFFFE0];
	v5 =	vmul.bf16 v5, v5;
	v7 =	vadd.bf16 v7, v13;
	v13 =	vadd.bf16 v58, v10  }
0x5f0: {  	v4 =	vld [tilespmem:s19+$0xFFFFFF40];
	v19 =	vmul.bf16 v35, v35;
	v9 =	vadd.bf16 v57, v9  }
0x5f1: {  	v15 =	vld [tilespmem:s19+$0xFFFFFFF0];
	v5 =	vadd.bf16 v5, v13;
	v13 =	vunpack.i.u.bf16.f32 v7;
	v7 =	vunpack.i.l.bf16.f32 v7  }
0x5f2: {  	v18 =	vld [tilespmem:s19+$0xFFFFFFE0];
	v13 =	vadd.f32 v7, v13;
	v61 =	vunpack.i.u.bf16.f32 v9;
	v9 =	vunpack.i.l.bf16.f32 v9  }
0x5f3: {  	v14 =	vld [tilespmem:s18+$0xFFFFFFD0];
	v11 =	vadd.bf16 v19, v11;
	v9 =	vadd.f32 v9, v61  }
0x5f4: {  	v17 =	vld [tilespmem:s19+$0xFFFFFFD0];
	v7 =	vunpack.i.u.bf16.f32 v5;
	v5 =	vunpack.i.l.bf16.f32 v5  }
0x5f5: {  	v3 =	vld [tilespmem:s19+$0xFFFFFFB0];
	v19 =	vunpack.i.u.bf16.f32 v11;
	v11 =	vunpack.i.l.bf16.f32 v11;
	v9 =	vadd.f32 v9, v13  }
0x5f6: {  	v6 =	vld [tilespmem:s19+$0xFFFFFF30];
	v5 =	vadd.f32 v5, v7;
	v19 =	vadd.f32 v11, v19  }
0x5f7: {  	v10 =	vld [tilespmem:s19+$0xFFFFFF90];
	v22 =	vsub.bf16 v15, v22;
	v15 =	vsub.bf16 v18, v23;
	(xrf2) =	vadd.scan.msk.f32 $0xffff, v9  }
0x5f8: {  	v23 =	vld [tilespmem:s18+$0xFFFFFF60];
	v63 =	vadd.f32 v19, v5  }
0x5f9: {  	v18 =	vmul.bf16 v15, v15;
	v15 =	vld [tilespmem:s18+$0xFFFFFF50];
	v17 =	vsub.bf16 v17, v14  }
0x5fa: {  	v7 =	vsub.bf16 v12, v16;
	v16 =	vld [tilespmem:s19+$0xFFFFFF20];
	(xrf2) =	vadd.scan.msk.f32 $0xffff, v63  }
0x5fb: {  	v11 =	vld [tilespmem:s18+$0xFFFFFF10];
	v17 =	vmul.bf16 v17, v17  }
0x5fc: {  	v14 =	vld [tilespmem:s19+$0xFFFFFF50]  }
0x5fd: {  	v8 =	vsub.bf16 v34, v37;
	v22 =	vmul.bf16 v22, v22;
	v19 =	vld [tilespmem:s18+$0xFFFFFF20];
	v17 =	vadd.bf16 v18, v17  }
0x5fe: {  	v12 =	vsub.bf16 v20, v21;
	v20 =	vsub.bf16 v62, v23;
	v18 =	vld [tilespmem:s19+$0xFFFFFF10]  }
0x5ff: {  	s13 =	simm.s32 $0x4;
	s12 =	simm.s32 $0x0;
	s11 =	simm.s32 $0x2;
	v5 =	vimm.f32 $0.0e+00;
	v13 =	vsub.bf16 v59, v60;
	v9 =	vadd.bf16 v22, v17;
	v17 =	vld [tilespmem:s18+$0xFFFFFF90]  }
.LBB2_23:
0x600: {  	p0 =	slt.u32 s13, $0xE;
	v21 =	vld [tilespmem:s18+$0xFFFFFF30];
	v12 =	vmul.bf16 v12, v12;
	s0 =	smov.u32 s13;
	s13 =	sadd.s32 $0x2, s13  }
0x601: {  	v23 =	vmul.bf16 v8, v8;
	v8 =	vmov s12;
	v22 =	vld [tilespmem:s18+$0xFFFFFFB0];
	v24, _, _ =	vpop (xrf2)  }
0x602: {  	v20 =	vmul.bf16 v20, v20;
	vm0 =	veq.s32 v8, v1;
	v16 =	vsub.bf16 v16, v19;
	v19 =	vld [tilespmem:s18+$0xFFFFFF40]  }
0x603: {  	s19 =	sadd.s32 $0x100, s19;
	v8 =	vsub.bf16 v18, v11;
	v11 =	vsub.bf16 v14, v15;
	v14 =	vld [tilespmem:s18+$0xFFFFFFC0];
	v15 =	vperm.xlane v24, v0  }
0x604: {  	v13 =	vmul.bf16 v13, v13;
	s31 =	sadd.s32 $0x1, s12;
	s12 =	smov.u32 s11;
	s18 =	sadd.s32 $0x100, s18;
	v18 =	vld [tilespmem:s19+$0x0];
	v16 =	vmul.bf16 v16, v16;
	v10 =	vsub.bf16 v10, v17;
	v17, _, _ =	vpop (xrf2)  }
0x605: {  	v25 =	vmov s31;
	s11 =	smov.u32 s0;
	v24 =	vld [tilespmem:s18+$0x0];
	v8 =	vmul.bf16 v8, v8;
	v11 =	vmul.bf16 v11, v11  }
0x606: {  	v5 =	vsel vm0, v15, v5;
	v15 =	vperm.xlane v17, v0;
	v26 =	vld [tilespmem:s19+$0xFFFFFFC0];
	v10 =	vmul.bf16 v10, v10  }
0x607: {  	v6 =	vsub.bf16 v6, v21;
	vm0 =	veq.s32 v25, v1;
	v17 =	vld [tilespmem:s19+$0xFFFFFF80];
	v16 =	vadd.bf16 v16, v8  }
0x608: {  	v8 =	vsub.bf16 v3, v22;
	v5 =	vsel vm0, v15, v5;
	v21 =	vld [tilespmem:s18+$0xFFFFFF80];
	v10 =	vadd.bf16 v13, v10  }
0x609: {  	v6 =	vmul.bf16 v6, v6;
	v11 =	vadd.bf16 v20, v11;
	v20 =	vsub.bf16 v2, v14;
	v13 =	vld [tilespmem:s19+$0xFFFFFF40]  }
0x60a: {  	v4 =	vsub.bf16 v4, v19;
	v14 =	vmul.bf16 v7, v7;
	v15 =	vmul.bf16 v8, v8;
	v3 =	vld [tilespmem:s19+$0xFFFFFFB0]  }
0x60b: {  	v11 =	vadd.bf16 v12, v11;
	v8 =	vsub.bf16 v18, v24;
	v18 =	vmul.bf16 v20, v20;
	v19 =	vld [tilespmem:s19+$0xFFFFFF70];
	v2 =	vmovc v26  }
0x60c: {  	v9 =	vadd.bf16 v23, v9;
	v6 =	vadd.bf16 v6, v16;
	v20 =	vmul.bf16 v4, v4;
	v12 =	vld [tilespmem:s18+$0xFFFFFF70]  }
0x60d: {  	v11 =	vadd.bf16 v14, v11;
	v7 =	vsub.bf16 v17, v21;
	v16 =	vld [tilespmem:s19+$0xFFFFFFF0]  }
0x60e: {  	v10 =	vadd.bf16 v15, v10;
	v15 =	vunpack.i.u.bf16.f32 v9;
	v17 =	vadd.bf16 v20, v6;
	v14 =	vld [tilespmem:s18+$0xFFFFFFF0];
	v4 =	vmovc v13  }
0x60f: {  	v9 =	vunpack.i.l.bf16.f32 v9;
	v13 =	vunpack.i.u.bf16.f32 v11;
	v11 =	vunpack.i.l.bf16.f32 v11;
	v6 =	vld [tilespmem:s19+$0xFFFFFF30]  }
0x610: {  	v9 =	vadd.f32 v9, v15;
	v21 =	vunpack.i.u.bf16.f32 v17;
	v11 =	vadd.f32 v11, v13;
	v20 =	vld [tilespmem:s19+$0xFFFFFFE0]  }
0x611: {  	v10 =	vadd.bf16 v18, v10;
	v12 =	vsub.bf16 v19, v12;
	v13 =	vld [tilespmem:s18+$0xFFFFFFE0]  }
0x612: {  	v17 =	vunpack.i.l.bf16.f32 v17;
	v15 =	vld [tilespmem:s19+$0xFFFFFFD0]  }
0x613: {  	v18 =	vld [tilespmem:s18+$0xFFFFFFD0];
	v19 =	vsub.bf16 v16, v14;
	v14 =	vadd.f32 v17, v21;
	v16 =	vunpack.i.u.bf16.f32 v10  }
0x614: {  	v10 =	vunpack.i.l.bf16.f32 v10;
	v17 =	vld [tilespmem:s19+$0xFFFFFFA0]  }
0x615: {  	v16 =	vadd.f32 v10, v16;
	v21 =	vld [tilespmem:s18+$0xFFFFFFA0];
	v14 =	vadd.f32 v11, v14  }
0x616: {  	v10 =	vld [tilespmem:s19+$0xFFFFFF90];
	v20 =	vsub.bf16 v20, v13  }
0x617: {  	v9 =	vadd.f32 v9, v16;
	v11 =	vld [tilespmem:s18+$0xFFFFFF10];
	(xrf2) =	vadd.scan.msk.f32 $0xffff, v14  }
0x618: {  	v22 =	vld [tilespmem:s19+$0xFFFFFF60];
	v15 =	vsub.bf16 v15, v18  }
0x619: {  	v23 =	vld [tilespmem:s18+$0xFFFFFF60]  }
0x61a: {  	v18 =	vmul.bf16 v20, v20;
	v14 =	vld [tilespmem:s19+$0xFFFFFF50];
	v13 =	vsub.bf16 v17, v21;
	v17 =	vmul.bf16 v15, v15;
	(xrf2) =	vadd.scan.msk.f32 $0xffff, v9  }
.Ltmp10:
0x61b: {  	v15 =	vld [tilespmem:s18+$0xFFFFFF50];
	(pc) =	sbr.rel @p0 .LBB2_23-.Ltmp10, $4  }
0x61c: {  	v16 =	vld [tilespmem:s19+$0xFFFFFF20];
	v9 =	vadd.bf16 v18, v17;
	v17 =	vmul.bf16 v19, v19  }
0x61d: {  	v19 =	vld [tilespmem:s18+$0xFFFFFF20]  }
0x61e: {  	v18 =	vld [tilespmem:s19+$0xFFFFFF10];
	v20 =	vsub.bf16 v22, v23;
	v9 =	vadd.bf16 v17, v9  }
0x61f: {  	v17 =	vld [tilespmem:s18+$0xFFFFFF90]  }
0x620: {  	v21 =	vld [tilespmem:s18+$0xFFFFFF30]  }
0x621: {  	v14 =	vsub.bf16 v14, v15;
	v15 =	vld [tilespmem:s18+$0xFFFFFF40]  }
0x622: {  	v12 =	vmul.bf16 v12, v12;
	v13 =	vmul.bf16 v13, v13;
	v16 =	vsub.bf16 v16, v19;
	v19 =	vld [tilespmem:s18+$0xFFFFFFB0]  }
0x623: {  	v8 =	vmul.bf16 v8, v8;
	v14 =	vmul.bf16 v14, v14  }
0x624: {  	v11 =	vsub.bf16 v18, v11;
	v18 =	vmul.bf16 v20, v20;
	v10 =	vsub.bf16 v10, v17;
	v17 =	vld [tilespmem:s18+$0xFFFFFFC0]  }
0x625: {  	v7 =	vmul.bf16 v7, v7;
	v8 =	vadd.bf16 v8, v9;
	v16 =	vmul.bf16 v16, v16  }
0x626: {  	v11 =	vmul.bf16 v11, v11;
	v6 =	vsub.bf16 v6, v21;
	v14 =	vadd.bf16 v18, v14  }
0x627: {  	v4 =	vsub.bf16 v4, v15;
	v10 =	vmul.bf16 v10, v10;
	v3 =	vsub.bf16 v3, v19  }
0x628: {  	v11 =	vadd.bf16 v16, v11;
	v6 =	vmul.bf16 v6, v6;
	v12 =	vadd.bf16 v12, v14  }
0x629: {  	v10 =	vadd.bf16 v13, v10;
	v2 =	vsub.bf16 v2, v17;
	v3 =	vmul.bf16 v3, v3  }
0x62a: {  	v4 =	vmul.bf16 v4, v4;
	v6 =	vadd.bf16 v6, v11;
	v7 =	vadd.bf16 v7, v12  }
0x62b: {  	v2 =	vmul.bf16 v2, v2;
	v3 =	vadd.bf16 v3, v10  }
0x62c: {  	v4 =	vadd.bf16 v4, v6;
	v6 =	vunpack.i.u.bf16.f32 v8;
	v9 =	vunpack.i.u.bf16.f32 v7  }
0x62d: {  	v7 =	vunpack.i.l.bf16.f32 v7;
	v8 =	vunpack.i.l.bf16.f32 v8;
	v2 =	vadd.bf16 v2, v3  }
0x62e: {  	v7 =	vadd.f32 v7, v9;
	v3 =	vunpack.i.u.bf16.f32 v4;
	v4 =	vunpack.i.l.bf16.f32 v4  }
0x62f: {  	v3 =	vadd.f32 v4, v3;
	v4 =	vunpack.i.u.bf16.f32 v2;
	v2 =	vunpack.i.l.bf16.f32 v2  }
0x630: {  	v6 =	vadd.f32 v8, v6;
	v2 =	vadd.f32 v2, v4  }
0x631: {  	v3 =	vadd.f32 v7, v3  }
0x632: {  	v2 =	vadd.f32 v6, v2  }
0x633: {  	(xrf2) =	vadd.scan.msk.f32 $0xffff, v3  }
0x634: {  	(xrf2) =	vadd.scan.msk.f32 $0xffff, v2;
	_ =	sdelay $0x4  }
0x635: {  	s0 =	sadd.s32 $0x1, s12;
	v4 =	vmov s12  }
0x636: {  	vm0 =	veq.s32 v4, v1;
	v4 =	vmov s0;
	v2, _, _ =	vpop (xrf2)  }
0x637: {  	v3, _, _ =	vpop (xrf2);
	v2 =	vperm.xlane v2, v0  }
0x638: {  	v3 =	vperm.xlane v3, v0  }
0x639: {  	vm13 =	veq.s32 v4, v1;
	v2 =	vsel vm0, v2, v5;
	v4, _, _ =	vpop (xrf2)  }
0x63a: {  	s18 =	sadd.s32 $0x1, s11;
	v2 =	vsel vm13, v3, v2;
	v3 =	vmov s11;
	v4 =	vperm.xlane v4, v0;
	v5, _, _ =	vpop (xrf2)  }
0x63b: {  	vm14 =	veq.s32 v3, v1;
	v3 =	vmov s18;
	v5 =	vperm.xlane v5, v0  }
0x63c: {  	vm15 =	veq.s32 v3, v1;
	v2 =	vsel vm14, v4, v2  }
0x63d: {  	v2 =	vsel vm15, v5, v2  }
0x63e: {  	v3 =	vshra.s32 v2, $0x1;
	v4 =	vmul.f32 $5.000000000e-01, v2  }
0x63f: {  	v3 =	vsub.s32 $0x5F3759DF, v3  }
0x640: {  	v5 =	vmul.f32 v3, v4;
	_ =	sdelay $0x1  }
0x641: {  	v5 =	vmul.f32 v3, v5;
	_ =	sdelay $0x1  }
0x642: {  	v5 =	vsub.f32 $1.500000000e+00, v5;
	_ =	sdelay $0x1  }
0x643: {  	v3 =	vmul.f32 v3, v5;
	_ =	sdelay $0x1  }
0x644: {  	v5 =	vmul.f32 v3, v4;
	_ =	sdelay $0x1  }
0x645: {  	v5 =	vmul.f32 v5, v3;
	_ =	sdelay $0x1  }
0x646: {  	v5 =	vsub.f32 $1.500000000e+00, v5;
	_ =	sdelay $0x1  }
0x647: {  	v3 =	vmul.f32 v5, v3;
	_ =	sdelay $0x1  }
0x648: {  	v4 =	vmul.f32 v3, v4;
	_ =	sdelay $0x1  }
0x649: {  	v4 =	vmul.f32 v4, v3;
	_ =	sdelay $0x1  }
0x64a: {  	v4 =	vsub.f32 $1.500000000e+00, v4;
	_ =	sdelay $0x1  }
0x64b: {  	v3 =	vmul.f32 v4, v3;
	_ =	sdelay $0x1  }
0x64c: {  	v2 =	vmul.f32 v3, v2;
	_ =	sdelay $0x1  }
0x64d: {  	s19 =	simm.s32 $0x1F2F0;
	[tilespmem:$0x1FAA0] =	vst v2  }
0x64e: {  	s31 =	simm.s32 $0x192F0;
	v2 =	vld [tilespmem:s19+$0x0]  }
0x64f: {  	v3 =	vld [tilespmem:s31+$0x0]  }
0x650: {  	v5 =	vld [tilespmem:s19+$0xFFFFFFC0]  }
0x651: {  	v4 =	vld [tilespmem:s19+$0xFFFFFF80]  }
0x652: {  	v6 =	vld [tilespmem:s31+$0xFFFFFF80]  }
0x653: {  	v7 =	vld [tilespmem:s19+$0xFFFFFF40]  }
0x654: {  	v8 =	vld [tilespmem:s19+$0xFFFFFFB0]  }
0x655: {  	v9 =	vld [tilespmem:s19+$0xFFFFFF70]  }
0x656: {  	v10 =	vld [tilespmem:s31+$0xFFFFFF70]  }
0x657: {  	v11 =	vld [tilespmem:s19+$0xFFFFFFF0]  }
0x658: {  	v12 =	vld [tilespmem:s31+$0xFFFFFFF0]  }
0x659: {  	v13 =	vld [tilespmem:s19+$0xFFFFFF30]  }
0x65a: {  	v14 =	vld [tilespmem:s19+$0xFFFFFFE0]  }
0x65b: {  	v15 =	vld [tilespmem:s31+$0xFFFFFFE0]  }
0x65c: {  	v16 =	vld [tilespmem:s19+$0xFFFFFFD0]  }
0x65d: {  	v17 =	vld [tilespmem:s31+$0xFFFFFFD0]  }
0x65e: {  	v18 =	vld [tilespmem:s19+$0xFFFFFFA0]  }
0x65f: {  	v19 =	vld [tilespmem:s31+$0xFFFFFFA0]  }
0x660: {  	v20 =	vld [tilespmem:s19+$0xFFFFFF90]  }
0x661: {  	v21 =	vld [tilespmem:s31+$0xFFFFFF10]  }
0x662: {  	v22 =	vld [tilespmem:s19+$0xFFFFFF60]  }
0x663: {  	v23 =	vld [tilespmem:s31+$0xFFFFFF60]  }
0x664: {  	v24 =	vld [tilespmem:s19+$0xFFFFFF50]  }
0x665: {  	v25 =	vld [tilespmem:s31+$0xFFFFFF50]  }
0x666: {  	v26 =	vld [tilespmem:s19+$0xFFFFFF20]  }
0x667: {  	v27 =	vld [tilespmem:s31+$0xFFFFFF20]  }
0x668: {  	v28 =	vld [tilespmem:s19+$0xFFFFFF10]  }
0x669: {  	v29 =	vld [tilespmem:s31+$0xFFFFFF90]  }
0x66a: {  	v30 =	vld [tilespmem:s31+$0xFFFFFF30];
	v35 =	vsub.bf16 v2, v3  }
0x66b: {  	v31 =	vld [tilespmem:s31+$0xFFFFFFB0];
	v36 =	vsub.bf16 v4, v6;
	v3 =	vsub.bf16 v14, v15  }
0x66c: {  	v32 =	vld [tilespmem:s31+$0xFFFFFF40];
	v4 =	vsub.bf16 v16, v17;
	v9 =	vsub.bf16 v9, v10  }
0x66d: {  	s18 =	simm.s32 $0x193F0;
	v33 =	vld [tilespmem:s31+$0xFFFFFFC0];
	v6 =	vsub.bf16 v11, v12;
	v10 =	vsub.bf16 v18, v19  }
0x66e: {  	v37 =	vld [tilespmem:s18+$0x0];
	v14 =	vsub.bf16 v26, v27;
	v11 =	vmul.bf16 v4, v4;
	v3 =	vmul.bf16 v3, v3  }
0x66f: {  	s19 =	simm.s32 $0x1F3F0;
	v60 =	vld [tilespmem:s18+$0xFFFFFFA0];
	v15 =	vsub.bf16 v28, v21;
	v17 =	vsub.bf16 v22, v23  }
0x670: {  	v34 =	vld [tilespmem:s19+$0x0];
	v18 =	vsub.bf16 v20, v29;
	v6 =	vmul.bf16 v6, v6;
	v11 =	vadd.bf16 v3, v11  }
0x671: {  	v59 =	vld [tilespmem:s19+$0xFFFFFFA0];
	v13 =	vsub.bf16 v13, v30;
	v8 =	vsub.bf16 v8, v31  }
0x672: {  	v62 =	vld [tilespmem:s19+$0xFFFFFF60];
	v14 =	vmul.bf16 v14, v14;
	v11 =	vadd.bf16 v6, v11;
	v6 =	vsub.bf16 v24, v25  }
0x673: {  	v2 =	vld [tilespmem:s19+$0xFFFFFFC0];
	v5 =	vsub.bf16 v5, v33;
	v15 =	vmul.bf16 v15, v15;
	v10 =	vmul.bf16 v10, v10  }
0x674: {  	v12 =	vld [tilespmem:s19+$0xFFFFFF80];
	v7 =	vsub.bf16 v7, v32;
	v17 =	vmul.bf16 v17, v17;
	v19 =	vmul.bf16 v6, v6  }
0x675: {  	v16 =	vld [tilespmem:s18+$0xFFFFFF80];
	v18 =	vmul.bf16 v18, v18;
	v13 =	vmul.bf16 v13, v13;
	v14 =	vadd.bf16 v14, v15  }
0x676: {  	v20 =	vld [tilespmem:s19+$0xFFFFFF70];
	v9 =	vmul.bf16 v9, v9;
	v58 =	vmul.bf16 v8, v8;
	v17 =	vadd.bf16 v17, v19  }
0x677: {  	v21 =	vld [tilespmem:s18+$0xFFFFFF70];
	v7 =	vmul.bf16 v7, v7;
	v10 =	vadd.bf16 v10, v18;
	v13 =	vadd.bf16 v13, v14  }
0x678: {  	v22 =	vld [tilespmem:s18+$0xFFFFFFF0];
	v57 =	vmul.bf16 v36, v36;
	v9 =	vadd.bf16 v9, v17  }
0x679: {  	v23 =	vld [tilespmem:s18+$0xFFFFFFE0];
	v5 =	vmul.bf16 v5, v5;
	v7 =	vadd.bf16 v7, v13;
	v13 =	vadd.bf16 v58, v10  }
0x67a: {  	v4 =	vld [tilespmem:s19+$0xFFFFFF40];
	v19 =	vmul.bf16 v35, v35;
	v9 =	vadd.bf16 v57, v9  }
0x67b: {  	v15 =	vld [tilespmem:s19+$0xFFFFFFF0];
	v5 =	vadd.bf16 v5, v13;
	v13 =	vunpack.i.u.bf16.f32 v7;
	v7 =	vunpack.i.l.bf16.f32 v7  }
0x67c: {  	v18 =	vld [tilespmem:s19+$0xFFFFFFE0];
	v13 =	vadd.f32 v7, v13;
	v61 =	vunpack.i.u.bf16.f32 v9;
	v9 =	vunpack.i.l.bf16.f32 v9  }
0x67d: {  	v14 =	vld [tilespmem:s18+$0xFFFFFFD0];
	v11 =	vadd.bf16 v19, v11;
	v9 =	vadd.f32 v9, v61  }
0x67e: {  	v17 =	vld [tilespmem:s19+$0xFFFFFFD0];
	v7 =	vunpack.i.u.bf16.f32 v5;
	v5 =	vunpack.i.l.bf16.f32 v5  }
0x67f: {  	v3 =	vld [tilespmem:s19+$0xFFFFFFB0];
	v19 =	vunpack.i.u.bf16.f32 v11;
	v11 =	vunpack.i.l.bf16.f32 v11;
	v9 =	vadd.f32 v9, v13  }
0x680: {  	v6 =	vld [tilespmem:s19+$0xFFFFFF30];
	v5 =	vadd.f32 v5, v7;
	v19 =	vadd.f32 v11, v19  }
0x681: {  	v10 =	vld [tilespmem:s19+$0xFFFFFF90];
	v22 =	vsub.bf16 v15, v22;
	v15 =	vsub.bf16 v18, v23;
	(xrf2) =	vadd.scan.msk.f32 $0xffff, v9  }
0x682: {  	v23 =	vld [tilespmem:s18+$0xFFFFFF60];
	v63 =	vadd.f32 v19, v5  }
0x683: {  	v18 =	vmul.bf16 v15, v15;
	v15 =	vld [tilespmem:s18+$0xFFFFFF50];
	v17 =	vsub.bf16 v17, v14  }
0x684: {  	v7 =	vsub.bf16 v12, v16;
	v16 =	vld [tilespmem:s19+$0xFFFFFF20];
	(xrf2) =	vadd.scan.msk.f32 $0xffff, v63  }
0x685: {  	v11 =	vld [tilespmem:s18+$0xFFFFFF10];
	v17 =	vmul.bf16 v17, v17  }
0x686: {  	v14 =	vld [tilespmem:s19+$0xFFFFFF50]  }
0x687: {  	v8 =	vsub.bf16 v34, v37;
	v22 =	vmul.bf16 v22, v22;
	v19 =	vld [tilespmem:s18+$0xFFFFFF20];
	v17 =	vadd.bf16 v18, v17  }
0x688: {  	v12 =	vsub.bf16 v20, v21;
	v20 =	vsub.bf16 v62, v23;
	v18 =	vld [tilespmem:s19+$0xFFFFFF10]  }
0x689: {  	s13 =	simm.s32 $0x4;
	s12 =	simm.s32 $0x0;
	s11 =	simm.s32 $0x2;
	v5 =	vimm.f32 $0.0e+00;
	v13 =	vsub.bf16 v59, v60;
	v9 =	vadd.bf16 v22, v17;
	v17 =	vld [tilespmem:s18+$0xFFFFFF90]  }
.LBB2_25:
0x68a: {  	p0 =	slt.u32 s13, $0xE;
	v21 =	vld [tilespmem:s18+$0xFFFFFF30];
	v12 =	vmul.bf16 v12, v12;
	s0 =	smov.u32 s13;
	s13 =	sadd.s32 $0x2, s13  }
0x68b: {  	v23 =	vmul.bf16 v8, v8;
	v8 =	vmov s12;
	v22 =	vld [tilespmem:s18+$0xFFFFFFB0];
	v24, _, _ =	vpop (xrf2)  }
0x68c: {  	v20 =	vmul.bf16 v20, v20;
	vm0 =	veq.s32 v8, v1;
	v16 =	vsub.bf16 v16, v19;
	v19 =	vld [tilespmem:s18+$0xFFFFFF40]  }
0x68d: {  	s19 =	sadd.s32 $0x100, s19;
	v8 =	vsub.bf16 v18, v11;
	v11 =	vsub.bf16 v14, v15;
	v14 =	vld [tilespmem:s18+$0xFFFFFFC0];
	v15 =	vperm.xlane v24, v0  }
0x68e: {  	v13 =	vmul.bf16 v13, v13;
	s31 =	sadd.s32 $0x1, s12;
	s12 =	smov.u32 s11;
	s18 =	sadd.s32 $0x100, s18;
	v18 =	vld [tilespmem:s19+$0x0];
	v16 =	vmul.bf16 v16, v16;
	v10 =	vsub.bf16 v10, v17;
	v17, _, _ =	vpop (xrf2)  }
0x68f: {  	v25 =	vmov s31;
	s11 =	smov.u32 s0;
	v24 =	vld [tilespmem:s18+$0x0];
	v8 =	vmul.bf16 v8, v8;
	v11 =	vmul.bf16 v11, v11  }
0x690: {  	v5 =	vsel vm0, v15, v5;
	v15 =	vperm.xlane v17, v0;
	v26 =	vld [tilespmem:s19+$0xFFFFFFC0];
	v10 =	vmul.bf16 v10, v10  }
0x691: {  	v6 =	vsub.bf16 v6, v21;
	vm0 =	veq.s32 v25, v1;
	v17 =	vld [tilespmem:s19+$0xFFFFFF80];
	v16 =	vadd.bf16 v16, v8  }
0x692: {  	v8 =	vsub.bf16 v3, v22;
	v5 =	vsel vm0, v15, v5;
	v21 =	vld [tilespmem:s18+$0xFFFFFF80];
	v10 =	vadd.bf16 v13, v10  }
0x693: {  	v6 =	vmul.bf16 v6, v6;
	v11 =	vadd.bf16 v20, v11;
	v20 =	vsub.bf16 v2, v14;
	v13 =	vld [tilespmem:s19+$0xFFFFFF40]  }
0x694: {  	v4 =	vsub.bf16 v4, v19;
	v14 =	vmul.bf16 v7, v7;
	v15 =	vmul.bf16 v8, v8;
	v3 =	vld [tilespmem:s19+$0xFFFFFFB0]  }
0x695: {  	v11 =	vadd.bf16 v12, v11;
	v8 =	vsub.bf16 v18, v24;
	v18 =	vmul.bf16 v20, v20;
	v19 =	vld [tilespmem:s19+$0xFFFFFF70];
	v2 =	vmovc v26  }
0x696: {  	v9 =	vadd.bf16 v23, v9;
	v6 =	vadd.bf16 v6, v16;
	v20 =	vmul.bf16 v4, v4;
	v12 =	vld [tilespmem:s18+$0xFFFFFF70]  }
0x697: {  	v11 =	vadd.bf16 v14, v11;
	v7 =	vsub.bf16 v17, v21;
	v16 =	vld [tilespmem:s19+$0xFFFFFFF0]  }
0x698: {  	v10 =	vadd.bf16 v15, v10;
	v15 =	vunpack.i.u.bf16.f32 v9;
	v17 =	vadd.bf16 v20, v6;
	v14 =	vld [tilespmem:s18+$0xFFFFFFF0];
	v4 =	vmovc v13  }
0x699: {  	v9 =	vunpack.i.l.bf16.f32 v9;
	v13 =	vunpack.i.u.bf16.f32 v11;
	v11 =	vunpack.i.l.bf16.f32 v11;
	v6 =	vld [tilespmem:s19+$0xFFFFFF30]  }
0x69a: {  	v9 =	vadd.f32 v9, v15;
	v21 =	vunpack.i.u.bf16.f32 v17;
	v11 =	vadd.f32 v11, v13;
	v20 =	vld [tilespmem:s19+$0xFFFFFFE0]  }
0x69b: {  	v10 =	vadd.bf16 v18, v10;
	v12 =	vsub.bf16 v19, v12;
	v13 =	vld [tilespmem:s18+$0xFFFFFFE0]  }
0x69c: {  	v17 =	vunpack.i.l.bf16.f32 v17;
	v15 =	vld [tilespmem:s19+$0xFFFFFFD0]  }
0x69d: {  	v18 =	vld [tilespmem:s18+$0xFFFFFFD0];
	v19 =	vsub.bf16 v16, v14;
	v14 =	vadd.f32 v17, v21;
	v16 =	vunpack.i.u.bf16.f32 v10  }
0x69e: {  	v10 =	vunpack.i.l.bf16.f32 v10;
	v17 =	vld [tilespmem:s19+$0xFFFFFFA0]  }
0x69f: {  	v16 =	vadd.f32 v10, v16;
	v21 =	vld [tilespmem:s18+$0xFFFFFFA0];
	v14 =	vadd.f32 v11, v14  }
0x6a0: {  	v10 =	vld [tilespmem:s19+$0xFFFFFF90];
	v20 =	vsub.bf16 v20, v13  }
0x6a1: {  	v9 =	vadd.f32 v9, v16;
	v11 =	vld [tilespmem:s18+$0xFFFFFF10];
	(xrf2) =	vadd.scan.msk.f32 $0xffff, v14  }
0x6a2: {  	v22 =	vld [tilespmem:s19+$0xFFFFFF60];
	v15 =	vsub.bf16 v15, v18  }
0x6a3: {  	v23 =	vld [tilespmem:s18+$0xFFFFFF60]  }
0x6a4: {  	v18 =	vmul.bf16 v20, v20;
	v14 =	vld [tilespmem:s19+$0xFFFFFF50];
	v13 =	vsub.bf16 v17, v21;
	v17 =	vmul.bf16 v15, v15;
	(xrf2) =	vadd.scan.msk.f32 $0xffff, v9  }
.Ltmp11:
0x6a5: {  	v15 =	vld [tilespmem:s18+$0xFFFFFF50];
	(pc) =	sbr.rel @p0 .LBB2_25-.Ltmp11, $4  }
0x6a6: {  	v16 =	vld [tilespmem:s19+$0xFFFFFF20];
	v9 =	vadd.bf16 v18, v17;
	v17 =	vmul.bf16 v19, v19  }
0x6a7: {  	v19 =	vld [tilespmem:s18+$0xFFFFFF20]  }
0x6a8: {  	v18 =	vld [tilespmem:s19+$0xFFFFFF10];
	v20 =	vsub.bf16 v22, v23;
	v9 =	vadd.bf16 v17, v9  }
0x6a9: {  	v17 =	vld [tilespmem:s18+$0xFFFFFF90]  }
0x6aa: {  	v21 =	vld [tilespmem:s18+$0xFFFFFF30]  }
0x6ab: {  	v51 =	vld [tilespmem:s18+$0xFFFFFFB0]  }
0x6ac: {  	v12 =	vmul.bf16 v12, v12;
	v14 =	vsub.bf16 v14, v15;
	v52 =	vld [tilespmem:s18+$0xFFFFFF40]  }
0x6ad: {  	v53 =	vmul.bf16 v20, v20;
	v54 =	vld [tilespmem:s18+$0xFFFFFFC0];
	v13 =	vmul.bf16 v13, v13;
	v16 =	vsub.bf16 v16, v19  }
0x6ae: {  	v8 =	vmul.bf16 v8, v8;
	v14 =	vmul.bf16 v14, v14;
	v11 =	vsub.bf16 v18, v11  }
0x6af: {  	v7 =	vmul.bf16 v7, v7;
	v16 =	vmul.bf16 v16, v16;
	v10 =	vsub.bf16 v10, v17  }
0x6b0: {  	v14 =	vadd.bf16 v53, v14;
	v11 =	vmul.bf16 v11, v11;
	v6 =	vsub.bf16 v6, v21  }
0x6b1: {  	v3 =	vsub.bf16 v3, v51;
	v4 =	vsub.bf16 v4, v52;
	v10 =	vmul.bf16 v10, v10  }
0x6b2: {  	v2 =	vsub.bf16 v2, v54;
	v11 =	vadd.bf16 v16, v11;
	v6 =	vmul.bf16 v6, v6  }
0x6b3: {  	v12 =	vadd.bf16 v12, v14;
	v3 =	vmul.bf16 v3, v3;
	v10 =	vadd.bf16 v13, v10  }
0x6b4: {  	v8 =	vadd.bf16 v8, v9;
	v4 =	vmul.bf16 v4, v4;
	v6 =	vadd.bf16 v6, v11  }
0x6b5: {  	v2 =	vmul.bf16 v2, v2;
	v7 =	vadd.bf16 v7, v12;
	v3 =	vadd.bf16 v3, v10  }
0x6b6: {  	v55 =	vunpack.i.u.bf16.f32 v8;
	v8 =	vunpack.i.l.bf16.f32 v8;
	v4 =	vadd.bf16 v4, v6  }
0x6b7: {  	v56 =	vunpack.i.u.bf16.f32 v7;
	v7 =	vunpack.i.l.bf16.f32 v7;
	v2 =	vadd.bf16 v2, v3  }
0x6b8: {  	v7 =	vadd.f32 v7, v56;
	v3 =	vunpack.i.u.bf16.f32 v4;
	v4 =	vunpack.i.l.bf16.f32 v4  }
0x6b9: {  	v3 =	vadd.f32 v4, v3;
	v57 =	vunpack.i.u.bf16.f32 v2;
	v2 =	vunpack.i.l.bf16.f32 v2  }
0x6ba: {  	v6 =	vadd.f32 v8, v55;
	v2 =	vadd.f32 v2, v57  }
0x6bb: {  	v3 =	vadd.f32 v7, v3  }
0x6bc: {  	v2 =	vadd.f32 v6, v2  }
0x6bd: {  	(xrf2) =	vadd.scan.msk.f32 $0xffff, v3  }
0x6be: {  	(xrf2) =	vadd.scan.msk.f32 $0xffff, v2;
	_ =	sdelay $0x5  }
0x6bf: {  	v2, _, _ =	vpop (xrf2)  }
0x6c0: {  	v58 =	vmov s12;
	s0 =	sadd.s32 $0x1, s12;
	v3, _, _ =	vpop (xrf2);
	v2 =	vperm.xlane v2, v0  }
0x6c1: {  	vm0 =	veq.s32 v58, v1;
	v59 =	vmov s0;
	v3 =	vperm.xlane v3, v0  }
0x6c2: {  	vm13 =	veq.s32 v59, v1;
	v2 =	vsel vm0, v2, v5;
	v60, _, _ =	vpop (xrf2)  }
0x6c3: {  	s19 =	sadd.s32 $0x1, s11;
	v2 =	vsel vm13, v3, v2;
	v3 =	vmov s11;
	v4 =	vperm.xlane v60, v0;
	v61, _, _ =	vpop (xrf2)  }
0x6c4: {  	vm14 =	veq.s32 v3, v1;
	v3 =	vmov s19;
	v5 =	vperm.xlane v61, v0  }
0x6c5: {  	vm15 =	veq.s32 v3, v1;
	v2 =	vsel vm14, v4, v2  }
0x6c6: {  	v2 =	vsel vm15, v5, v2  }
0x6c7: {  	v3 =	vshra.s32 v2, $0x1;
	v62 =	vmul.f32 $5.000000000e-01, v2  }
0x6c8: {  	v3 =	vsub.s32 $0x5F3759DF, v3  }
0x6c9: {  	v63 =	vmul.f32 v3, v62;
	_ =	sdelay $0x1  }
0x6ca: {  	v5 =	vmul.f32 v3, v63;
	_ =	sdelay $0x1  }
0x6cb: {  	v5 =	vsub.f32 $1.500000000e+00, v5;
	_ =	sdelay $0x1  }
0x6cc: {  	v3 =	vmul.f32 v3, v5;
	_ =	sdelay $0x1  }
0x6cd: {  	v5 =	vmul.f32 v3, v62;
	_ =	sdelay $0x1  }
0x6ce: {  	v5 =	vmul.f32 v5, v3;
	_ =	sdelay $0x1  }
0x6cf: {  	v5 =	vsub.f32 $1.500000000e+00, v5;
	_ =	sdelay $0x1  }
0x6d0: {  	v3 =	vmul.f32 v5, v3;
	_ =	sdelay $0x1  }
0x6d1: {  	v4 =	vmul.f32 v3, v62;
	_ =	sdelay $0x1  }
0x6d2: {  	v4 =	vmul.f32 v4, v3;
	_ =	sdelay $0x1  }
0x6d3: {  	v4 =	vsub.f32 $1.500000000e+00, v4  }
0x6d4: {  	s14 =	sadd.s32 $0x1, s14  }
0x6d5: {  	p0 =	sne.s32 s14, $0x1B;
	v3 =	vmul.f32 v4, v3  }
.Ltmp12:
0x6d6: {  	s31 =	smin.u32 s17, $0x12C8;
	(pc) =	sbr.rel @p0 .LBB2_2-.Ltmp12, $4  }
0x6d7: {  	s0 =	sadd.s32 s31, s9;
	v2 =	vmul.f32 v3, v2  }
0x6d8: {  	s0 =	sshrl.u32 s0, $0x3  }
0x6d9: {  	s0 =	sadd.s32 s6, s0;
	[tilespmem:$0x1FAB0] =	vst v2  }
0x6da: {  	[hbm4b:s0+s2] =	stream.linear.scatter [tilespmem:s10], [sflag:$0x6], $0x60, $0x38;
	[tilespmem:$0x1FAC0] =	vst v63  }
0x6db: {  	_ =	swait.ge [sflag:s30], $0x3000  }
0x6dc: {  	[sflag:s30] =	ssyncset.done $0x0  }
0x6dd: {  	[sflag:s30] =	ssyncadd.s32 $0xFFFFD000  }
0x6de: {  	_ =	swait.ge [sflag:s30], $0x3000  }
0x6df: {  	[sflag:s30] =	ssyncset.done $0x0  }
0x6e0: {  	[sflag:s30] =	ssyncadd.s32 $0xFFFFD000  }
0x6e1: {  	_ =	swait.ge [sflag:s29], $0x60  }
0x6e2: {  	[sflag:s29] =	ssyncset.done $0x0  }
0x6e3: {  	[sflag:s29] =	ssyncadd.s32 $0xFFFFFFA0  }
0x6e4: {  	_ =	swait.ge [sflag:s29], $0x60  }
0x6e5: {  	[sflag:s29] =	ssyncset.done $0x0  }
0x6e6: {  	s0 =	simm.s32 $0x5;
	[sflag:s29] =	ssyncadd.s32 $0xFFFFFFA0  }
0x6e7: {  	_ =	swait.ge [sflag:s0], $0x60  }
0x6e8: {  	[sflag:s0] =	ssyncset.done $0x0  }
0x6e9: {  	s11 =	simm.s32 $0x6;
	[sflag:s0] =	ssyncadd.s32 $0xFFFFFFA0  }
0x6ea: {  	_ =	swait.ge [sflag:s11], $0x60  }
0x6eb: {  	s12 =	rddreg [dreg:$0xb]  }
0x6ec: {  	s31 =	rddreg [dreg:$0x9];
	s12 =	sadd.s32 $0x1, s12  }
0x6ed: {  	p0 =	sne.s32 s12, s31  }
.Ltmp13:
0x6ee: {  	_ = 	snop;
	(pc) =	sbr.rel @p0 .LBB2_1-.Ltmp13, $3  }
0x6ef: {  	_ =	sdelay $0x1  }
0x6f0: {  	[sflag:s11] =	ssyncset.done $0x0  }
0x6f1: {  	[sflag:s11] =	ssyncadd.s32 $0xFFFFFFA0  }
0x6f2: {  	_ =	sfence.sel $0x180000  }
0x6f3: {  	[bflag:$0x0] =	sbarrier.arrive $0xFFFF  }
0x6f4: {  	_ =	strace $0x90000047  }
0x6f5: {  	s0 =	stileid.u32;
	[bflag:$0x2] =	sbarrier.arrive $0xFFFF  }
0x6f6: {  	p0 =	sne.s32 s0, $0x0;
	s0 =	rddreg [dreg:$0x2]  }
0x6f7: {  	s0 =	sadd.s32 @!p0 $0x100000, s0  }
0x6f8: {  	[sflag:s0] =	ssyncadd.tile.s32 @!p0 $0x1;
	_ =	shalt  }
.Lfunc_end2:
_tile_overlayer_lowered:
.L_overlay_start_2:
0x6f9: {  	(tag) =	ssettag $0x2  }
0x6fa: {  	s0 =	rddreg [dreg:$0x0];
	s2 =	stileid.u32  }
0x6fb: {  	s1 =	rddreg [dreg:$0x1];
	p0 =	sne.s32 s2, $0x0  }
0x6fc: {  	s3 =	rddreg [dreg:$0x2];
	[bflag:$0x3] =	sbarrier.arrive $0xFFFF;
	s2 =	simm.s32 @!p0 $0x1C07  }
0x6fd: {  	[timem:s3], [sflag:s2] =	dma.local @!p0 [hbm:s0], s1  }
0x6fe: {  	s0 =	simm.s32 @!p0 $0x7  }
0x6ff: {  	_ =	swait.ge @!p0 [sflag:s0], s1  }
0x700: {  	s1 =	ssub.s32 @!p0 $0x0, s1;
	[sflag:s0] =	ssyncset.done @!p0 $0x0  }
0x701: {  	[sflag:s0] =	ssyncadd.s32 @!p0 s1  }
0x702: {  	[bflag:$0x3] =	sbarrier.arrive $0xFFFF  }
0x703: {  	_ =	shalt  }

</sc_bundles>
